<compile_context>
chip_gen: v7x
topology: tpu7x:2x2x1
jax: 0.10.2.dev20260603
libtpu: 0.0.44.dev20260713+nightly
codegen_flags: <defaults>
</compile_context>

<pallas_src>
import functools

import jax
import jax.numpy as jnp
from jax import lax
from jax.experimental import pallas as pl
from jax.experimental.pallas import tpu as pltpu
from jax.experimental.pallas import tpu_sc as plsc

_NC = 2
_NS = 16
_NW = _NC * _NS
_LANES = 16

_B, _L, _F, _V, _D = 4096, 20, 26, 100000, 32
_N = _B * _L * _F
_PER_W = _N // _NW
_IW = 128
_CHUNK = 13 * _IW
_NCHUNK = _PER_W // _CHUNK
_XROWS = _CHUNK // _IW


def _tc_detranspose(tt):
    w = 8192
    grid = (_F, (_V + w - 1) // w)

    def body(in_ref, out_ref, scr):
        blk = in_ref[0]
        scr[...] = blk.T.reshape(w // 4, 4, _D)
        for q in range(4):
            out_ref[0, :, q * _D:(q + 1) * _D] = scr[:, q, :]

    return pl.pallas_call(
        body,
        grid=grid,
        in_specs=[pl.BlockSpec((1, _D, w), lambda f, g: (f, 0, g))],
        out_specs=pl.BlockSpec((1, w // 4, 128), lambda f, g: (f, g, 0)),
        out_shape=jax.ShapeDtypeStruct((_F, _V // 4, 128), jnp.float32),
        scratch_shapes=[pltpu.VMEM((w // 4, 4, _D), jnp.float32)],
    )(tt)


def _sc_gather(x1d, off1d, tbl):
    mesh = plsc.VectorSubcoreMesh(
        core_axis_name="c", subcore_axis_name="s",
        num_cores=_NC, num_subcores=_NS)

    @functools.partial(
        pl.kernel,
        out_type=jax.ShapeDtypeStruct((_N, _D), jnp.float32),
        mesh=mesh,
        scratch_types=[
            pltpu.VMEM((2, _CHUNK), jnp.int32),
            pltpu.VMEM((_CHUNK,), jnp.int32),
            pltpu.VMEM((2, _CHUNK, _D), jnp.float32),
            pltpu.SemaphoreType.DMA,
            pltpu.SemaphoreType.DMA,
            pltpu.SemaphoreType.DMA,
            pltpu.SemaphoreType.DMA,
            pltpu.SemaphoreType.DMA,
        ],
        compiler_params=pltpu.CompilerParams(use_tc_tiling_on_sc=False),
    )
    def k(x_hbm, off_hbm, tbl_hbm, out_hbm, idx_v, off_v, rows_v,
          semi0, semi1, semg, sems0, sems1):
        wid = lax.axis_index("s") * _NC + lax.axis_index("c")
        base_w = wid * _PER_W
        semi = (semi0, semi1)
        sems = (sems0, sems1)
        pltpu.sync_copy(off_hbm, off_v)
        for b in range(2):
            pltpu.async_copy(
                x_hbm.at[pl.ds(base_w + b * _CHUNK, _CHUNK)],
                idx_v.at[b], semi[b])

        @pl.loop(0, _NCHUNK, step=2)
        def _pipe(g):
            for b in range(2):
                c = g + b
                base = base_w + c * _CHUNK
                pltpu.make_async_copy(
                    x_hbm.at[pl.ds(base, _CHUNK)], idx_v.at[b],
                    semi[b]).wait()
                for t in range(_CHUNK // _LANES):
                    sl = pl.ds(t * _LANES, _LANES)
                    idx_v[b, sl] = idx_v[b, sl] + off_v[sl]
                @pl.when(c >= 2)
                def _():
                    pltpu.make_async_copy(
                        rows_v.at[b],
                        out_hbm.at[pl.ds(base - 2 * _CHUNK, _CHUNK)],
                        sems[b]).wait()
                cps = [
                    pltpu.async_copy(
                        tbl_hbm.at[idx_v.at[b, pl.ds(j * _IW, _IW)]],
                        rows_v.at[b, pl.ds(j * _IW, _IW)],
                        semg)
                    for j in range(_XROWS)
                ]
                for cp in cps:
                    cp.wait()
                pltpu.async_copy(
                    rows_v.at[b], out_hbm.at[pl.ds(base, _CHUNK)], sems[b])

                @pl.when(c + 2 < _NCHUNK)
                def _():
                    pltpu.async_copy(
                        x_hbm.at[pl.ds(base + 2 * _CHUNK, _CHUNK)],
                        idx_v.at[b], semi[b])

        for b in range(2):
            base = base_w + (_NCHUNK - 2 + b) * _CHUNK
            pltpu.make_async_copy(
                rows_v.at[b], out_hbm.at[pl.ds(base, _CHUNK)],
                sems[b]).wait()

    return k(x1d, off1d, tbl)


def kernel(x, tables):
    x1d = x.astype(jnp.int32).reshape(_N)
    off1d = jnp.tile(jnp.arange(_F, dtype=jnp.int32) * _V, _CHUNK // _F)
    tt = jnp.transpose(tables, (0, 2, 1))
    tbl = _tc_detranspose(tt).reshape(_F * _V, _D)
    out = _sc_gather(x1d, off1d, tbl)
    return out.reshape(_B, _L, _F * _D)

# --- scband reference (transcript-rebuilt; emitter-appended) ---
"""Pipeline reference for scband-feature-embedding-50053548868027 (READ-ONLY COPY).

The authoritative reference and input builder live on the scoring server;
editing this copy changes nothing except your own understanding.
"""

import jax, jax.numpy as jnp
import numpy as np

B, L, F, V, D = 4096, 20, 26, 100000, 32

def setup_inputs(seed: int = 0) -> dict:
    key = jax.random.key(seed)
    k1, k2 = jax.random.split(key)
    x = jax.random.randint(k1, (B, L, F), 0, V)
    # One embedding table per field; stacked as [F, V, D].
    tables = jax.random.normal(k2, (F, V, D), dtype=jnp.float32) * 0.05
    # padding_idx=0: row 0 of every table is zeros (nn.Embedding padding_idx semantics)
    tables = tables.at[:, 0, :].set(0.0)
    return {"x": x, "tables": tables}

def reference(x, tables):
    # torch.cat([embedding_i(x[:, :, i]) for i in fields], dim=-1)
    n_fields = tables.shape[0]
    outs = [jnp.take(tables[i], x[:, :, i], axis=0) for i in range(n_fields)]
    return jnp.concatenate(outs, axis=-1)

if __name__ == "__main__":
    import jax
    _d = setup_inputs()
    print(jax.jit(kernel)(*tuple(_d.values())))

</pallas_src>

<mosaic_0001>
#map = affine_map<(d0, d1) -> (0)>
#map1 = affine_map<(d0, d1) -> (0, 0)>
module attributes {stable_mosaic.version = 14 : i64} {
  func.func @k(%arg0: i32, %arg1: i32, %arg2: memref<2129920xi32, #tpu.memory_space<hbm>>, %arg3: memref<1664xi32, #tpu.memory_space<hbm>>, %arg4: memref<2600000x32xf32, #tpu.memory_space<hbm>>, %arg5: memref<2129920x32xf32, #tpu.memory_space<hbm>>, %arg6: memref<2x1664xi32, #tpu.memory_space<vmem>>, %arg7: memref<1664xi32, #tpu.memory_space<vmem>>, %arg8: memref<2x1664x32xf32, #tpu.memory_space<vmem>>, %arg9: memref<!tpu.dma_semaphore, #tpu.memory_space<semaphore_mem>>, %arg10: memref<!tpu.dma_semaphore, #tpu.memory_space<semaphore_mem>>, %arg11: memref<!tpu.dma_semaphore, #tpu.memory_space<semaphore_mem>>, %arg12: memref<!tpu.dma_semaphore, #tpu.memory_space<semaphore_mem>>, %arg13: memref<!tpu.dma_semaphore, #tpu.memory_space<semaphore_mem>>) attributes {dimension_semantics = [#tpu.dimension_semantics<core_parallel>, #tpu.dimension_semantics<subcore_parallel>], iteration_bounds = array<i64: 2, 16>, scalar_prefetch = 0 : i64, scratch_operands = 8 : i64, tpu.core_type = #tpu.core_type<sc_vector_subcore>, window_params = [{transform_indices = #map}, {transform_indices = #map}, {transform_indices = #map1}, {transform_indices = #map1}]} {
    %mul3A = arith.constant 2 : i32
    %mul3A_0 = arith.muli %arg1, %mul3A : i32
    %add3A = arith.addi %mul3A_0, %arg0 : i32
    %mul3A_1 = arith.constant 66560 : i32
    %mul3A_2 = arith.muli %add3A, %mul3A_1 : i32
    "tpu.region"() ({
      %run_scoped3A = tpu.sem_alloc : memref<!tpu.dma_semaphore, #tpu.memory_space<semaphore_mem>>
      tpu.enqueue_dma source(%arg3 : memref<1664xi32, #tpu.memory_space<hbm>>) target(%arg7 : memref<1664xi32, #tpu.memory_space<vmem>>) target_semaphore(%run_scoped3A : memref<!tpu.dma_semaphore, #tpu.memory_space<semaphore_mem>>)
      tpu.wait_dma2 semaphore(%run_scoped3A : memref<!tpu.dma_semaphore, #tpu.memory_space<semaphore_mem>>) src(%arg3 : memref<1664xi32, #tpu.memory_space<hbm>>) dst(%arg7 : memref<1664xi32, #tpu.memory_space<vmem>>)
      tpu.yield
    }) : () -> ()
    %add3A_3 = arith.constant 0 : i32
    %add3A_4 = arith.addi %mul3A_2, %add3A_3 : i32
    %dma_start3A = arith.constant 0 : i32
    %dma_start3A_5 = arith.constant 0 : i32
    %dma_start3A_6 = tpu.memref_slice %arg6[%dma_start3A, %dma_start3A_5] : memref<2x1664xi32, #tpu.memory_space<vmem>> -> memref<1x1664xi32, #tpu.memory_space<vmem>>
    %dma_start3A_7 = tpu.memref_squeeze %dma_start3A_6 : memref<1x1664xi32, #tpu.memory_space<vmem>> -> memref<1664xi32, #tpu.memory_space<vmem>>
    %dma_start3A_8 = tpu.memref_slice %arg2[%add3A_4] : memref<2129920xi32, #tpu.memory_space<hbm>> -> memref<1664xi32, #tpu.memory_space<hbm>>
    %dma_start3A_9 = arith.constant 0 : i32
    %dma_start3A_10 = tpu.memref_slice %arg6[%dma_start3A, %dma_start3A_9] : memref<2x1664xi32, #tpu.memory_space<vmem>> -> memref<1x1664xi32, #tpu.memory_space<vmem>>
    %dma_start3A_11 = tpu.memref_squeeze %dma_start3A_10 : memref<1x1664xi32, #tpu.memory_space<vmem>> -> memref<1664xi32, #tpu.memory_space<vmem>>
    %dma_start3A_12 = tpu.memref_slice %arg2[%add3A_4] : memref<2129920xi32, #tpu.memory_space<hbm>> -> memref<1664xi32, #tpu.memory_space<hbm>>
    tpu.enqueue_dma source(%dma_start3A_12 : memref<1664xi32, #tpu.memory_space<hbm>>) target(%dma_start3A_11 : memref<1664xi32, #tpu.memory_space<vmem>>) target_semaphore(%arg9 : memref<!tpu.dma_semaphore, #tpu.memory_space<semaphore_mem>>)
    %add3A_13 = arith.constant 1664 : i32
    %add3A_14 = arith.addi %mul3A_2, %add3A_13 : i32
    %dma_start3A_15 = arith.constant 1 : i32
    %dma_start3A_16 = arith.constant 0 : i32
    %dma_start3A_17 = tpu.memref_slice %arg6[%dma_start3A_15, %dma_start3A_16] : memref<2x1664xi32, #tpu.memory_space<vmem>> -> memref<1x1664xi32, #tpu.memory_space<vmem>>
    %dma_start3A_18 = tpu.memref_squeeze %dma_start3A_17 : memref<1x1664xi32, #tpu.memory_space<vmem>> -> memref<1664xi32, #tpu.memory_space<vmem>>
    %dma_start3A_19 = tpu.memref_slice %arg2[%add3A_14] : memref<2129920xi32, #tpu.memory_space<hbm>> -> memref<1664xi32, #tpu.memory_space<hbm>>
    %dma_start3A_20 = arith.constant 0 : i32
    %dma_start3A_21 = tpu.memref_slice %arg6[%dma_start3A_15, %dma_start3A_20] : memref<2x1664xi32, #tpu.memory_space<vmem>> -> memref<1x1664xi32, #tpu.memory_space<vmem>>
    %dma_start3A_22 = tpu.memref_squeeze %dma_start3A_21 : memref<1x1664xi32, #tpu.memory_space<vmem>> -> memref<1664xi32, #tpu.memory_space<vmem>>
    %dma_start3A_23 = tpu.memref_slice %arg2[%add3A_14] : memref<2129920xi32, #tpu.memory_space<hbm>> -> memref<1664xi32, #tpu.memory_space<hbm>>
    tpu.enqueue_dma source(%dma_start3A_23 : memref<1664xi32, #tpu.memory_space<hbm>>) target(%dma_start3A_22 : memref<1664xi32, #tpu.memory_space<vmem>>) target_semaphore(%arg10 : memref<!tpu.dma_semaphore, #tpu.memory_space<semaphore_mem>>)
    %scan3A = arith.constant 0 : i32
    %scan3A_24 = arith.constant 20 : i32
    %scan3A_25 = arith.addi %scan3A, %scan3A_24 : i32
    %scan3A_26 = arith.constant 1 : i32
    scf.for %scan3A_57 = %scan3A to %scan3A_25 step %scan3A_26  : i32 {
      %mul3A_58 = arith.constant 2 : i32
      %mul3A_59 = arith.muli %scan3A_57, %mul3A_58 : i32
      %add3A_60 = arith.constant 0 : i32
      %add3A_61 = arith.addi %add3A_60, %mul3A_59 : i32
      %add3A_62 = arith.constant 0 : i32
      %add3A_63 = arith.addi %add3A_61, %add3A_62 : i32
      %mul3A_64 = arith.constant 1664 : i32
      %mul3A_65 = arith.muli %add3A_63, %mul3A_64 : i32
      %add3A_66 = arith.addi %mul3A_2, %mul3A_65 : i32
      %dma_wait3A_67 = arith.constant 0 : i32
      %dma_wait3A_68 = arith.constant 0 : i32
      %dma_wait3A_69 = tpu.memref_slice %arg6[%dma_wait3A_67, %dma_wait3A_68] : memref<2x1664xi32, #tpu.memory_space<vmem>> -> memref<1x1664xi32, #tpu.memory_space<vmem>>
      %dma_wait3A_70 = tpu.memref_squeeze %dma_wait3A_69 : memref<1x1664xi32, #tpu.memory_space<vmem>> -> memref<1664xi32, #tpu.memory_space<vmem>>
      %dma_wait3A_71 = tpu.memref_slice %arg2[%add3A_66] : memref<2129920xi32, #tpu.memory_space<hbm>> -> memref<1664xi32, #tpu.memory_space<hbm>>
      %dma_wait3A_72 = arith.constant 0 : i32
      %dma_wait3A_73 = tpu.memref_slice %arg6[%dma_wait3A_67, %dma_wait3A_72] : memref<2x1664xi32, #tpu.memory_space<vmem>> -> memref<1x1664xi32, #tpu.memory_space<vmem>>
      %dma_wait3A_74 = tpu.memref_squeeze %dma_wait3A_73 : memref<1x1664xi32, #tpu.memory_space<vmem>> -> memref<1664xi32, #tpu.memory_space<vmem>>
      %dma_wait3A_75 = tpu.memref_slice %arg2[%add3A_66] : memref<2129920xi32, #tpu.memory_space<hbm>> -> memref<1664xi32, #tpu.memory_space<hbm>>
      tpu.wait_dma2 semaphore(%arg9 : memref<!tpu.dma_semaphore, #tpu.memory_space<semaphore_mem>>) src(%dma_wait3A_75 : memref<1664xi32, #tpu.memory_space<hbm>>) dst(%dma_wait3A_74 : memref<1664xi32, #tpu.memory_space<vmem>>)
      %get3A = arith.constant 0 : i32
      %get3A_76 = arith.index_cast %get3A : i32 to index
      %get3A_77 = arith.constant 0 : index
      %get3A_78 = tpu.vector_load %arg6[%get3A_76, %get3A_77] {strides = array<i32>} : memref<2x1664xi32, #tpu.memory_space<vmem>>, vector<1x16xi32>,
      %get3A_79 = vector.shape_cast %get3A_78 : vector<1x16xi32> to vector<16xi32>
      %get3A_80 = arith.constant 0 : index
      %get3A_81 = tpu.vector_load %arg7[%get3A_80] {strides = array<i32>} : memref<1664xi32, #tpu.memory_space<vmem>>, vector<16xi32>,
      %get3A_82 = vector.shape_cast %get3A_81 : vector<16xi32> to vector<16xi32>
      %add3A_83 = arith.addi %get3A_79, %get3A_82 : vector<16xi32>
      %swap3A = arith.constant 0 : i32
      %swap3A_84 = arith.index_cast %swap3A : i32 to index
      %swap3A_85 = arith.constant 0 : index
      %swap3A_86 = tpu.vector_load %arg6[%swap3A_84, %swap3A_85] {strides = array<i32>} : memref<2x1664xi32, #tpu.memory_space<vmem>>, vector<1x16xi32>,
      %swap3A_87 = vector.shape_cast %swap3A_86 : vector<1x16xi32> to vector<16xi32>
      %swap3A_88 = vector.shape_cast %add3A_83 : vector<16xi32> to vector<1x16xi32>
      tpu.vector_store %arg6[%swap3A_84, %swap3A_85], %swap3A_88 {strides = array<i32>} : memref<2x1664xi32, #tpu.memory_space<vmem>>, vector<1x16xi32>,
      %get3A_89 = arith.constant 0 : i32
      %get3A_90 = arith.index_cast %get3A_89 : i32 to index
      %get3A_91 = arith.constant 16 : index
      %get3A_92 = tpu.vector_load %arg6[%get3A_90, %get3A_91] {strides = array<i32>} : memref<2x1664xi32, #tpu.memory_space<vmem>>, vector<1x16xi32>,
      %get3A_93 = vector.shape_cast %get3A_92 : vector<1x16xi32> to vector<16xi32>
      %get3A_94 = arith.constant 16 : index
      %get3A_95 = tpu.vector_load %arg7[%get3A_94] {strides = array<i32>} : memref<1664xi32, #tpu.memory_space<vmem>>, vector<16xi32>,
      %get3A_96 = vector.shape_cast %get3A_95 : vector<16xi32> to vector<16xi32>
      %add3A_97 = arith.addi %get3A_93, %get3A_96 : vector<16xi32>
      %swap3A_98 = arith.constant 0 : i32
      %swap3A_99 = arith.index_cast %swap3A_98 : i32 to index
      %swap3A_100 = arith.constant 16 : index
      %swap3A_101 = tpu.vector_load %arg6[%swap3A_99, %swap3A_100] {strides = array<i32>} : memref<2x1664xi32, #tpu.memory_space<vmem>>, vector<1x16xi32>,
      %swap3A_102 = vector.shape_cast %swap3A_101 : vector<1x16xi32> to vector<16xi32>
      %swap3A_103 = vector.shape_cast %add3A_97 : vector<16xi32> to vector<1x16xi32>
      tpu.vector_store %arg6[%swap3A_99, %swap3A_100], %swap3A_103 {strides = array<i32>} : memref<2x1664xi32, #tpu.memory_space<vmem>>, vector<1x16xi32>,
      %get3A_104 = arith.constant 0 : i32
      %get3A_105 = arith.index_cast %get3A_104 : i32 to index
      %get3A_106 = arith.constant 32 : index
      %get3A_107 = tpu.vector_load %arg6[%get3A_105, %get3A_106] {strides = array<i32>} : memref<2x1664xi32, #tpu.memory_space<vmem>>, vector<1x16xi32>,
      %get3A_108 = vector.shape_cast %get3A_107 : vector<1x16xi32> to vector<16xi32>
      %get3A_109 = arith.constant 32 : index
      %get3A_110 = tpu.vector_load %arg7[%get3A_109] {strides = array<i32>} : memref<1664xi32, #tpu.memory_space<vmem>>, vector<16xi32>,
      %get3A_111 = vector.shape_cast %get3A_110 : vector<16xi32> to vector<16xi32>
      %add3A_112 = arith.addi %get3A_108, %get3A_111 : vector<16xi32>
      %swap3A_113 = arith.constant 0 : i32
      %swap3A_114 = arith.index_cast %swap3A_113 : i32 to index
      %swap3A_115 = arith.constant 32 : index
      %swap3A_116 = tpu.vector_load %arg6[%swap3A_114, %swap3A_115] {strides = array<i32>} : memref<2x1664xi32, #tpu.memory_space<vmem>>, vector<1x16xi32>,
      %swap3A_117 = vector.shape_cast %swap3A_116 : vector<1x16xi32> to vector<16xi32>
      %swap3A_118 = vector.shape_cast %add3A_112 : vector<16xi32> to vector<1x16xi32>
      tpu.vector_store %arg6[%swap3A_114, %swap3A_115], %swap3A_118 {strides = array<i32>} : memref<2x1664xi32, #tpu.memory_space<vmem>>, vector<1x16xi32>,
      %get3A_119 = arith.constant 0 : i32
      %get3A_120 = arith.index_cast %get3A_119 : i32 to index
      %get3A_121 = arith.constant 48 : index
      %get3A_122 = tpu.vector_load %arg6[%get3A_120, %get3A_121] {strides = array<i32>} : memref<2x1664xi32, #tpu.memory_space<vmem>>, vector<1x16xi32>,
      %get3A_123 = vector.shape_cast %get3A_122 : vector<1x16xi32> to vector<16xi32>
      %get3A_124 = arith.constant 48 : index
      %get3A_125 = tpu.vector_load %arg7[%get3A_124] {strides = array<i32>} : memref<1664xi32, #tpu.memory_space<vmem>>, vector<16xi32>,
      %get3A_126 = vector.shape_cast %get3A_125 : vector<16xi32> to vector<16xi32>
      %add3A_127 = arith.addi %get3A_123, %get3A_126 : vector<16xi32>
      %swap3A_128 = arith.constant 0 : i32
      %swap3A_129 = arith.index_cast %swap3A_128 : i32 to index
      %swap3A_130 = arith.constant 48 : index
      %swap3A_131 = tpu.vector_load %arg6[%swap3A_129, %swap3A_130] {strides = array<i32>} : memref<2x1664xi32, #tpu.memory_space<vmem>>, vector<1x16xi32>,
      %swap3A_132 = vector.shape_cast %swap3A_131 : vector<1x16xi32> to vector<16xi32>
      %swap3A_133 = vector.shape_cast %add3A_127 : vector<16xi32> to vector<1x16xi32>
      tpu.vector_store %arg6[%swap3A_129, %swap3A_130], %swap3A_133 {strides = array<i32>} : memref<2x1664xi32, #tpu.memory_space<vmem>>, vector<1x16xi32>,
      %get3A_134 = arith.constant 0 : i32
      %get3A_135 = arith.index_cast %get3A_134 : i32 to index
      %get3A_136 = arith.constant 64 : index
      %get3A_137 = tpu.vector_load %arg6[%get3A_135, %get3A_136] {strides = array<i32>} : memref<2x1664xi32, #tpu.memory_space<vmem>>, vector<1x16xi32>,
      %get3A_138 = vector.shape_cast %get3A_137 : vector<1x16xi32> to vector<16xi32>
      %get3A_139 = arith.constant 64 : index
      %get3A_140 = tpu.vector_load %arg7[%get3A_139] {strides = array<i32>} : memref<1664xi32, #tpu.memory_space<vmem>>, vector<16xi32>,
      %get3A_141 = vector.shape_cast %get3A_140 : vector<16xi32> to vector<16xi32>
      %add3A_142 = arith.addi %get3A_138, %get3A_141 : vector<16xi32>
      %swap3A_143 = arith.constant 0 : i32
      %swap3A_144 = arith.index_cast %swap3A_143 : i32 to index
      %swap3A_145 = arith.constant 64 : index
      %swap3A_146 = tpu.vector_load %arg6[%swap3A_144, %swap3A_145] {strides = array<i32>} : memref<2x1664xi32, #tpu.memory_space<vmem>>, vector<1x16xi32>,
      %swap3A_147 = vector.shape_cast %swap3A_146 : vector<1x16xi32> to vector<16xi32>
      %swap3A_148 = vector.shape_cast %add3A_142 : vector<16xi32> to vector<1x16xi32>
      tpu.vector_store %arg6[%swap3A_144, %swap3A_145], %swap3A_148 {strides = array<i32>} : memref<2x1664xi32, #tpu.memory_space<vmem>>, vector<1x16xi32>,
      %get3A_149 = arith.constant 0 : i32
      %get3A_150 = arith.index_cast %get3A_149 : i32 to index
      %get3A_151 = arith.constant 80 : index
      %get3A_152 = tpu.vector_load %arg6[%get3A_150, %get3A_151] {strides = array<i32>} : memref<2x1664xi32, #tpu.memory_space<vmem>>, vector<1x16xi32>,
      %get3A_153 = vector.shape_cast %get3A_152 : vector<1x16xi32> to vector<16xi32>
      %get3A_154 = arith.constant 80 : index
      %get3A_155 = tpu.vector_load %arg7[%get3A_154] {strides = array<i32>} : memref<1664xi32, #tpu.memory_space<vmem>>, vector<16xi32>,
      %get3A_156 = vector.shape_cast %get3A_155 : vector<16xi32> to vector<16xi32>
      %add3A_157 = arith.addi %get3A_153, %get3A_156 : vector<16xi32>
      %swap3A_158 = arith.constant 0 : i32
      %swap3A_159 = arith.index_cast %swap3A_158 : i32 to index
      %swap3A_160 = arith.constant 80 : index
      %swap3A_161 = tpu.vector_load %arg6[%swap3A_159, %swap3A_160] {strides = array<i32>} : memref<2x1664xi32, #tpu.memory_space<vmem>>, vector<1x16xi32>,
      %swap3A_162 = vector.shape_cast %swap3A_161 : vector<1x16xi32> to vector<16xi32>
      %swap3A_163 = vector.shape_cast %add3A_157 : vector<16xi32> to vector<1x16xi32>
      tpu.vector_store %arg6[%swap3A_159, %swap3A_160], %swap3A_163 {strides = array<i32>} : memref<2x1664xi32, #tpu.memory_space<vmem>>, vector<1x16xi32>,
      %get3A_164 = arith.constant 0 : i32
      %get3A_165 = arith.index_cast %get3A_164 : i32 to index
      %get3A_166 = arith.constant 96 : index
      %get3A_167 = tpu.vector_load %arg6[%get3A_165, %get3A_166] {strides = array<i32>} : memref<2x1664xi32, #tpu.memory_space<vmem>>, vector<1x16xi32>,
      %get3A_168 = vector.shape_cast %get3A_167 : vector<1x16xi32> to vector<16xi32>
      %get3A_169 = arith.constant 96 : index
      %get3A_170 = tpu.vector_load %arg7[%get3A_169] {strides = array<i32>} : memref<1664xi32, #tpu.memory_space<vmem>>, vector<16xi32>,
      %get3A_171 = vector.shape_cast %get3A_170 : vector<16xi32> to vector<16xi32>
      %add3A_172 = arith.addi %get3A_168, %get3A_171 : vector<16xi32>
      %swap3A_173 = arith.constant 0 : i32
      %swap3A_174 = arith.index_cast %swap3A_173 : i32 to index
      %swap3A_175 = arith.constant 96 : index
      %swap3A_176 = tpu.vector_load %arg6[%swap3A_174, %swap3A_175] {strides = array<i32>} : memref<2x1664xi32, #tpu.memory_space<vmem>>, vector<1x16xi32>,
      %swap3A_177 = vector.shape_cast %swap3A_176 : vector<1x16xi32> to vector<16xi32>
      %swap3A_178 = vector.shape_cast %add3A_172 : vector<16xi32> to vector<1x16xi32>
      tpu.vector_store %arg6[%swap3A_174, %swap3A_175], %swap3A_178 {strides = array<i32>} : memref<2x1664xi32, #tpu.memory_space<vmem>>, vector<1x16xi32>,
      %get3A_179 = arith.constant 0 : i32
      %get3A_180 = arith.index_cast %get3A_179 : i32 to index
      %get3A_181 = arith.constant 112 : index
      %get3A_182 = tpu.vector_load %arg6[%get3A_180, %get3A_181] {strides = array<i32>} : memref<2x1664xi32, #tpu.memory_space<vmem>>, vector<1x16xi32>,
      %get3A_183 = vector.shape_cast %get3A_182 : vector<1x16xi32> to vector<16xi32>
      %get3A_184 = arith.constant 112 : index
      %get3A_185 = tpu.vector_load %arg7[%get3A_184] {strides = array<i32>} : memref<1664xi32, #tpu.memory_space<vmem>>, vector<16xi32>,
      %get3A_186 = vector.shape_cast %get3A_185 : vector<16xi32> to vector<16xi32>
      %add3A_187 = arith.addi %get3A_183, %get3A_186 : vector<16xi32>
      %swap3A_188 = arith.constant 0 : i32
      %swap3A_189 = arith.index_cast %swap3A_188 : i32 to index
      %swap3A_190 = arith.constant 112 : index
      %swap3A_191 = tpu.vector_load %arg6[%swap3A_189, %swap3A_190] {strides = array<i32>} : memref<2x1664xi32, #tpu.memory_space<vmem>>, vector<1x16xi32>,
      %swap3A_192 = vector.shape_cast %swap3A_191 : vector<1x16xi32> to vector<16xi32>
      %swap3A_193 = vector.shape_cast %add3A_187 : vector<16xi32> to vector<1x16xi32>
      tpu.vector_store %arg6[%swap3A_189, %swap3A_190], %swap3A_193 {strides = array<i32>} : memref<2x1664xi32, #tpu.memory_space<vmem>>, vector<1x16xi32>,
      %get3A_194 = arith.constant 0 : i32
      %get3A_195 = arith.index_cast %get3A_194 : i32 to index
      %get3A_196 = arith.constant 128 : index
      %get3A_197 = tpu.vector_load %arg6[%get3A_195, %get3A_196] {strides = array<i32>} : memref<2x1664xi32, #tpu.memory_space<vmem>>, vector<1x16xi32>,
      %get3A_198 = vector.shape_cast %get3A_197 : vector<1x16xi32> to vector<16xi32>
      %get3A_199 = arith.constant 128 : index
      %get3A_200 = tpu.vector_load %arg7[%get3A_199] {strides = array<i32>} : memref<1664xi32, #tpu.memory_space<vmem>>, vector<16xi32>,
      %get3A_201 = vector.shape_cast %get3A_200 : vector<16xi32> to vector<16xi32>
      %add3A_202 = arith.addi %get3A_198, %get3A_201 : vector<16xi32>
      %swap3A_203 = arith.constant 0 : i32
      %swap3A_204 = arith.index_cast %swap3A_203 : i32 to index
      %swap3A_205 = arith.constant 128 : index
      %swap3A_206 = tpu.vector_load %arg6[%swap3A_204, %swap3A_205] {strides = array<i32>} : memref<2x1664xi32, #tpu.memory_space<vmem>>, vector<1x16xi32>,
      %swap3A_207 = vector.shape_cast %swap3A_206 : vector<1x16xi32> to vector<16xi32>
      %swap3A_208 = vector.shape_cast %add3A_202 : vector<16xi32> to vector<1x16xi32>
      tpu.vector_store %arg6[%swap3A_204, %swap3A_205], %swap3A_208 {strides = array<i32>} : memref<2x1664xi32, #tpu.memory_space<vmem>>, vector<1x16xi32>,
      %get3A_209 = arith.constant 0 : i32
      %get3A_210 = arith.index_cast %get3A_209 : i32 to index
      %get3A_211 = arith.constant 144 : index
      %get3A_212 = tpu.vector_load %arg6[%get3A_210, %get3A_211] {strides = array<i32>} : memref<2x1664xi32, #tpu.memory_space<vmem>>, vector<1x16xi32>,
      %get3A_213 = vector.shape_cast %get3A_212 : vector<1x16xi32> to vector<16xi32>
      %get3A_214 = arith.constant 144 : index
      %get3A_215 = tpu.vector_load %arg7[%get3A_214] {strides = array<i32>} : memref<1664xi32, #tpu.memory_space<vmem>>, vector<16xi32>,
      %get3A_216 = vector.shape_cast %get3A_215 : vector<16xi32> to vector<16xi32>
      %add3A_217 = arith.addi %get3A_213, %get3A_216 : vector<16xi32>
      %swap3A_218 = arith.constant 0 : i32
      %swap3A_219 = arith.index_cast %swap3A_218 : i32 to index
      %swap3A_220 = arith.constant 144 : index
      %swap3A_221 = tpu.vector_load %arg6[%swap3A_219, %swap3A_220] {strides = array<i32>} : memref<2x1664xi32, #tpu.memory_space<vmem>>, vector<1x16xi32>,
      %swap3A_222 = vector.shape_cast %swap3A_221 : vector<1x16xi32> to vector<16xi32>
      %swap3A_223 = vector.shape_cast %add3A_217 : vector<16xi32> to vector<1x16xi32>
      tpu.vector_store %arg6[%swap3A_219, %swap3A_220], %swap3A_223 {strides = array<i32>} : memref<2x1664xi32, #tpu.memory_space<vmem>>, vector<1x16xi32>,
      %get3A_224 = arith.constant 0 : i32
      %get3A_225 = arith.index_cast %get3A_224 : i32 to index
      %get3A_226 = arith.constant 160 : index
      %get3A_227 = tpu.vector_load %arg6[%get3A_225, %get3A_226] {strides = array<i32>} : memref<2x1664xi32, #tpu.memory_space<vmem>>, vector<1x16xi32>,
      %get3A_228 = vector.shape_cast %get3A_227 : vector<1x16xi32> to vector<16xi32>
      %get3A_229 = arith.constant 160 : index
      %get3A_230 = tpu.vector_load %arg7[%get3A_229] {strides = array<i32>} : memref<1664xi32, #tpu.memory_space<vmem>>, vector<16xi32>,
      %get3A_231 = vector.shape_cast %get3A_230 : vector<16xi32> to vector<16xi32>
      %add3A_232 = arith.addi %get3A_228, %get3A_231 : vector<16xi32>
      %swap3A_233 = arith.constant 0 : i32
      %swap3A_234 = arith.index_cast %swap3A_233 : i32 to index
      %swap3A_235 = arith.constant 160 : index
      %swap3A_236 = tpu.vector_load %arg6[%swap3A_234, %swap3A_235] {strides = array<i32>} : memref<2x1664xi32, #tpu.memory_space<vmem>>, vector<1x16xi32>,
      %swap3A_237 = vector.shape_cast %swap3A_236 : vector<1x16xi32> to vector<16xi32>
      %swap3A_238 = vector.shape_cast %add3A_232 : vector<16xi32> to vector<1x16xi32>
      tpu.vector_store %arg6[%swap3A_234, %swap3A_235], %swap3A_238 {strides = array<i32>} : memref<2x1664xi32, #tpu.memory_space<vmem>>, vector<1x16xi32>,
      %get3A_239 = arith.constant 0 : i32
      %get3A_240 = arith.index_cast %get3A_239 : i32 to index
      %get3A_241 = arith.constant 176 : index
      %get3A_242 = tpu.vector_load %arg6[%get3A_240, %get3A_241] {strides = array<i32>} : memref<2x1664xi32, #tpu.memory_space<vmem>>, vector<1x16xi32>,
      %get3A_243 = vector.shape_cast %get3A_242 : vector<1x16xi32> to vector<16xi32>
      %get3A_244 = arith.constant 176 : index
      %get3A_245 = tpu.vector_load %arg7[%get3A_244] {strides = array<i32>} : memref<1664xi32, #tpu.memory_space<vmem>>, vector<16xi32>,
      %get3A_246 = vector.shape_cast %get3A_245 : vector<16xi32> to vector<16xi32>
      %add3A_247 = arith.addi %get3A_243, %get3A_246 : vector<16xi32>
      %swap3A_248 = arith.constant 0 : i32
      %swap3A_249 = arith.index_cast %swap3A_248 : i32 to index
      %swap3A_250 = arith.constant 176 : index
      %swap3A_251 = tpu.vector_load %arg6[%swap3A_249, %swap3A_250] {strides = array<i32>} : memref<2x1664xi32, #tpu.memory_space<vmem>>, vector<1x16xi32>,
      %swap3A_252 = vector.shape_cast %swap3A_251 : vector<1x16xi32> to vector<16xi32>
      %swap3A_253 = vector.shape_cast %add3A_247 : vector<16xi32> to vector<1x16xi32>
      tpu.vector_store %arg6[%swap3A_249, %swap3A_250], %swap3A_253 {strides = array<i32>} : memref<2x1664xi32, #tpu.memory_space<vmem>>, vector<1x16xi32>,
      %get3A_254 = arith.constant 0 : i32
      %get3A_255 = arith.index_cast %get3A_254 : i32 to index
      %get3A_256 = arith.constant 192 : index
      %get3A_257 = tpu.vector_load %arg6[%get3A_255, %get3A_256] {strides = array<i32>} : memref<2x1664xi32, #tpu.memory_space<vmem>>, vector<1x16xi32>,
      %get3A_258 = vector.shape_cast %get3A_257 : vector<1x16xi32> to vector<16xi32>
      %get3A_259 = arith.constant 192 : index
      %get3A_260 = tpu.vector_load %arg7[%get3A_259] {strides = array<i32>} : memref<1664xi32, #tpu.memory_space<vmem>>, vector<16xi32>,
      %get3A_261 = vector.shape_cast %get3A_260 : vector<16xi32> to vector<16xi32>
      %add3A_262 = arith.addi %get3A_258, %get3A_261 : vector<16xi32>
      %swap3A_263 = arith.constant 0 : i32
      %swap3A_264 = arith.index_cast %swap3A_263 : i32 to index
      %swap3A_265 = arith.constant 192 : index
      %swap3A_266 = tpu.vector_load %arg6[%swap3A_264, %swap3A_265] {strides = array<i32>} : memref<2x1664xi32, #tpu.memory_space<vmem>>, vector<1x16xi32>,
      %swap3A_267 = vector.shape_cast %swap3A_266 : vector<1x16xi32> to vector<16xi32>
      %swap3A_268 = vector.shape_cast %add3A_262 : vector<16xi32> to vector<1x16xi32>
      tpu.vector_store %arg6[%swap3A_264, %swap3A_265], %swap3A_268 {strides = array<i32>} : memref<2x1664xi32, #tpu.memory_space<vmem>>, vector<1x16xi32>,
      %get3A_269 = arith.constant 0 : i32
      %get3A_270 = arith.index_cast %get3A_269 : i32 to index
      %get3A_271 = arith.constant 208 : index
      %get3A_272 = tpu.vector_load %arg6[%get3A_270, %get3A_271] {strides = array<i32>} : memref<2x1664xi32, #tpu.memory_space<vmem>>, vector<1x16xi32>,
      %get3A_273 = vector.shape_cast %get3A_272 : vector<1x16xi32> to vector<16xi32>
      %get3A_274 = arith.constant 208 : index
      %get3A_275 = tpu.vector_load %arg7[%get3A_274] {strides = array<i32>} : memref<1664xi32, #tpu.memory_space<vmem>>, vector<16xi32>,
      %get3A_276 = vector.shape_cast %get3A_275 : vector<16xi32> to vector<16xi32>
      %add3A_277 = arith.addi %get3A_273, %get3A_276 : vector<16xi32>
      %swap3A_278 = arith.constant 0 : i32
      %swap3A_279 = arith.index_cast %swap3A_278 : i32 to index
      %swap3A_280 = arith.constant 208 : index
      %swap3A_281 = tpu.vector_load %arg6[%swap3A_279, %swap3A_280] {strides = array<i32>} : memref<2x1664xi32, #tpu.memory_space<vmem>>, vector<1x16xi32>,
      %swap3A_282 = vector.shape_cast %swap3A_281 : vector<1x16xi32> to vector<16xi32>
      %swap3A_283 = vector.shape_cast %add3A_277 : vector<16xi32> to vector<1x16xi32>
      tpu.vector_store %arg6[%swap3A_279, %swap3A_280], %swap3A_283 {strides = array<i32>} : memref<2x1664xi32, #tpu.memory_space<vmem>>, vector<1x16xi32>,
      %get3A_284 = arith.constant 0 : i32
      %get3A_285 = arith.index_cast %get3A_284 : i32 to index
      %get3A_286 = arith.constant 224 : index
      %get3A_287 = tpu.vector_load %arg6[%get3A_285, %get3A_286] {strides = array<i32>} : memref<2x1664xi32, #tpu.memory_space<vmem>>, vector<1x16xi32>,
      %get3A_288 = vector.shape_cast %get3A_287 : vector<1x16xi32> to vector<16xi32>
      %get3A_289 = arith.constant 224 : index
      %get3A_290 = tpu.vector_load %arg7[%get3A_289] {strides = array<i32>} : memref<1664xi32, #tpu.memory_space<vmem>>, vector<16xi32>,
      %get3A_291 = vector.shape_cast %get3A_290 : vector<16xi32> to vector<16xi32>
      %add3A_292 = arith.addi %get3A_288, %get3A_291 : vector<16xi32>
      %swap3A_293 = arith.constant 0 : i32
      %swap3A_294 = arith.index_cast %swap3A_293 : i32 to index
      %swap3A_295 = arith.constant 224 : index
      %swap3A_296 = tpu.vector_load %arg6[%swap3A_294, %swap3A_295] {strides = array<i32>} : memref<2x1664xi32, #tpu.memory_space<vmem>>, vector<1x16xi32>,
      %swap3A_297 = vector.shape_cast %swap3A_296 : vector<1x16xi32> to vector<16xi32>
      %swap3A_298 = vector.shape_cast %add3A_292 : vector<16xi32> to vector<1x16xi32>
      tpu.vector_store %arg6[%swap3A_294, %swap3A_295], %swap3A_298 {strides = array<i32>} : memref<2x1664xi32, #tpu.memory_space<vmem>>, vector<1x16xi32>,
      %get3A_299 = arith.constant 0 : i32
      %get3A_300 = arith.index_cast %get3A_299 : i32 to index
      %get3A_301 = arith.constant 240 : index
      %get3A_302 = tpu.vector_load %arg6[%get3A_300, %get3A_301] {strides = array<i32>} : memref<2x1664xi32, #tpu.memory_space<vmem>>, vector<1x16xi32>,
      %get3A_303 = vector.shape_cast %get3A_302 : vector<1x16xi32> to vector<16xi32>
      %get3A_304 = arith.constant 240 : index
      %get3A_305 = tpu.vector_load %arg7[%get3A_304] {strides = array<i32>} : memref<1664xi32, #tpu.memory_space<vmem>>, vector<16xi32>,
      %get3A_306 = vector.shape_cast %get3A_305 : vector<16xi32> to vector<16xi32>
      %add3A_307 = arith.addi %get3A_303, %get3A_306 : vector<16xi32>
      %swap3A_308 = arith.constant 0 : i32
      %swap3A_309 = arith.index_cast %swap3A_308 : i32 to index
      %swap3A_310 = arith.constant 240 : index
      %swap3A_311 = tpu.vector_load %arg6[%swap3A_309, %swap3A_310] {strides = array<i32>} : memref<2x1664xi32, #tpu.memory_space<vmem>>, vector<1x16xi32>,
      %swap3A_312 = vector.shape_cast %swap3A_311 : vector<1x16xi32> to vector<16xi32>
      %swap3A_313 = vector.shape_cast %add3A_307 : vector<16xi32> to vector<1x16xi32>
      tpu.vector_store %arg6[%swap3A_309, %swap3A_310], %swap3A_313 {strides = array<i32>} : memref<2x1664xi32, #tpu.memory_space<vmem>>, vector<1x16xi32>,
      %get3A_314 = arith.constant 0 : i32
      %get3A_315 = arith.index_cast %get3A_314 : i32 to index
      %get3A_316 = arith.constant 256 : index
      %get3A_317 = tpu.vector_load %arg6[%get3A_315, %get3A_316] {strides = array<i32>} : memref<2x1664xi32, #tpu.memory_space<vmem>>, vector<1x16xi32>,
      %get3A_318 = vector.shape_cast %get3A_317 : vector<1x16xi32> to vector<16xi32>
      %get3A_319 = arith.constant 256 : index
      %get3A_320 = tpu.vector_load %arg7[%get3A_319] {strides = array<i32>} : memref<1664xi32, #tpu.memory_space<vmem>>, vector<16xi32>,
      %get3A_321 = vector.shape_cast %get3A_320 : vector<16xi32> to vector<16xi32>
      %add3A_322 = arith.addi %get3A_318, %get3A_321 : vector<16xi32>
      %swap3A_323 = arith.constant 0 : i32
      %swap3A_324 = arith.index_cast %swap3A_323 : i32 to index
      %swap3A_325 = arith.constant 256 : index
      %swap3A_326 = tpu.vector_load %arg6[%swap3A_324, %swap3A_325] {strides = array<i32>} : memref<2x1664xi32, #tpu.memory_space<vmem>>, vector<1x16xi32>,
      %swap3A_327 = vector.shape_cast %swap3A_326 : vector<1x16xi32> to vector<16xi32>
      %swap3A_328 = vector.shape_cast %add3A_322 : vector<16xi32> to vector<1x16xi32>
      tpu.vector_store %arg6[%swap3A_324, %swap3A_325], %swap3A_328 {strides = array<i32>} : memref<2x1664xi32, #tpu.memory_space<vmem>>, vector<1x16xi32>,
      %get3A_329 = arith.constant 0 : i32
      %get3A_330 = arith.index_cast %get3A_329 : i32 to index
      %get3A_331 = arith.constant 272 : index
      %get3A_332 = tpu.vector_load %arg6[%get3A_330, %get3A_331] {strides = array<i32>} : memref<2x1664xi32, #tpu.memory_space<vmem>>, vector<1x16xi32>,
      %get3A_333 = vector.shape_cast %get3A_332 : vector<1x16xi32> to vector<16xi32>
      %get3A_334 = arith.constant 272 : index
      %get3A_335 = tpu.vector_load %arg7[%get3A_334] {strides = array<i32>} : memref<1664xi32, #tpu.memory_space<vmem>>, vector<16xi32>,
      %get3A_336 = vector.shape_cast %get3A_335 : vector<16xi32> to vector<16xi32>
      %add3A_337 = arith.addi %get3A_333, %get3A_336 : vector<16xi32>
      %swap3A_338 = arith.constant 0 : i32
      %swap3A_339 = arith.index_cast %swap3A_338 : i32 to index
      %swap3A_340 = arith.constant 272 : index
      %swap3A_341 = tpu.vector_load %arg6[%swap3A_339, %swap3A_340] {strides = array<i32>} : memref<2x1664xi32, #tpu.memory_space<vmem>>, vector<1x16xi32>,
      %swap3A_342 = vector.shape_cast %swap3A_341 : vector<1x16xi32> to vector<16xi32>
      %swap3A_343 = vector.shape_cast %add3A_337 : vector<16xi32> to vector<1x16xi32>
      tpu.vector_store %arg6[%swap3A_339, %swap3A_340], %swap3A_343 {strides = array<i32>} : memref<2x1664xi32, #tpu.memory_space<vmem>>, vector<1x16xi32>,
      %get3A_344 = arith.constant 0 : i32
      %get3A_345 = arith.index_cast %get3A_344 : i32 to index
      %get3A_346 = arith.constant 288 : index
      %get3A_347 = tpu.vector_load %arg6[%get3A_345, %get3A_346] {strides = array<i32>} : memref<2x1664xi32, #tpu.memory_space<vmem>>, vector<1x16xi32>,
      %get3A_348 = vector.shape_cast %get3A_347 : vector<1x16xi32> to vector<16xi32>
      %get3A_349 = arith.constant 288 : index
      %get3A_350 = tpu.vector_load %arg7[%get3A_349] {strides = array<i32>} : memref<1664xi32, #tpu.memory_space<vmem>>, vector<16xi32>,
      %get3A_351 = vector.shape_cast %get3A_350 : vector<16xi32> to vector<16xi32>
      %add3A_352 = arith.addi %get3A_348, %get3A_351 : vector<16xi32>
      %swap3A_353 = arith.constant 0 : i32
      %swap3A_354 = arith.index_cast %swap3A_353 : i32 to index
      %swap3A_355 = arith.constant 288 : index
      %swap3A_356 = tpu.vector_load %arg6[%swap3A_354, %swap3A_355] {strides = array<i32>} : memref<2x1664xi32, #tpu.memory_space<vmem>>, vector<1x16xi32>,
      %swap3A_357 = vector.shape_cast %swap3A_356 : vector<1x16xi32> to vector<16xi32>
      %swap3A_358 = vector.shape_cast %add3A_352 : vector<16xi32> to vector<1x16xi32>
      tpu.vector_store %arg6[%swap3A_354, %swap3A_355], %swap3A_358 {strides = array<i32>} : memref<2x1664xi32, #tpu.memory_space<vmem>>, vector<1x16xi32>,
      %get3A_359 = arith.constant 0 : i32
      %get3A_360 = arith.index_cast %get3A_359 : i32 to index
      %get3A_361 = arith.constant 304 : index
      %get3A_362 = tpu.vector_load %arg6[%get3A_360, %get3A_361] {strides = array<i32>} : memref<2x1664xi32, #tpu.memory_space<vmem>>, vector<1x16xi32>,
      %get3A_363 = vector.shape_cast %get3A_362 : vector<1x16xi32> to vector<16xi32>
      %get3A_364 = arith.constant 304 : index
      %get3A_365 = tpu.vector_load %arg7[%get3A_364] {strides = array<i32>} : memref<1664xi32, #tpu.memory_space<vmem>>, vector<16xi32>,
      %get3A_366 = vector.shape_cast %get3A_365 : vector<16xi32> to vector<16xi32>
      %add3A_367 = arith.addi %get3A_363, %get3A_366 : vector<16xi32>
      %swap3A_368 = arith.constant 0 : i32
      %swap3A_369 = arith.index_cast %swap3A_368 : i32 to index
      %swap3A_370 = arith.constant 304 : index
      %swap3A_371 = tpu.vector_load %arg6[%swap3A_369, %swap3A_370] {strides = array<i32>} : memref<2x1664xi32, #tpu.memory_space<vmem>>, vector<1x16xi32>,
      %swap3A_372 = vector.shape_cast %swap3A_371 : vector<1x16xi32> to vector<16xi32>
      %swap3A_373 = vector.shape_cast %add3A_367 : vector<16xi32> to vector<1x16xi32>
      tpu.vector_store %arg6[%swap3A_369, %swap3A_370], %swap3A_373 {strides = array<i32>} : memref<2x1664xi32, #tpu.memory_space<vmem>>, vector<1x16xi32>,
      %get3A_374 = arith.constant 0 : i32
      %get3A_375 = arith.index_cast %get3A_374 : i32 to index
      %get3A_376 = arith.constant 320 : index
      %get3A_377 = tpu.vector_load %arg6[%get3A_375, %get3A_376] {strides = array<i32>} : memref<2x1664xi32, #tpu.memory_space<vmem>>, vector<1x16xi32>,
      %get3A_378 = vector.shape_cast %get3A_377 : vector<1x16xi32> to vector<16xi32>
      %get3A_379 = arith.constant 320 : index
      %get3A_380 = tpu.vector_load %arg7[%get3A_379] {strides = array<i32>} : memref<1664xi32, #tpu.memory_space<vmem>>, vector<16xi32>,
      %get3A_381 = vector.shape_cast %get3A_380 : vector<16xi32> to vector<16xi32>
      %add3A_382 = arith.addi %get3A_378, %get3A_381 : vector<16xi32>
      %swap3A_383 = arith.constant 0 : i32
      %swap3A_384 = arith.index_cast %swap3A_383 : i32 to index
      %swap3A_385 = arith.constant 320 : index
      %swap3A_386 = tpu.vector_load %arg6[%swap3A_384, %swap3A_385] {strides = array<i32>} : memref<2x1664xi32, #tpu.memory_space<vmem>>, vector<1x16xi32>,
      %swap3A_387 = vector.shape_cast %swap3A_386 : vector<1x16xi32> to vector<16xi32>
      %swap3A_388 = vector.shape_cast %add3A_382 : vector<16xi32> to vector<1x16xi32>
      tpu.vector_store %arg6[%swap3A_384, %swap3A_385], %swap3A_388 {strides = array<i32>} : memref<2x1664xi32, #tpu.memory_space<vmem>>, vector<1x16xi32>,
      %get3A_389 = arith.constant 0 : i32
      %get3A_390 = arith.index_cast %get3A_389 : i32 to index
      %get3A_391 = arith.constant 336 : index
      %get3A_392 = tpu.vector_load %arg6[%get3A_390, %get3A_391] {strides = array<i32>} : memref<2x1664xi32, #tpu.memory_space<vmem>>, vector<1x16xi32>,
      %get3A_393 = vector.shape_cast %get3A_392 : vector<1x16xi32> to vector<16xi32>
      %get3A_394 = arith.constant 336 : index
      %get3A_395 = tpu.vector_load %arg7[%get3A_394] {strides = array<i32>} : memref<1664xi32, #tpu.memory_space<vmem>>, vector<16xi32>,
      %get3A_396 = vector.shape_cast %get3A_395 : vector<16xi32> to vector<16xi32>
      %add3A_397 = arith.addi %get3A_393, %get3A_396 : vector<16xi32>
      %swap3A_398 = arith.constant 0 : i32
      %swap3A_399 = arith.index_cast %swap3A_398 : i32 to index
      %swap3A_400 = arith.constant 336 : index
      %swap3A_401 = tpu.vector_load %arg6[%swap3A_399, %swap3A_400] {strides = array<i32>} : memref<2x1664xi32, #tpu.memory_space<vmem>>, vector<1x16xi32>,
      %swap3A_402 = vector.shape_cast %swap3A_401 : vector<1x16xi32> to vector<16xi32>
      %swap3A_403 = vector.shape_cast %add3A_397 : vector<16xi32> to vector<1x16xi32>
      tpu.vector_store %arg6[%swap3A_399, %swap3A_400], %swap3A_403 {strides = array<i32>} : memref<2x1664xi32, #tpu.memory_space<vmem>>, vector<1x16xi32>,
      %get3A_404 = arith.constant 0 : i32
      %get3A_405 = arith.index_cast %get3A_404 : i32 to index
      %get3A_406 = arith.constant 352 : index
      %get3A_407 = tpu.vector_load %arg6[%get3A_405, %get3A_406] {strides = array<i32>} : memref<2x1664xi32, #tpu.memory_space<vmem>>, vector<1x16xi32>,
      %get3A_408 = vector.shape_cast %get3A_407 : vector<1x16xi32> to vector<16xi32>
      %get3A_409 = arith.constant 352 : index
      %get3A_410 = tpu.vector_load %arg7[%get3A_409] {strides = array<i32>} : memref<1664xi32, #tpu.memory_space<vmem>>, vector<16xi32>,
      %get3A_411 = vector.shape_cast %get3A_410 : vector<16xi32> to vector<16xi32>
      %add3A_412 = arith.addi %get3A_408, %get3A_411 : vector<16xi32>
      %swap3A_413 = arith.constant 0 : i32
      %swap3A_414 = arith.index_cast %swap3A_413 : i32 to index
      %swap3A_415 = arith.constant 352 : index
      %swap3A_416 = tpu.vector_load %arg6[%swap3A_414, %swap3A_415] {strides = array<i32>} : memref<2x1664xi32, #tpu.memory_space<vmem>>, vector<1x16xi32>,
      %swap3A_417 = vector.shape_cast %swap3A_416 : vector<1x16xi32> to vector<16xi32>
      %swap3A_418 = vector.shape_cast %add3A_412 : vector<16xi32> to vector<1x16xi32>
      tpu.vector_store %arg6[%swap3A_414, %swap3A_415], %swap3A_418 {strides = array<i32>} : memref<2x1664xi32, #tpu.memory_space<vmem>>, vector<1x16xi32>,
      %get3A_419 = arith.constant 0 : i32
      %get3A_420 = arith.index_cast %get3A_419 : i32 to index
      %get3A_421 = arith.constant 368 : index
      %get3A_422 = tpu.vector_load %arg6[%get3A_420, %get3A_421] {strides = array<i32>} : memref<2x1664xi32, #tpu.memory_space<vmem>>, vector<1x16xi32>,
      %get3A_423 = vector.shape_cast %get3A_422 : vector<1x16xi32> to vector<16xi32>
      %get3A_424 = arith.constant 368 : index
      %get3A_425 = tpu.vector_load %arg7[%get3A_424] {strides = array<i32>} : memref<1664xi32, #tpu.memory_space<vmem>>, vector<16xi32>,
      %get3A_426 = vector.shape_cast %get3A_425 : vector<16xi32> to vector<16xi32>
      %add3A_427 = arith.addi %get3A_423, %get3A_426 : vector<16xi32>
      %swap3A_428 = arith.constant 0 : i32
      %swap3A_429 = arith.index_cast %swap3A_428 : i32 to index
      %swap3A_430 = arith.constant 368 : index
      %swap3A_431 = tpu.vector_load %arg6[%swap3A_429, %swap3A_430] {strides = array<i32>} : memref<2x1664xi32, #tpu.memory_space<vmem>>, vector<1x16xi32>,
      %swap3A_432 = vector.shape_cast %swap3A_431 : vector<1x16xi32> to vector<16xi32>
      %swap3A_433 = vector.shape_cast %add3A_427 : vector<16xi32> to vector<1x16xi32>
      tpu.vector_store %arg6[%swap3A_429, %swap3A_430], %swap3A_433 {strides = array<i32>} : memref<2x1664xi32, #tpu.memory_space<vmem>>, vector<1x16xi32>,
      %get3A_434 = arith.constant 0 : i32
      %get3A_435 = arith.index_cast %get3A_434 : i32 to index
      %get3A_436 = arith.constant 384 : index
      %get3A_437 = tpu.vector_load %arg6[%get3A_435, %get3A_436] {strides = array<i32>} : memref<2x1664xi32, #tpu.memory_space<vmem>>, vector<1x16xi32>,
      %get3A_438 = vector.shape_cast %get3A_437 : vector<1x16xi32> to vector<16xi32>
      %get3A_439 = arith.constant 384 : index
      %get3A_440 = tpu.vector_load %arg7[%get3A_439] {strides = array<i32>} : memref<1664xi32, #tpu.memory_space<vmem>>, vector<16xi32>,
      %get3A_441 = vector.shape_cast %get3A_440 : vector<16xi32> to vector<16xi32>
      %add3A_442 = arith.addi %get3A_438, %get3A_441 : vector<16xi32>
      %swap3A_443 = arith.constant 0 : i32
      %swap3A_444 = arith.index_cast %swap3A_443 : i32 to index
      %swap3A_445 = arith.constant 384 : index
      %swap3A_446 = tpu.vector_load %arg6[%swap3A_444, %swap3A_445] {strides = array<i32>} : memref<2x1664xi32, #tpu.memory_space<vmem>>, vector<1x16xi32>,
      %swap3A_447 = vector.shape_cast %swap3A_446 : vector<1x16xi32> to vector<16xi32>
      %swap3A_448 = vector.shape_cast %add3A_442 : vector<16xi32> to vector<1x16xi32>
      tpu.vector_store %arg6[%swap3A_444, %swap3A_445], %swap3A_448 {strides = array<i32>} : memref<2x1664xi32, #tpu.memory_space<vmem>>, vector<1x16xi32>,
      %get3A_449 = arith.constant 0 : i32
      %get3A_450 = arith.index_cast %get3A_449 : i32 to index
      %get3A_451 = arith.constant 400 : index
      %get3A_452 = tpu.vector_load %arg6[%get3A_450, %get3A_451] {strides = array<i32>} : memref<2x1664xi32, #tpu.memory_space<vmem>>, vector<1x16xi32>,
      %get3A_453 = vector.shape_cast %get3A_452 : vector<1x16xi32> to vector<16xi32>
      %get3A_454 = arith.constant 400 : index
      %get3A_455 = tpu.vector_load %arg7[%get3A_454] {strides = array<i32>} : memref<1664xi32, #tpu.memory_space<vmem>>, vector<16xi32>,
      %get3A_456 = vector.shape_cast %get3A_455 : vector<16xi32> to vector<16xi32>
      %add3A_457 = arith.addi %get3A_453, %get3A_456 : vector<16xi32>
      %swap3A_458 = arith.constant 0 : i32
      %swap3A_459 = arith.index_cast %swap3A_458 : i32 to index
      %swap3A_460 = arith.constant 400 : index
      %swap3A_461 = tpu.vector_load %arg6[%swap3A_459, %swap3A_460] {strides = array<i32>} : memref<2x1664xi32, #tpu.memory_space<vmem>>, vector<1x16xi32>,
      %swap3A_462 = vector.shape_cast %swap3A_461 : vector<1x16xi32> to vector<16xi32>
      %swap3A_463 = vector.shape_cast %add3A_457 : vector<16xi32> to vector<1x16xi32>
      tpu.vector_store %arg6[%swap3A_459, %swap3A_460], %swap3A_463 {strides = array<i32>} : memref<2x1664xi32, #tpu.memory_space<vmem>>, vector<1x16xi32>,
      %get3A_464 = arith.constant 0 : i32
      %get3A_465 = arith.index_cast %get3A_464 : i32 to index
      %get3A_466 = arith.constant 416 : index
      %get3A_467 = tpu.vector_load %arg6[%get3A_465, %get3A_466] {strides = array<i32>} : memref<2x1664xi32, #tpu.memory_space<vmem>>, vector<1x16xi32>,
      %get3A_468 = vector.shape_cast %get3A_467 : vector<1x16xi32> to vector<16xi32>
      %get3A_469 = arith.constant 416 : index
      %get3A_470 = tpu.vector_load %arg7[%get3A_469] {strides = array<i32>} : memref<1664xi32, #tpu.memory_space<vmem>>, vector<16xi32>,
      %get3A_471 = vector.shape_cast %get3A_470 : vector<16xi32> to vector<16xi32>
      %add3A_472 = arith.addi %get3A_468, %get3A_471 : vector<16xi32>
      %swap3A_473 = arith.constant 0 : i32
      %swap3A_474 = arith.index_cast %swap3A_473 : i32 to index
      %swap3A_475 = arith.constant 416 : index
      %swap3A_476 = tpu.vector_load %arg6[%swap3A_474, %swap3A_475] {strides = array<i32>} : memref<2x1664xi32, #tpu.memory_space<vmem>>, vector<1x16xi32>,
      %swap3A_477 = vector.shape_cast %swap3A_476 : vector<1x16xi32> to vector<16xi32>
      %swap3A_478 = vector.shape_cast %add3A_472 : vector<16xi32> to vector<1x16xi32>
      tpu.vector_store %arg6[%swap3A_474, %swap3A_475], %swap3A_478 {strides = array<i32>} : memref<2x1664xi32, #tpu.memory_space<vmem>>, vector<1x16xi32>,
      %get3A_479 = arith.constant 0 : i32
      %get3A_480 = arith.index_cast %get3A_479 : i32 to index
      %get3A_481 = arith.constant 432 : index
      %get3A_482 = tpu.vector_load %arg6[%get3A_480, %get3A_481] {strides = array<i32>} : memref<2x1664xi32, #tpu.memory_space<vmem>>, vector<1x16xi32>,
      %get3A_483 = vector.shape_cast %get3A_482 : vector<1x16xi32> to vector<16xi32>
      %get3A_484 = arith.constant 432 : index
      %get3A_485 = tpu.vector_load %arg7[%get3A_484] {strides = array<i32>} : memref<1664xi32, #tpu.memory_space<vmem>>, vector<16xi32>,
      %get3A_486 = vector.shape_cast %get3A_485 : vector<16xi32> to vector<16xi32>
      %add3A_487 = arith.addi %get3A_483, %get3A_486 : vector<16xi32>
      %swap3A_488 = arith.constant 0 : i32
      %swap3A_489 = arith.index_cast %swap3A_488 : i32 to index
      %swap3A_490 = arith.constant 432 : index
      %swap3A_491 = tpu.vector_load %arg6[%swap3A_489, %swap3A_490] {strides = array<i32>} : memref<2x1664xi32, #tpu.memory_space<vmem>>, vector<1x16xi32>,
      %swap3A_492 = vector.shape_cast %swap3A_491 : vector<1x16xi32> to vector<16xi32>
      %swap3A_493 = vector.shape_cast %add3A_487 : vector<16xi32> to vector<1x16xi32>
      tpu.vector_store %arg6[%swap3A_489, %swap3A_490], %swap3A_493 {strides = array<i32>} : memref<2x1664xi32, #tpu.memory_space<vmem>>, vector<1x16xi32>,
      %get3A_494 = arith.constant 0 : i32
      %get3A_495 = arith.index_cast %get3A_494 : i32 to index
      %get3A_496 = arith.constant 448 : index
      %get3A_497 = tpu.vector_load %arg6[%get3A_495, %get3A_496] {strides = array<i32>} : memref<2x1664xi32, #tpu.memory_space<vmem>>, vector<1x16xi32>,
      %get3A_498 = vector.shape_cast %get3A_497 : vector<1x16xi32> to vector<16xi32>
      %get3A_499 = arith.constant 448 : index
      %get3A_500 = tpu.vector_load %arg7[%get3A_499] {strides = array<i32>} : memref<1664xi32, #tpu.memory_space<vmem>>, vector<16xi32>,
      %get3A_501 = vector.shape_cast %get3A_500 : vector<16xi32> to vector<16xi32>
      %add3A_502 = arith.addi %get3A_498, %get3A_501 : vector<16xi32>
      %swap3A_503 = arith.constant 0 : i32
      %swap3A_504 = arith.index_cast %swap3A_503 : i32 to index
      %swap3A_505 = arith.constant 448 : index
      %swap3A_506 = tpu.vector_load %arg6[%swap3A_504, %swap3A_505] {strides = array<i32>} : memref<2x1664xi32, #tpu.memory_space<vmem>>, vector<1x16xi32>,
      %swap3A_507 = vector.shape_cast %swap3A_506 : vector<1x16xi32> to vector<16xi32>
      %swap3A_508 = vector.shape_cast %add3A_502 : vector<16xi32> to vector<1x16xi32>
      tpu.vector_store %arg6[%swap3A_504, %swap3A_505], %swap3A_508 {strides = array<i32>} : memref<2x1664xi32, #tpu.memory_space<vmem>>, vector<1x16xi32>,
      %get3A_509 = arith.constant 0 : i32
      %get3A_510 = arith.index_cast %get3A_509 : i32 to index
      %get3A_511 = arith.constant 464 : index
      %get3A_512 = tpu.vector_load %arg6[%get3A_510, %get3A_511] {strides = array<i32>} : memref<2x1664xi32, #tpu.memory_space<vmem>>, vector<1x16xi32>,
      %get3A_513 = vector.shape_cast %get3A_512 : vector<1x16xi32> to vector<16xi32>
      %get3A_514 = arith.constant 464 : index
      %get3A_515 = tpu.vector_load %arg7[%get3A_514] {strides = array<i32>} : memref<1664xi32, #tpu.memory_space<vmem>>, vector<16xi32>,
      %get3A_516 = vector.shape_cast %get3A_515 : vector<16xi32> to vector<16xi32>
      %add3A_517 = arith.addi %get3A_513, %get3A_516 : vector<16xi32>
      %swap3A_518 = arith.constant 0 : i32
      %swap3A_519 = arith.index_cast %swap3A_518 : i32 to index
      %swap3A_520 = arith.constant 464 : index
      %swap3A_521 = tpu.vector_load %arg6[%swap3A_519, %swap3A_520] {strides = array<i32>} : memref<2x1664xi32, #tpu.memory_space<vmem>>, vector<1x16xi32>,
      %swap3A_522 = vector.shape_cast %swap3A_521 : vector<1x16xi32> to vector<16xi32>
      %swap3A_523 = vector.shape_cast %add3A_517 : vector<16xi32> to vector<1x16xi32>
      tpu.vector_store %arg6[%swap3A_519, %swap3A_520], %swap3A_523 {strides = array<i32>} : memref<2x1664xi32, #tpu.memory_space<vmem>>, vector<1x16xi32>,
      %get3A_524 = arith.constant 0 : i32
      %get3A_525 = arith.index_cast %get3A_524 : i32 to index
      %get3A_526 = arith.constant 480 : index
      %get3A_527 = tpu.vector_load %arg6[%get3A_525, %get3A_526] {strides = array<i32>} : memref<2x1664xi32, #tpu.memory_space<vmem>>, vector<1x16xi32>,
      %get3A_528 = vector.shape_cast %get3A_527 : vector<1x16xi32> to vector<16xi32>
      %get3A_529 = arith.constant 480 : index
      %get3A_530 = tpu.vector_load %arg7[%get3A_529] {strides = array<i32>} : memref<1664xi32, #tpu.memory_space<vmem>>, vector<16xi32>,
      %get3A_531 = vector.shape_cast %get3A_530 : vector<16xi32> to vector<16xi32>
      %add3A_532 = arith.addi %get3A_528, %get3A_531 : vector<16xi32>
      %swap3A_533 = arith.constant 0 : i32
      %swap3A_534 = arith.index_cast %swap3A_533 : i32 to index
      %swap3A_535 = arith.constant 480 : index
      %swap3A_536 = tpu.vector_load %arg6[%swap3A_534, %swap3A_535] {strides = array<i32>} : memref<2x1664xi32, #tpu.memory_space<vmem>>, vector<1x16xi32>,
      %swap3A_537 = vector.shape_cast %swap3A_536 : vector<1x16xi32> to vector<16xi32>
      %swap3A_538 = vector.shape_cast %add3A_532 : vector<16xi32> to vector<1x16xi32>
      tpu.vector_store %arg6[%swap3A_534, %swap3A_535], %swap3A_538 {strides = array<i32>} : memref<2x1664xi32, #tpu.memory_space<vmem>>, vector<1x16xi32>,
      %get3A_539 = arith.constant 0 : i32
      %get3A_540 = arith.index_cast %get3A_539 : i32 to index
      %get3A_541 = arith.constant 496 : index
      %get3A_542 = tpu.vector_load %arg6[%get3A_540, %get3A_541] {strides = array<i32>} : memref<2x1664xi32, #tpu.memory_space<vmem>>, vector<1x16xi32>,
      %get3A_543 = vector.shape_cast %get3A_542 : vector<1x16xi32> to vector<16xi32>
      %get3A_544 = arith.constant 496 : index
      %get3A_545 = tpu.vector_load %arg7[%get3A_544] {strides = array<i32>} : memref<1664xi32, #tpu.memory_space<vmem>>, vector<16xi32>,
      %get3A_546 = vector.shape_cast %get3A_545 : vector<16xi32> to vector<16xi32>
      %add3A_547 = arith.addi %get3A_543, %get3A_546 : vector<16xi32>
      %swap3A_548 = arith.constant 0 : i32
      %swap3A_549 = arith.index_cast %swap3A_548 : i32 to index
      %swap3A_550 = arith.constant 496 : index
      %swap3A_551 = tpu.vector_load %arg6[%swap3A_549, %swap3A_550] {strides = array<i32>} : memref<2x1664xi32, #tpu.memory_space<vmem>>, vector<1x16xi32>,
      %swap3A_552 = vector.shape_cast %swap3A_551 : vector<1x16xi32> to vector<16xi32>
      %swap3A_553 = vector.shape_cast %add3A_547 : vector<16xi32> to vector<1x16xi32>
      tpu.vector_store %arg6[%swap3A_549, %swap3A_550], %swap3A_553 {strides = array<i32>} : memref<2x1664xi32, #tpu.memory_space<vmem>>, vector<1x16xi32>,
      %get3A_554 = arith.constant 0 : i32
      %get3A_555 = arith.index_cast %get3A_554 : i32 to index
      %get3A_556 = arith.constant 512 : index
      %get3A_557 = tpu.vector_load %arg6[%get3A_555, %get3A_556] {strides = array<i32>} : memref<2x1664xi32, #tpu.memory_space<vmem>>, vector<1x16xi32>,
      %get3A_558 = vector.shape_cast %get3A_557 : vector<1x16xi32> to vector<16xi32>
      %get3A_559 = arith.constant 512 : index
      %get3A_560 = tpu.vector_load %arg7[%get3A_559] {strides = array<i32>} : memref<1664xi32, #tpu.memory_space<vmem>>, vector<16xi32>,
      %get3A_561 = vector.shape_cast %get3A_560 : vector<16xi32> to vector<16xi32>
      %add3A_562 = arith.addi %get3A_558, %get3A_561 : vector<16xi32>
      %swap3A_563 = arith.constant 0 : i32
      %swap3A_564 = arith.index_cast %swap3A_563 : i32 to index
      %swap3A_565 = arith.constant 512 : index
      %swap3A_566 = tpu.vector_load %arg6[%swap3A_564, %swap3A_565] {strides = array<i32>} : memref<2x1664xi32, #tpu.memory_space<vmem>>, vector<1x16xi32>,
      %swap3A_567 = vector.shape_cast %swap3A_566 : vector<1x16xi32> to vector<16xi32>
      %swap3A_568 = vector.shape_cast %add3A_562 : vector<16xi32> to vector<1x16xi32>
      tpu.vector_store %arg6[%swap3A_564, %swap3A_565], %swap3A_568 {strides = array<i32>} : memref<2x1664xi32, #tpu.memory_space<vmem>>, vector<1x16xi32>,
      %get3A_569 = arith.constant 0 : i32
      %get3A_570 = arith.index_cast %get3A_569 : i32 to index
      %get3A_571 = arith.constant 528 : index
      %get3A_572 = tpu.vector_load %arg6[%get3A_570, %get3A_571] {strides = array<i32>} : memref<2x1664xi32, #tpu.memory_space<vmem>>, vector<1x16xi32>,
      %get3A_573 = vector.shape_cast %get3A_572 : vector<1x16xi32> to vector<16xi32>
      %get3A_574 = arith.constant 528 : index
      %get3A_575 = tpu.vector_load %arg7[%get3A_574] {strides = array<i32>} : memref<1664xi32, #tpu.memory_space<vmem>>, vector<16xi32>,
      %get3A_576 = vector.shape_cast %get3A_575 : vector<16xi32> to vector<16xi32>
      %add3A_577 = arith.addi %get3A_573, %get3A_576 : vector<16xi32>
      %swap3A_578 = arith.constant 0 : i32
      %swap3A_579 = arith.index_cast %swap3A_578 : i32 to index
      %swap3A_580 = arith.constant 528 : index
      %swap3A_581 = tpu.vector_load %arg6[%swap3A_579, %swap3A_580] {strides = array<i32>} : memref<2x1664xi32, #tpu.memory_space<vmem>>, vector<1x16xi32>,
      %swap3A_582 = vector.shape_cast %swap3A_581 : vector<1x16xi32> to vector<16xi32>
      %swap3A_583 = vector.shape_cast %add3A_577 : vector<16xi32> to vector<1x16xi32>
      tpu.vector_store %arg6[%swap3A_579, %swap3A_580], %swap3A_583 {strides = array<i32>} : memref<2x1664xi32, #tpu.memory_space<vmem>>, vector<1x16xi32>,
      %get3A_584 = arith.constant 0 : i32
      %get3A_585 = arith.index_cast %get3A_584 : i32 to index
      %get3A_586 = arith.constant 544 : index
      %get3A_587 = tpu.vector_load %arg6[%get3A_585, %get3A_586] {strides = array<i32>} : memref<2x1664xi32, #tpu.memory_space<vmem>>, vector<1x16xi32>,
      %get3A_588 = vector.shape_cast %get3A_587 : vector<1x16xi32> to vector<16xi32>
      %get3A_589 = arith.constant 544 : index
      %get3A_590 = tpu.vector_load %arg7[%get3A_589] {strides = array<i32>} : memref<1664xi32, #tpu.memory_space<vmem>>, vector<16xi32>,
      %get3A_591 = vector.shape_cast %get3A_590 : vector<16xi32> to vector<16xi32>
      %add3A_592 = arith.addi %get3A_588, %get3A_591 : vector<16xi32>
      %swap3A_593 = arith.constant 0 : i32
      %swap3A_594 = arith.index_cast %swap3A_593 : i32 to index
      %swap3A_595 = arith.constant 544 : index
      %swap3A_596 = tpu.vector_load %arg6[%swap3A_594, %swap3A_595] {strides = array<i32>} : memref<2x1664xi32, #tpu.memory_space<vmem>>, vector<1x16xi32>,
      %swap3A_597 = vector.shape_cast %swap3A_596 : vector<1x16xi32> to vector<16xi32>
      %swap3A_598 = vector.shape_cast %add3A_592 : vector<16xi32> to vector<1x16xi32>
      tpu.vector_store %arg6[%swap3A_594, %swap3A_595], %swap3A_598 {strides = array<i32>} : memref<2x1664xi32, #tpu.memory_space<vmem>>, vector<1x16xi32>,
      %get3A_599 = arith.constant 0 : i32
      %get3A_600 = arith.index_cast %get3A_599 : i32 to index
      %get3A_601 = arith.constant 560 : index
      %get3A_602 = tpu.vector_load %arg6[%get3A_600, %get3A_601] {strides = array<i32>} : memref<2x1664xi32, #tpu.memory_space<vmem>>, vector<1x16xi32>,
      %get3A_603 = vector.shape_cast %get3A_602 : vector<1x16xi32> to vector<16xi32>
      %get3A_604 = arith.constant 560 : index
      %get3A_605 = tpu.vector_load %arg7[%get3A_604] {strides = array<i32>} : memref<1664xi32, #tpu.memory_space<vmem>>, vector<16xi32>,
      %get3A_606 = vector.shape_cast %get3A_605 : vector<16xi32> to vector<16xi32>
      %add3A_607 = arith.addi %get3A_603, %get3A_606 : vector<16xi32>
      %swap3A_608 = arith.constant 0 : i32
      %swap3A_609 = arith.index_cast %swap3A_608 : i32 to index
      %swap3A_610 = arith.constant 560 : index
      %swap3A_611 = tpu.vector_load %arg6[%swap3A_609, %swap3A_610] {strides = array<i32>} : memref<2x1664xi32, #tpu.memory_space<vmem>>, vector<1x16xi32>,
      %swap3A_612 = vector.shape_cast %swap3A_611 : vector<1x16xi32> to vector<16xi32>
      %swap3A_613 = vector.shape_cast %add3A_607 : vector<16xi32> to vector<1x16xi32>
      tpu.vector_store %arg6[%swap3A_609, %swap3A_610], %swap3A_613 {strides = array<i32>} : memref<2x1664xi32, #tpu.memory_space<vmem>>, vector<1x16xi32>,
      %get3A_614 = arith.constant 0 : i32
      %get3A_615 = arith.index_cast %get3A_614 : i32 to index
      %get3A_616 = arith.constant 576 : index
      %get3A_617 = tpu.vector_load %arg6[%get3A_615, %get3A_616] {strides = array<i32>} : memref<2x1664xi32, #tpu.memory_space<vmem>>, vector<1x16xi32>,
      %get3A_618 = vector.shape_cast %get3A_617 : vector<1x16xi32> to vector<16xi32>
      %get3A_619 = arith.constant 576 : index
      %get3A_620 = tpu.vector_load %arg7[%get3A_619] {strides = array<i32>} : memref<1664xi32, #tpu.memory_space<vmem>>, vector<16xi32>,
      %get3A_621 = vector.shape_cast %get3A_620 : vector<16xi32> to vector<16xi32>
      %add3A_622 = arith.addi %get3A_618, %get3A_621 : vector<16xi32>
      %swap3A_623 = arith.constant 0 : i32
      %swap3A_624 = arith.index_cast %swap3A_623 : i32 to index
      %swap3A_625 = arith.constant 576 : index
      %swap3A_626 = tpu.vector_load %arg6[%swap3A_624, %swap3A_625] {strides = array<i32>} : memref<2x1664xi32, #tpu.memory_space<vmem>>, vector<1x16xi32>,
      %swap3A_627 = vector.shape_cast %swap3A_626 : vector<1x16xi32> to vector<16xi32>
      %swap3A_628 = vector.shape_cast %add3A_622 : vector<16xi32> to vector<1x16xi32>
      tpu.vector_store %arg6[%swap3A_624, %swap3A_625], %swap3A_628 {strides = array<i32>} : memref<2x1664xi32, #tpu.memory_space<vmem>>, vector<1x16xi32>,
      %get3A_629 = arith.constant 0 : i32
      %get3A_630 = arith.index_cast %get3A_629 : i32 to index
      %get3A_631 = arith.constant 592 : index
      %get3A_632 = tpu.vector_load %arg6[%get3A_630, %get3A_631] {strides = array<i32>} : memref<2x1664xi32, #tpu.memory_space<vmem>>, vector<1x16xi32>,
      %get3A_633 = vector.shape_cast %get3A_632 : vector<1x16xi32> to vector<16xi32>
      %get3A_634 = arith.constant 592 : index
      %get3A_635 = tpu.vector_load %arg7[%get3A_634] {strides = array<i32>} : memref<1664xi32, #tpu.memory_space<vmem>>, vector<16xi32>,
      %get3A_636 = vector.shape_cast %get3A_635 : vector<16xi32> to vector<16xi32>
      %add3A_637 = arith.addi %get3A_633, %get3A_636 : vector<16xi32>
      %swap3A_638 = arith.constant 0 : i32
      %swap3A_639 = arith.index_cast %swap3A_638 : i32 to index
      %swap3A_640 = arith.constant 592 : index
      %swap3A_641 = tpu.vector_load %arg6[%swap3A_639, %swap3A_640] {strides = array<i32>} : memref<2x1664xi32, #tpu.memory_space<vmem>>, vector<1x16xi32>,
      %swap3A_642 = vector.shape_cast %swap3A_641 : vector<1x16xi32> to vector<16xi32>
      %swap3A_643 = vector.shape_cast %add3A_637 : vector<16xi32> to vector<1x16xi32>
      tpu.vector_store %arg6[%swap3A_639, %swap3A_640], %swap3A_643 {strides = array<i32>} : memref<2x1664xi32, #tpu.memory_space<vmem>>, vector<1x16xi32>,
      %get3A_644 = arith.constant 0 : i32
      %get3A_645 = arith.index_cast %get3A_644 : i32 to index
      %get3A_646 = arith.constant 608 : index
      %get3A_647 = tpu.vector_load %arg6[%get3A_645, %get3A_646] {strides = array<i32>} : memref<2x1664xi32, #tpu.memory_space<vmem>>, vector<1x16xi32>,
      %get3A_648 = vector.shape_cast %get3A_647 : vector<1x16xi32> to vector<16xi32>
      %get3A_649 = arith.constant 608 : index
      %get3A_650 = tpu.vector_load %arg7[%get3A_649] {strides = array<i32>} : memref<1664xi32, #tpu.memory_space<vmem>>, vector<16xi32>,
      %get3A_651 = vector.shape_cast %get3A_650 : vector<16xi32> to vector<16xi32>
      %add3A_652 = arith.addi %get3A_648, %get3A_651 : vector<16xi32>
      %swap3A_653 = arith.constant 0 : i32
      %swap3A_654 = arith.index_cast %swap3A_653 : i32 to index
      %swap3A_655 = arith.constant 608 : index
      %swap3A_656 = tpu.vector_load %arg6[%swap3A_654, %swap3A_655] {strides = array<i32>} : memref<2x1664xi32, #tpu.memory_space<vmem>>, vector<1x16xi32>,
      %swap3A_657 = vector.shape_cast %swap3A_656 : vector<1x16xi32> to vector<16xi32>
      %swap3A_658 = vector.shape_cast %add3A_652 : vector<16xi32> to vector<1x16xi32>
      tpu.vector_store %arg6[%swap3A_654, %swap3A_655], %swap3A_658 {strides = array<i32>} : memref<2x1664xi32, #tpu.memory_space<vmem>>, vector<1x16xi32>,
      %get3A_659 = arith.constant 0 : i32
      %get3A_660 = arith.index_cast %get3A_659 : i32 to index
      %get3A_661 = arith.constant 624 : index
      %get3A_662 = tpu.vector_load %arg6[%get3A_660, %get3A_661] {strides = array<i32>} : memref<2x1664xi32, #tpu.memory_space<vmem>>, vector<1x16xi32>,
      %get3A_663 = vector.shape_cast %get3A_662 : vector<1x16xi32> to vector<16xi32>
      %get3A_664 = arith.constant 624 : index
      %get3A_665 = tpu.vector_load %arg7[%get3A_664] {strides = array<i32>} : memref<1664xi32, #tpu.memory_space<vmem>>, vector<16xi32>,
      %get3A_666 = vector.shape_cast %get3A_665 : vector<16xi32> to vector<16xi32>
      %add3A_667 = arith.addi %get3A_663, %get3A_666 : vector<16xi32>
      %swap3A_668 = arith.constant 0 : i32
      %swap3A_669 = arith.index_cast %swap3A_668 : i32 to index
      %swap3A_670 = arith.constant 624 : index
      %swap3A_671 = tpu.vector_load %arg6[%swap3A_669, %swap3A_670] {strides = array<i32>} : memref<2x1664xi32, #tpu.memory_space<vmem>>, vector<1x16xi32>,
      %swap3A_672 = vector.shape_cast %swap3A_671 : vector<1x16xi32> to vector<16xi32>
      %swap3A_673 = vector.shape_cast %add3A_667 : vector<16xi32> to vector<1x16xi32>
      tpu.vector_store %arg6[%swap3A_669, %swap3A_670], %swap3A_673 {strides = array<i32>} : memref<2x1664xi32, #tpu.memory_space<vmem>>, vector<1x16xi32>,
      %get3A_674 = arith.constant 0 : i32
      %get3A_675 = arith.index_cast %get3A_674 : i32 to index
      %get3A_676 = arith.constant 640 : index
      %get3A_677 = tpu.vector_load %arg6[%get3A_675, %get3A_676] {strides = array<i32>} : memref<2x1664xi32, #tpu.memory_space<vmem>>, vector<1x16xi32>,
      %get3A_678 = vector.shape_cast %get3A_677 : vector<1x16xi32> to vector<16xi32>
      %get3A_679 = arith.constant 640 : index
      %get3A_680 = tpu.vector_load %arg7[%get3A_679] {strides = array<i32>} : memref<1664xi32, #tpu.memory_space<vmem>>, vector<16xi32>,
      %get3A_681 = vector.shape_cast %get3A_680 : vector<16xi32> to vector<16xi32>
      %add3A_682 = arith.addi %get3A_678, %get3A_681 : vector<16xi32>
      %swap3A_683 = arith.constant 0 : i32
      %swap3A_684 = arith.index_cast %swap3A_683 : i32 to index
      %swap3A_685 = arith.constant 640 : index
      %swap3A_686 = tpu.vector_load %arg6[%swap3A_684, %swap3A_685] {strides = array<i32>} : memref<2x1664xi32, #tpu.memory_space<vmem>>, vector<1x16xi32>,
      %swap3A_687 = vector.shape_cast %swap3A_686 : vector<1x16xi32> to vector<16xi32>
      %swap3A_688 = vector.shape_cast %add3A_682 : vector<16xi32> to vector<1x16xi32>
      tpu.vector_store %arg6[%swap3A_684, %swap3A_685], %swap3A_688 {strides = array<i32>} : memref<2x1664xi32, #tpu.memory_space<vmem>>, vector<1x16xi32>,
      %get3A_689 = arith.constant 0 : i32
      %get3A_690 = arith.index_cast %get3A_689 : i32 to index
      %get3A_691 = arith.constant 656 : index
      %get3A_692 = tpu.vector_load %arg6[%get3A_690, %get3A_691] {strides = array<i32>} : memref<2x1664xi32, #tpu.memory_space<vmem>>, vector<1x16xi32>,
      %get3A_693 = vector.shape_cast %get3A_692 : vector<1x16xi32> to vector<16xi32>
      %get3A_694 = arith.constant 656 : index
      %get3A_695 = tpu.vector_load %arg7[%get3A_694] {strides = array<i32>} : memref<1664xi32, #tpu.memory_space<vmem>>, vector<16xi32>,
      %get3A_696 = vector.shape_cast %get3A_695 : vector<16xi32> to vector<16xi32>
      %add3A_697 = arith.addi %get3A_693, %get3A_696 : vector<16xi32>
      %swap3A_698 = arith.constant 0 : i32
      %swap3A_699 = arith.index_cast %swap3A_698 : i32 to index
      %swap3A_700 = arith.constant 656 : index
      %swap3A_701 = tpu.vector_load %arg6[%swap3A_699, %swap3A_700] {strides = array<i32>} : memref<2x1664xi32, #tpu.memory_space<vmem>>, vector<1x16xi32>,
      %swap3A_702 = vector.shape_cast %swap3A_701 : vector<1x16xi32> to vector<16xi32>
      %swap3A_703 = vector.shape_cast %add3A_697 : vector<16xi32> to vector<1x16xi32>
      tpu.vector_store %arg6[%swap3A_699, %swap3A_700], %swap3A_703 {strides = array<i32>} : memref<2x1664xi32, #tpu.memory_space<vmem>>, vector<1x16xi32>,
      %get3A_704 = arith.constant 0 : i32
      %get3A_705 = arith.index_cast %get3A_704 : i32 to index
      %get3A_706 = arith.constant 672 : index
      %get3A_707 = tpu.vector_load %arg6[%get3A_705, %get3A_706] {strides = array<i32>} : memref<2x1664xi32, #tpu.memory_space<vmem>>, vector<1x16xi32>,
      %get3A_708 = vector.shape_cast %get3A_707 : vector<1x16xi32> to vector<16xi32>
      %get3A_709 = arith.constant 672 : index
      %get3A_710 = tpu.vector_load %arg7[%get3A_709] {strides = array<i32>} : memref<1664xi32, #tpu.memory_space<vmem>>, vector<16xi32>,
      %get3A_711 = vector.shape_cast %get3A_710 : vector<16xi32> to vector<16xi32>
      %add3A_712 = arith.addi %get3A_708, %get3A_711 : vector<16xi32>
      %swap3A_713 = arith.constant 0 : i32
      %swap3A_714 = arith.index_cast %swap3A_713 : i32 to index
      %swap3A_715 = arith.constant 672 : index
      %swap3A_716 = tpu.vector_load %arg6[%swap3A_714, %swap3A_715] {strides = array<i32>} : memref<2x1664xi32, #tpu.memory_space<vmem>>, vector<1x16xi32>,
      %swap3A_717 = vector.shape_cast %swap3A_716 : vector<1x16xi32> to vector<16xi32>
      %swap3A_718 = vector.shape_cast %add3A_712 : vector<16xi32> to vector<1x16xi32>
      tpu.vector_store %arg6[%swap3A_714, %swap3A_715], %swap3A_718 {strides = array<i32>} : memref<2x1664xi32, #tpu.memory_space<vmem>>, vector<1x16xi32>,
      %get3A_719 = arith.constant 0 : i32
      %get3A_720 = arith.index_cast %get3A_719 : i32 to index
      %get3A_721 = arith.constant 688 : index
      %get3A_722 = tpu.vector_load %arg6[%get3A_720, %get3A_721] {strides = array<i32>} : memref<2x1664xi32, #tpu.memory_space<vmem>>, vector<1x16xi32>,
      %get3A_723 = vector.shape_cast %get3A_722 : vector<1x16xi32> to vector<16xi32>
      %get3A_724 = arith.constant 688 : index
      %get3A_725 = tpu.vector_load %arg7[%get3A_724] {strides = array<i32>} : memref<1664xi32, #tpu.memory_space<vmem>>, vector<16xi32>,
      %get3A_726 = vector.shape_cast %get3A_725 : vector<16xi32> to vector<16xi32>
      %add3A_727 = arith.addi %get3A_723, %get3A_726 : vector<16xi32>
      %swap3A_728 = arith.constant 0 : i32
      %swap3A_729 = arith.index_cast %swap3A_728 : i32 to index
      %swap3A_730 = arith.constant 688 : index
      %swap3A_731 = tpu.vector_load %arg6[%swap3A_729, %swap3A_730] {strides = array<i32>} : memref<2x1664xi32, #tpu.memory_space<vmem>>, vector<1x16xi32>,
      %swap3A_732 = vector.shape_cast %swap3A_731 : vector<1x16xi32> to vector<16xi32>
      %swap3A_733 = vector.shape_cast %add3A_727 : vector<16xi32> to vector<1x16xi32>
      tpu.vector_store %arg6[%swap3A_729, %swap3A_730], %swap3A_733 {strides = array<i32>} : memref<2x1664xi32, #tpu.memory_space<vmem>>, vector<1x16xi32>,
      %get3A_734 = arith.constant 0 : i32
      %get3A_735 = arith.index_cast %get3A_734 : i32 to index
      %get3A_736 = arith.constant 704 : index
      %get3A_737 = tpu.vector_load %arg6[%get3A_735, %get3A_736] {strides = array<i32>} : memref<2x1664xi32, #tpu.memory_space<vmem>>, vector<1x16xi32>,
      %get3A_738 = vector.shape_cast %get3A_737 : vector<1x16xi32> to vector<16xi32>
      %get3A_739 = arith.constant 704 : index
      %get3A_740 = tpu.vector_load %arg7[%get3A_739] {strides = array<i32>} : memref<1664xi32, #tpu.memory_space<vmem>>, vector<16xi32>,
      %get3A_741 = vector.shape_cast %get3A_740 : vector<16xi32> to vector<16xi32>
      %add3A_742 = arith.addi %get3A_738, %get3A_741 : vector<16xi32>
      %swap3A_743 = arith.constant 0 : i32
      %swap3A_744 = arith.index_cast %swap3A_743 : i32 to index
      %swap3A_745 = arith.constant 704 : index
      %swap3A_746 = tpu.vector_load %arg6[%swap3A_744, %swap3A_745] {strides = array<i32>} : memref<2x1664xi32, #tpu.memory_space<vmem>>, vector<1x16xi32>,
      %swap3A_747 = vector.shape_cast %swap3A_746 : vector<1x16xi32> to vector<16xi32>
      %swap3A_748 = vector.shape_cast %add3A_742 : vector<16xi32> to vector<1x16xi32>
      tpu.vector_store %arg6[%swap3A_744, %swap3A_745], %swap3A_748 {strides = array<i32>} : memref<2x1664xi32, #tpu.memory_space<vmem>>, vector<1x16xi32>,
      %get3A_749 = arith.constant 0 : i32
      %get3A_750 = arith.index_cast %get3A_749 : i32 to index
      %get3A_751 = arith.constant 720 : index
      %get3A_752 = tpu.vector_load %arg6[%get3A_750, %get3A_751] {strides = array<i32>} : memref<2x1664xi32, #tpu.memory_space<vmem>>, vector<1x16xi32>,
      %get3A_753 = vector.shape_cast %get3A_752 : vector<1x16xi32> to vector<16xi32>
      %get3A_754 = arith.constant 720 : index
      %get3A_755 = tpu.vector_load %arg7[%get3A_754] {strides = array<i32>} : memref<1664xi32, #tpu.memory_space<vmem>>, vector<16xi32>,
      %get3A_756 = vector.shape_cast %get3A_755 : vector<16xi32> to vector<16xi32>
      %add3A_757 = arith.addi %get3A_753, %get3A_756 : vector<16xi32>
      %swap3A_758 = arith.constant 0 : i32
      %swap3A_759 = arith.index_cast %swap3A_758 : i32 to index
      %swap3A_760 = arith.constant 720 : index
      %swap3A_761 = tpu.vector_load %arg6[%swap3A_759, %swap3A_760] {strides = array<i32>} : memref<2x1664xi32, #tpu.memory_space<vmem>>, vector<1x16xi32>,
      %swap3A_762 = vector.shape_cast %swap3A_761 : vector<1x16xi32> to vector<16xi32>
      %swap3A_763 = vector.shape_cast %add3A_757 : vector<16xi32> to vector<1x16xi32>
      tpu.vector_store %arg6[%swap3A_759, %swap3A_760], %swap3A_763 {strides = array<i32>} : memref<2x1664xi32, #tpu.memory_space<vmem>>, vector<1x16xi32>,
      %get3A_764 = arith.constant 0 : i32
      %get3A_765 = arith.index_cast %get3A_764 : i32 to index
      %get3A_766 = arith.constant 736 : index
      %get3A_767 = tpu.vector_load %arg6[%get3A_765, %get3A_766] {strides = array<i32>} : memref<2x1664xi32, #tpu.memory_space<vmem>>, vector<1x16xi32>,
      %get3A_768 = vector.shape_cast %get3A_767 : vector<1x16xi32> to vector<16xi32>
      %get3A_769 = arith.constant 736 : index
      %get3A_770 = tpu.vector_load %arg7[%get3A_769] {strides = array<i32>} : memref<1664xi32, #tpu.memory_space<vmem>>, vector<16xi32>,
      %get3A_771 = vector.shape_cast %get3A_770 : vector<16xi32> to vector<16xi32>
      %add3A_772 = arith.addi %get3A_768, %get3A_771 : vector<16xi32>
      %swap3A_773 = arith.constant 0 : i32
      %swap3A_774 = arith.index_cast %swap3A_773 : i32 to index
      %swap3A_775 = arith.constant 736 : index
      %swap3A_776 = tpu.vector_load %arg6[%swap3A_774, %swap3A_775] {strides = array<i32>} : memref<2x1664xi32, #tpu.memory_space<vmem>>, vector<1x16xi32>,
      %swap3A_777 = vector.shape_cast %swap3A_776 : vector<1x16xi32> to vector<16xi32>
      %swap3A_778 = vector.shape_cast %add3A_772 : vector<16xi32> to vector<1x16xi32>
      tpu.vector_store %arg6[%swap3A_774, %swap3A_775], %swap3A_778 {strides = array<i32>} : memref<2x1664xi32, #tpu.memory_space<vmem>>, vector<1x16xi32>,
      %get3A_779 = arith.constant 0 : i32
      %get3A_780 = arith.index_cast %get3A_779 : i32 to index
      %get3A_781 = arith.constant 752 : index
      %get3A_782 = tpu.vector_load %arg6[%get3A_780, %get3A_781] {strides = array<i32>} : memref<2x1664xi32, #tpu.memory_space<vmem>>, vector<1x16xi32>,
      %get3A_783 = vector.shape_cast %get3A_782 : vector<1x16xi32> to vector<16xi32>
      %get3A_784 = arith.constant 752 : index
      %get3A_785 = tpu.vector_load %arg7[%get3A_784] {strides = array<i32>} : memref<1664xi32, #tpu.memory_space<vmem>>, vector<16xi32>,
      %get3A_786 = vector.shape_cast %get3A_785 : vector<16xi32> to vector<16xi32>
      %add3A_787 = arith.addi %get3A_783, %get3A_786 : vector<16xi32>
      %swap3A_788 = arith.constant 0 : i32
      %swap3A_789 = arith.index_cast %swap3A_788 : i32 to index
      %swap3A_790 = arith.constant 752 : index
      %swap3A_791 = tpu.vector_load %arg6[%swap3A_789, %swap3A_790] {strides = array<i32>} : memref<2x1664xi32, #tpu.memory_space<vmem>>, vector<1x16xi32>,
      %swap3A_792 = vector.shape_cast %swap3A_791 : vector<1x16xi32> to vector<16xi32>
      %swap3A_793 = vector.shape_cast %add3A_787 : vector<16xi32> to vector<1x16xi32>
      tpu.vector_store %arg6[%swap3A_789, %swap3A_790], %swap3A_793 {strides = array<i32>} : memref<2x1664xi32, #tpu.memory_space<vmem>>, vector<1x16xi32>,
      %get3A_794 = arith.constant 0 : i32
      %get3A_795 = arith.index_cast %get3A_794 : i32 to index
      %get3A_796 = arith.constant 768 : index
      %get3A_797 = tpu.vector_load %arg6[%get3A_795, %get3A_796] {strides = array<i32>} : memref<2x1664xi32, #tpu.memory_space<vmem>>, vector<1x16xi32>,
      %get3A_798 = vector.shape_cast %get3A_797 : vector<1x16xi32> to vector<16xi32>
      %get3A_799 = arith.constant 768 : index
      %get3A_800 = tpu.vector_load %arg7[%get3A_799] {strides = array<i32>} : memref<1664xi32, #tpu.memory_space<vmem>>, vector<16xi32>,
      %get3A_801 = vector.shape_cast %get3A_800 : vector<16xi32> to vector<16xi32>
      %add3A_802 = arith.addi %get3A_798, %get3A_801 : vector<16xi32>
      %swap3A_803 = arith.constant 0 : i32
      %swap3A_804 = arith.index_cast %swap3A_803 : i32 to index
      %swap3A_805 = arith.constant 768 : index
      %swap3A_806 = tpu.vector_load %arg6[%swap3A_804, %swap3A_805] {strides = array<i32>} : memref<2x1664xi32, #tpu.memory_space<vmem>>, vector<1x16xi32>,
      %swap3A_807 = vector.shape_cast %swap3A_806 : vector<1x16xi32> to vector<16xi32>
      %swap3A_808 = vector.shape_cast %add3A_802 : vector<16xi32> to vector<1x16xi32>
      tpu.vector_store %arg6[%swap3A_804, %swap3A_805], %swap3A_808 {strides = array<i32>} : memref<2x1664xi32, #tpu.memory_space<vmem>>, vector<1x16xi32>,
      %get3A_809 = arith.constant 0 : i32
      %get3A_810 = arith.index_cast %get3A_809 : i32 to index
      %get3A_811 = arith.constant 784 : index
      %get3A_812 = tpu.vector_load %arg6[%get3A_810, %get3A_811] {strides = array<i32>} : memref<2x1664xi32, #tpu.memory_space<vmem>>, vector<1x16xi32>,
      %get3A_813 = vector.shape_cast %get3A_812 : vector<1x16xi32> to vector<16xi32>
      %get3A_814 = arith.constant 784 : index
      %get3A_815 = tpu.vector_load %arg7[%get3A_814] {strides = array<i32>} : memref<1664xi32, #tpu.memory_space<vmem>>, vector<16xi32>,
      %get3A_816 = vector.shape_cast %get3A_815 : vector<16xi32> to vector<16xi32>
      %add3A_817 = arith.addi %get3A_813, %get3A_816 : vector<16xi32>
      %swap3A_818 = arith.constant 0 : i32
      %swap3A_819 = arith.index_cast %swap3A_818 : i32 to index
      %swap3A_820 = arith.constant 784 : index
      %swap3A_821 = tpu.vector_load %arg6[%swap3A_819, %swap3A_820] {strides = array<i32>} : memref<2x1664xi32, #tpu.memory_space<vmem>>, vector<1x16xi32>,
      %swap3A_822 = vector.shape_cast %swap3A_821 : vector<1x16xi32> to vector<16xi32>
      %swap3A_823 = vector.shape_cast %add3A_817 : vector<16xi32> to vector<1x16xi32>
      tpu.vector_store %arg6[%swap3A_819, %swap3A_820], %swap3A_823 {strides = array<i32>} : memref<2x1664xi32, #tpu.memory_space<vmem>>, vector<1x16xi32>,
      %get3A_824 = arith.constant 0 : i32
      %get3A_825 = arith.index_cast %get3A_824 : i32 to index
      %get3A_826 = arith.constant 800 : index
      %get3A_827 = tpu.vector_load %arg6[%get3A_825, %get3A_826] {strides = array<i32>} : memref<2x1664xi32, #tpu.memory_space<vmem>>, vector<1x16xi32>,
      %get3A_828 = vector.shape_cast %get3A_827 : vector<1x16xi32> to vector<16xi32>
      %get3A_829 = arith.constant 800 : index
      %get3A_830 = tpu.vector_load %arg7[%get3A_829] {strides = array<i32>} : memref<1664xi32, #tpu.memory_space<vmem>>, vector<16xi32>,
      %get3A_831 = vector.shape_cast %get3A_830 : vector<16xi32> to vector<16xi32>
      %add3A_832 = arith.addi %get3A_828, %get3A_831 : vector<16xi32>
      %swap3A_833 = arith.constant 0 : i32
      %swap3A_834 = arith.index_cast %swap3A_833 : i32 to index
      %swap3A_835 = arith.constant 800 : index
      %swap3A_836 = tpu.vector_load %arg6[%swap3A_834, %swap3A_835] {strides = array<i32>} : memref<2x1664xi32, #tpu.memory_space<vmem>>, vector<1x16xi32>,
      %swap3A_837 = vector.shape_cast %swap3A_836 : vector<1x16xi32> to vector<16xi32>
      %swap3A_838 = vector.shape_cast %add3A_832 : vector<16xi32> to vector<1x16xi32>
      tpu.vector_store %arg6[%swap3A_834, %swap3A_835], %swap3A_838 {strides = array<i32>} : memref<2x1664xi32, #tpu.memory_space<vmem>>, vector<1x16xi32>,
      %get3A_839 = arith.constant 0 : i32
      %get3A_840 = arith.index_cast %get3A_839 : i32 to index
      %get3A_841 = arith.constant 816 : index
      %get3A_842 = tpu.vector_load %arg6[%get3A_840, %get3A_841] {strides = array<i32>} : memref<2x1664xi32, #tpu.memory_space<vmem>>, vector<1x16xi32>,
      %get3A_843 = vector.shape_cast %get3A_842 : vector<1x16xi32> to vector<16xi32>
      %get3A_844 = arith.constant 816 : index
      %get3A_845 = tpu.vector_load %arg7[%get3A_844] {strides = array<i32>} : memref<1664xi32, #tpu.memory_space<vmem>>, vector<16xi32>,
      %get3A_846 = vector.shape_cast %get3A_845 : vector<16xi32> to vector<16xi32>
      %add3A_847 = arith.addi %get3A_843, %get3A_846 : vector<16xi32>
      %swap3A_848 = arith.constant 0 : i32
      %swap3A_849 = arith.index_cast %swap3A_848 : i32 to index
      %swap3A_850 = arith.constant 816 : index
      %swap3A_851 = tpu.vector_load %arg6[%swap3A_849, %swap3A_850] {strides = array<i32>} : memref<2x1664xi32, #tpu.memory_space<vmem>>, vector<1x16xi32>,
      %swap3A_852 = vector.shape_cast %swap3A_851 : vector<1x16xi32> to vector<16xi32>
      %swap3A_853 = vector.shape_cast %add3A_847 : vector<16xi32> to vector<1x16xi32>
      tpu.vector_store %arg6[%swap3A_849, %swap3A_850], %swap3A_853 {strides = array<i32>} : memref<2x1664xi32, #tpu.memory_space<vmem>>, vector<1x16xi32>,
      %get3A_854 = arith.constant 0 : i32
      %get3A_855 = arith.index_cast %get3A_854 : i32 to index
      %get3A_856 = arith.constant 832 : index
      %get3A_857 = tpu.vector_load %arg6[%get3A_855, %get3A_856] {strides = array<i32>} : memref<2x1664xi32, #tpu.memory_space<vmem>>, vector<1x16xi32>,
      %get3A_858 = vector.shape_cast %get3A_857 : vector<1x16xi32> to vector<16xi32>
      %get3A_859 = arith.constant 832 : index
      %get3A_860 = tpu.vector_load %arg7[%get3A_859] {strides = array<i32>} : memref<1664xi32, #tpu.memory_space<vmem>>, vector<16xi32>,
      %get3A_861 = vector.shape_cast %get3A_860 : vector<16xi32> to vector<16xi32>
      %add3A_862 = arith.addi %get3A_858, %get3A_861 : vector<16xi32>
      %swap3A_863 = arith.constant 0 : i32
      %swap3A_864 = arith.index_cast %swap3A_863 : i32 to index
      %swap3A_865 = arith.constant 832 : index
      %swap3A_866 = tpu.vector_load %arg6[%swap3A_864, %swap3A_865] {strides = array<i32>} : memref<2x1664xi32, #tpu.memory_space<vmem>>, vector<1x16xi32>,
      %swap3A_867 = vector.shape_cast %swap3A_866 : vector<1x16xi32> to vector<16xi32>
      %swap3A_868 = vector.shape_cast %add3A_862 : vector<16xi32> to vector<1x16xi32>
      tpu.vector_store %arg6[%swap3A_864, %swap3A_865], %swap3A_868 {strides = array<i32>} : memref<2x1664xi32, #tpu.memory_space<vmem>>, vector<1x16xi32>,
      %get3A_869 = arith.constant 0 : i32
      %get3A_870 = arith.index_cast %get3A_869 : i32 to index
      %get3A_871 = arith.constant 848 : index
      %get3A_872 = tpu.vector_load %arg6[%get3A_870, %get3A_871] {strides = array<i32>} : memref<2x1664xi32, #tpu.memory_space<vmem>>, vector<1x16xi32>,
      %get3A_873 = vector.shape_cast %get3A_872 : vector<1x16xi32> to vector<16xi32>
      %get3A_874 = arith.constant 848 : index
      %get3A_875 = tpu.vector_load %arg7[%get3A_874] {strides = array<i32>} : memref<1664xi32, #tpu.memory_space<vmem>>, vector<16xi32>,
      %get3A_876 = vector.shape_cast %get3A_875 : vector<16xi32> to vector<16xi32>
      %add3A_877 = arith.addi %get3A_873, %get3A_876 : vector<16xi32>
      %swap3A_878 = arith.constant 0 : i32
      %swap3A_879 = arith.index_cast %swap3A_878 : i32 to index
      %swap3A_880 = arith.constant 848 : index
      %swap3A_881 = tpu.vector_load %arg6[%swap3A_879, %swap3A_880] {strides = array<i32>} : memref<2x1664xi32, #tpu.memory_space<vmem>>, vector<1x16xi32>,
      %swap3A_882 = vector.shape_cast %swap3A_881 : vector<1x16xi32> to vector<16xi32>
      %swap3A_883 = vector.shape_cast %add3A_877 : vector<16xi32> to vector<1x16xi32>
      tpu.vector_store %arg6[%swap3A_879, %swap3A_880], %swap3A_883 {strides = array<i32>} : memref<2x1664xi32, #tpu.memory_space<vmem>>, vector<1x16xi32>,
      %get3A_884 = arith.constant 0 : i32
      %get3A_885 = arith.index_cast %get3A_884 : i32 to index
      %get3A_886 = arith.constant 864 : index
      %get3A_887 = tpu.vector_load %arg6[%get3A_885, %get3A_886] {strides = array<i32>} : memref<2x1664xi32, #tpu.memory_space<vmem>>, vector<1x16xi32>,
      %get3A_888 = vector.shape_cast %get3A_887 : vector<1x16xi32> to vector<16xi32>
      %get3A_889 = arith.constant 864 : index
      %get3A_890 = tpu.vector_load %arg7[%get3A_889] {strides = array<i32>} : memref<1664xi32, #tpu.memory_space<vmem>>, vector<16xi32>,
      %get3A_891 = vector.shape_cast %get3A_890 : vector<16xi32> to vector<16xi32>
      %add3A_892 = arith.addi %get3A_888, %get3A_891 : vector<16xi32>
      %swap3A_893 = arith.constant 0 : i32
      %swap3A_894 = arith.index_cast %swap3A_893 : i32 to index
      %swap3A_895 = arith.constant 864 : index
      %swap3A_896 = tpu.vector_load %arg6[%swap3A_894, %swap3A_895] {strides = array<i32>} : memref<2x1664xi32, #tpu.memory_space<vmem>>, vector<1x16xi32>,
      %swap3A_897 = vector.shape_cast %swap3A_896 : vector<1x16xi32> to vector<16xi32>
      %swap3A_898 = vector.shape_cast %add3A_892 : vector<16xi32> to vector<1x16xi32>
      tpu.vector_store %arg6[%swap3A_894, %swap3A_895], %swap3A_898 {strides = array<i32>} : memref<2x1664xi32, #tpu.memory_space<vmem>>, vector<1x16xi32>,
      %get3A_899 = arith.constant 0 : i32
      %get3A_900 = arith.index_cast %get3A_899 : i32 to index
      %get3A_901 = arith.constant 880 : index
      %get3A_902 = tpu.vector_load %arg6[%get3A_900, %get3A_901] {strides = array<i32>} : memref<2x1664xi32, #tpu.memory_space<vmem>>, vector<1x16xi32>,
      %get3A_903 = vector.shape_cast %get3A_902 : vector<1x16xi32> to vector<16xi32>
      %get3A_904 = arith.constant 880 : index
      %get3A_905 = tpu.vector_load %arg7[%get3A_904] {strides = array<i32>} : memref<1664xi32, #tpu.memory_space<vmem>>, vector<16xi32>,
      %get3A_906 = vector.shape_cast %get3A_905 : vector<16xi32> to vector<16xi32>
      %add3A_907 = arith.addi %get3A_903, %get3A_906 : vector<16xi32>
      %swap3A_908 = arith.constant 0 : i32
      %swap3A_909 = arith.index_cast %swap3A_908 : i32 to index
      %swap3A_910 = arith.constant 880 : index
      %swap3A_911 = tpu.vector_load %arg6[%swap3A_909, %swap3A_910] {strides = array<i32>} : memref<2x1664xi32, #tpu.memory_space<vmem>>, vector<1x16xi32>,
      %swap3A_912 = vector.shape_cast %swap3A_911 : vector<1x16xi32> to vector<16xi32>
      %swap3A_913 = vector.shape_cast %add3A_907 : vector<16xi32> to vector<1x16xi32>
      tpu.vector_store %arg6[%swap3A_909, %swap3A_910], %swap3A_913 {strides = array<i32>} : memref<2x1664xi32, #tpu.memory_space<vmem>>, vector<1x16xi32>,
      %get3A_914 = arith.constant 0 : i32
      %get3A_915 = arith.index_cast %get3A_914 : i32 to index
      %get3A_916 = arith.constant 896 : index
      %get3A_917 = tpu.vector_load %arg6[%get3A_915, %get3A_916] {strides = array<i32>} : memref<2x1664xi32, #tpu.memory_space<vmem>>, vector<1x16xi32>,
      %get3A_918 = vector.shape_cast %get3A_917 : vector<1x16xi32> to vector<16xi32>
      %get3A_919 = arith.constant 896 : index
      %get3A_920 = tpu.vector_load %arg7[%get3A_919] {strides = array<i32>} : memref<1664xi32, #tpu.memory_space<vmem>>, vector<16xi32>,
      %get3A_921 = vector.shape_cast %get3A_920 : vector<16xi32> to vector<16xi32>
      %add3A_922 = arith.addi %get3A_918, %get3A_921 : vector<16xi32>
      %swap3A_923 = arith.constant 0 : i32
      %swap3A_924 = arith.index_cast %swap3A_923 : i32 to index
      %swap3A_925 = arith.constant 896 : index
      %swap3A_926 = tpu.vector_load %arg6[%swap3A_924, %swap3A_925] {strides = array<i32>} : memref<2x1664xi32, #tpu.memory_space<vmem>>, vector<1x16xi32>,
      %swap3A_927 = vector.shape_cast %swap3A_926 : vector<1x16xi32> to vector<16xi32>
      %swap3A_928 = vector.shape_cast %add3A_922 : vector<16xi32> to vector<1x16xi32>
      tpu.vector_store %arg6[%swap3A_924, %swap3A_925], %swap3A_928 {strides = array<i32>} : memref<2x1664xi32, #tpu.memory_space<vmem>>, vector<1x16xi32>,
      %get3A_929 = arith.constant 0 : i32
      %get3A_930 = arith.index_cast %get3A_929 : i32 to index
      %get3A_931 = arith.constant 912 : index
      %get3A_932 = tpu.vector_load %arg6[%get3A_930, %get3A_931] {strides = array<i32>} : memref<2x1664xi32, #tpu.memory_space<vmem>>, vector<1x16xi32>,
      %get3A_933 = vector.shape_cast %get3A_932 : vector<1x16xi32> to vector<16xi32>
      %get3A_934 = arith.constant 912 : index
      %get3A_935 = tpu.vector_load %arg7[%get3A_934] {strides = array<i32>} : memref<1664xi32, #tpu.memory_space<vmem>>, vector<16xi32>,
      %get3A_936 = vector.shape_cast %get3A_935 : vector<16xi32> to vector<16xi32>
      %add3A_937 = arith.addi %get3A_933, %get3A_936 : vector<16xi32>
      %swap3A_938 = arith.constant 0 : i32
      %swap3A_939 = arith.index_cast %swap3A_938 : i32 to index
      %swap3A_940 = arith.constant 912 : index
      %swap3A_941 = tpu.vector_load %arg6[%swap3A_939, %swap3A_940] {strides = array<i32>} : memref<2x1664xi32, #tpu.memory_space<vmem>>, vector<1x16xi32>,
      %swap3A_942 = vector.shape_cast %swap3A_941 : vector<1x16xi32> to vector<16xi32>
      %swap3A_943 = vector.shape_cast %add3A_937 : vector<16xi32> to vector<1x16xi32>
      tpu.vector_store %arg6[%swap3A_939, %swap3A_940], %swap3A_943 {strides = array<i32>} : memref<2x1664xi32, #tpu.memory_space<vmem>>, vector<1x16xi32>,
      %get3A_944 = arith.constant 0 : i32
      %get3A_945 = arith.index_cast %get3A_944 : i32 to index
      %get3A_946 = arith.constant 928 : index
      %get3A_947 = tpu.vector_load %arg6[%get3A_945, %get3A_946] {strides = array<i32>} : memref<2x1664xi32, #tpu.memory_space<vmem>>, vector<1x16xi32>,
      %get3A_948 = vector.shape_cast %get3A_947 : vector<1x16xi32> to vector<16xi32>
      %get3A_949 = arith.constant 928 : index
      %get3A_950 = tpu.vector_load %arg7[%get3A_949] {strides = array<i32>} : memref<1664xi32, #tpu.memory_space<vmem>>, vector<16xi32>,
      %get3A_951 = vector.shape_cast %get3A_950 : vector<16xi32> to vector<16xi32>
      %add3A_952 = arith.addi %get3A_948, %get3A_951 : vector<16xi32>
      %swap3A_953 = arith.constant 0 : i32
      %swap3A_954 = arith.index_cast %swap3A_953 : i32 to index
      %swap3A_955 = arith.constant 928 : index
      %swap3A_956 = tpu.vector_load %arg6[%swap3A_954, %swap3A_955] {strides = array<i32>} : memref<2x1664xi32, #tpu.memory_space<vmem>>, vector<1x16xi32>,
      %swap3A_957 = vector.shape_cast %swap3A_956 : vector<1x16xi32> to vector<16xi32>
      %swap3A_958 = vector.shape_cast %add3A_952 : vector<16xi32> to vector<1x16xi32>
      tpu.vector_store %arg6[%swap3A_954, %swap3A_955], %swap3A_958 {strides = array<i32>} : memref<2x1664xi32, #tpu.memory_space<vmem>>, vector<1x16xi32>,
      %get3A_959 = arith.constant 0 : i32
      %get3A_960 = arith.index_cast %get3A_959 : i32 to index
      %get3A_961 = arith.constant 944 : index
      %get3A_962 = tpu.vector_load %arg6[%get3A_960, %get3A_961] {strides = array<i32>} : memref<2x1664xi32, #tpu.memory_space<vmem>>, vector<1x16xi32>,
      %get3A_963 = vector.shape_cast %get3A_962 : vector<1x16xi32> to vector<16xi32>
      %get3A_964 = arith.constant 944 : index
      %get3A_965 = tpu.vector_load %arg7[%get3A_964] {strides = array<i32>} : memref<1664xi32, #tpu.memory_space<vmem>>, vector<16xi32>,
      %get3A_966 = vector.shape_cast %get3A_965 : vector<16xi32> to vector<16xi32>
      %add3A_967 = arith.addi %get3A_963, %get3A_966 : vector<16xi32>
      %swap3A_968 = arith.constant 0 : i32
      %swap3A_969 = arith.index_cast %swap3A_968 : i32 to index
      %swap3A_970 = arith.constant 944 : index
      %swap3A_971 = tpu.vector_load %arg6[%swap3A_969, %swap3A_970] {strides = array<i32>} : memref<2x1664xi32, #tpu.memory_space<vmem>>, vector<1x16xi32>,
      %swap3A_972 = vector.shape_cast %swap3A_971 : vector<1x16xi32> to vector<16xi32>
      %swap3A_973 = vector.shape_cast %add3A_967 : vector<16xi32> to vector<1x16xi32>
      tpu.vector_store %arg6[%swap3A_969, %swap3A_970], %swap3A_973 {strides = array<i32>} : memref<2x1664xi32, #tpu.memory_space<vmem>>, vector<1x16xi32>,
      %get3A_974 = arith.constant 0 : i32
      %get3A_975 = arith.index_cast %get3A_974 : i32 to index
      %get3A_976 = arith.constant 960 : index
      %get3A_977 = tpu.vector_load %arg6[%get3A_975, %get3A_976] {strides = array<i32>} : memref<2x1664xi32, #tpu.memory_space<vmem>>, vector<1x16xi32>,
      %get3A_978 = vector.shape_cast %get3A_977 : vector<1x16xi32> to vector<16xi32>
      %get3A_979 = arith.constant 960 : index
      %get3A_980 = tpu.vector_load %arg7[%get3A_979] {strides = array<i32>} : memref<1664xi32, #tpu.memory_space<vmem>>, vector<16xi32>,
      %get3A_981 = vector.shape_cast %get3A_980 : vector<16xi32> to vector<16xi32>
      %add3A_982 = arith.addi %get3A_978, %get3A_981 : vector<16xi32>
      %swap3A_983 = arith.constant 0 : i32
      %swap3A_984 = arith.index_cast %swap3A_983 : i32 to index
      %swap3A_985 = arith.constant 960 : index
      %swap3A_986 = tpu.vector_load %arg6[%swap3A_984, %swap3A_985] {strides = array<i32>} : memref<2x1664xi32, #tpu.memory_space<vmem>>, vector<1x16xi32>,
      %swap3A_987 = vector.shape_cast %swap3A_986 : vector<1x16xi32> to vector<16xi32>
      %swap3A_988 = vector.shape_cast %add3A_982 : vector<16xi32> to vector<1x16xi32>
      tpu.vector_store %arg6[%swap3A_984, %swap3A_985], %swap3A_988 {strides = array<i32>} : memref<2x1664xi32, #tpu.memory_space<vmem>>, vector<1x16xi32>,
      %get3A_989 = arith.constant 0 : i32
      %get3A_990 = arith.index_cast %get3A_989 : i32 to index
      %get3A_991 = arith.constant 976 : index
      %get3A_992 = tpu.vector_load %arg6[%get3A_990, %get3A_991] {strides = array<i32>} : memref<2x1664xi32, #tpu.memory_space<vmem>>, vector<1x16xi32>,
      %get3A_993 = vector.shape_cast %get3A_992 : vector<1x16xi32> to vector<16xi32>
      %get3A_994 = arith.constant 976 : index
      %get3A_995 = tpu.vector_load %arg7[%get3A_994] {strides = array<i32>} : memref<1664xi32, #tpu.memory_space<vmem>>, vector<16xi32>,
      %get3A_996 = vector.shape_cast %get3A_995 : vector<16xi32> to vector<16xi32>
      %add3A_997 = arith.addi %get3A_993, %get3A_996 : vector<16xi32>
      %swap3A_998 = arith.constant 0 : i32
      %swap3A_999 = arith.index_cast %swap3A_998 : i32 to index
      %swap3A_1000 = arith.constant 976 : index
      %swap3A_1001 = tpu.vector_load %arg6[%swap3A_999, %swap3A_1000] {strides = array<i32>} : memref<2x1664xi32, #tpu.memory_space<vmem>>, vector<1x16xi32>,
      %swap3A_1002 = vector.shape_cast %swap3A_1001 : vector<1x16xi32> to vector<16xi32>
      %swap3A_1003 = vector.shape_cast %add3A_997 : vector<16xi32> to vector<1x16xi32>
      tpu.vector_store %arg6[%swap3A_999, %swap3A_1000], %swap3A_1003 {strides = array<i32>} : memref<2x1664xi32, #tpu.memory_space<vmem>>, vector<1x16xi32>,
      %get3A_1004 = arith.constant 0 : i32
      %get3A_1005 = arith.index_cast %get3A_1004 : i32 to index
      %get3A_1006 = arith.constant 992 : index
      %get3A_1007 = tpu.vector_load %arg6[%get3A_1005, %get3A_1006] {strides = array<i32>} : memref<2x1664xi32, #tpu.memory_space<vmem>>, vector<1x16xi32>,
      %get3A_1008 = vector.shape_cast %get3A_1007 : vector<1x16xi32> to vector<16xi32>
      %get3A_1009 = arith.constant 992 : index
      %get3A_1010 = tpu.vector_load %arg7[%get3A_1009] {strides = array<i32>} : memref<1664xi32, #tpu.memory_space<vmem>>, vector<16xi32>,
      %get3A_1011 = vector.shape_cast %get3A_1010 : vector<16xi32> to vector<16xi32>
      %add3A_1012 = arith.addi %get3A_1008, %get3A_1011 : vector<16xi32>
      %swap3A_1013 = arith.constant 0 : i32
      %swap3A_1014 = arith.index_cast %swap3A_1013 : i32 to index
      %swap3A_1015 = arith.constant 992 : index
      %swap3A_1016 = tpu.vector_load %arg6[%swap3A_1014, %swap3A_1015] {strides = array<i32>} : memref<2x1664xi32, #tpu.memory_space<vmem>>, vector<1x16xi32>,
      %swap3A_1017 = vector.shape_cast %swap3A_1016 : vector<1x16xi32> to vector<16xi32>
      %swap3A_1018 = vector.shape_cast %add3A_1012 : vector<16xi32> to vector<1x16xi32>
      tpu.vector_store %arg6[%swap3A_1014, %swap3A_1015], %swap3A_1018 {strides = array<i32>} : memref<2x1664xi32, #tpu.memory_space<vmem>>, vector<1x16xi32>,
      %get3A_1019 = arith.constant 0 : i32
      %get3A_1020 = arith.index_cast %get3A_1019 : i32 to index
      %get3A_1021 = arith.constant 1008 : index
      %get3A_1022 = tpu.vector_load %arg6[%get3A_1020, %get3A_1021] {strides = array<i32>} : memref<2x1664xi32, #tpu.memory_space<vmem>>, vector<1x16xi32>,
      %get3A_1023 = vector.shape_cast %get3A_1022 : vector<1x16xi32> to vector<16xi32>
      %get3A_1024 = arith.constant 1008 : index
      %get3A_1025 = tpu.vector_load %arg7[%get3A_1024] {strides = array<i32>} : memref<1664xi32, #tpu.memory_space<vmem>>, vector<16xi32>,
      %get3A_1026 = vector.shape_cast %get3A_1025 : vector<16xi32> to vector<16xi32>
      %add3A_1027 = arith.addi %get3A_1023, %get3A_1026 : vector<16xi32>
      %swap3A_1028 = arith.constant 0 : i32
      %swap3A_1029 = arith.index_cast %swap3A_1028 : i32 to index
      %swap3A_1030 = arith.constant 1008 : index
      %swap3A_1031 = tpu.vector_load %arg6[%swap3A_1029, %swap3A_1030] {strides = array<i32>} : memref<2x1664xi32, #tpu.memory_space<vmem>>, vector<1x16xi32>,
      %swap3A_1032 = vector.shape_cast %swap3A_1031 : vector<1x16xi32> to vector<16xi32>
      %swap3A_1033 = vector.shape_cast %add3A_1027 : vector<16xi32> to vector<1x16xi32>
      tpu.vector_store %arg6[%swap3A_1029, %swap3A_1030], %swap3A_1033 {strides = array<i32>} : memref<2x1664xi32, #tpu.memory_space<vmem>>, vector<1x16xi32>,
      %get3A_1034 = arith.constant 0 : i32
      %get3A_1035 = arith.index_cast %get3A_1034 : i32 to index
      %get3A_1036 = arith.constant 1024 : index
      %get3A_1037 = tpu.vector_load %arg6[%get3A_1035, %get3A_1036] {strides = array<i32>} : memref<2x1664xi32, #tpu.memory_space<vmem>>, vector<1x16xi32>,
      %get3A_1038 = vector.shape_cast %get3A_1037 : vector<1x16xi32> to vector<16xi32>
      %get3A_1039 = arith.constant 1024 : index
      %get3A_1040 = tpu.vector_load %arg7[%get3A_1039] {strides = array<i32>} : memref<1664xi32, #tpu.memory_space<vmem>>, vector<16xi32>,
      %get3A_1041 = vector.shape_cast %get3A_1040 : vector<16xi32> to vector<16xi32>
      %add3A_1042 = arith.addi %get3A_1038, %get3A_1041 : vector<16xi32>
      %swap3A_1043 = arith.constant 0 : i32
      %swap3A_1044 = arith.index_cast %swap3A_1043 : i32 to index
      %swap3A_1045 = arith.constant 1024 : index
      %swap3A_1046 = tpu.vector_load %arg6[%swap3A_1044, %swap3A_1045] {strides = array<i32>} : memref<2x1664xi32, #tpu.memory_space<vmem>>, vector<1x16xi32>,
      %swap3A_1047 = vector.shape_cast %swap3A_1046 : vector<1x16xi32> to vector<16xi32>
      %swap3A_1048 = vector.shape_cast %add3A_1042 : vector<16xi32> to vector<1x16xi32>
      tpu.vector_store %arg6[%swap3A_1044, %swap3A_1045], %swap3A_1048 {strides = array<i32>} : memref<2x1664xi32, #tpu.memory_space<vmem>>, vector<1x16xi32>,
      %get3A_1049 = arith.constant 0 : i32
      %get3A_1050 = arith.index_cast %get3A_1049 : i32 to index
      %get3A_1051 = arith.constant 1040 : index
      %get3A_1052 = tpu.vector_load %arg6[%get3A_1050, %get3A_1051] {strides = array<i32>} : memref<2x1664xi32, #tpu.memory_space<vmem>>, vector<1x16xi32>,
      %get3A_1053 = vector.shape_cast %get3A_1052 : vector<1x16xi32> to vector<16xi32>
      %get3A_1054 = arith.constant 1040 : index
      %get3A_1055 = tpu.vector_load %arg7[%get3A_1054] {strides = array<i32>} : memref<1664xi32, #tpu.memory_space<vmem>>, vector<16xi32>,
      %get3A_1056 = vector.shape_cast %get3A_1055 : vector<16xi32> to vector<16xi32>
      %add3A_1057 = arith.addi %get3A_1053, %get3A_1056 : vector<16xi32>
      %swap3A_1058 = arith.constant 0 : i32
      %swap3A_1059 = arith.index_cast %swap3A_1058 : i32 to index
      %swap3A_1060 = arith.constant 1040 : index
      %swap3A_1061 = tpu.vector_load %arg6[%swap3A_1059, %swap3A_1060] {strides = array<i32>} : memref<2x1664xi32, #tpu.memory_space<vmem>>, vector<1x16xi32>,
      %swap3A_1062 = vector.shape_cast %swap3A_1061 : vector<1x16xi32> to vector<16xi32>
      %swap3A_1063 = vector.shape_cast %add3A_1057 : vector<16xi32> to vector<1x16xi32>
      tpu.vector_store %arg6[%swap3A_1059, %swap3A_1060], %swap3A_1063 {strides = array<i32>} : memref<2x1664xi32, #tpu.memory_space<vmem>>, vector<1x16xi32>,
      %get3A_1064 = arith.constant 0 : i32
      %get3A_1065 = arith.index_cast %get3A_1064 : i32 to index
      %get3A_1066 = arith.constant 1056 : index
      %get3A_1067 = tpu.vector_load %arg6[%get3A_1065, %get3A_1066] {strides = array<i32>} : memref<2x1664xi32, #tpu.memory_space<vmem>>, vector<1x16xi32>,
      %get3A_1068 = vector.shape_cast %get3A_1067 : vector<1x16xi32> to vector<16xi32>
      %get3A_1069 = arith.constant 1056 : index
      %get3A_1070 = tpu.vector_load %arg7[%get3A_1069] {strides = array<i32>} : memref<1664xi32, #tpu.memory_space<vmem>>, vector<16xi32>,
      %get3A_1071 = vector.shape_cast %get3A_1070 : vector<16xi32> to vector<16xi32>
      %add3A_1072 = arith.addi %get3A_1068, %get3A_1071 : vector<16xi32>
      %swap3A_1073 = arith.constant 0 : i32
      %swap3A_1074 = arith.index_cast %swap3A_1073 : i32 to index
      %swap3A_1075 = arith.constant 1056 : index
      %swap3A_1076 = tpu.vector_load %arg6[%swap3A_1074, %swap3A_1075] {strides = array<i32>} : memref<2x1664xi32, #tpu.memory_space<vmem>>, vector<1x16xi32>,
      %swap3A_1077 = vector.shape_cast %swap3A_1076 : vector<1x16xi32> to vector<16xi32>
      %swap3A_1078 = vector.shape_cast %add3A_1072 : vector<16xi32> to vector<1x16xi32>
      tpu.vector_store %arg6[%swap3A_1074, %swap3A_1075], %swap3A_1078 {strides = array<i32>} : memref<2x1664xi32, #tpu.memory_space<vmem>>, vector<1x16xi32>,
      %get3A_1079 = arith.constant 0 : i32
      %get3A_1080 = arith.index_cast %get3A_1079 : i32 to index
      %get3A_1081 = arith.constant 1072 : index
      %get3A_1082 = tpu.vector_load %arg6[%get3A_1080, %get3A_1081] {strides = array<i32>} : memref<2x1664xi32, #tpu.memory_space<vmem>>, vector<1x16xi32>,
      %get3A_1083 = vector.shape_cast %get3A_1082 : vector<1x16xi32> to vector<16xi32>
      %get3A_1084 = arith.constant 1072 : index
      %get3A_1085 = tpu.vector_load %arg7[%get3A_1084] {strides = array<i32>} : memref<1664xi32, #tpu.memory_space<vmem>>, vector<16xi32>,
      %get3A_1086 = vector.shape_cast %get3A_1085 : vector<16xi32> to vector<16xi32>
      %add3A_1087 = arith.addi %get3A_1083, %get3A_1086 : vector<16xi32>
      %swap3A_1088 = arith.constant 0 : i32
      %swap3A_1089 = arith.index_cast %swap3A_1088 : i32 to index
      %swap3A_1090 = arith.constant 1072 : index
      %swap3A_1091 = tpu.vector_load %arg6[%swap3A_1089, %swap3A_1090] {strides = array<i32>} : memref<2x1664xi32, #tpu.memory_space<vmem>>, vector<1x16xi32>,
      %swap3A_1092 = vector.shape_cast %swap3A_1091 : vector<1x16xi32> to vector<16xi32>
      %swap3A_1093 = vector.shape_cast %add3A_1087 : vector<16xi32> to vector<1x16xi32>
      tpu.vector_store %arg6[%swap3A_1089, %swap3A_1090], %swap3A_1093 {strides = array<i32>} : memref<2x1664xi32, #tpu.memory_space<vmem>>, vector<1x16xi32>,
      %get3A_1094 = arith.constant 0 : i32
      %get3A_1095 = arith.index_cast %get3A_1094 : i32 to index
      %get3A_1096 = arith.constant 1088 : index
      %get3A_1097 = tpu.vector_load %arg6[%get3A_1095, %get3A_1096] {strides = array<i32>} : memref<2x1664xi32, #tpu.memory_space<vmem>>, vector<1x16xi32>,
      %get3A_1098 = vector.shape_cast %get3A_1097 : vector<1x16xi32> to vector<16xi32>
      %get3A_1099 = arith.constant 1088 : index
      %get3A_1100 = tpu.vector_load %arg7[%get3A_1099] {strides = array<i32>} : memref<1664xi32, #tpu.memory_space<vmem>>, vector<16xi32>,
      %get3A_1101 = vector.shape_cast %get3A_1100 : vector<16xi32> to vector<16xi32>
      %add3A_1102 = arith.addi %get3A_1098, %get3A_1101 : vector<16xi32>
      %swap3A_1103 = arith.constant 0 : i32
      %swap3A_1104 = arith.index_cast %swap3A_1103 : i32 to index
      %swap3A_1105 = arith.constant 1088 : index
      %swap3A_1106 = tpu.vector_load %arg6[%swap3A_1104, %swap3A_1105] {strides = array<i32>} : memref<2x1664xi32, #tpu.memory_space<vmem>>, vector<1x16xi32>,
      %swap3A_1107 = vector.shape_cast %swap3A_1106 : vector<1x16xi32> to vector<16xi32>
      %swap3A_1108 = vector.shape_cast %add3A_1102 : vector<16xi32> to vector<1x16xi32>
      tpu.vector_store %arg6[%swap3A_1104, %swap3A_1105], %swap3A_1108 {strides = array<i32>} : memref<2x1664xi32, #tpu.memory_space<vmem>>, vector<1x16xi32>,
      %get3A_1109 = arith.constant 0 : i32
      %get3A_1110 = arith.index_cast %get3A_1109 : i32 to index
      %get3A_1111 = arith.constant 1104 : index
      %get3A_1112 = tpu.vector_load %arg6[%get3A_1110, %get3A_1111] {strides = array<i32>} : memref<2x1664xi32, #tpu.memory_space<vmem>>, vector<1x16xi32>,
      %get3A_1113 = vector.shape_cast %get3A_1112 : vector<1x16xi32> to vector<16xi32>
      %get3A_1114 = arith.constant 1104 : index
      %get3A_1115 = tpu.vector_load %arg7[%get3A_1114] {strides = array<i32>} : memref<1664xi32, #tpu.memory_space<vmem>>, vector<16xi32>,
      %get3A_1116 = vector.shape_cast %get3A_1115 : vector<16xi32> to vector<16xi32>
      %add3A_1117 = arith.addi %get3A_1113, %get3A_1116 : vector<16xi32>
      %swap3A_1118 = arith.constant 0 : i32
      %swap3A_1119 = arith.index_cast %swap3A_1118 : i32 to index
      %swap3A_1120 = arith.constant 1104 : index
      %swap3A_1121 = tpu.vector_load %arg6[%swap3A_1119, %swap3A_1120] {strides = array<i32>} : memref<2x1664xi32, #tpu.memory_space<vmem>>, vector<1x16xi32>,
      %swap3A_1122 = vector.shape_cast %swap3A_1121 : vector<1x16xi32> to vector<16xi32>
      %swap3A_1123 = vector.shape_cast %add3A_1117 : vector<16xi32> to vector<1x16xi32>
      tpu.vector_store %arg6[%swap3A_1119, %swap3A_1120], %swap3A_1123 {strides = array<i32>} : memref<2x1664xi32, #tpu.memory_space<vmem>>, vector<1x16xi32>,
      %get3A_1124 = arith.constant 0 : i32
      %get3A_1125 = arith.index_cast %get3A_1124 : i32 to index
      %get3A_1126 = arith.constant 1120 : index
      %get3A_1127 = tpu.vector_load %arg6[%get3A_1125, %get3A_1126] {strides = array<i32>} : memref<2x1664xi32, #tpu.memory_space<vmem>>, vector<1x16xi32>,
      %get3A_1128 = vector.shape_cast %get3A_1127 : vector<1x16xi32> to vector<16xi32>
      %get3A_1129 = arith.constant 1120 : index
      %get3A_1130 = tpu.vector_load %arg7[%get3A_1129] {strides = array<i32>} : memref<1664xi32, #tpu.memory_space<vmem>>, vector<16xi32>,
      %get3A_1131 = vector.shape_cast %get3A_1130 : vector<16xi32> to vector<16xi32>
      %add3A_1132 = arith.addi %get3A_1128, %get3A_1131 : vector<16xi32>
      %swap3A_1133 = arith.constant 0 : i32
      %swap3A_1134 = arith.index_cast %swap3A_1133 : i32 to index
      %swap3A_1135 = arith.constant 1120 : index
      %swap3A_1136 = tpu.vector_load %arg6[%swap3A_1134, %swap3A_1135] {strides = array<i32>} : memref<2x1664xi32, #tpu.memory_space<vmem>>, vector<1x16xi32>,
      %swap3A_1137 = vector.shape_cast %swap3A_1136 : vector<1x16xi32> to vector<16xi32>
      %swap3A_1138 = vector.shape_cast %add3A_1132 : vector<16xi32> to vector<1x16xi32>
      tpu.vector_store %arg6[%swap3A_1134, %swap3A_1135], %swap3A_1138 {strides = array<i32>} : memref<2x1664xi32, #tpu.memory_space<vmem>>, vector<1x16xi32>,
      %get3A_1139 = arith.constant 0 : i32
      %get3A_1140 = arith.index_cast %get3A_1139 : i32 to index
      %get3A_1141 = arith.constant 1136 : index
      %get3A_1142 = tpu.vector_load %arg6[%get3A_1140, %get3A_1141] {strides = array<i32>} : memref<2x1664xi32, #tpu.memory_space<vmem>>, vector<1x16xi32>,
      %get3A_1143 = vector.shape_cast %get3A_1142 : vector<1x16xi32> to vector<16xi32>
      %get3A_1144 = arith.constant 1136 : index
      %get3A_1145 = tpu.vector_load %arg7[%get3A_1144] {strides = array<i32>} : memref<1664xi32, #tpu.memory_space<vmem>>, vector<16xi32>,
      %get3A_1146 = vector.shape_cast %get3A_1145 : vector<16xi32> to vector<16xi32>
      %add3A_1147 = arith.addi %get3A_1143, %get3A_1146 : vector<16xi32>
      %swap3A_1148 = arith.constant 0 : i32
      %swap3A_1149 = arith.index_cast %swap3A_1148 : i32 to index
      %swap3A_1150 = arith.constant 1136 : index
      %swap3A_1151 = tpu.vector_load %arg6[%swap3A_1149, %swap3A_1150] {strides = array<i32>} : memref<2x1664xi32, #tpu.memory_space<vmem>>, vector<1x16xi32>,
      %swap3A_1152 = vector.shape_cast %swap3A_1151 : vector<1x16xi32> to vector<16xi32>
      %swap3A_1153 = vector.shape_cast %add3A_1147 : vector<16xi32> to vector<1x16xi32>
      tpu.vector_store %arg6[%swap3A_1149, %swap3A_1150], %swap3A_1153 {strides = array<i32>} : memref<2x1664xi32, #tpu.memory_space<vmem>>, vector<1x16xi32>,
      %get3A_1154 = arith.constant 0 : i32
      %get3A_1155 = arith.index_cast %get3A_1154 : i32 to index
      %get3A_1156 = arith.constant 1152 : index
      %get3A_1157 = tpu.vector_load %arg6[%get3A_1155, %get3A_1156] {strides = array<i32>} : memref<2x1664xi32, #tpu.memory_space<vmem>>, vector<1x16xi32>,
      %get3A_1158 = vector.shape_cast %get3A_1157 : vector<1x16xi32> to vector<16xi32>
      %get3A_1159 = arith.constant 1152 : index
      %get3A_1160 = tpu.vector_load %arg7[%get3A_1159] {strides = array<i32>} : memref<1664xi32, #tpu.memory_space<vmem>>, vector<16xi32>,
      %get3A_1161 = vector.shape_cast %get3A_1160 : vector<16xi32> to vector<16xi32>
      %add3A_1162 = arith.addi %get3A_1158, %get3A_1161 : vector<16xi32>
      %swap3A_1163 = arith.constant 0 : i32
      %swap3A_1164 = arith.index_cast %swap3A_1163 : i32 to index
      %swap3A_1165 = arith.constant 1152 : index
      %swap3A_1166 = tpu.vector_load %arg6[%swap3A_1164, %swap3A_1165] {strides = array<i32>} : memref<2x1664xi32, #tpu.memory_space<vmem>>, vector<1x16xi32>,
      %swap3A_1167 = vector.shape_cast %swap3A_1166 : vector<1x16xi32> to vector<16xi32>
      %swap3A_1168 = vector.shape_cast %add3A_1162 : vector<16xi32> to vector<1x16xi32>
      tpu.vector_store %arg6[%swap3A_1164, %swap3A_1165], %swap3A_1168 {strides = array<i32>} : memref<2x1664xi32, #tpu.memory_space<vmem>>, vector<1x16xi32>,
      %get3A_1169 = arith.constant 0 : i32
      %get3A_1170 = arith.index_cast %get3A_1169 : i32 to index
      %get3A_1171 = arith.constant 1168 : index
      %get3A_1172 = tpu.vector_load %arg6[%get3A_1170, %get3A_1171] {strides = array<i32>} : memref<2x1664xi32, #tpu.memory_space<vmem>>, vector<1x16xi32>,
      %get3A_1173 = vector.shape_cast %get3A_1172 : vector<1x16xi32> to vector<16xi32>
      %get3A_1174 = arith.constant 1168 : index
      %get3A_1175 = tpu.vector_load %arg7[%get3A_1174] {strides = array<i32>} : memref<1664xi32, #tpu.memory_space<vmem>>, vector<16xi32>,
      %get3A_1176 = vector.shape_cast %get3A_1175 : vector<16xi32> to vector<16xi32>
      %add3A_1177 = arith.addi %get3A_1173, %get3A_1176 : vector<16xi32>
      %swap3A_1178 = arith.constant 0 : i32
      %swap3A_1179 = arith.index_cast %swap3A_1178 : i32 to index
      %swap3A_1180 = arith.constant 1168 : index
      %swap3A_1181 = tpu.vector_load %arg6[%swap3A_1179, %swap3A_1180] {strides = array<i32>} : memref<2x1664xi32, #tpu.memory_space<vmem>>, vector<1x16xi32>,
      %swap3A_1182 = vector.shape_cast %swap3A_1181 : vector<1x16xi32> to vector<16xi32>
      %swap3A_1183 = vector.shape_cast %add3A_1177 : vector<16xi32> to vector<1x16xi32>
      tpu.vector_store %arg6[%swap3A_1179, %swap3A_1180], %swap3A_1183 {strides = array<i32>} : memref<2x1664xi32, #tpu.memory_space<vmem>>, vector<1x16xi32>,
      %get3A_1184 = arith.constant 0 : i32
      %get3A_1185 = arith.index_cast %get3A_1184 : i32 to index
      %get3A_1186 = arith.constant 1184 : index
      %get3A_1187 = tpu.vector_load %arg6[%get3A_1185, %get3A_1186] {strides = array<i32>} : memref<2x1664xi32, #tpu.memory_space<vmem>>, vector<1x16xi32>,
      %get3A_1188 = vector.shape_cast %get3A_1187 : vector<1x16xi32> to vector<16xi32>
      %get3A_1189 = arith.constant 1184 : index
      %get3A_1190 = tpu.vector_load %arg7[%get3A_1189] {strides = array<i32>} : memref<1664xi32, #tpu.memory_space<vmem>>, vector<16xi32>,
      %get3A_1191 = vector.shape_cast %get3A_1190 : vector<16xi32> to vector<16xi32>
      %add3A_1192 = arith.addi %get3A_1188, %get3A_1191 : vector<16xi32>
      %swap3A_1193 = arith.constant 0 : i32
      %swap3A_1194 = arith.index_cast %swap3A_1193 : i32 to index
      %swap3A_1195 = arith.constant 1184 : index
      %swap3A_1196 = tpu.vector_load %arg6[%swap3A_1194, %swap3A_1195] {strides = array<i32>} : memref<2x1664xi32, #tpu.memory_space<vmem>>, vector<1x16xi32>,
      %swap3A_1197 = vector.shape_cast %swap3A_1196 : vector<1x16xi32> to vector<16xi32>
      %swap3A_1198 = vector.shape_cast %add3A_1192 : vector<16xi32> to vector<1x16xi32>
      tpu.vector_store %arg6[%swap3A_1194, %swap3A_1195], %swap3A_1198 {strides = array<i32>} : memref<2x1664xi32, #tpu.memory_space<vmem>>, vector<1x16xi32>,
      %get3A_1199 = arith.constant 0 : i32
      %get3A_1200 = arith.index_cast %get3A_1199 : i32 to index
      %get3A_1201 = arith.constant 1200 : index
      %get3A_1202 = tpu.vector_load %arg6[%get3A_1200, %get3A_1201] {strides = array<i32>} : memref<2x1664xi32, #tpu.memory_space<vmem>>, vector<1x16xi32>,
      %get3A_1203 = vector.shape_cast %get3A_1202 : vector<1x16xi32> to vector<16xi32>
      %get3A_1204 = arith.constant 1200 : index
      %get3A_1205 = tpu.vector_load %arg7[%get3A_1204] {strides = array<i32>} : memref<1664xi32, #tpu.memory_space<vmem>>, vector<16xi32>,
      %get3A_1206 = vector.shape_cast %get3A_1205 : vector<16xi32> to vector<16xi32>
      %add3A_1207 = arith.addi %get3A_1203, %get3A_1206 : vector<16xi32>
      %swap3A_1208 = arith.constant 0 : i32
      %swap3A_1209 = arith.index_cast %swap3A_1208 : i32 to index
      %swap3A_1210 = arith.constant 1200 : index
      %swap3A_1211 = tpu.vector_load %arg6[%swap3A_1209, %swap3A_1210] {strides = array<i32>} : memref<2x1664xi32, #tpu.memory_space<vmem>>, vector<1x16xi32>,
      %swap3A_1212 = vector.shape_cast %swap3A_1211 : vector<1x16xi32> to vector<16xi32>
      %swap3A_1213 = vector.shape_cast %add3A_1207 : vector<16xi32> to vector<1x16xi32>
      tpu.vector_store %arg6[%swap3A_1209, %swap3A_1210], %swap3A_1213 {strides = array<i32>} : memref<2x1664xi32, #tpu.memory_space<vmem>>, vector<1x16xi32>,
      %get3A_1214 = arith.constant 0 : i32
      %get3A_1215 = arith.index_cast %get3A_1214 : i32 to index
      %get3A_1216 = arith.constant 1216 : index
      %get3A_1217 = tpu.vector_load %arg6[%get3A_1215, %get3A_1216] {strides = array<i32>} : memref<2x1664xi32, #tpu.memory_space<vmem>>, vector<1x16xi32>,
      %get3A_1218 = vector.shape_cast %get3A_1217 : vector<1x16xi32> to vector<16xi32>
      %get3A_1219 = arith.constant 1216 : index
      %get3A_1220 = tpu.vector_load %arg7[%get3A_1219] {strides = array<i32>} : memref<1664xi32, #tpu.memory_space<vmem>>, vector<16xi32>,
      %get3A_1221 = vector.shape_cast %get3A_1220 : vector<16xi32> to vector<16xi32>
      %add3A_1222 = arith.addi %get3A_1218, %get3A_1221 : vector<16xi32>
      %swap3A_1223 = arith.constant 0 : i32
      %swap3A_1224 = arith.index_cast %swap3A_1223 : i32 to index
      %swap3A_1225 = arith.constant 1216 : index
      %swap3A_1226 = tpu.vector_load %arg6[%swap3A_1224, %swap3A_1225] {strides = array<i32>} : memref<2x1664xi32, #tpu.memory_space<vmem>>, vector<1x16xi32>,
      %swap3A_1227 = vector.shape_cast %swap3A_1226 : vector<1x16xi32> to vector<16xi32>
      %swap3A_1228 = vector.shape_cast %add3A_1222 : vector<16xi32> to vector<1x16xi32>
      tpu.vector_store %arg6[%swap3A_1224, %swap3A_1225], %swap3A_1228 {strides = array<i32>} : memref<2x1664xi32, #tpu.memory_space<vmem>>, vector<1x16xi32>,
      %get3A_1229 = arith.constant 0 : i32
      %get3A_1230 = arith.index_cast %get3A_1229 : i32 to index
      %get3A_1231 = arith.constant 1232 : index
      %get3A_1232 = tpu.vector_load %arg6[%get3A_1230, %get3A_1231] {strides = array<i32>} : memref<2x1664xi32, #tpu.memory_space<vmem>>, vector<1x16xi32>,
      %get3A_1233 = vector.shape_cast %get3A_1232 : vector<1x16xi32> to vector<16xi32>
      %get3A_1234 = arith.constant 1232 : index
      %get3A_1235 = tpu.vector_load %arg7[%get3A_1234] {strides = array<i32>} : memref<1664xi32, #tpu.memory_space<vmem>>, vector<16xi32>,
      %get3A_1236 = vector.shape_cast %get3A_1235 : vector<16xi32> to vector<16xi32>
      %add3A_1237 = arith.addi %get3A_1233, %get3A_1236 : vector<16xi32>
      %swap3A_1238 = arith.constant 0 : i32
      %swap3A_1239 = arith.index_cast %swap3A_1238 : i32 to index
      %swap3A_1240 = arith.constant 1232 : index
      %swap3A_1241 = tpu.vector_load %arg6[%swap3A_1239, %swap3A_1240] {strides = array<i32>} : memref<2x1664xi32, #tpu.memory_space<vmem>>, vector<1x16xi32>,
      %swap3A_1242 = vector.shape_cast %swap3A_1241 : vector<1x16xi32> to vector<16xi32>
      %swap3A_1243 = vector.shape_cast %add3A_1237 : vector<16xi32> to vector<1x16xi32>
      tpu.vector_store %arg6[%swap3A_1239, %swap3A_1240], %swap3A_1243 {strides = array<i32>} : memref<2x1664xi32, #tpu.memory_space<vmem>>, vector<1x16xi32>,
      %get3A_1244 = arith.constant 0 : i32
      %get3A_1245 = arith.index_cast %get3A_1244 : i32 to index
      %get3A_1246 = arith.constant 1248 : index
      %get3A_1247 = tpu.vector_load %arg6[%get3A_1245, %get3A_1246] {strides = array<i32>} : memref<2x1664xi32, #tpu.memory_space<vmem>>, vector<1x16xi32>,
      %get3A_1248 = vector.shape_cast %get3A_1247 : vector<1x16xi32> to vector<16xi32>
      %get3A_1249 = arith.constant 1248 : index
      %get3A_1250 = tpu.vector_load %arg7[%get3A_1249] {strides = array<i32>} : memref<1664xi32, #tpu.memory_space<vmem>>, vector<16xi32>,
      %get3A_1251 = vector.shape_cast %get3A_1250 : vector<16xi32> to vector<16xi32>
      %add3A_1252 = arith.addi %get3A_1248, %get3A_1251 : vector<16xi32>
      %swap3A_1253 = arith.constant 0 : i32
      %swap3A_1254 = arith.index_cast %swap3A_1253 : i32 to index
      %swap3A_1255 = arith.constant 1248 : index
      %swap3A_1256 = tpu.vector_load %arg6[%swap3A_1254, %swap3A_1255] {strides = array<i32>} : memref<2x1664xi32, #tpu.memory_space<vmem>>, vector<1x16xi32>,
      %swap3A_1257 = vector.shape_cast %swap3A_1256 : vector<1x16xi32> to vector<16xi32>
      %swap3A_1258 = vector.shape_cast %add3A_1252 : vector<16xi32> to vector<1x16xi32>
      tpu.vector_store %arg6[%swap3A_1254, %swap3A_1255], %swap3A_1258 {strides = array<i32>} : memref<2x1664xi32, #tpu.memory_space<vmem>>, vector<1x16xi32>,
      %get3A_1259 = arith.constant 0 : i32
      %get3A_1260 = arith.index_cast %get3A_1259 : i32 to index
      %get3A_1261 = arith.constant 1264 : index
      %get3A_1262 = tpu.vector_load %arg6[%get3A_1260, %get3A_1261] {strides = array<i32>} : memref<2x1664xi32, #tpu.memory_space<vmem>>, vector<1x16xi32>,
      %get3A_1263 = vector.shape_cast %get3A_1262 : vector<1x16xi32> to vector<16xi32>
      %get3A_1264 = arith.constant 1264 : index
      %get3A_1265 = tpu.vector_load %arg7[%get3A_1264] {strides = array<i32>} : memref<1664xi32, #tpu.memory_space<vmem>>, vector<16xi32>,
      %get3A_1266 = vector.shape_cast %get3A_1265 : vector<16xi32> to vector<16xi32>
      %add3A_1267 = arith.addi %get3A_1263, %get3A_1266 : vector<16xi32>
      %swap3A_1268 = arith.constant 0 : i32
      %swap3A_1269 = arith.index_cast %swap3A_1268 : i32 to index
      %swap3A_1270 = arith.constant 1264 : index
      %swap3A_1271 = tpu.vector_load %arg6[%swap3A_1269, %swap3A_1270] {strides = array<i32>} : memref<2x1664xi32, #tpu.memory_space<vmem>>, vector<1x16xi32>,
      %swap3A_1272 = vector.shape_cast %swap3A_1271 : vector<1x16xi32> to vector<16xi32>
      %swap3A_1273 = vector.shape_cast %add3A_1267 : vector<16xi32> to vector<1x16xi32>
      tpu.vector_store %arg6[%swap3A_1269, %swap3A_1270], %swap3A_1273 {strides = array<i32>} : memref<2x1664xi32, #tpu.memory_space<vmem>>, vector<1x16xi32>,
      %get3A_1274 = arith.constant 0 : i32
      %get3A_1275 = arith.index_cast %get3A_1274 : i32 to index
      %get3A_1276 = arith.constant 1280 : index
      %get3A_1277 = tpu.vector_load %arg6[%get3A_1275, %get3A_1276] {strides = array<i32>} : memref<2x1664xi32, #tpu.memory_space<vmem>>, vector<1x16xi32>,
      %get3A_1278 = vector.shape_cast %get3A_1277 : vector<1x16xi32> to vector<16xi32>
      %get3A_1279 = arith.constant 1280 : index
      %get3A_1280 = tpu.vector_load %arg7[%get3A_1279] {strides = array<i32>} : memref<1664xi32, #tpu.memory_space<vmem>>, vector<16xi32>,
      %get3A_1281 = vector.shape_cast %get3A_1280 : vector<16xi32> to vector<16xi32>
      %add3A_1282 = arith.addi %get3A_1278, %get3A_1281 : vector<16xi32>
      %swap3A_1283 = arith.constant 0 : i32
      %swap3A_1284 = arith.index_cast %swap3A_1283 : i32 to index
      %swap3A_1285 = arith.constant 1280 : index
      %swap3A_1286 = tpu.vector_load %arg6[%swap3A_1284, %swap3A_1285] {strides = array<i32>} : memref<2x1664xi32, #tpu.memory_space<vmem>>, vector<1x16xi32>,
      %swap3A_1287 = vector.shape_cast %swap3A_1286 : vector<1x16xi32> to vector<16xi32>
      %swap3A_1288 = vector.shape_cast %add3A_1282 : vector<16xi32> to vector<1x16xi32>
      tpu.vector_store %arg6[%swap3A_1284, %swap3A_1285], %swap3A_1288 {strides = array<i32>} : memref<2x1664xi32, #tpu.memory_space<vmem>>, vector<1x16xi32>,
      %get3A_1289 = arith.constant 0 : i32
      %get3A_1290 = arith.index_cast %get3A_1289 : i32 to index
      %get3A_1291 = arith.constant 1296 : index
      %get3A_1292 = tpu.vector_load %arg6[%get3A_1290, %get3A_1291] {strides = array<i32>} : memref<2x1664xi32, #tpu.memory_space<vmem>>, vector<1x16xi32>,
      %get3A_1293 = vector.shape_cast %get3A_1292 : vector<1x16xi32> to vector<16xi32>
      %get3A_1294 = arith.constant 1296 : index
      %get3A_1295 = tpu.vector_load %arg7[%get3A_1294] {strides = array<i32>} : memref<1664xi32, #tpu.memory_space<vmem>>, vector<16xi32>,
      %get3A_1296 = vector.shape_cast %get3A_1295 : vector<16xi32> to vector<16xi32>
      %add3A_1297 = arith.addi %get3A_1293, %get3A_1296 : vector<16xi32>
      %swap3A_1298 = arith.constant 0 : i32
      %swap3A_1299 = arith.index_cast %swap3A_1298 : i32 to index
      %swap3A_1300 = arith.constant 1296 : index
      %swap3A_1301 = tpu.vector_load %arg6[%swap3A_1299, %swap3A_1300] {strides = array<i32>} : memref<2x1664xi32, #tpu.memory_space<vmem>>, vector<1x16xi32>,
      %swap3A_1302 = vector.shape_cast %swap3A_1301 : vector<1x16xi32> to vector<16xi32>
      %swap3A_1303 = vector.shape_cast %add3A_1297 : vector<16xi32> to vector<1x16xi32>
      tpu.vector_store %arg6[%swap3A_1299, %swap3A_1300], %swap3A_1303 {strides = array<i32>} : memref<2x1664xi32, #tpu.memory_space<vmem>>, vector<1x16xi32>,
      %get3A_1304 = arith.constant 0 : i32
      %get3A_1305 = arith.index_cast %get3A_1304 : i32 to index
      %get3A_1306 = arith.constant 1312 : index
      %get3A_1307 = tpu.vector_load %arg6[%get3A_1305, %get3A_1306] {strides = array<i32>} : memref<2x1664xi32, #tpu.memory_space<vmem>>, vector<1x16xi32>,
      %get3A_1308 = vector.shape_cast %get3A_1307 : vector<1x16xi32> to vector<16xi32>
      %get3A_1309 = arith.constant 1312 : index
      %get3A_1310 = tpu.vector_load %arg7[%get3A_1309] {strides = array<i32>} : memref<1664xi32, #tpu.memory_space<vmem>>, vector<16xi32>,
      %get3A_1311 = vector.shape_cast %get3A_1310 : vector<16xi32> to vector<16xi32>
      %add3A_1312 = arith.addi %get3A_1308, %get3A_1311 : vector<16xi32>
      %swap3A_1313 = arith.constant 0 : i32
      %swap3A_1314 = arith.index_cast %swap3A_1313 : i32 to index
      %swap3A_1315 = arith.constant 1312 : index
      %swap3A_1316 = tpu.vector_load %arg6[%swap3A_1314, %swap3A_1315] {strides = array<i32>} : memref<2x1664xi32, #tpu.memory_space<vmem>>, vector<1x16xi32>,
      %swap3A_1317 = vector.shape_cast %swap3A_1316 : vector<1x16xi32> to vector<16xi32>
      %swap3A_1318 = vector.shape_cast %add3A_1312 : vector<16xi32> to vector<1x16xi32>
      tpu.vector_store %arg6[%swap3A_1314, %swap3A_1315], %swap3A_1318 {strides = array<i32>} : memref<2x1664xi32, #tpu.memory_space<vmem>>, vector<1x16xi32>,
      %get3A_1319 = arith.constant 0 : i32
      %get3A_1320 = arith.index_cast %get3A_1319 : i32 to index
      %get3A_1321 = arith.constant 1328 : index
      %get3A_1322 = tpu.vector_load %arg6[%get3A_1320, %get3A_1321] {strides = array<i32>} : memref<2x1664xi32, #tpu.memory_space<vmem>>, vector<1x16xi32>,
      %get3A_1323 = vector.shape_cast %get3A_1322 : vector<1x16xi32> to vector<16xi32>
      %get3A_1324 = arith.constant 1328 : index
      %get3A_1325 = tpu.vector_load %arg7[%get3A_1324] {strides = array<i32>} : memref<1664xi32, #tpu.memory_space<vmem>>, vector<16xi32>,
      %get3A_1326 = vector.shape_cast %get3A_1325 : vector<16xi32> to vector<16xi32>
      %add3A_1327 = arith.addi %get3A_1323, %get3A_1326 : vector<16xi32>
      %swap3A_1328 = arith.constant 0 : i32
      %swap3A_1329 = arith.index_cast %swap3A_1328 : i32 to index
      %swap3A_1330 = arith.constant 1328 : index
      %swap3A_1331 = tpu.vector_load %arg6[%swap3A_1329, %swap3A_1330] {strides = array<i32>} : memref<2x1664xi32, #tpu.memory_space<vmem>>, vector<1x16xi32>,
      %swap3A_1332 = vector.shape_cast %swap3A_1331 : vector<1x16xi32> to vector<16xi32>
      %swap3A_1333 = vector.shape_cast %add3A_1327 : vector<16xi32> to vector<1x16xi32>
      tpu.vector_store %arg6[%swap3A_1329, %swap3A_1330], %swap3A_1333 {strides = array<i32>} : memref<2x1664xi32, #tpu.memory_space<vmem>>, vector<1x16xi32>,
      %get3A_1334 = arith.constant 0 : i32
      %get3A_1335 = arith.index_cast %get3A_1334 : i32 to index
      %get3A_1336 = arith.constant 1344 : index
      %get3A_1337 = tpu.vector_load %arg6[%get3A_1335, %get3A_1336] {strides = array<i32>} : memref<2x1664xi32, #tpu.memory_space<vmem>>, vector<1x16xi32>,
      %get3A_1338 = vector.shape_cast %get3A_1337 : vector<1x16xi32> to vector<16xi32>
      %get3A_1339 = arith.constant 1344 : index
      %get3A_1340 = tpu.vector_load %arg7[%get3A_1339] {strides = array<i32>} : memref<1664xi32, #tpu.memory_space<vmem>>, vector<16xi32>,
      %get3A_1341 = vector.shape_cast %get3A_1340 : vector<16xi32> to vector<16xi32>
      %add3A_1342 = arith.addi %get3A_1338, %get3A_1341 : vector<16xi32>
      %swap3A_1343 = arith.constant 0 : i32
      %swap3A_1344 = arith.index_cast %swap3A_1343 : i32 to index
      %swap3A_1345 = arith.constant 1344 : index
      %swap3A_1346 = tpu.vector_load %arg6[%swap3A_1344, %swap3A_1345] {strides = array<i32>} : memref<2x1664xi32, #tpu.memory_space<vmem>>, vector<1x16xi32>,
      %swap3A_1347 = vector.shape_cast %swap3A_1346 : vector<1x16xi32> to vector<16xi32>
      %swap3A_1348 = vector.shape_cast %add3A_1342 : vector<16xi32> to vector<1x16xi32>
      tpu.vector_store %arg6[%swap3A_1344, %swap3A_1345], %swap3A_1348 {strides = array<i32>} : memref<2x1664xi32, #tpu.memory_space<vmem>>, vector<1x16xi32>,
      %get3A_1349 = arith.constant 0 : i32
      %get3A_1350 = arith.index_cast %get3A_1349 : i32 to index
      %get3A_1351 = arith.constant 1360 : index
      %get3A_1352 = tpu.vector_load %arg6[%get3A_1350, %get3A_1351] {strides = array<i32>} : memref<2x1664xi32, #tpu.memory_space<vmem>>, vector<1x16xi32>,
      %get3A_1353 = vector.shape_cast %get3A_1352 : vector<1x16xi32> to vector<16xi32>
      %get3A_1354 = arith.constant 1360 : index
      %get3A_1355 = tpu.vector_load %arg7[%get3A_1354] {strides = array<i32>} : memref<1664xi32, #tpu.memory_space<vmem>>, vector<16xi32>,
      %get3A_1356 = vector.shape_cast %get3A_1355 : vector<16xi32> to vector<16xi32>
      %add3A_1357 = arith.addi %get3A_1353, %get3A_1356 : vector<16xi32>
      %swap3A_1358 = arith.constant 0 : i32
      %swap3A_1359 = arith.index_cast %swap3A_1358 : i32 to index
      %swap3A_1360 = arith.constant 1360 : index
      %swap3A_1361 = tpu.vector_load %arg6[%swap3A_1359, %swap3A_1360] {strides = array<i32>} : memref<2x1664xi32, #tpu.memory_space<vmem>>, vector<1x16xi32>,
      %swap3A_1362 = vector.shape_cast %swap3A_1361 : vector<1x16xi32> to vector<16xi32>
      %swap3A_1363 = vector.shape_cast %add3A_1357 : vector<16xi32> to vector<1x16xi32>
      tpu.vector_store %arg6[%swap3A_1359, %swap3A_1360], %swap3A_1363 {strides = array<i32>} : memref<2x1664xi32, #tpu.memory_space<vmem>>, vector<1x16xi32>,
      %get3A_1364 = arith.constant 0 : i32
      %get3A_1365 = arith.index_cast %get3A_1364 : i32 to index
      %get3A_1366 = arith.constant 1376 : index
      %get3A_1367 = tpu.vector_load %arg6[%get3A_1365, %get3A_1366] {strides = array<i32>} : memref<2x1664xi32, #tpu.memory_space<vmem>>, vector<1x16xi32>,
      %get3A_1368 = vector.shape_cast %get3A_1367 : vector<1x16xi32> to vector<16xi32>
      %get3A_1369 = arith.constant 1376 : index
      %get3A_1370 = tpu.vector_load %arg7[%get3A_1369] {strides = array<i32>} : memref<1664xi32, #tpu.memory_space<vmem>>, vector<16xi32>,
      %get3A_1371 = vector.shape_cast %get3A_1370 : vector<16xi32> to vector<16xi32>
      %add3A_1372 = arith.addi %get3A_1368, %get3A_1371 : vector<16xi32>
      %swap3A_1373 = arith.constant 0 : i32
      %swap3A_1374 = arith.index_cast %swap3A_1373 : i32 to index
      %swap3A_1375 = arith.constant 1376 : index
      %swap3A_1376 = tpu.vector_load %arg6[%swap3A_1374, %swap3A_1375] {strides = array<i32>} : memref<2x1664xi32, #tpu.memory_space<vmem>>, vector<1x16xi32>,
      %swap3A_1377 = vector.shape_cast %swap3A_1376 : vector<1x16xi32> to vector<16xi32>
      %swap3A_1378 = vector.shape_cast %add3A_1372 : vector<16xi32> to vector<1x16xi32>
      tpu.vector_store %arg6[%swap3A_1374, %swap3A_1375], %swap3A_1378 {strides = array<i32>} : memref<2x1664xi32, #tpu.memory_space<vmem>>, vector<1x16xi32>,
      %get3A_1379 = arith.constant 0 : i32
      %get3A_1380 = arith.index_cast %get3A_1379 : i32 to index
      %get3A_1381 = arith.constant 1392 : index
      %get3A_1382 = tpu.vector_load %arg6[%get3A_1380, %get3A_1381] {strides = array<i32>} : memref<2x1664xi32, #tpu.memory_space<vmem>>, vector<1x16xi32>,
      %get3A_1383 = vector.shape_cast %get3A_1382 : vector<1x16xi32> to vector<16xi32>
      %get3A_1384 = arith.constant 1392 : index
      %get3A_1385 = tpu.vector_load %arg7[%get3A_1384] {strides = array<i32>} : memref<1664xi32, #tpu.memory_space<vmem>>, vector<16xi32>,
      %get3A_1386 = vector.shape_cast %get3A_1385 : vector<16xi32> to vector<16xi32>
      %add3A_1387 = arith.addi %get3A_1383, %get3A_1386 : vector<16xi32>
      %swap3A_1388 = arith.constant 0 : i32
      %swap3A_1389 = arith.index_cast %swap3A_1388 : i32 to index
      %swap3A_1390 = arith.constant 1392 : index
      %swap3A_1391 = tpu.vector_load %arg6[%swap3A_1389, %swap3A_1390] {strides = array<i32>} : memref<2x1664xi32, #tpu.memory_space<vmem>>, vector<1x16xi32>,
      %swap3A_1392 = vector.shape_cast %swap3A_1391 : vector<1x16xi32> to vector<16xi32>
      %swap3A_1393 = vector.shape_cast %add3A_1387 : vector<16xi32> to vector<1x16xi32>
      tpu.vector_store %arg6[%swap3A_1389, %swap3A_1390], %swap3A_1393 {strides = array<i32>} : memref<2x1664xi32, #tpu.memory_space<vmem>>, vector<1x16xi32>,
      %get3A_1394 = arith.constant 0 : i32
      %get3A_1395 = arith.index_cast %get3A_1394 : i32 to index
      %get3A_1396 = arith.constant 1408 : index
      %get3A_1397 = tpu.vector_load %arg6[%get3A_1395, %get3A_1396] {strides = array<i32>} : memref<2x1664xi32, #tpu.memory_space<vmem>>, vector<1x16xi32>,
      %get3A_1398 = vector.shape_cast %get3A_1397 : vector<1x16xi32> to vector<16xi32>
      %get3A_1399 = arith.constant 1408 : index
      %get3A_1400 = tpu.vector_load %arg7[%get3A_1399] {strides = array<i32>} : memref<1664xi32, #tpu.memory_space<vmem>>, vector<16xi32>,
      %get3A_1401 = vector.shape_cast %get3A_1400 : vector<16xi32> to vector<16xi32>
      %add3A_1402 = arith.addi %get3A_1398, %get3A_1401 : vector<16xi32>
      %swap3A_1403 = arith.constant 0 : i32
      %swap3A_1404 = arith.index_cast %swap3A_1403 : i32 to index
      %swap3A_1405 = arith.constant 1408 : index
      %swap3A_1406 = tpu.vector_load %arg6[%swap3A_1404, %swap3A_1405] {strides = array<i32>} : memref<2x1664xi32, #tpu.memory_space<vmem>>, vector<1x16xi32>,
      %swap3A_1407 = vector.shape_cast %swap3A_1406 : vector<1x16xi32> to vector<16xi32>
      %swap3A_1408 = vector.shape_cast %add3A_1402 : vector<16xi32> to vector<1x16xi32>
      tpu.vector_store %arg6[%swap3A_1404, %swap3A_1405], %swap3A_1408 {strides = array<i32>} : memref<2x1664xi32, #tpu.memory_space<vmem>>, vector<1x16xi32>,
      %get3A_1409 = arith.constant 0 : i32
      %get3A_1410 = arith.index_cast %get3A_1409 : i32 to index
      %get3A_1411 = arith.constant 1424 : index
      %get3A_1412 = tpu.vector_load %arg6[%get3A_1410, %get3A_1411] {strides = array<i32>} : memref<2x1664xi32, #tpu.memory_space<vmem>>, vector<1x16xi32>,
      %get3A_1413 = vector.shape_cast %get3A_1412 : vector<1x16xi32> to vector<16xi32>
      %get3A_1414 = arith.constant 1424 : index
      %get3A_1415 = tpu.vector_load %arg7[%get3A_1414] {strides = array<i32>} : memref<1664xi32, #tpu.memory_space<vmem>>, vector<16xi32>,
      %get3A_1416 = vector.shape_cast %get3A_1415 : vector<16xi32> to vector<16xi32>
      %add3A_1417 = arith.addi %get3A_1413, %get3A_1416 : vector<16xi32>
      %swap3A_1418 = arith.constant 0 : i32
      %swap3A_1419 = arith.index_cast %swap3A_1418 : i32 to index
      %swap3A_1420 = arith.constant 1424 : index
      %swap3A_1421 = tpu.vector_load %arg6[%swap3A_1419, %swap3A_1420] {strides = array<i32>} : memref<2x1664xi32, #tpu.memory_space<vmem>>, vector<1x16xi32>,
      %swap3A_1422 = vector.shape_cast %swap3A_1421 : vector<1x16xi32> to vector<16xi32>
      %swap3A_1423 = vector.shape_cast %add3A_1417 : vector<16xi32> to vector<1x16xi32>
      tpu.vector_store %arg6[%swap3A_1419, %swap3A_1420], %swap3A_1423 {strides = array<i32>} : memref<2x1664xi32, #tpu.memory_space<vmem>>, vector<1x16xi32>,
      %get3A_1424 = arith.constant 0 : i32
      %get3A_1425 = arith.index_cast %get3A_1424 : i32 to index
      %get3A_1426 = arith.constant 1440 : index
      %get3A_1427 = tpu.vector_load %arg6[%get3A_1425, %get3A_1426] {strides = array<i32>} : memref<2x1664xi32, #tpu.memory_space<vmem>>, vector<1x16xi32>,
      %get3A_1428 = vector.shape_cast %get3A_1427 : vector<1x16xi32> to vector<16xi32>
      %get3A_1429 = arith.constant 1440 : index
      %get3A_1430 = tpu.vector_load %arg7[%get3A_1429] {strides = array<i32>} : memref<1664xi32, #tpu.memory_space<vmem>>, vector<16xi32>,
      %get3A_1431 = vector.shape_cast %get3A_1430 : vector<16xi32> to vector<16xi32>
      %add3A_1432 = arith.addi %get3A_1428, %get3A_1431 : vector<16xi32>
      %swap3A_1433 = arith.constant 0 : i32
      %swap3A_1434 = arith.index_cast %swap3A_1433 : i32 to index
      %swap3A_1435 = arith.constant 1440 : index
      %swap3A_1436 = tpu.vector_load %arg6[%swap3A_1434, %swap3A_1435] {strides = array<i32>} : memref<2x1664xi32, #tpu.memory_space<vmem>>, vector<1x16xi32>,
      %swap3A_1437 = vector.shape_cast %swap3A_1436 : vector<1x16xi32> to vector<16xi32>
      %swap3A_1438 = vector.shape_cast %add3A_1432 : vector<16xi32> to vector<1x16xi32>
      tpu.vector_store %arg6[%swap3A_1434, %swap3A_1435], %swap3A_1438 {strides = array<i32>} : memref<2x1664xi32, #tpu.memory_space<vmem>>, vector<1x16xi32>,
      %get3A_1439 = arith.constant 0 : i32
      %get3A_1440 = arith.index_cast %get3A_1439 : i32 to index
      %get3A_1441 = arith.constant 1456 : index
      %get3A_1442 = tpu.vector_load %arg6[%get3A_1440, %get3A_1441] {strides = array<i32>} : memref<2x1664xi32, #tpu.memory_space<vmem>>, vector<1x16xi32>,
      %get3A_1443 = vector.shape_cast %get3A_1442 : vector<1x16xi32> to vector<16xi32>
      %get3A_1444 = arith.constant 1456 : index
      %get3A_1445 = tpu.vector_load %arg7[%get3A_1444] {strides = array<i32>} : memref<1664xi32, #tpu.memory_space<vmem>>, vector<16xi32>,
      %get3A_1446 = vector.shape_cast %get3A_1445 : vector<16xi32> to vector<16xi32>
      %add3A_1447 = arith.addi %get3A_1443, %get3A_1446 : vector<16xi32>
      %swap3A_1448 = arith.constant 0 : i32
      %swap3A_1449 = arith.index_cast %swap3A_1448 : i32 to index
      %swap3A_1450 = arith.constant 1456 : index
      %swap3A_1451 = tpu.vector_load %arg6[%swap3A_1449, %swap3A_1450] {strides = array<i32>} : memref<2x1664xi32, #tpu.memory_space<vmem>>, vector<1x16xi32>,
      %swap3A_1452 = vector.shape_cast %swap3A_1451 : vector<1x16xi32> to vector<16xi32>
      %swap3A_1453 = vector.shape_cast %add3A_1447 : vector<16xi32> to vector<1x16xi32>
      tpu.vector_store %arg6[%swap3A_1449, %swap3A_1450], %swap3A_1453 {strides = array<i32>} : memref<2x1664xi32, #tpu.memory_space<vmem>>, vector<1x16xi32>,
      %get3A_1454 = arith.constant 0 : i32
      %get3A_1455 = arith.index_cast %get3A_1454 : i32 to index
      %get3A_1456 = arith.constant 1472 : index
      %get3A_1457 = tpu.vector_load %arg6[%get3A_1455, %get3A_1456] {strides = array<i32>} : memref<2x1664xi32, #tpu.memory_space<vmem>>, vector<1x16xi32>,
      %get3A_1458 = vector.shape_cast %get3A_1457 : vector<1x16xi32> to vector<16xi32>
      %get3A_1459 = arith.constant 1472 : index
      %get3A_1460 = tpu.vector_load %arg7[%get3A_1459] {strides = array<i32>} : memref<1664xi32, #tpu.memory_space<vmem>>, vector<16xi32>,
      %get3A_1461 = vector.shape_cast %get3A_1460 : vector<16xi32> to vector<16xi32>
      %add3A_1462 = arith.addi %get3A_1458, %get3A_1461 : vector<16xi32>
      %swap3A_1463 = arith.constant 0 : i32
      %swap3A_1464 = arith.index_cast %swap3A_1463 : i32 to index
      %swap3A_1465 = arith.constant 1472 : index
      %swap3A_1466 = tpu.vector_load %arg6[%swap3A_1464, %swap3A_1465] {strides = array<i32>} : memref<2x1664xi32, #tpu.memory_space<vmem>>, vector<1x16xi32>,
      %swap3A_1467 = vector.shape_cast %swap3A_1466 : vector<1x16xi32> to vector<16xi32>
      %swap3A_1468 = vector.shape_cast %add3A_1462 : vector<16xi32> to vector<1x16xi32>
      tpu.vector_store %arg6[%swap3A_1464, %swap3A_1465], %swap3A_1468 {strides = array<i32>} : memref<2x1664xi32, #tpu.memory_space<vmem>>, vector<1x16xi32>,
      %get3A_1469 = arith.constant 0 : i32
      %get3A_1470 = arith.index_cast %get3A_1469 : i32 to index
      %get3A_1471 = arith.constant 1488 : index
      %get3A_1472 = tpu.vector_load %arg6[%get3A_1470, %get3A_1471] {strides = array<i32>} : memref<2x1664xi32, #tpu.memory_space<vmem>>, vector<1x16xi32>,
      %get3A_1473 = vector.shape_cast %get3A_1472 : vector<1x16xi32> to vector<16xi32>
      %get3A_1474 = arith.constant 1488 : index
      %get3A_1475 = tpu.vector_load %arg7[%get3A_1474] {strides = array<i32>} : memref<1664xi32, #tpu.memory_space<vmem>>, vector<16xi32>,
      %get3A_1476 = vector.shape_cast %get3A_1475 : vector<16xi32> to vector<16xi32>
      %add3A_1477 = arith.addi %get3A_1473, %get3A_1476 : vector<16xi32>
      %swap3A_1478 = arith.constant 0 : i32
      %swap3A_1479 = arith.index_cast %swap3A_1478 : i32 to index
      %swap3A_1480 = arith.constant 1488 : index
      %swap3A_1481 = tpu.vector_load %arg6[%swap3A_1479, %swap3A_1480] {strides = array<i32>} : memref<2x1664xi32, #tpu.memory_space<vmem>>, vector<1x16xi32>,
      %swap3A_1482 = vector.shape_cast %swap3A_1481 : vector<1x16xi32> to vector<16xi32>
      %swap3A_1483 = vector.shape_cast %add3A_1477 : vector<16xi32> to vector<1x16xi32>
      tpu.vector_store %arg6[%swap3A_1479, %swap3A_1480], %swap3A_1483 {strides = array<i32>} : memref<2x1664xi32, #tpu.memory_space<vmem>>, vector<1x16xi32>,
      %get3A_1484 = arith.constant 0 : i32
      %get3A_1485 = arith.index_cast %get3A_1484 : i32 to index
      %get3A_1486 = arith.constant 1504 : index
      %get3A_1487 = tpu.vector_load %arg6[%get3A_1485, %get3A_1486] {strides = array<i32>} : memref<2x1664xi32, #tpu.memory_space<vmem>>, vector<1x16xi32>,
      %get3A_1488 = vector.shape_cast %get3A_1487 : vector<1x16xi32> to vector<16xi32>
      %get3A_1489 = arith.constant 1504 : index
      %get3A_1490 = tpu.vector_load %arg7[%get3A_1489] {strides = array<i32>} : memref<1664xi32, #tpu.memory_space<vmem>>, vector<16xi32>,
      %get3A_1491 = vector.shape_cast %get3A_1490 : vector<16xi32> to vector<16xi32>
      %add3A_1492 = arith.addi %get3A_1488, %get3A_1491 : vector<16xi32>
      %swap3A_1493 = arith.constant 0 : i32
      %swap3A_1494 = arith.index_cast %swap3A_1493 : i32 to index
      %swap3A_1495 = arith.constant 1504 : index
      %swap3A_1496 = tpu.vector_load %arg6[%swap3A_1494, %swap3A_1495] {strides = array<i32>} : memref<2x1664xi32, #tpu.memory_space<vmem>>, vector<1x16xi32>,
      %swap3A_1497 = vector.shape_cast %swap3A_1496 : vector<1x16xi32> to vector<16xi32>
      %swap3A_1498 = vector.shape_cast %add3A_1492 : vector<16xi32> to vector<1x16xi32>
      tpu.vector_store %arg6[%swap3A_1494, %swap3A_1495], %swap3A_1498 {strides = array<i32>} : memref<2x1664xi32, #tpu.memory_space<vmem>>, vector<1x16xi32>,
      %get3A_1499 = arith.constant 0 : i32
      %get3A_1500 = arith.index_cast %get3A_1499 : i32 to index
      %get3A_1501 = arith.constant 1520 : index
      %get3A_1502 = tpu.vector_load %arg6[%get3A_1500, %get3A_1501] {strides = array<i32>} : memref<2x1664xi32, #tpu.memory_space<vmem>>, vector<1x16xi32>,
      %get3A_1503 = vector.shape_cast %get3A_1502 : vector<1x16xi32> to vector<16xi32>
      %get3A_1504 = arith.constant 1520 : index
      %get3A_1505 = tpu.vector_load %arg7[%get3A_1504] {strides = array<i32>} : memref<1664xi32, #tpu.memory_space<vmem>>, vector<16xi32>,
      %get3A_1506 = vector.shape_cast %get3A_1505 : vector<16xi32> to vector<16xi32>
      %add3A_1507 = arith.addi %get3A_1503, %get3A_1506 : vector<16xi32>
      %swap3A_1508 = arith.constant 0 : i32
      %swap3A_1509 = arith.index_cast %swap3A_1508 : i32 to index
      %swap3A_1510 = arith.constant 1520 : index
      %swap3A_1511 = tpu.vector_load %arg6[%swap3A_1509, %swap3A_1510] {strides = array<i32>} : memref<2x1664xi32, #tpu.memory_space<vmem>>, vector<1x16xi32>,
      %swap3A_1512 = vector.shape_cast %swap3A_1511 : vector<1x16xi32> to vector<16xi32>
      %swap3A_1513 = vector.shape_cast %add3A_1507 : vector<16xi32> to vector<1x16xi32>
      tpu.vector_store %arg6[%swap3A_1509, %swap3A_1510], %swap3A_1513 {strides = array<i32>} : memref<2x1664xi32, #tpu.memory_space<vmem>>, vector<1x16xi32>,
      %get3A_1514 = arith.constant 0 : i32
      %get3A_1515 = arith.index_cast %get3A_1514 : i32 to index
      %get3A_1516 = arith.constant 1536 : index
      %get3A_1517 = tpu.vector_load %arg6[%get3A_1515, %get3A_1516] {strides = array<i32>} : memref<2x1664xi32, #tpu.memory_space<vmem>>, vector<1x16xi32>,
      %get3A_1518 = vector.shape_cast %get3A_1517 : vector<1x16xi32> to vector<16xi32>
      %get3A_1519 = arith.constant 1536 : index
      %get3A_1520 = tpu.vector_load %arg7[%get3A_1519] {strides = array<i32>} : memref<1664xi32, #tpu.memory_space<vmem>>, vector<16xi32>,
      %get3A_1521 = vector.shape_cast %get3A_1520 : vector<16xi32> to vector<16xi32>
      %add3A_1522 = arith.addi %get3A_1518, %get3A_1521 : vector<16xi32>
      %swap3A_1523 = arith.constant 0 : i32
      %swap3A_1524 = arith.index_cast %swap3A_1523 : i32 to index
      %swap3A_1525 = arith.constant 1536 : index
      %swap3A_1526 = tpu.vector_load %arg6[%swap3A_1524, %swap3A_1525] {strides = array<i32>} : memref<2x1664xi32, #tpu.memory_space<vmem>>, vector<1x16xi32>,
      %swap3A_1527 = vector.shape_cast %swap3A_1526 : vector<1x16xi32> to vector<16xi32>
      %swap3A_1528 = vector.shape_cast %add3A_1522 : vector<16xi32> to vector<1x16xi32>
      tpu.vector_store %arg6[%swap3A_1524, %swap3A_1525], %swap3A_1528 {strides = array<i32>} : memref<2x1664xi32, #tpu.memory_space<vmem>>, vector<1x16xi32>,
      %get3A_1529 = arith.constant 0 : i32
      %get3A_1530 = arith.index_cast %get3A_1529 : i32 to index
      %get3A_1531 = arith.constant 1552 : index
      %get3A_1532 = tpu.vector_load %arg6[%get3A_1530, %get3A_1531] {strides = array<i32>} : memref<2x1664xi32, #tpu.memory_space<vmem>>, vector<1x16xi32>,
      %get3A_1533 = vector.shape_cast %get3A_1532 : vector<1x16xi32> to vector<16xi32>
      %get3A_1534 = arith.constant 1552 : index
      %get3A_1535 = tpu.vector_load %arg7[%get3A_1534] {strides = array<i32>} : memref<1664xi32, #tpu.memory_space<vmem>>, vector<16xi32>,
      %get3A_1536 = vector.shape_cast %get3A_1535 : vector<16xi32> to vector<16xi32>
      %add3A_1537 = arith.addi %get3A_1533, %get3A_1536 : vector<16xi32>
      %swap3A_1538 = arith.constant 0 : i32
      %swap3A_1539 = arith.index_cast %swap3A_1538 : i32 to index
      %swap3A_1540 = arith.constant 1552 : index
      %swap3A_1541 = tpu.vector_load %arg6[%swap3A_1539, %swap3A_1540] {strides = array<i32>} : memref<2x1664xi32, #tpu.memory_space<vmem>>, vector<1x16xi32>,
      %swap3A_1542 = vector.shape_cast %swap3A_1541 : vector<1x16xi32> to vector<16xi32>
      %swap3A_1543 = vector.shape_cast %add3A_1537 : vector<16xi32> to vector<1x16xi32>
      tpu.vector_store %arg6[%swap3A_1539, %swap3A_1540], %swap3A_1543 {strides = array<i32>} : memref<2x1664xi32, #tpu.memory_space<vmem>>, vector<1x16xi32>,
      %get3A_1544 = arith.constant 0 : i32
      %get3A_1545 = arith.index_cast %get3A_1544 : i32 to index
      %get3A_1546 = arith.constant 1568 : index
      %get3A_1547 = tpu.vector_load %arg6[%get3A_1545, %get3A_1546] {strides = array<i32>} : memref<2x1664xi32, #tpu.memory_space<vmem>>, vector<1x16xi32>,
      %get3A_1548 = vector.shape_cast %get3A_1547 : vector<1x16xi32> to vector<16xi32>
      %get3A_1549 = arith.constant 1568 : index
      %get3A_1550 = tpu.vector_load %arg7[%get3A_1549] {strides = array<i32>} : memref<1664xi32, #tpu.memory_space<vmem>>, vector<16xi32>,
      %get3A_1551 = vector.shape_cast %get3A_1550 : vector<16xi32> to vector<16xi32>
      %add3A_1552 = arith.addi %get3A_1548, %get3A_1551 : vector<16xi32>
      %swap3A_1553 = arith.constant 0 : i32
      %swap3A_1554 = arith.index_cast %swap3A_1553 : i32 to index
      %swap3A_1555 = arith.constant 1568 : index
      %swap3A_1556 = tpu.vector_load %arg6[%swap3A_1554, %swap3A_1555] {strides = array<i32>} : memref<2x1664xi32, #tpu.memory_space<vmem>>, vector<1x16xi32>,
      %swap3A_1557 = vector.shape_cast %swap3A_1556 : vector<1x16xi32> to vector<16xi32>
      %swap3A_1558 = vector.shape_cast %add3A_1552 : vector<16xi32> to vector<1x16xi32>
      tpu.vector_store %arg6[%swap3A_1554, %swap3A_1555], %swap3A_1558 {strides = array<i32>} : memref<2x1664xi32, #tpu.memory_space<vmem>>, vector<1x16xi32>,
      %get3A_1559 = arith.constant 0 : i32
      %get3A_1560 = arith.index_cast %get3A_1559 : i32 to index
      %get3A_1561 = arith.constant 1584 : index
      %get3A_1562 = tpu.vector_load %arg6[%get3A_1560, %get3A_1561] {strides = array<i32>} : memref<2x1664xi32, #tpu.memory_space<vmem>>, vector<1x16xi32>,
      %get3A_1563 = vector.shape_cast %get3A_1562 : vector<1x16xi32> to vector<16xi32>
      %get3A_1564 = arith.constant 1584 : index
      %get3A_1565 = tpu.vector_load %arg7[%get3A_1564] {strides = array<i32>} : memref<1664xi32, #tpu.memory_space<vmem>>, vector<16xi32>,
      %get3A_1566 = vector.shape_cast %get3A_1565 : vector<16xi32> to vector<16xi32>
      %add3A_1567 = arith.addi %get3A_1563, %get3A_1566 : vector<16xi32>
      %swap3A_1568 = arith.constant 0 : i32
      %swap3A_1569 = arith.index_cast %swap3A_1568 : i32 to index
      %swap3A_1570 = arith.constant 1584 : index
      %swap3A_1571 = tpu.vector_load %arg6[%swap3A_1569, %swap3A_1570] {strides = array<i32>} : memref<2x1664xi32, #tpu.memory_space<vmem>>, vector<1x16xi32>,
      %swap3A_1572 = vector.shape_cast %swap3A_1571 : vector<1x16xi32> to vector<16xi32>
      %swap3A_1573 = vector.shape_cast %add3A_1567 : vector<16xi32> to vector<1x16xi32>
      tpu.vector_store %arg6[%swap3A_1569, %swap3A_1570], %swap3A_1573 {strides = array<i32>} : memref<2x1664xi32, #tpu.memory_space<vmem>>, vector<1x16xi32>,
      %get3A_1574 = arith.constant 0 : i32
      %get3A_1575 = arith.index_cast %get3A_1574 : i32 to index
      %get3A_1576 = arith.constant 1600 : index
      %get3A_1577 = tpu.vector_load %arg6[%get3A_1575, %get3A_1576] {strides = array<i32>} : memref<2x1664xi32, #tpu.memory_space<vmem>>, vector<1x16xi32>,
      %get3A_1578 = vector.shape_cast %get3A_1577 : vector<1x16xi32> to vector<16xi32>
      %get3A_1579 = arith.constant 1600 : index
      %get3A_1580 = tpu.vector_load %arg7[%get3A_1579] {strides = array<i32>} : memref<1664xi32, #tpu.memory_space<vmem>>, vector<16xi32>,
      %get3A_1581 = vector.shape_cast %get3A_1580 : vector<16xi32> to vector<16xi32>
      %add3A_1582 = arith.addi %get3A_1578, %get3A_1581 : vector<16xi32>
      %swap3A_1583 = arith.constant 0 : i32
      %swap3A_1584 = arith.index_cast %swap3A_1583 : i32 to index
      %swap3A_1585 = arith.constant 1600 : index
      %swap3A_1586 = tpu.vector_load %arg6[%swap3A_1584, %swap3A_1585] {strides = array<i32>} : memref<2x1664xi32, #tpu.memory_space<vmem>>, vector<1x16xi32>,
      %swap3A_1587 = vector.shape_cast %swap3A_1586 : vector<1x16xi32> to vector<16xi32>
      %swap3A_1588 = vector.shape_cast %add3A_1582 : vector<16xi32> to vector<1x16xi32>
      tpu.vector_store %arg6[%swap3A_1584, %swap3A_1585], %swap3A_1588 {strides = array<i32>} : memref<2x1664xi32, #tpu.memory_space<vmem>>, vector<1x16xi32>,
      %get3A_1589 = arith.constant 0 : i32
      %get3A_1590 = arith.index_cast %get3A_1589 : i32 to index
      %get3A_1591 = arith.constant 1616 : index
      %get3A_1592 = tpu.vector_load %arg6[%get3A_1590, %get3A_1591] {strides = array<i32>} : memref<2x1664xi32, #tpu.memory_space<vmem>>, vector<1x16xi32>,
      %get3A_1593 = vector.shape_cast %get3A_1592 : vector<1x16xi32> to vector<16xi32>
      %get3A_1594 = arith.constant 1616 : index
      %get3A_1595 = tpu.vector_load %arg7[%get3A_1594] {strides = array<i32>} : memref<1664xi32, #tpu.memory_space<vmem>>, vector<16xi32>,
      %get3A_1596 = vector.shape_cast %get3A_1595 : vector<16xi32> to vector<16xi32>
      %add3A_1597 = arith.addi %get3A_1593, %get3A_1596 : vector<16xi32>
      %swap3A_1598 = arith.constant 0 : i32
      %swap3A_1599 = arith.index_cast %swap3A_1598 : i32 to index
      %swap3A_1600 = arith.constant 1616 : index
      %swap3A_1601 = tpu.vector_load %arg6[%swap3A_1599, %swap3A_1600] {strides = array<i32>} : memref<2x1664xi32, #tpu.memory_space<vmem>>, vector<1x16xi32>,
      %swap3A_1602 = vector.shape_cast %swap3A_1601 : vector<1x16xi32> to vector<16xi32>
      %swap3A_1603 = vector.shape_cast %add3A_1597 : vector<16xi32> to vector<1x16xi32>
      tpu.vector_store %arg6[%swap3A_1599, %swap3A_1600], %swap3A_1603 {strides = array<i32>} : memref<2x1664xi32, #tpu.memory_space<vmem>>, vector<1x16xi32>,
      %get3A_1604 = arith.constant 0 : i32
      %get3A_1605 = arith.index_cast %get3A_1604 : i32 to index
      %get3A_1606 = arith.constant 1632 : index
      %get3A_1607 = tpu.vector_load %arg6[%get3A_1605, %get3A_1606] {strides = array<i32>} : memref<2x1664xi32, #tpu.memory_space<vmem>>, vector<1x16xi32>,
      %get3A_1608 = vector.shape_cast %get3A_1607 : vector<1x16xi32> to vector<16xi32>
      %get3A_1609 = arith.constant 1632 : index
      %get3A_1610 = tpu.vector_load %arg7[%get3A_1609] {strides = array<i32>} : memref<1664xi32, #tpu.memory_space<vmem>>, vector<16xi32>,
      %get3A_1611 = vector.shape_cast %get3A_1610 : vector<16xi32> to vector<16xi32>
      %add3A_1612 = arith.addi %get3A_1608, %get3A_1611 : vector<16xi32>
      %swap3A_1613 = arith.constant 0 : i32
      %swap3A_1614 = arith.index_cast %swap3A_1613 : i32 to index
      %swap3A_1615 = arith.constant 1632 : index
      %swap3A_1616 = tpu.vector_load %arg6[%swap3A_1614, %swap3A_1615] {strides = array<i32>} : memref<2x1664xi32, #tpu.memory_space<vmem>>, vector<1x16xi32>,
      %swap3A_1617 = vector.shape_cast %swap3A_1616 : vector<1x16xi32> to vector<16xi32>
      %swap3A_1618 = vector.shape_cast %add3A_1612 : vector<16xi32> to vector<1x16xi32>
      tpu.vector_store %arg6[%swap3A_1614, %swap3A_1615], %swap3A_1618 {strides = array<i32>} : memref<2x1664xi32, #tpu.memory_space<vmem>>, vector<1x16xi32>,
      %get3A_1619 = arith.constant 0 : i32
      %get3A_1620 = arith.index_cast %get3A_1619 : i32 to index
      %get3A_1621 = arith.constant 1648 : index
      %get3A_1622 = tpu.vector_load %arg6[%get3A_1620, %get3A_1621] {strides = array<i32>} : memref<2x1664xi32, #tpu.memory_space<vmem>>, vector<1x16xi32>,
      %get3A_1623 = vector.shape_cast %get3A_1622 : vector<1x16xi32> to vector<16xi32>
      %get3A_1624 = arith.constant 1648 : index
      %get3A_1625 = tpu.vector_load %arg7[%get3A_1624] {strides = array<i32>} : memref<1664xi32, #tpu.memory_space<vmem>>, vector<16xi32>,
      %get3A_1626 = vector.shape_cast %get3A_1625 : vector<16xi32> to vector<16xi32>
      %add3A_1627 = arith.addi %get3A_1623, %get3A_1626 : vector<16xi32>
      %swap3A_1628 = arith.constant 0 : i32
      %swap3A_1629 = arith.index_cast %swap3A_1628 : i32 to index
      %swap3A_1630 = arith.constant 1648 : index
      %swap3A_1631 = tpu.vector_load %arg6[%swap3A_1629, %swap3A_1630] {strides = array<i32>} : memref<2x1664xi32, #tpu.memory_space<vmem>>, vector<1x16xi32>,
      %swap3A_1632 = vector.shape_cast %swap3A_1631 : vector<1x16xi32> to vector<16xi32>
      %swap3A_1633 = vector.shape_cast %add3A_1627 : vector<16xi32> to vector<1x16xi32>
      tpu.vector_store %arg6[%swap3A_1629, %swap3A_1630], %swap3A_1633 {strides = array<i32>} : memref<2x1664xi32, #tpu.memory_space<vmem>>, vector<1x16xi32>,
      %ge3A = arith.constant 2 : i32
      %ge3A_1634 = arith.cmpi sge, %add3A_63, %ge3A : i32
      %convert_element_type3A = arith.extui %ge3A_1634 : i1 to i32
      %cond3A = arith.constant 0 : i32
      %cond3A_1635 = arith.cmpi ne, %convert_element_type3A, %cond3A : i32
      scf.if %cond3A_1635 {
        %sub3A = arith.constant 3328 : i32
        %sub3A_3878 = arith.subi %add3A_66, %sub3A : i32
        %dma_wait3A_3879 = arith.constant 0 : i32
        %dma_wait3A_3880 = arith.constant 0 : i32
        %dma_wait3A_3881 = arith.constant 0 : i32
        %dma_wait3A_3882 = tpu.memref_slice %arg8[%dma_wait3A_3879, %dma_wait3A_3880, %dma_wait3A_3881] : memref<2x1664x32xf32, #tpu.memory_space<vmem>> -> memref<1x1664x32xf32, #tpu.memory_space<vmem>>
        %dma_wait3A_3883 = tpu.memref_squeeze %dma_wait3A_3882 : memref<1x1664x32xf32, #tpu.memory_space<vmem>> -> memref<1664x32xf32, #tpu.memory_space<vmem>>
        %dma_wait3A_3884 = arith.constant 0 : i32
        %dma_wait3A_3885 = tpu.memref_slice %arg5[%sub3A_3878, %dma_wait3A_3884] : memref<2129920x32xf32, #tpu.memory_space<hbm>> -> memref<1664x32xf32, #tpu.memory_space<hbm>>
        %dma_wait3A_3886 = arith.constant 0 : i32
        %dma_wait3A_3887 = tpu.memref_slice %arg5[%sub3A_3878, %dma_wait3A_3886] : memref<2129920x32xf32, #tpu.memory_space<hbm>> -> memref<1664x32xf32, #tpu.memory_space<hbm>>
        %dma_wait3A_3888 = arith.constant 0 : i32
        %dma_wait3A_3889 = arith.constant 0 : i32
        %dma_wait3A_3890 = tpu.memref_slice %arg8[%dma_wait3A_3879, %dma_wait3A_3888, %dma_wait3A_3889] : memref<2x1664x32xf32, #tpu.memory_space<vmem>> -> memref<1x1664x32xf32, #tpu.memory_space<vmem>>
        %dma_wait3A_3891 = tpu.memref_squeeze %dma_wait3A_3890 : memref<1x1664x32xf32, #tpu.memory_space<vmem>> -> memref<1664x32xf32, #tpu.memory_space<vmem>>
        tpu.wait_dma2 semaphore(%arg12 : memref<!tpu.dma_semaphore, #tpu.memory_space<semaphore_mem>>) src(%dma_wait3A_3891 : memref<1664x32xf32, #tpu.memory_space<vmem>>) dst(%dma_wait3A_3887 : memref<1664x32xf32, #tpu.memory_space<hbm>>)
      } else {
      }
      %dma_start3A_1636 = arith.constant 0 : i32
      %dma_start3A_1637 = arith.constant 0 : i32
      %dma_start3A_1638 = arith.constant 0 : i32
      %dma_start3A_1639 = arith.constant 0 : i32
      %dma_start3A_1640 = tpu.memref_slice %arg8[%dma_start3A_1637, %dma_start3A_1638, %dma_start3A_1639] : memref<2x1664x32xf32, #tpu.memory_space<vmem>> -> memref<1x128x32xf32, #tpu.memory_space<vmem>>
      %dma_start3A_1641 = tpu.memref_squeeze %dma_start3A_1640 : memref<1x128x32xf32, #tpu.memory_space<vmem>> -> memref<128x32xf32, #tpu.memory_space<vmem>>
      %dma_start3A_1642 = arith.constant 0 : i32
      %dma_start3A_1643 = tpu.memref_slice %arg6[%dma_start3A_1636, %dma_start3A_1642] : memref<2x1664xi32, #tpu.memory_space<vmem>> -> memref<1x128xi32, #tpu.memory_space<vmem>>
      %dma_start3A_1644 = tpu.memref_squeeze %dma_start3A_1643 : memref<1x128xi32, #tpu.memory_space<vmem>> -> memref<128xi32, #tpu.memory_space<vmem>>
      %dma_start3A_1645 = arith.constant 0 : i32
      %dma_start3A_1646 = arith.constant 0 : i32
      %dma_start3A_1647 = tpu.memref_slice %arg4[%dma_start3A_1645, %dma_start3A_1646] : memref<2600000x32xf32, #tpu.memory_space<hbm>> -> memref<2600000x32xf32, #tpu.memory_space<hbm>>
      tpu.enqueue_indirect_dma source(%dma_start3A_1647 : memref<2600000x32xf32, #tpu.memory_space<hbm>>) target(%dma_start3A_1641 : memref<128x32xf32, #tpu.memory_space<vmem>>) offsets(%dma_start3A_1644 : memref<128xi32, #tpu.memory_space<vmem>>) semaphore(%arg11 : memref<!tpu.dma_semaphore, #tpu.memory_space<semaphore_mem>>)
      %dma_start3A_1648 = arith.constant 0 : i32
      %dma_start3A_1649 = arith.constant 0 : i32
      %dma_start3A_1650 = arith.constant 128 : i32
      %dma_start3A_1651 = arith.constant 0 : i32
      %dma_start3A_1652 = tpu.memref_slice %arg8[%dma_start3A_1649, %dma_start3A_1650, %dma_start3A_1651] : memref<2x1664x32xf32, #tpu.memory_space<vmem>> -> memref<1x128x32xf32, #tpu.memory_space<vmem>>
      %dma_start3A_1653 = tpu.memref_squeeze %dma_start3A_1652 : memref<1x128x32xf32, #tpu.memory_space<vmem>> -> memref<128x32xf32, #tpu.memory_space<vmem>>
      %dma_start3A_1654 = arith.constant 128 : i32
      %dma_start3A_1655 = tpu.memref_slice %arg6[%dma_start3A_1648, %dma_start3A_1654] : memref<2x1664xi32, #tpu.memory_space<vmem>> -> memref<1x128xi32, #tpu.memory_space<vmem>>
      %dma_start3A_1656 = tpu.memref_squeeze %dma_start3A_1655 : memref<1x128xi32, #tpu.memory_space<vmem>> -> memref<128xi32, #tpu.memory_space<vmem>>
      %dma_start3A_1657 = arith.constant 0 : i32
      %dma_start3A_1658 = arith.constant 0 : i32
      %dma_start3A_1659 = tpu.memref_slice %arg4[%dma_start3A_1657, %dma_start3A_1658] : memref<2600000x32xf32, #tpu.memory_space<hbm>> -> memref<2600000x32xf32, #tpu.memory_space<hbm>>
      tpu.enqueue_indirect_dma source(%dma_start3A_1659 : memref<2600000x32xf32, #tpu.memory_space<hbm>>) target(%dma_start3A_1653 : memref<128x32xf32, #tpu.memory_space<vmem>>) offsets(%dma_start3A_1656 : memref<128xi32, #tpu.memory_space<vmem>>) semaphore(%arg11 : memref<!tpu.dma_semaphore, #tpu.memory_space<semaphore_mem>>)
      %dma_start3A_1660 = arith.constant 0 : i32
      %dma_start3A_1661 = arith.constant 0 : i32
      %dma_start3A_1662 = arith.constant 256 : i32
      %dma_start3A_1663 = arith.constant 0 : i32
      %dma_start3A_1664 = tpu.memref_slice %arg8[%dma_start3A_1661, %dma_start3A_1662, %dma_start3A_1663] : memref<2x1664x32xf32, #tpu.memory_space<vmem>> -> memref<1x128x32xf32, #tpu.memory_space<vmem>>
      %dma_start3A_1665 = tpu.memref_squeeze %dma_start3A_1664 : memref<1x128x32xf32, #tpu.memory_space<vmem>> -> memref<128x32xf32, #tpu.memory_space<vmem>>
      %dma_start3A_1666 = arith.constant 256 : i32
      %dma_start3A_1667 = tpu.memref_slice %arg6[%dma_start3A_1660, %dma_start3A_1666] : memref<2x1664xi32, #tpu.memory_space<vmem>> -> memref<1x128xi32, #tpu.memory_space<vmem>>
      %dma_start3A_1668 = tpu.memref_squeeze %dma_start3A_1667 : memref<1x128xi32, #tpu.memory_space<vmem>> -> memref<128xi32, #tpu.memory_space<vmem>>
      %dma_start3A_1669 = arith.constant 0 : i32
      %dma_start3A_1670 = arith.constant 0 : i32
      %dma_start3A_1671 = tpu.memref_slice %arg4[%dma_start3A_1669, %dma_start3A_1670] : memref<2600000x32xf32, #tpu.memory_space<hbm>> -> memref<2600000x32xf32, #tpu.memory_space<hbm>>
      tpu.enqueue_indirect_dma source(%dma_start3A_1671 : memref<2600000x32xf32, #tpu.memory_space<hbm>>) target(%dma_start3A_1665 : memref<128x32xf32, #tpu.memory_space<vmem>>) offsets(%dma_start3A_1668 : memref<128xi32, #tpu.memory_space<vmem>>) semaphore(%arg11 : memref<!tpu.dma_semaphore, #tpu.memory_space<semaphore_mem>>)
      %dma_start3A_1672 = arith.constant 0 : i32
      %dma_start3A_1673 = arith.constant 0 : i32
      %dma_start3A_1674 = arith.constant 384 : i32
      %dma_start3A_1675 = arith.constant 0 : i32
      %dma_start3A_1676 = tpu.memref_slice %arg8[%dma_start3A_1673, %dma_start3A_1674, %dma_start3A_1675] : memref<2x1664x32xf32, #tpu.memory_space<vmem>> -> memref<1x128x32xf32, #tpu.memory_space<vmem>>
      %dma_start3A_1677 = tpu.memref_squeeze %dma_start3A_1676 : memref<1x128x32xf32, #tpu.memory_space<vmem>> -> memref<128x32xf32, #tpu.memory_space<vmem>>
      %dma_start3A_1678 = arith.constant 384 : i32
      %dma_start3A_1679 = tpu.memref_slice %arg6[%dma_start3A_1672, %dma_start3A_1678] : memref<2x1664xi32, #tpu.memory_space<vmem>> -> memref<1x128xi32, #tpu.memory_space<vmem>>
      %dma_start3A_1680 = tpu.memref_squeeze %dma_start3A_1679 : memref<1x128xi32, #tpu.memory_space<vmem>> -> memref<128xi32, #tpu.memory_space<vmem>>
      %dma_start3A_1681 = arith.constant 0 : i32
      %dma_start3A_1682 = arith.constant 0 : i32
      %dma_start3A_1683 = tpu.memref_slice %arg4[%dma_start3A_1681, %dma_start3A_1682] : memref<2600000x32xf32, #tpu.memory_space<hbm>> -> memref<2600000x32xf32, #tpu.memory_space<hbm>>
      tpu.enqueue_indirect_dma source(%dma_start3A_1683 : memref<2600000x32xf32, #tpu.memory_space<hbm>>) target(%dma_start3A_1677 : memref<128x32xf32, #tpu.memory_space<vmem>>) offsets(%dma_start3A_1680 : memref<128xi32, #tpu.memory_space<vmem>>) semaphore(%arg11 : memref<!tpu.dma_semaphore, #tpu.memory_space<semaphore_mem>>)
      %dma_start3A_1684 = arith.constant 0 : i32
      %dma_start3A_1685 = arith.constant 0 : i32
      %dma_start3A_1686 = arith.constant 512 : i32
      %dma_start3A_1687 = arith.constant 0 : i32
      %dma_start3A_1688 = tpu.memref_slice %arg8[%dma_start3A_1685, %dma_start3A_1686, %dma_start3A_1687] : memref<2x1664x32xf32, #tpu.memory_space<vmem>> -> memref<1x128x32xf32, #tpu.memory_space<vmem>>
      %dma_start3A_1689 = tpu.memref_squeeze %dma_start3A_1688 : memref<1x128x32xf32, #tpu.memory_space<vmem>> -> memref<128x32xf32, #tpu.memory_space<vmem>>
      %dma_start3A_1690 = arith.constant 512 : i32
      %dma_start3A_1691 = tpu.memref_slice %arg6[%dma_start3A_1684, %dma_start3A_1690] : memref<2x1664xi32, #tpu.memory_space<vmem>> -> memref<1x128xi32, #tpu.memory_space<vmem>>
      %dma_start3A_1692 = tpu.memref_squeeze %dma_start3A_1691 : memref<1x128xi32, #tpu.memory_space<vmem>> -> memref<128xi32, #tpu.memory_space<vmem>>
      %dma_start3A_1693 = arith.constant 0 : i32
      %dma_start3A_1694 = arith.constant 0 : i32
      %dma_start3A_1695 = tpu.memref_slice %arg4[%dma_start3A_1693, %dma_start3A_1694] : memref<2600000x32xf32, #tpu.memory_space<hbm>> -> memref<2600000x32xf32, #tpu.memory_space<hbm>>
      tpu.enqueue_indirect_dma source(%dma_start3A_1695 : memref<2600000x32xf32, #tpu.memory_space<hbm>>) target(%dma_start3A_1689 : memref<128x32xf32, #tpu.memory_space<vmem>>) offsets(%dma_start3A_1692 : memref<128xi32, #tpu.memory_space<vmem>>) semaphore(%arg11 : memref<!tpu.dma_semaphore, #tpu.memory_space<semaphore_mem>>)
      %dma_start3A_1696 = arith.constant 0 : i32
      %dma_start3A_1697 = arith.constant 0 : i32
      %dma_start3A_1698 = arith.constant 640 : i32
      %dma_start3A_1699 = arith.constant 0 : i32
      %dma_start3A_1700 = tpu.memref_slice %arg8[%dma_start3A_1697, %dma_start3A_1698, %dma_start3A_1699] : memref<2x1664x32xf32, #tpu.memory_space<vmem>> -> memref<1x128x32xf32, #tpu.memory_space<vmem>>
      %dma_start3A_1701 = tpu.memref_squeeze %dma_start3A_1700 : memref<1x128x32xf32, #tpu.memory_space<vmem>> -> memref<128x32xf32, #tpu.memory_space<vmem>>
      %dma_start3A_1702 = arith.constant 640 : i32
      %dma_start3A_1703 = tpu.memref_slice %arg6[%dma_start3A_1696, %dma_start3A_1702] : memref<2x1664xi32, #tpu.memory_space<vmem>> -> memref<1x128xi32, #tpu.memory_space<vmem>>
      %dma_start3A_1704 = tpu.memref_squeeze %dma_start3A_1703 : memref<1x128xi32, #tpu.memory_space<vmem>> -> memref<128xi32, #tpu.memory_space<vmem>>
      %dma_start3A_1705 = arith.constant 0 : i32
      %dma_start3A_1706 = arith.constant 0 : i32
      %dma_start3A_1707 = tpu.memref_slice %arg4[%dma_start3A_1705, %dma_start3A_1706] : memref<2600000x32xf32, #tpu.memory_space<hbm>> -> memref<2600000x32xf32, #tpu.memory_space<hbm>>
      tpu.enqueue_indirect_dma source(%dma_start3A_1707 : memref<2600000x32xf32, #tpu.memory_space<hbm>>) target(%dma_start3A_1701 : memref<128x32xf32, #tpu.memory_space<vmem>>) offsets(%dma_start3A_1704 : memref<128xi32, #tpu.memory_space<vmem>>) semaphore(%arg11 : memref<!tpu.dma_semaphore, #tpu.memory_space<semaphore_mem>>)
      %dma_start3A_1708 = arith.constant 0 : i32
      %dma_start3A_1709 = arith.constant 0 : i32
      %dma_start3A_1710 = arith.constant 768 : i32
      %dma_start3A_1711 = arith.constant 0 : i32
      %dma_start3A_1712 = tpu.memref_slice %arg8[%dma_start3A_1709, %dma_start3A_1710, %dma_start3A_1711] : memref<2x1664x32xf32, #tpu.memory_space<vmem>> -> memref<1x128x32xf32, #tpu.memory_space<vmem>>
      %dma_start3A_1713 = tpu.memref_squeeze %dma_start3A_1712 : memref<1x128x32xf32, #tpu.memory_space<vmem>> -> memref<128x32xf32, #tpu.memory_space<vmem>>
      %dma_start3A_1714 = arith.constant 768 : i32
      %dma_start3A_1715 = tpu.memref_slice %arg6[%dma_start3A_1708, %dma_start3A_1714] : memref<2x1664xi32, #tpu.memory_space<vmem>> -> memref<1x128xi32, #tpu.memory_space<vmem>>
      %dma_start3A_1716 = tpu.memref_squeeze %dma_start3A_1715 : memref<1x128xi32, #tpu.memory_space<vmem>> -> memref<128xi32, #tpu.memory_space<vmem>>
      %dma_start3A_1717 = arith.constant 0 : i32
      %dma_start3A_1718 = arith.constant 0 : i32
      %dma_start3A_1719 = tpu.memref_slice %arg4[%dma_start3A_1717, %dma_start3A_1718] : memref<2600000x32xf32, #tpu.memory_space<hbm>> -> memref<2600000x32xf32, #tpu.memory_space<hbm>>
      tpu.enqueue_indirect_dma source(%dma_start3A_1719 : memref<2600000x32xf32, #tpu.memory_space<hbm>>) target(%dma_start3A_1713 : memref<128x32xf32, #tpu.memory_space<vmem>>) offsets(%dma_start3A_1716 : memref<128xi32, #tpu.memory_space<vmem>>) semaphore(%arg11 : memref<!tpu.dma_semaphore, #tpu.memory_space<semaphore_mem>>)
      %dma_start3A_1720 = arith.constant 0 : i32
      %dma_start3A_1721 = arith.constant 0 : i32
      %dma_start3A_1722 = arith.constant 896 : i32
      %dma_start3A_1723 = arith.constant 0 : i32
      %dma_start3A_1724 = tpu.memref_slice %arg8[%dma_start3A_1721, %dma_start3A_1722, %dma_start3A_1723] : memref<2x1664x32xf32, #tpu.memory_space<vmem>> -> memref<1x128x32xf32, #tpu.memory_space<vmem>>
      %dma_start3A_1725 = tpu.memref_squeeze %dma_start3A_1724 : memref<1x128x32xf32, #tpu.memory_space<vmem>> -> memref<128x32xf32, #tpu.memory_space<vmem>>
      %dma_start3A_1726 = arith.constant 896 : i32
      %dma_start3A_1727 = tpu.memref_slice %arg6[%dma_start3A_1720, %dma_start3A_1726] : memref<2x1664xi32, #tpu.memory_space<vmem>> -> memref<1x128xi32, #tpu.memory_space<vmem>>
      %dma_start3A_1728 = tpu.memref_squeeze %dma_start3A_1727 : memref<1x128xi32, #tpu.memory_space<vmem>> -> memref<128xi32, #tpu.memory_space<vmem>>
      %dma_start3A_1729 = arith.constant 0 : i32
      %dma_start3A_1730 = arith.constant 0 : i32
      %dma_start3A_1731 = tpu.memref_slice %arg4[%dma_start3A_1729, %dma_start3A_1730] : memref<2600000x32xf32, #tpu.memory_space<hbm>> -> memref<2600000x32xf32, #tpu.memory_space<hbm>>
      tpu.enqueue_indirect_dma source(%dma_start3A_1731 : memref<2600000x32xf32, #tpu.memory_space<hbm>>) target(%dma_start3A_1725 : memref<128x32xf32, #tpu.memory_space<vmem>>) offsets(%dma_start3A_1728 : memref<128xi32, #tpu.memory_space<vmem>>) semaphore(%arg11 : memref<!tpu.dma_semaphore, #tpu.memory_space<semaphore_mem>>)
      %dma_start3A_1732 = arith.constant 0 : i32
      %dma_start3A_1733 = arith.constant 0 : i32
      %dma_start3A_1734 = arith.constant 1024 : i32
      %dma_start3A_1735 = arith.constant 0 : i32
      %dma_start3A_1736 = tpu.memref_slice %arg8[%dma_start3A_1733, %dma_start3A_1734, %dma_start3A_1735] : memref<2x1664x32xf32, #tpu.memory_space<vmem>> -> memref<1x128x32xf32, #tpu.memory_space<vmem>>
      %dma_start3A_1737 = tpu.memref_squeeze %dma_start3A_1736 : memref<1x128x32xf32, #tpu.memory_space<vmem>> -> memref<128x32xf32, #tpu.memory_space<vmem>>
      %dma_start3A_1738 = arith.constant 1024 : i32
      %dma_start3A_1739 = tpu.memref_slice %arg6[%dma_start3A_1732, %dma_start3A_1738] : memref<2x1664xi32, #tpu.memory_space<vmem>> -> memref<1x128xi32, #tpu.memory_space<vmem>>
      %dma_start3A_1740 = tpu.memref_squeeze %dma_start3A_1739 : memref<1x128xi32, #tpu.memory_space<vmem>> -> memref<128xi32, #tpu.memory_space<vmem>>
      %dma_start3A_1741 = arith.constant 0 : i32
      %dma_start3A_1742 = arith.constant 0 : i32
      %dma_start3A_1743 = tpu.memref_slice %arg4[%dma_start3A_1741, %dma_start3A_1742] : memref<2600000x32xf32, #tpu.memory_space<hbm>> -> memref<2600000x32xf32, #tpu.memory_space<hbm>>
      tpu.enqueue_indirect_dma source(%dma_start3A_1743 : memref<2600000x32xf32, #tpu.memory_space<hbm>>) target(%dma_start3A_1737 : memref<128x32xf32, #tpu.memory_space<vmem>>) offsets(%dma_start3A_1740 : memref<128xi32, #tpu.memory_space<vmem>>) semaphore(%arg11 : memref<!tpu.dma_semaphore, #tpu.memory_space<semaphore_mem>>)
      %dma_start3A_1744 = arith.constant 0 : i32
      %dma_start3A_1745 = arith.constant 0 : i32
      %dma_start3A_1746 = arith.constant 1152 : i32
      %dma_start3A_1747 = arith.constant 0 : i32
      %dma_start3A_1748 = tpu.memref_slice %arg8[%dma_start3A_1745, %dma_start3A_1746, %dma_start3A_1747] : memref<2x1664x32xf32, #tpu.memory_space<vmem>> -> memref<1x128x32xf32, #tpu.memory_space<vmem>>
      %dma_start3A_1749 = tpu.memref_squeeze %dma_start3A_1748 : memref<1x128x32xf32, #tpu.memory_space<vmem>> -> memref<128x32xf32, #tpu.memory_space<vmem>>
      %dma_start3A_1750 = arith.constant 1152 : i32
      %dma_start3A_1751 = tpu.memref_slice %arg6[%dma_start3A_1744, %dma_start3A_1750] : memref<2x1664xi32, #tpu.memory_space<vmem>> -> memref<1x128xi32, #tpu.memory_space<vmem>>
      %dma_start3A_1752 = tpu.memref_squeeze %dma_start3A_1751 : memref<1x128xi32, #tpu.memory_space<vmem>> -> memref<128xi32, #tpu.memory_space<vmem>>
      %dma_start3A_1753 = arith.constant 0 : i32
      %dma_start3A_1754 = arith.constant 0 : i32
      %dma_start3A_1755 = tpu.memref_slice %arg4[%dma_start3A_1753, %dma_start3A_1754] : memref<2600000x32xf32, #tpu.memory_space<hbm>> -> memref<2600000x32xf32, #tpu.memory_space<hbm>>
      tpu.enqueue_indirect_dma source(%dma_start3A_1755 : memref<2600000x32xf32, #tpu.memory_space<hbm>>) target(%dma_start3A_1749 : memref<128x32xf32, #tpu.memory_space<vmem>>) offsets(%dma_start3A_1752 : memref<128xi32, #tpu.memory_space<vmem>>) semaphore(%arg11 : memref<!tpu.dma_semaphore, #tpu.memory_space<semaphore_mem>>)
      %dma_start3A_1756 = arith.constant 0 : i32
      %dma_start3A_1757 = arith.constant 0 : i32
      %dma_start3A_1758 = arith.constant 1280 : i32
      %dma_start3A_1759 = arith.constant 0 : i32
      %dma_start3A_1760 = tpu.memref_slice %arg8[%dma_start3A_1757, %dma_start3A_1758, %dma_start3A_1759] : memref<2x1664x32xf32, #tpu.memory_space<vmem>> -> memref<1x128x32xf32, #tpu.memory_space<vmem>>
      %dma_start3A_1761 = tpu.memref_squeeze %dma_start3A_1760 : memref<1x128x32xf32, #tpu.memory_space<vmem>> -> memref<128x32xf32, #tpu.memory_space<vmem>>
      %dma_start3A_1762 = arith.constant 1280 : i32
      %dma_start3A_1763 = tpu.memref_slice %arg6[%dma_start3A_1756, %dma_start3A_1762] : memref<2x1664xi32, #tpu.memory_space<vmem>> -> memref<1x128xi32, #tpu.memory_space<vmem>>
      %dma_start3A_1764 = tpu.memref_squeeze %dma_start3A_1763 : memref<1x128xi32, #tpu.memory_space<vmem>> -> memref<128xi32, #tpu.memory_space<vmem>>
      %dma_start3A_1765 = arith.constant 0 : i32
      %dma_start3A_1766 = arith.constant 0 : i32
      %dma_start3A_1767 = tpu.memref_slice %arg4[%dma_start3A_1765, %dma_start3A_1766] : memref<2600000x32xf32, #tpu.memory_space<hbm>> -> memref<2600000x32xf32, #tpu.memory_space<hbm>>
      tpu.enqueue_indirect_dma source(%dma_start3A_1767 : memref<2600000x32xf32, #tpu.memory_space<hbm>>) target(%dma_start3A_1761 : memref<128x32xf32, #tpu.memory_space<vmem>>) offsets(%dma_start3A_1764 : memref<128xi32, #tpu.memory_space<vmem>>) semaphore(%arg11 : memref<!tpu.dma_semaphore, #tpu.memory_space<semaphore_mem>>)
      %dma_start3A_1768 = arith.constant 0 : i32
      %dma_start3A_1769 = arith.constant 0 : i32
      %dma_start3A_1770 = arith.constant 1408 : i32
      %dma_start3A_1771 = arith.constant 0 : i32
      %dma_start3A_1772 = tpu.memref_slice %arg8[%dma_start3A_1769, %dma_start3A_1770, %dma_start3A_1771] : memref<2x1664x32xf32, #tpu.memory_space<vmem>> -> memref<1x128x32xf32, #tpu.memory_space<vmem>>
      %dma_start3A_1773 = tpu.memref_squeeze %dma_start3A_1772 : memref<1x128x32xf32, #tpu.memory_space<vmem>> -> memref<128x32xf32, #tpu.memory_space<vmem>>
      %dma_start3A_1774 = arith.constant 1408 : i32
      %dma_start3A_1775 = tpu.memref_slice %arg6[%dma_start3A_1768, %dma_start3A_1774] : memref<2x1664xi32, #tpu.memory_space<vmem>> -> memref<1x128xi32, #tpu.memory_space<vmem>>
      %dma_start3A_1776 = tpu.memref_squeeze %dma_start3A_1775 : memref<1x128xi32, #tpu.memory_space<vmem>> -> memref<128xi32, #tpu.memory_space<vmem>>
      %dma_start3A_1777 = arith.constant 0 : i32
      %dma_start3A_1778 = arith.constant 0 : i32
      %dma_start3A_1779 = tpu.memref_slice %arg4[%dma_start3A_1777, %dma_start3A_1778] : memref<2600000x32xf32, #tpu.memory_space<hbm>> -> memref<2600000x32xf32, #tpu.memory_space<hbm>>
      tpu.enqueue_indirect_dma source(%dma_start3A_1779 : memref<2600000x32xf32, #tpu.memory_space<hbm>>) target(%dma_start3A_1773 : memref<128x32xf32, #tpu.memory_space<vmem>>) offsets(%dma_start3A_1776 : memref<128xi32, #tpu.memory_space<vmem>>) semaphore(%arg11 : memref<!tpu.dma_semaphore, #tpu.memory_space<semaphore_mem>>)
      %dma_start3A_1780 = arith.constant 0 : i32
      %dma_start3A_1781 = arith.constant 0 : i32
      %dma_start3A_1782 = arith.constant 1536 : i32
      %dma_start3A_1783 = arith.constant 0 : i32
      %dma_start3A_1784 = tpu.memref_slice %arg8[%dma_start3A_1781, %dma_start3A_1782, %dma_start3A_1783] : memref<2x1664x32xf32, #tpu.memory_space<vmem>> -> memref<1x128x32xf32, #tpu.memory_space<vmem>>
      %dma_start3A_1785 = tpu.memref_squeeze %dma_start3A_1784 : memref<1x128x32xf32, #tpu.memory_space<vmem>> -> memref<128x32xf32, #tpu.memory_space<vmem>>
      %dma_start3A_1786 = arith.constant 1536 : i32
      %dma_start3A_1787 = tpu.memref_slice %arg6[%dma_start3A_1780, %dma_start3A_1786] : memref<2x1664xi32, #tpu.memory_space<vmem>> -> memref<1x128xi32, #tpu.memory_space<vmem>>
      %dma_start3A_1788 = tpu.memref_squeeze %dma_start3A_1787 : memref<1x128xi32, #tpu.memory_space<vmem>> -> memref<128xi32, #tpu.memory_space<vmem>>
      %dma_start3A_1789 = arith.constant 0 : i32
      %dma_start3A_1790 = arith.constant 0 : i32
      %dma_start3A_1791 = tpu.memref_slice %arg4[%dma_start3A_1789, %dma_start3A_1790] : memref<2600000x32xf32, #tpu.memory_space<hbm>> -> memref<2600000x32xf32, #tpu.memory_space<hbm>>
      tpu.enqueue_indirect_dma source(%dma_start3A_1791 : memref<2600000x32xf32, #tpu.memory_space<hbm>>) target(%dma_start3A_1785 : memref<128x32xf32, #tpu.memory_space<vmem>>) offsets(%dma_start3A_1788 : memref<128xi32, #tpu.memory_space<vmem>>) semaphore(%arg11 : memref<!tpu.dma_semaphore, #tpu.memory_space<semaphore_mem>>)
      %dma_wait3A_1792 = arith.constant 0 : i32
      %dma_wait3A_1793 = arith.constant 0 : i32
      %dma_wait3A_1794 = arith.constant 0 : i32
      %dma_wait3A_1795 = arith.constant 0 : i32
      %dma_wait3A_1796 = tpu.memref_slice %arg8[%dma_wait3A_1793, %dma_wait3A_1794, %dma_wait3A_1795] : memref<2x1664x32xf32, #tpu.memory_space<vmem>> -> memref<1x128x32xf32, #tpu.memory_space<vmem>>
      %dma_wait3A_1797 = tpu.memref_squeeze %dma_wait3A_1796 : memref<1x128x32xf32, #tpu.memory_space<vmem>> -> memref<128x32xf32, #tpu.memory_space<vmem>>
      %dma_wait3A_1798 = arith.constant 0 : i32
      %dma_wait3A_1799 = tpu.memref_slice %arg6[%dma_wait3A_1792, %dma_wait3A_1798] : memref<2x1664xi32, #tpu.memory_space<vmem>> -> memref<1x128xi32, #tpu.memory_space<vmem>>
      %dma_wait3A_1800 = tpu.memref_squeeze %dma_wait3A_1799 : memref<1x128xi32, #tpu.memory_space<vmem>> -> memref<128xi32, #tpu.memory_space<vmem>>
      %dma_wait3A_1801 = arith.constant 0 : i32
      %dma_wait3A_1802 = arith.constant 0 : i32
      %dma_wait3A_1803 = tpu.memref_slice %arg4[%dma_wait3A_1801, %dma_wait3A_1802] : memref<2600000x32xf32, #tpu.memory_space<hbm>> -> memref<2600000x32xf32, #tpu.memory_space<hbm>>
      tpu.wait_indirect_dma semaphore(%arg11 : memref<!tpu.dma_semaphore, #tpu.memory_space<semaphore_mem>>) src(%dma_wait3A_1803 : memref<2600000x32xf32, #tpu.memory_space<hbm>>) dst(%dma_wait3A_1797 : memref<128x32xf32, #tpu.memory_space<vmem>>)
      %dma_wait3A_1804 = arith.constant 0 : i32
      %dma_wait3A_1805 = arith.constant 0 : i32
      %dma_wait3A_1806 = arith.constant 128 : i32
      %dma_wait3A_1807 = arith.constant 0 : i32
      %dma_wait3A_1808 = tpu.memref_slice %arg8[%dma_wait3A_1805, %dma_wait3A_1806, %dma_wait3A_1807] : memref<2x1664x32xf32, #tpu.memory_space<vmem>> -> memref<1x128x32xf32, #tpu.memory_space<vmem>>
      %dma_wait3A_1809 = tpu.memref_squeeze %dma_wait3A_1808 : memref<1x128x32xf32, #tpu.memory_space<vmem>> -> memref<128x32xf32, #tpu.memory_space<vmem>>
      %dma_wait3A_1810 = arith.constant 128 : i32
      %dma_wait3A_1811 = tpu.memref_slice %arg6[%dma_wait3A_1804, %dma_wait3A_1810] : memref<2x1664xi32, #tpu.memory_space<vmem>> -> memref<1x128xi32, #tpu.memory_space<vmem>>
      %dma_wait3A_1812 = tpu.memref_squeeze %dma_wait3A_1811 : memref<1x128xi32, #tpu.memory_space<vmem>> -> memref<128xi32, #tpu.memory_space<vmem>>
      %dma_wait3A_1813 = arith.constant 0 : i32
      %dma_wait3A_1814 = arith.constant 0 : i32
      %dma_wait3A_1815 = tpu.memref_slice %arg4[%dma_wait3A_1813, %dma_wait3A_1814] : memref<2600000x32xf32, #tpu.memory_space<hbm>> -> memref<2600000x32xf32, #tpu.memory_space<hbm>>
      tpu.wait_indirect_dma semaphore(%arg11 : memref<!tpu.dma_semaphore, #tpu.memory_space<semaphore_mem>>) src(%dma_wait3A_1815 : memref<2600000x32xf32, #tpu.memory_space<hbm>>) dst(%dma_wait3A_1809 : memref<128x32xf32, #tpu.memory_space<vmem>>)
      %dma_wait3A_1816 = arith.constant 0 : i32
      %dma_wait3A_1817 = arith.constant 0 : i32
      %dma_wait3A_1818 = arith.constant 256 : i32
      %dma_wait3A_1819 = arith.constant 0 : i32
      %dma_wait3A_1820 = tpu.memref_slice %arg8[%dma_wait3A_1817, %dma_wait3A_1818, %dma_wait3A_1819] : memref<2x1664x32xf32, #tpu.memory_space<vmem>> -> memref<1x128x32xf32, #tpu.memory_space<vmem>>
      %dma_wait3A_1821 = tpu.memref_squeeze %dma_wait3A_1820 : memref<1x128x32xf32, #tpu.memory_space<vmem>> -> memref<128x32xf32, #tpu.memory_space<vmem>>
      %dma_wait3A_1822 = arith.constant 256 : i32
      %dma_wait3A_1823 = tpu.memref_slice %arg6[%dma_wait3A_1816, %dma_wait3A_1822] : memref<2x1664xi32, #tpu.memory_space<vmem>> -> memref<1x128xi32, #tpu.memory_space<vmem>>
      %dma_wait3A_1824 = tpu.memref_squeeze %dma_wait3A_1823 : memref<1x128xi32, #tpu.memory_space<vmem>> -> memref<128xi32, #tpu.memory_space<vmem>>
      %dma_wait3A_1825 = arith.constant 0 : i32
      %dma_wait3A_1826 = arith.constant 0 : i32
      %dma_wait3A_1827 = tpu.memref_slice %arg4[%dma_wait3A_1825, %dma_wait3A_1826] : memref<2600000x32xf32, #tpu.memory_space<hbm>> -> memref<2600000x32xf32, #tpu.memory_space<hbm>>
      tpu.wait_indirect_dma semaphore(%arg11 : memref<!tpu.dma_semaphore, #tpu.memory_space<semaphore_mem>>) src(%dma_wait3A_1827 : memref<2600000x32xf32, #tpu.memory_space<hbm>>) dst(%dma_wait3A_1821 : memref<128x32xf32, #tpu.memory_space<vmem>>)
      %dma_wait3A_1828 = arith.constant 0 : i32
      %dma_wait3A_1829 = arith.constant 0 : i32
      %dma_wait3A_1830 = arith.constant 384 : i32
      %dma_wait3A_1831 = arith.constant 0 : i32
      %dma_wait3A_1832 = tpu.memref_slice %arg8[%dma_wait3A_1829, %dma_wait3A_1830, %dma_wait3A_1831] : memref<2x1664x32xf32, #tpu.memory_space<vmem>> -> memref<1x128x32xf32, #tpu.memory_space<vmem>>
      %dma_wait3A_1833 = tpu.memref_squeeze %dma_wait3A_1832 : memref<1x128x32xf32, #tpu.memory_space<vmem>> -> memref<128x32xf32, #tpu.memory_space<vmem>>
      %dma_wait3A_1834 = arith.constant 384 : i32
      %dma_wait3A_1835 = tpu.memref_slice %arg6[%dma_wait3A_1828, %dma_wait3A_1834] : memref<2x1664xi32, #tpu.memory_space<vmem>> -> memref<1x128xi32, #tpu.memory_space<vmem>>
      %dma_wait3A_1836 = tpu.memref_squeeze %dma_wait3A_1835 : memref<1x128xi32, #tpu.memory_space<vmem>> -> memref<128xi32, #tpu.memory_space<vmem>>
      %dma_wait3A_1837 = arith.constant 0 : i32
      %dma_wait3A_1838 = arith.constant 0 : i32
      %dma_wait3A_1839 = tpu.memref_slice %arg4[%dma_wait3A_1837, %dma_wait3A_1838] : memref<2600000x32xf32, #tpu.memory_space<hbm>> -> memref<2600000x32xf32, #tpu.memory_space<hbm>>
      tpu.wait_indirect_dma semaphore(%arg11 : memref<!tpu.dma_semaphore, #tpu.memory_space<semaphore_mem>>) src(%dma_wait3A_1839 : memref<2600000x32xf32, #tpu.memory_space<hbm>>) dst(%dma_wait3A_1833 : memref<128x32xf32, #tpu.memory_space<vmem>>)
      %dma_wait3A_1840 = arith.constant 0 : i32
      %dma_wait3A_1841 = arith.constant 0 : i32
      %dma_wait3A_1842 = arith.constant 512 : i32
      %dma_wait3A_1843 = arith.constant 0 : i32
      %dma_wait3A_1844 = tpu.memref_slice %arg8[%dma_wait3A_1841, %dma_wait3A_1842, %dma_wait3A_1843] : memref<2x1664x32xf32, #tpu.memory_space<vmem>> -> memref<1x128x32xf32, #tpu.memory_space<vmem>>
      %dma_wait3A_1845 = tpu.memref_squeeze %dma_wait3A_1844 : memref<1x128x32xf32, #tpu.memory_space<vmem>> -> memref<128x32xf32, #tpu.memory_space<vmem>>
      %dma_wait3A_1846 = arith.constant 512 : i32
      %dma_wait3A_1847 = tpu.memref_slice %arg6[%dma_wait3A_1840, %dma_wait3A_1846] : memref<2x1664xi32, #tpu.memory_space<vmem>> -> memref<1x128xi32, #tpu.memory_space<vmem>>
      %dma_wait3A_1848 = tpu.memref_squeeze %dma_wait3A_1847 : memref<1x128xi32, #tpu.memory_space<vmem>> -> memref<128xi32, #tpu.memory_space<vmem>>
      %dma_wait3A_1849 = arith.constant 0 : i32
      %dma_wait3A_1850 = arith.constant 0 : i32
      %dma_wait3A_1851 = tpu.memref_slice %arg4[%dma_wait3A_1849, %dma_wait3A_1850] : memref<2600000x32xf32, #tpu.memory_space<hbm>> -> memref<2600000x32xf32, #tpu.memory_space<hbm>>
      tpu.wait_indirect_dma semaphore(%arg11 : memref<!tpu.dma_semaphore, #tpu.memory_space<semaphore_mem>>) src(%dma_wait3A_1851 : memref<2600000x32xf32, #tpu.memory_space<hbm>>) dst(%dma_wait3A_1845 : memref<128x32xf32, #tpu.memory_space<vmem>>)
      %dma_wait3A_1852 = arith.constant 0 : i32
      %dma_wait3A_1853 = arith.constant 0 : i32
      %dma_wait3A_1854 = arith.constant 640 : i32
      %dma_wait3A_1855 = arith.constant 0 : i32
      %dma_wait3A_1856 = tpu.memref_slice %arg8[%dma_wait3A_1853, %dma_wait3A_1854, %dma_wait3A_1855] : memref<2x1664x32xf32, #tpu.memory_space<vmem>> -> memref<1x128x32xf32, #tpu.memory_space<vmem>>
      %dma_wait3A_1857 = tpu.memref_squeeze %dma_wait3A_1856 : memref<1x128x32xf32, #tpu.memory_space<vmem>> -> memref<128x32xf32, #tpu.memory_space<vmem>>
      %dma_wait3A_1858 = arith.constant 640 : i32
      %dma_wait3A_1859 = tpu.memref_slice %arg6[%dma_wait3A_1852, %dma_wait3A_1858] : memref<2x1664xi32, #tpu.memory_space<vmem>> -> memref<1x128xi32, #tpu.memory_space<vmem>>
      %dma_wait3A_1860 = tpu.memref_squeeze %dma_wait3A_1859 : memref<1x128xi32, #tpu.memory_space<vmem>> -> memref<128xi32, #tpu.memory_space<vmem>>
      %dma_wait3A_1861 = arith.constant 0 : i32
      %dma_wait3A_1862 = arith.constant 0 : i32
      %dma_wait3A_1863 = tpu.memref_slice %arg4[%dma_wait3A_1861, %dma_wait3A_1862] : memref<2600000x32xf32, #tpu.memory_space<hbm>> -> memref<2600000x32xf32, #tpu.memory_space<hbm>>
      tpu.wait_indirect_dma semaphore(%arg11 : memref<!tpu.dma_semaphore, #tpu.memory_space<semaphore_mem>>) src(%dma_wait3A_1863 : memref<2600000x32xf32, #tpu.memory_space<hbm>>) dst(%dma_wait3A_1857 : memref<128x32xf32, #tpu.memory_space<vmem>>)
      %dma_wait3A_1864 = arith.constant 0 : i32
      %dma_wait3A_1865 = arith.constant 0 : i32
      %dma_wait3A_1866 = arith.constant 768 : i32
      %dma_wait3A_1867 = arith.constant 0 : i32
      %dma_wait3A_1868 = tpu.memref_slice %arg8[%dma_wait3A_1865, %dma_wait3A_1866, %dma_wait3A_1867] : memref<2x1664x32xf32, #tpu.memory_space<vmem>> -> memref<1x128x32xf32, #tpu.memory_space<vmem>>
      %dma_wait3A_1869 = tpu.memref_squeeze %dma_wait3A_1868 : memref<1x128x32xf32, #tpu.memory_space<vmem>> -> memref<128x32xf32, #tpu.memory_space<vmem>>
      %dma_wait3A_1870 = arith.constant 768 : i32
      %dma_wait3A_1871 = tpu.memref_slice %arg6[%dma_wait3A_1864, %dma_wait3A_1870] : memref<2x1664xi32, #tpu.memory_space<vmem>> -> memref<1x128xi32, #tpu.memory_space<vmem>>
      %dma_wait3A_1872 = tpu.memref_squeeze %dma_wait3A_1871 : memref<1x128xi32, #tpu.memory_space<vmem>> -> memref<128xi32, #tpu.memory_space<vmem>>
      %dma_wait3A_1873 = arith.constant 0 : i32
      %dma_wait3A_1874 = arith.constant 0 : i32
      %dma_wait3A_1875 = tpu.memref_slice %arg4[%dma_wait3A_1873, %dma_wait3A_1874] : memref<2600000x32xf32, #tpu.memory_space<hbm>> -> memref<2600000x32xf32, #tpu.memory_space<hbm>>
      tpu.wait_indirect_dma semaphore(%arg11 : memref<!tpu.dma_semaphore, #tpu.memory_space<semaphore_mem>>) src(%dma_wait3A_1875 : memref<2600000x32xf32, #tpu.memory_space<hbm>>) dst(%dma_wait3A_1869 : memref<128x32xf32, #tpu.memory_space<vmem>>)
      %dma_wait3A_1876 = arith.constant 0 : i32
      %dma_wait3A_1877 = arith.constant 0 : i32
      %dma_wait3A_1878 = arith.constant 896 : i32
      %dma_wait3A_1879 = arith.constant 0 : i32
      %dma_wait3A_1880 = tpu.memref_slice %arg8[%dma_wait3A_1877, %dma_wait3A_1878, %dma_wait3A_1879] : memref<2x1664x32xf32, #tpu.memory_space<vmem>> -> memref<1x128x32xf32, #tpu.memory_space<vmem>>
      %dma_wait3A_1881 = tpu.memref_squeeze %dma_wait3A_1880 : memref<1x128x32xf32, #tpu.memory_space<vmem>> -> memref<128x32xf32, #tpu.memory_space<vmem>>
      %dma_wait3A_1882 = arith.constant 896 : i32
      %dma_wait3A_1883 = tpu.memref_slice %arg6[%dma_wait3A_1876, %dma_wait3A_1882] : memref<2x1664xi32, #tpu.memory_space<vmem>> -> memref<1x128xi32, #tpu.memory_space<vmem>>
      %dma_wait3A_1884 = tpu.memref_squeeze %dma_wait3A_1883 : memref<1x128xi32, #tpu.memory_space<vmem>> -> memref<128xi32, #tpu.memory_space<vmem>>
      %dma_wait3A_1885 = arith.constant 0 : i32
      %dma_wait3A_1886 = arith.constant 0 : i32
      %dma_wait3A_1887 = tpu.memref_slice %arg4[%dma_wait3A_1885, %dma_wait3A_1886] : memref<2600000x32xf32, #tpu.memory_space<hbm>> -> memref<2600000x32xf32, #tpu.memory_space<hbm>>
      tpu.wait_indirect_dma semaphore(%arg11 : memref<!tpu.dma_semaphore, #tpu.memory_space<semaphore_mem>>) src(%dma_wait3A_1887 : memref<2600000x32xf32, #tpu.memory_space<hbm>>) dst(%dma_wait3A_1881 : memref<128x32xf32, #tpu.memory_space<vmem>>)
      %dma_wait3A_1888 = arith.constant 0 : i32
      %dma_wait3A_1889 = arith.constant 0 : i32
      %dma_wait3A_1890 = arith.constant 1024 : i32
      %dma_wait3A_1891 = arith.constant 0 : i32
      %dma_wait3A_1892 = tpu.memref_slice %arg8[%dma_wait3A_1889, %dma_wait3A_1890, %dma_wait3A_1891] : memref<2x1664x32xf32, #tpu.memory_space<vmem>> -> memref<1x128x32xf32, #tpu.memory_space<vmem>>
      %dma_wait3A_1893 = tpu.memref_squeeze %dma_wait3A_1892 : memref<1x128x32xf32, #tpu.memory_space<vmem>> -> memref<128x32xf32, #tpu.memory_space<vmem>>
      %dma_wait3A_1894 = arith.constant 1024 : i32
      %dma_wait3A_1895 = tpu.memref_slice %arg6[%dma_wait3A_1888, %dma_wait3A_1894] : memref<2x1664xi32, #tpu.memory_space<vmem>> -> memref<1x128xi32, #tpu.memory_space<vmem>>
      %dma_wait3A_1896 = tpu.memref_squeeze %dma_wait3A_1895 : memref<1x128xi32, #tpu.memory_space<vmem>> -> memref<128xi32, #tpu.memory_space<vmem>>
      %dma_wait3A_1897 = arith.constant 0 : i32
      %dma_wait3A_1898 = arith.constant 0 : i32
      %dma_wait3A_1899 = tpu.memref_slice %arg4[%dma_wait3A_1897, %dma_wait3A_1898] : memref<2600000x32xf32, #tpu.memory_space<hbm>> -> memref<2600000x32xf32, #tpu.memory_space<hbm>>
      tpu.wait_indirect_dma semaphore(%arg11 : memref<!tpu.dma_semaphore, #tpu.memory_space<semaphore_mem>>) src(%dma_wait3A_1899 : memref<2600000x32xf32, #tpu.memory_space<hbm>>) dst(%dma_wait3A_1893 : memref<128x32xf32, #tpu.memory_space<vmem>>)
      %dma_wait3A_1900 = arith.constant 0 : i32
      %dma_wait3A_1901 = arith.constant 0 : i32
      %dma_wait3A_1902 = arith.constant 1152 : i32
      %dma_wait3A_1903 = arith.constant 0 : i32
      %dma_wait3A_1904 = tpu.memref_slice %arg8[%dma_wait3A_1901, %dma_wait3A_1902, %dma_wait3A_1903] : memref<2x1664x32xf32, #tpu.memory_space<vmem>> -> memref<1x128x32xf32, #tpu.memory_space<vmem>>
      %dma_wait3A_1905 = tpu.memref_squeeze %dma_wait3A_1904 : memref<1x128x32xf32, #tpu.memory_space<vmem>> -> memref<128x32xf32, #tpu.memory_space<vmem>>
      %dma_wait3A_1906 = arith.constant 1152 : i32
      %dma_wait3A_1907 = tpu.memref_slice %arg6[%dma_wait3A_1900, %dma_wait3A_1906] : memref<2x1664xi32, #tpu.memory_space<vmem>> -> memref<1x128xi32, #tpu.memory_space<vmem>>
      %dma_wait3A_1908 = tpu.memref_squeeze %dma_wait3A_1907 : memref<1x128xi32, #tpu.memory_space<vmem>> -> memref<128xi32, #tpu.memory_space<vmem>>
      %dma_wait3A_1909 = arith.constant 0 : i32
      %dma_wait3A_1910 = arith.constant 0 : i32
      %dma_wait3A_1911 = tpu.memref_slice %arg4[%dma_wait3A_1909, %dma_wait3A_1910] : memref<2600000x32xf32, #tpu.memory_space<hbm>> -> memref<2600000x32xf32, #tpu.memory_space<hbm>>
      tpu.wait_indirect_dma semaphore(%arg11 : memref<!tpu.dma_semaphore, #tpu.memory_space<semaphore_mem>>) src(%dma_wait3A_1911 : memref<2600000x32xf32, #tpu.memory_space<hbm>>) dst(%dma_wait3A_1905 : memref<128x32xf32, #tpu.memory_space<vmem>>)
      %dma_wait3A_1912 = arith.constant 0 : i32
      %dma_wait3A_1913 = arith.constant 0 : i32
      %dma_wait3A_1914 = arith.constant 1280 : i32
      %dma_wait3A_1915 = arith.constant 0 : i32
      %dma_wait3A_1916 = tpu.memref_slice %arg8[%dma_wait3A_1913, %dma_wait3A_1914, %dma_wait3A_1915] : memref<2x1664x32xf32, #tpu.memory_space<vmem>> -> memref<1x128x32xf32, #tpu.memory_space<vmem>>
      %dma_wait3A_1917 = tpu.memref_squeeze %dma_wait3A_1916 : memref<1x128x32xf32, #tpu.memory_space<vmem>> -> memref<128x32xf32, #tpu.memory_space<vmem>>
      %dma_wait3A_1918 = arith.constant 1280 : i32
      %dma_wait3A_1919 = tpu.memref_slice %arg6[%dma_wait3A_1912, %dma_wait3A_1918] : memref<2x1664xi32, #tpu.memory_space<vmem>> -> memref<1x128xi32, #tpu.memory_space<vmem>>
      %dma_wait3A_1920 = tpu.memref_squeeze %dma_wait3A_1919 : memref<1x128xi32, #tpu.memory_space<vmem>> -> memref<128xi32, #tpu.memory_space<vmem>>
      %dma_wait3A_1921 = arith.constant 0 : i32
      %dma_wait3A_1922 = arith.constant 0 : i32
      %dma_wait3A_1923 = tpu.memref_slice %arg4[%dma_wait3A_1921, %dma_wait3A_1922] : memref<2600000x32xf32, #tpu.memory_space<hbm>> -> memref<2600000x32xf32, #tpu.memory_space<hbm>>
      tpu.wait_indirect_dma semaphore(%arg11 : memref<!tpu.dma_semaphore, #tpu.memory_space<semaphore_mem>>) src(%dma_wait3A_1923 : memref<2600000x32xf32, #tpu.memory_space<hbm>>) dst(%dma_wait3A_1917 : memref<128x32xf32, #tpu.memory_space<vmem>>)
      %dma_wait3A_1924 = arith.constant 0 : i32
      %dma_wait3A_1925 = arith.constant 0 : i32
      %dma_wait3A_1926 = arith.constant 1408 : i32
      %dma_wait3A_1927 = arith.constant 0 : i32
      %dma_wait3A_1928 = tpu.memref_slice %arg8[%dma_wait3A_1925, %dma_wait3A_1926, %dma_wait3A_1927] : memref<2x1664x32xf32, #tpu.memory_space<vmem>> -> memref<1x128x32xf32, #tpu.memory_space<vmem>>
      %dma_wait3A_1929 = tpu.memref_squeeze %dma_wait3A_1928 : memref<1x128x32xf32, #tpu.memory_space<vmem>> -> memref<128x32xf32, #tpu.memory_space<vmem>>
      %dma_wait3A_1930 = arith.constant 1408 : i32
      %dma_wait3A_1931 = tpu.memref_slice %arg6[%dma_wait3A_1924, %dma_wait3A_1930] : memref<2x1664xi32, #tpu.memory_space<vmem>> -> memref<1x128xi32, #tpu.memory_space<vmem>>
      %dma_wait3A_1932 = tpu.memref_squeeze %dma_wait3A_1931 : memref<1x128xi32, #tpu.memory_space<vmem>> -> memref<128xi32, #tpu.memory_space<vmem>>
      %dma_wait3A_1933 = arith.constant 0 : i32
      %dma_wait3A_1934 = arith.constant 0 : i32
      %dma_wait3A_1935 = tpu.memref_slice %arg4[%dma_wait3A_1933, %dma_wait3A_1934] : memref<2600000x32xf32, #tpu.memory_space<hbm>> -> memref<2600000x32xf32, #tpu.memory_space<hbm>>
      tpu.wait_indirect_dma semaphore(%arg11 : memref<!tpu.dma_semaphore, #tpu.memory_space<semaphore_mem>>) src(%dma_wait3A_1935 : memref<2600000x32xf32, #tpu.memory_space<hbm>>) dst(%dma_wait3A_1929 : memref<128x32xf32, #tpu.memory_space<vmem>>)
      %dma_wait3A_1936 = arith.constant 0 : i32
      %dma_wait3A_1937 = arith.constant 0 : i32
      %dma_wait3A_1938 = arith.constant 1536 : i32
      %dma_wait3A_1939 = arith.constant 0 : i32
      %dma_wait3A_1940 = tpu.memref_slice %arg8[%dma_wait3A_1937, %dma_wait3A_1938, %dma_wait3A_1939] : memref<2x1664x32xf32, #tpu.memory_space<vmem>> -> memref<1x128x32xf32, #tpu.memory_space<vmem>>
      %dma_wait3A_1941 = tpu.memref_squeeze %dma_wait3A_1940 : memref<1x128x32xf32, #tpu.memory_space<vmem>> -> memref<128x32xf32, #tpu.memory_space<vmem>>
      %dma_wait3A_1942 = arith.constant 1536 : i32
      %dma_wait3A_1943 = tpu.memref_slice %arg6[%dma_wait3A_1936, %dma_wait3A_1942] : memref<2x1664xi32, #tpu.memory_space<vmem>> -> memref<1x128xi32, #tpu.memory_space<vmem>>
      %dma_wait3A_1944 = tpu.memref_squeeze %dma_wait3A_1943 : memref<1x128xi32, #tpu.memory_space<vmem>> -> memref<128xi32, #tpu.memory_space<vmem>>
      %dma_wait3A_1945 = arith.constant 0 : i32
      %dma_wait3A_1946 = arith.constant 0 : i32
      %dma_wait3A_1947 = tpu.memref_slice %arg4[%dma_wait3A_1945, %dma_wait3A_1946] : memref<2600000x32xf32, #tpu.memory_space<hbm>> -> memref<2600000x32xf32, #tpu.memory_space<hbm>>
      tpu.wait_indirect_dma semaphore(%arg11 : memref<!tpu.dma_semaphore, #tpu.memory_space<semaphore_mem>>) src(%dma_wait3A_1947 : memref<2600000x32xf32, #tpu.memory_space<hbm>>) dst(%dma_wait3A_1941 : memref<128x32xf32, #tpu.memory_space<vmem>>)
      %dma_start3A_1948 = arith.constant 0 : i32
      %dma_start3A_1949 = arith.constant 0 : i32
      %dma_start3A_1950 = arith.constant 0 : i32
      %dma_start3A_1951 = tpu.memref_slice %arg8[%dma_start3A_1948, %dma_start3A_1949, %dma_start3A_1950] : memref<2x1664x32xf32, #tpu.memory_space<vmem>> -> memref<1x1664x32xf32, #tpu.memory_space<vmem>>
      %dma_start3A_1952 = tpu.memref_squeeze %dma_start3A_1951 : memref<1x1664x32xf32, #tpu.memory_space<vmem>> -> memref<1664x32xf32, #tpu.memory_space<vmem>>
      %dma_start3A_1953 = arith.constant 0 : i32
      %dma_start3A_1954 = tpu.memref_slice %arg5[%add3A_66, %dma_start3A_1953] : memref<2129920x32xf32, #tpu.memory_space<hbm>> -> memref<1664x32xf32, #tpu.memory_space<hbm>>
      %dma_start3A_1955 = arith.constant 0 : i32
      %dma_start3A_1956 = tpu.memref_slice %arg5[%add3A_66, %dma_start3A_1955] : memref<2129920x32xf32, #tpu.memory_space<hbm>> -> memref<1664x32xf32, #tpu.memory_space<hbm>>
      %dma_start3A_1957 = arith.constant 0 : i32
      %dma_start3A_1958 = arith.constant 0 : i32
      %dma_start3A_1959 = tpu.memref_slice %arg8[%dma_start3A_1948, %dma_start3A_1957, %dma_start3A_1958] : memref<2x1664x32xf32, #tpu.memory_space<vmem>> -> memref<1x1664x32xf32, #tpu.memory_space<vmem>>
      %dma_start3A_1960 = tpu.memref_squeeze %dma_start3A_1959 : memref<1x1664x32xf32, #tpu.memory_space<vmem>> -> memref<1664x32xf32, #tpu.memory_space<vmem>>
      tpu.enqueue_dma source(%dma_start3A_1960 : memref<1664x32xf32, #tpu.memory_space<vmem>>) target(%dma_start3A_1956 : memref<1664x32xf32, #tpu.memory_space<hbm>>) target_semaphore(%arg12 : memref<!tpu.dma_semaphore, #tpu.memory_space<semaphore_mem>>)
      %add3A_1961 = arith.constant 2 : i32
      %add3A_1962 = arith.addi %add3A_63, %add3A_1961 : i32
      %lt3A = arith.constant 40 : i32
      %lt3A_1963 = arith.cmpi slt, %add3A_1962, %lt3A : i32
      %convert_element_type3A_1964 = arith.extui %lt3A_1963 : i1 to i32
      %cond3A_1965 = arith.constant 0 : i32
      %cond3A_1966 = arith.cmpi ne, %convert_element_type3A_1964, %cond3A_1965 : i32
      scf.if %cond3A_1966 {
        %add3A_3878 = arith.constant 3328 : i32
        %add3A_3879 = arith.addi %add3A_66, %add3A_3878 : i32
        %dma_start3A_3880 = arith.constant 0 : i32
        %dma_start3A_3881 = arith.constant 0 : i32
        %dma_start3A_3882 = tpu.memref_slice %arg6[%dma_start3A_3880, %dma_start3A_3881] : memref<2x1664xi32, #tpu.memory_space<vmem>> -> memref<1x1664xi32, #tpu.memory_space<vmem>>
        %dma_start3A_3883 = tpu.memref_squeeze %dma_start3A_3882 : memref<1x1664xi32, #tpu.memory_space<vmem>> -> memref<1664xi32, #tpu.memory_space<vmem>>
        %dma_start3A_3884 = tpu.memref_slice %arg2[%add3A_3879] : memref<2129920xi32, #tpu.memory_space<hbm>> -> memref<1664xi32, #tpu.memory_space<hbm>>
        %dma_start3A_3885 = arith.constant 0 : i32
        %dma_start3A_3886 = tpu.memref_slice %arg6[%dma_start3A_3880, %dma_start3A_3885] : memref<2x1664xi32, #tpu.memory_space<vmem>> -> memref<1x1664xi32, #tpu.memory_space<vmem>>
        %dma_start3A_3887 = tpu.memref_squeeze %dma_start3A_3886 : memref<1x1664xi32, #tpu.memory_space<vmem>> -> memref<1664xi32, #tpu.memory_space<vmem>>
        %dma_start3A_3888 = tpu.memref_slice %arg2[%add3A_3879] : memref<2129920xi32, #tpu.memory_space<hbm>> -> memref<1664xi32, #tpu.memory_space<hbm>>
        tpu.enqueue_dma source(%dma_start3A_3888 : memref<1664xi32, #tpu.memory_space<hbm>>) target(%dma_start3A_3887 : memref<1664xi32, #tpu.memory_space<vmem>>) target_semaphore(%arg9 : memref<!tpu.dma_semaphore, #tpu.memory_space<semaphore_mem>>)
      } else {
      }
      %add3A_1967 = arith.constant 1 : i32
      %add3A_1968 = arith.addi %add3A_61, %add3A_1967 : i32
      %mul3A_1969 = arith.constant 1664 : i32
      %mul3A_1970 = arith.muli %add3A_1968, %mul3A_1969 : i32
      %add3A_1971 = arith.addi %mul3A_2, %mul3A_1970 : i32
      %dma_wait3A_1972 = arith.constant 1 : i32
      %dma_wait3A_1973 = arith.constant 0 : i32
      %dma_wait3A_1974 = tpu.memref_slice %arg6[%dma_wait3A_1972, %dma_wait3A_1973] : memref<2x1664xi32, #tpu.memory_space<vmem>> -> memref<1x1664xi32, #tpu.memory_space<vmem>>
      %dma_wait3A_1975 = tpu.memref_squeeze %dma_wait3A_1974 : memref<1x1664xi32, #tpu.memory_space<vmem>> -> memref<1664xi32, #tpu.memory_space<vmem>>
      %dma_wait3A_1976 = tpu.memref_slice %arg2[%add3A_1971] : memref<2129920xi32, #tpu.memory_space<hbm>> -> memref<1664xi32, #tpu.memory_space<hbm>>
      %dma_wait3A_1977 = arith.constant 0 : i32
      %dma_wait3A_1978 = tpu.memref_slice %arg6[%dma_wait3A_1972, %dma_wait3A_1977] : memref<2x1664xi32, #tpu.memory_space<vmem>> -> memref<1x1664xi32, #tpu.memory_space<vmem>>
      %dma_wait3A_1979 = tpu.memref_squeeze %dma_wait3A_1978 : memref<1x1664xi32, #tpu.memory_space<vmem>> -> memref<1664xi32, #tpu.memory_space<vmem>>
      %dma_wait3A_1980 = tpu.memref_slice %arg2[%add3A_1971] : memref<2129920xi32, #tpu.memory_space<hbm>> -> memref<1664xi32, #tpu.memory_space<hbm>>
      tpu.wait_dma2 semaphore(%arg10 : memref<!tpu.dma_semaphore, #tpu.memory_space<semaphore_mem>>) src(%dma_wait3A_1980 : memref<1664xi32, #tpu.memory_space<hbm>>) dst(%dma_wait3A_1979 : memref<1664xi32, #tpu.memory_space<vmem>>)
      %get3A_1981 = arith.constant 1 : i32
      %get3A_1982 = arith.index_cast %get3A_1981 : i32 to index
      %get3A_1983 = arith.constant 0 : index
      %get3A_1984 = tpu.vector_load %arg6[%get3A_1982, %get3A_1983] {strides = array<i32>} : memref<2x1664xi32, #tpu.memory_space<vmem>>, vector<1x16xi32>,
      %get3A_1985 = vector.shape_cast %get3A_1984 : vector<1x16xi32> to vector<16xi32>
      %get3A_1986 = arith.constant 0 : index
      %get3A_1987 = tpu.vector_load %arg7[%get3A_1986] {strides = array<i32>} : memref<1664xi32, #tpu.memory_space<vmem>>, vector<16xi32>,
      %get3A_1988 = vector.shape_cast %get3A_1987 : vector<16xi32> to vector<16xi32>
      %add3A_1989 = arith.addi %get3A_1985, %get3A_1988 : vector<16xi32>
      %swap3A_1990 = arith.constant 1 : i32
      %swap3A_1991 = arith.index_cast %swap3A_1990 : i32 to index
      %swap3A_1992 = arith.constant 0 : index
      %swap3A_1993 = tpu.vector_load %arg6[%swap3A_1991, %swap3A_1992] {strides = array<i32>} : memref<2x1664xi32, #tpu.memory_space<vmem>>, vector<1x16xi32>,
      %swap3A_1994 = vector.shape_cast %swap3A_1993 : vector<1x16xi32> to vector<16xi32>
      %swap3A_1995 = vector.shape_cast %add3A_1989 : vector<16xi32> to vector<1x16xi32>
      tpu.vector_store %arg6[%swap3A_1991, %swap3A_1992], %swap3A_1995 {strides = array<i32>} : memref<2x1664xi32, #tpu.memory_space<vmem>>, vector<1x16xi32>,
      %get3A_1996 = arith.constant 1 : i32
      %get3A_1997 = arith.index_cast %get3A_1996 : i32 to index
      %get3A_1998 = arith.constant 16 : index
      %get3A_1999 = tpu.vector_load %arg6[%get3A_1997, %get3A_1998] {strides = array<i32>} : memref<2x1664xi32, #tpu.memory_space<vmem>>, vector<1x16xi32>,
      %get3A_2000 = vector.shape_cast %get3A_1999 : vector<1x16xi32> to vector<16xi32>
      %get3A_2001 = arith.constant 16 : index
      %get3A_2002 = tpu.vector_load %arg7[%get3A_2001] {strides = array<i32>} : memref<1664xi32, #tpu.memory_space<vmem>>, vector<16xi32>,
      %get3A_2003 = vector.shape_cast %get3A_2002 : vector<16xi32> to vector<16xi32>
      %add3A_2004 = arith.addi %get3A_2000, %get3A_2003 : vector<16xi32>
      %swap3A_2005 = arith.constant 1 : i32
      %swap3A_2006 = arith.index_cast %swap3A_2005 : i32 to index
      %swap3A_2007 = arith.constant 16 : index
      %swap3A_2008 = tpu.vector_load %arg6[%swap3A_2006, %swap3A_2007] {strides = array<i32>} : memref<2x1664xi32, #tpu.memory_space<vmem>>, vector<1x16xi32>,
      %swap3A_2009 = vector.shape_cast %swap3A_2008 : vector<1x16xi32> to vector<16xi32>
      %swap3A_2010 = vector.shape_cast %add3A_2004 : vector<16xi32> to vector<1x16xi32>
      tpu.vector_store %arg6[%swap3A_2006, %swap3A_2007], %swap3A_2010 {strides = array<i32>} : memref<2x1664xi32, #tpu.memory_space<vmem>>, vector<1x16xi32>,
      %get3A_2011 = arith.constant 1 : i32
      %get3A_2012 = arith.index_cast %get3A_2011 : i32 to index
      %get3A_2013 = arith.constant 32 : index
      %get3A_2014 = tpu.vector_load %arg6[%get3A_2012, %get3A_2013] {strides = array<i32>} : memref<2x1664xi32, #tpu.memory_space<vmem>>, vector<1x16xi32>,
      %get3A_2015 = vector.shape_cast %get3A_2014 : vector<1x16xi32> to vector<16xi32>
      %get3A_2016 = arith.constant 32 : index
      %get3A_2017 = tpu.vector_load %arg7[%get3A_2016] {strides = array<i32>} : memref<1664xi32, #tpu.memory_space<vmem>>, vector<16xi32>,
      %get3A_2018 = vector.shape_cast %get3A_2017 : vector<16xi32> to vector<16xi32>
      %add3A_2019 = arith.addi %get3A_2015, %get3A_2018 : vector<16xi32>
      %swap3A_2020 = arith.constant 1 : i32
      %swap3A_2021 = arith.index_cast %swap3A_2020 : i32 to index
      %swap3A_2022 = arith.constant 32 : index
      %swap3A_2023 = tpu.vector_load %arg6[%swap3A_2021, %swap3A_2022] {strides = array<i32>} : memref<2x1664xi32, #tpu.memory_space<vmem>>, vector<1x16xi32>,
      %swap3A_2024 = vector.shape_cast %swap3A_2023 : vector<1x16xi32> to vector<16xi32>
      %swap3A_2025 = vector.shape_cast %add3A_2019 : vector<16xi32> to vector<1x16xi32>
      tpu.vector_store %arg6[%swap3A_2021, %swap3A_2022], %swap3A_2025 {strides = array<i32>} : memref<2x1664xi32, #tpu.memory_space<vmem>>, vector<1x16xi32>,
      %get3A_2026 = arith.constant 1 : i32
      %get3A_2027 = arith.index_cast %get3A_2026 : i32 to index
      %get3A_2028 = arith.constant 48 : index
      %get3A_2029 = tpu.vector_load %arg6[%get3A_2027, %get3A_2028] {strides = array<i32>} : memref<2x1664xi32, #tpu.memory_space<vmem>>, vector<1x16xi32>,
      %get3A_2030 = vector.shape_cast %get3A_2029 : vector<1x16xi32> to vector<16xi32>
      %get3A_2031 = arith.constant 48 : index
      %get3A_2032 = tpu.vector_load %arg7[%get3A_2031] {strides = array<i32>} : memref<1664xi32, #tpu.memory_space<vmem>>, vector<16xi32>,
      %get3A_2033 = vector.shape_cast %get3A_2032 : vector<16xi32> to vector<16xi32>
      %add3A_2034 = arith.addi %get3A_2030, %get3A_2033 : vector<16xi32>
      %swap3A_2035 = arith.constant 1 : i32
      %swap3A_2036 = arith.index_cast %swap3A_2035 : i32 to index
      %swap3A_2037 = arith.constant 48 : index
      %swap3A_2038 = tpu.vector_load %arg6[%swap3A_2036, %swap3A_2037] {strides = array<i32>} : memref<2x1664xi32, #tpu.memory_space<vmem>>, vector<1x16xi32>,
      %swap3A_2039 = vector.shape_cast %swap3A_2038 : vector<1x16xi32> to vector<16xi32>
      %swap3A_2040 = vector.shape_cast %add3A_2034 : vector<16xi32> to vector<1x16xi32>
      tpu.vector_store %arg6[%swap3A_2036, %swap3A_2037], %swap3A_2040 {strides = array<i32>} : memref<2x1664xi32, #tpu.memory_space<vmem>>, vector<1x16xi32>,
      %get3A_2041 = arith.constant 1 : i32
      %get3A_2042 = arith.index_cast %get3A_2041 : i32 to index
      %get3A_2043 = arith.constant 64 : index
      %get3A_2044 = tpu.vector_load %arg6[%get3A_2042, %get3A_2043] {strides = array<i32>} : memref<2x1664xi32, #tpu.memory_space<vmem>>, vector<1x16xi32>,
      %get3A_2045 = vector.shape_cast %get3A_2044 : vector<1x16xi32> to vector<16xi32>
      %get3A_2046 = arith.constant 64 : index
      %get3A_2047 = tpu.vector_load %arg7[%get3A_2046] {strides = array<i32>} : memref<1664xi32, #tpu.memory_space<vmem>>, vector<16xi32>,
      %get3A_2048 = vector.shape_cast %get3A_2047 : vector<16xi32> to vector<16xi32>
      %add3A_2049 = arith.addi %get3A_2045, %get3A_2048 : vector<16xi32>
      %swap3A_2050 = arith.constant 1 : i32
      %swap3A_2051 = arith.index_cast %swap3A_2050 : i32 to index
      %swap3A_2052 = arith.constant 64 : index
      %swap3A_2053 = tpu.vector_load %arg6[%swap3A_2051, %swap3A_2052] {strides = array<i32>} : memref<2x1664xi32, #tpu.memory_space<vmem>>, vector<1x16xi32>,
      %swap3A_2054 = vector.shape_cast %swap3A_2053 : vector<1x16xi32> to vector<16xi32>
      %swap3A_2055 = vector.shape_cast %add3A_2049 : vector<16xi32> to vector<1x16xi32>
      tpu.vector_store %arg6[%swap3A_2051, %swap3A_2052], %swap3A_2055 {strides = array<i32>} : memref<2x1664xi32, #tpu.memory_space<vmem>>, vector<1x16xi32>,
      %get3A_2056 = arith.constant 1 : i32
      %get3A_2057 = arith.index_cast %get3A_2056 : i32 to index
      %get3A_2058 = arith.constant 80 : index
      %get3A_2059 = tpu.vector_load %arg6[%get3A_2057, %get3A_2058] {strides = array<i32>} : memref<2x1664xi32, #tpu.memory_space<vmem>>, vector<1x16xi32>,
      %get3A_2060 = vector.shape_cast %get3A_2059 : vector<1x16xi32> to vector<16xi32>
      %get3A_2061 = arith.constant 80 : index
      %get3A_2062 = tpu.vector_load %arg7[%get3A_2061] {strides = array<i32>} : memref<1664xi32, #tpu.memory_space<vmem>>, vector<16xi32>,
      %get3A_2063 = vector.shape_cast %get3A_2062 : vector<16xi32> to vector<16xi32>
      %add3A_2064 = arith.addi %get3A_2060, %get3A_2063 : vector<16xi32>
      %swap3A_2065 = arith.constant 1 : i32
      %swap3A_2066 = arith.index_cast %swap3A_2065 : i32 to index
      %swap3A_2067 = arith.constant 80 : index
      %swap3A_2068 = tpu.vector_load %arg6[%swap3A_2066, %swap3A_2067] {strides = array<i32>} : memref<2x1664xi32, #tpu.memory_space<vmem>>, vector<1x16xi32>,
      %swap3A_2069 = vector.shape_cast %swap3A_2068 : vector<1x16xi32> to vector<16xi32>
      %swap3A_2070 = vector.shape_cast %add3A_2064 : vector<16xi32> to vector<1x16xi32>
      tpu.vector_store %arg6[%swap3A_2066, %swap3A_2067], %swap3A_2070 {strides = array<i32>} : memref<2x1664xi32, #tpu.memory_space<vmem>>, vector<1x16xi32>,
      %get3A_2071 = arith.constant 1 : i32
      %get3A_2072 = arith.index_cast %get3A_2071 : i32 to index
      %get3A_2073 = arith.constant 96 : index
      %get3A_2074 = tpu.vector_load %arg6[%get3A_2072, %get3A_2073] {strides = array<i32>} : memref<2x1664xi32, #tpu.memory_space<vmem>>, vector<1x16xi32>,
      %get3A_2075 = vector.shape_cast %get3A_2074 : vector<1x16xi32> to vector<16xi32>
      %get3A_2076 = arith.constant 96 : index
      %get3A_2077 = tpu.vector_load %arg7[%get3A_2076] {strides = array<i32>} : memref<1664xi32, #tpu.memory_space<vmem>>, vector<16xi32>,
      %get3A_2078 = vector.shape_cast %get3A_2077 : vector<16xi32> to vector<16xi32>
      %add3A_2079 = arith.addi %get3A_2075, %get3A_2078 : vector<16xi32>
      %swap3A_2080 = arith.constant 1 : i32
      %swap3A_2081 = arith.index_cast %swap3A_2080 : i32 to index
      %swap3A_2082 = arith.constant 96 : index
      %swap3A_2083 = tpu.vector_load %arg6[%swap3A_2081, %swap3A_2082] {strides = array<i32>} : memref<2x1664xi32, #tpu.memory_space<vmem>>, vector<1x16xi32>,
      %swap3A_2084 = vector.shape_cast %swap3A_2083 : vector<1x16xi32> to vector<16xi32>
      %swap3A_2085 = vector.shape_cast %add3A_2079 : vector<16xi32> to vector<1x16xi32>
      tpu.vector_store %arg6[%swap3A_2081, %swap3A_2082], %swap3A_2085 {strides = array<i32>} : memref<2x1664xi32, #tpu.memory_space<vmem>>, vector<1x16xi32>,
      %get3A_2086 = arith.constant 1 : i32
      %get3A_2087 = arith.index_cast %get3A_2086 : i32 to index
      %get3A_2088 = arith.constant 112 : index
      %get3A_2089 = tpu.vector_load %arg6[%get3A_2087, %get3A_2088] {strides = array<i32>} : memref<2x1664xi32, #tpu.memory_space<vmem>>, vector<1x16xi32>,
      %get3A_2090 = vector.shape_cast %get3A_2089 : vector<1x16xi32> to vector<16xi32>
      %get3A_2091 = arith.constant 112 : index
      %get3A_2092 = tpu.vector_load %arg7[%get3A_2091] {strides = array<i32>} : memref<1664xi32, #tpu.memory_space<vmem>>, vector<16xi32>,
      %get3A_2093 = vector.shape_cast %get3A_2092 : vector<16xi32> to vector<16xi32>
      %add3A_2094 = arith.addi %get3A_2090, %get3A_2093 : vector<16xi32>
      %swap3A_2095 = arith.constant 1 : i32
      %swap3A_2096 = arith.index_cast %swap3A_2095 : i32 to index
      %swap3A_2097 = arith.constant 112 : index
      %swap3A_2098 = tpu.vector_load %arg6[%swap3A_2096, %swap3A_2097] {strides = array<i32>} : memref<2x1664xi32, #tpu.memory_space<vmem>>, vector<1x16xi32>,
      %swap3A_2099 = vector.shape_cast %swap3A_2098 : vector<1x16xi32> to vector<16xi32>
      %swap3A_2100 = vector.shape_cast %add3A_2094 : vector<16xi32> to vector<1x16xi32>
      tpu.vector_store %arg6[%swap3A_2096, %swap3A_2097], %swap3A_2100 {strides = array<i32>} : memref<2x1664xi32, #tpu.memory_space<vmem>>, vector<1x16xi32>,
      %get3A_2101 = arith.constant 1 : i32
      %get3A_2102 = arith.index_cast %get3A_2101 : i32 to index
      %get3A_2103 = arith.constant 128 : index
      %get3A_2104 = tpu.vector_load %arg6[%get3A_2102, %get3A_2103] {strides = array<i32>} : memref<2x1664xi32, #tpu.memory_space<vmem>>, vector<1x16xi32>,
      %get3A_2105 = vector.shape_cast %get3A_2104 : vector<1x16xi32> to vector<16xi32>
      %get3A_2106 = arith.constant 128 : index
      %get3A_2107 = tpu.vector_load %arg7[%get3A_2106] {strides = array<i32>} : memref<1664xi32, #tpu.memory_space<vmem>>, vector<16xi32>,
      %get3A_2108 = vector.shape_cast %get3A_2107 : vector<16xi32> to vector<16xi32>
      %add3A_2109 = arith.addi %get3A_2105, %get3A_2108 : vector<16xi32>
      %swap3A_2110 = arith.constant 1 : i32
      %swap3A_2111 = arith.index_cast %swap3A_2110 : i32 to index
      %swap3A_2112 = arith.constant 128 : index
      %swap3A_2113 = tpu.vector_load %arg6[%swap3A_2111, %swap3A_2112] {strides = array<i32>} : memref<2x1664xi32, #tpu.memory_space<vmem>>, vector<1x16xi32>,
      %swap3A_2114 = vector.shape_cast %swap3A_2113 : vector<1x16xi32> to vector<16xi32>
      %swap3A_2115 = vector.shape_cast %add3A_2109 : vector<16xi32> to vector<1x16xi32>
      tpu.vector_store %arg6[%swap3A_2111, %swap3A_2112], %swap3A_2115 {strides = array<i32>} : memref<2x1664xi32, #tpu.memory_space<vmem>>, vector<1x16xi32>,
      %get3A_2116 = arith.constant 1 : i32
      %get3A_2117 = arith.index_cast %get3A_2116 : i32 to index
      %get3A_2118 = arith.constant 144 : index
      %get3A_2119 = tpu.vector_load %arg6[%get3A_2117, %get3A_2118] {strides = array<i32>} : memref<2x1664xi32, #tpu.memory_space<vmem>>, vector<1x16xi32>,
      %get3A_2120 = vector.shape_cast %get3A_2119 : vector<1x16xi32> to vector<16xi32>
      %get3A_2121 = arith.constant 144 : index
      %get3A_2122 = tpu.vector_load %arg7[%get3A_2121] {strides = array<i32>} : memref<1664xi32, #tpu.memory_space<vmem>>, vector<16xi32>,
      %get3A_2123 = vector.shape_cast %get3A_2122 : vector<16xi32> to vector<16xi32>
      %add3A_2124 = arith.addi %get3A_2120, %get3A_2123 : vector<16xi32>
      %swap3A_2125 = arith.constant 1 : i32
      %swap3A_2126 = arith.index_cast %swap3A_2125 : i32 to index
      %swap3A_2127 = arith.constant 144 : index
      %swap3A_2128 = tpu.vector_load %arg6[%swap3A_2126, %swap3A_2127] {strides = array<i32>} : memref<2x1664xi32, #tpu.memory_space<vmem>>, vector<1x16xi32>,
      %swap3A_2129 = vector.shape_cast %swap3A_2128 : vector<1x16xi32> to vector<16xi32>
      %swap3A_2130 = vector.shape_cast %add3A_2124 : vector<16xi32> to vector<1x16xi32>
      tpu.vector_store %arg6[%swap3A_2126, %swap3A_2127], %swap3A_2130 {strides = array<i32>} : memref<2x1664xi32, #tpu.memory_space<vmem>>, vector<1x16xi32>,
      %get3A_2131 = arith.constant 1 : i32
      %get3A_2132 = arith.index_cast %get3A_2131 : i32 to index
      %get3A_2133 = arith.constant 160 : index
      %get3A_2134 = tpu.vector_load %arg6[%get3A_2132, %get3A_2133] {strides = array<i32>} : memref<2x1664xi32, #tpu.memory_space<vmem>>, vector<1x16xi32>,
      %get3A_2135 = vector.shape_cast %get3A_2134 : vector<1x16xi32> to vector<16xi32>
      %get3A_2136 = arith.constant 160 : index
      %get3A_2137 = tpu.vector_load %arg7[%get3A_2136] {strides = array<i32>} : memref<1664xi32, #tpu.memory_space<vmem>>, vector<16xi32>,
      %get3A_2138 = vector.shape_cast %get3A_2137 : vector<16xi32> to vector<16xi32>
      %add3A_2139 = arith.addi %get3A_2135, %get3A_2138 : vector<16xi32>
      %swap3A_2140 = arith.constant 1 : i32
      %swap3A_2141 = arith.index_cast %swap3A_2140 : i32 to index
      %swap3A_2142 = arith.constant 160 : index
      %swap3A_2143 = tpu.vector_load %arg6[%swap3A_2141, %swap3A_2142] {strides = array<i32>} : memref<2x1664xi32, #tpu.memory_space<vmem>>, vector<1x16xi32>,
      %swap3A_2144 = vector.shape_cast %swap3A_2143 : vector<1x16xi32> to vector<16xi32>
      %swap3A_2145 = vector.shape_cast %add3A_2139 : vector<16xi32> to vector<1x16xi32>
      tpu.vector_store %arg6[%swap3A_2141, %swap3A_2142], %swap3A_2145 {strides = array<i32>} : memref<2x1664xi32, #tpu.memory_space<vmem>>, vector<1x16xi32>,
      %get3A_2146 = arith.constant 1 : i32
      %get3A_2147 = arith.index_cast %get3A_2146 : i32 to index
      %get3A_2148 = arith.constant 176 : index
      %get3A_2149 = tpu.vector_load %arg6[%get3A_2147, %get3A_2148] {strides = array<i32>} : memref<2x1664xi32, #tpu.memory_space<vmem>>, vector<1x16xi32>,
      %get3A_2150 = vector.shape_cast %get3A_2149 : vector<1x16xi32> to vector<16xi32>
      %get3A_2151 = arith.constant 176 : index
      %get3A_2152 = tpu.vector_load %arg7[%get3A_2151] {strides = array<i32>} : memref<1664xi32, #tpu.memory_space<vmem>>, vector<16xi32>,
      %get3A_2153 = vector.shape_cast %get3A_2152 : vector<16xi32> to vector<16xi32>
      %add3A_2154 = arith.addi %get3A_2150, %get3A_2153 : vector<16xi32>
      %swap3A_2155 = arith.constant 1 : i32
      %swap3A_2156 = arith.index_cast %swap3A_2155 : i32 to index
      %swap3A_2157 = arith.constant 176 : index
      %swap3A_2158 = tpu.vector_load %arg6[%swap3A_2156, %swap3A_2157] {strides = array<i32>} : memref<2x1664xi32, #tpu.memory_space<vmem>>, vector<1x16xi32>,
      %swap3A_2159 = vector.shape_cast %swap3A_2158 : vector<1x16xi32> to vector<16xi32>
      %swap3A_2160 = vector.shape_cast %add3A_2154 : vector<16xi32> to vector<1x16xi32>
      tpu.vector_store %arg6[%swap3A_2156, %swap3A_2157], %swap3A_2160 {strides = array<i32>} : memref<2x1664xi32, #tpu.memory_space<vmem>>, vector<1x16xi32>,
      %get3A_2161 = arith.constant 1 : i32
      %get3A_2162 = arith.index_cast %get3A_2161 : i32 to index
      %get3A_2163 = arith.constant 192 : index
      %get3A_2164 = tpu.vector_load %arg6[%get3A_2162, %get3A_2163] {strides = array<i32>} : memref<2x1664xi32, #tpu.memory_space<vmem>>, vector<1x16xi32>,
      %get3A_2165 = vector.shape_cast %get3A_2164 : vector<1x16xi32> to vector<16xi32>
      %get3A_2166 = arith.constant 192 : index
      %get3A_2167 = tpu.vector_load %arg7[%get3A_2166] {strides = array<i32>} : memref<1664xi32, #tpu.memory_space<vmem>>, vector<16xi32>,
      %get3A_2168 = vector.shape_cast %get3A_2167 : vector<16xi32> to vector<16xi32>
      %add3A_2169 = arith.addi %get3A_2165, %get3A_2168 : vector<16xi32>
      %swap3A_2170 = arith.constant 1 : i32
      %swap3A_2171 = arith.index_cast %swap3A_2170 : i32 to index
      %swap3A_2172 = arith.constant 192 : index
      %swap3A_2173 = tpu.vector_load %arg6[%swap3A_2171, %swap3A_2172] {strides = array<i32>} : memref<2x1664xi32, #tpu.memory_space<vmem>>, vector<1x16xi32>,
      %swap3A_2174 = vector.shape_cast %swap3A_2173 : vector<1x16xi32> to vector<16xi32>
      %swap3A_2175 = vector.shape_cast %add3A_2169 : vector<16xi32> to vector<1x16xi32>
      tpu.vector_store %arg6[%swap3A_2171, %swap3A_2172], %swap3A_2175 {strides = array<i32>} : memref<2x1664xi32, #tpu.memory_space<vmem>>, vector<1x16xi32>,
      %get3A_2176 = arith.constant 1 : i32
      %get3A_2177 = arith.index_cast %get3A_2176 : i32 to index
      %get3A_2178 = arith.constant 208 : index
      %get3A_2179 = tpu.vector_load %arg6[%get3A_2177, %get3A_2178] {strides = array<i32>} : memref<2x1664xi32, #tpu.memory_space<vmem>>, vector<1x16xi32>,
      %get3A_2180 = vector.shape_cast %get3A_2179 : vector<1x16xi32> to vector<16xi32>
      %get3A_2181 = arith.constant 208 : index
      %get3A_2182 = tpu.vector_load %arg7[%get3A_2181] {strides = array<i32>} : memref<1664xi32, #tpu.memory_space<vmem>>, vector<16xi32>,
      %get3A_2183 = vector.shape_cast %get3A_2182 : vector<16xi32> to vector<16xi32>
      %add3A_2184 = arith.addi %get3A_2180, %get3A_2183 : vector<16xi32>
      %swap3A_2185 = arith.constant 1 : i32
      %swap3A_2186 = arith.index_cast %swap3A_2185 : i32 to index
      %swap3A_2187 = arith.constant 208 : index
      %swap3A_2188 = tpu.vector_load %arg6[%swap3A_2186, %swap3A_2187] {strides = array<i32>} : memref<2x1664xi32, #tpu.memory_space<vmem>>, vector<1x16xi32>,
      %swap3A_2189 = vector.shape_cast %swap3A_2188 : vector<1x16xi32> to vector<16xi32>
      %swap3A_2190 = vector.shape_cast %add3A_2184 : vector<16xi32> to vector<1x16xi32>
      tpu.vector_store %arg6[%swap3A_2186, %swap3A_2187], %swap3A_2190 {strides = array<i32>} : memref<2x1664xi32, #tpu.memory_space<vmem>>, vector<1x16xi32>,
      %get3A_2191 = arith.constant 1 : i32
      %get3A_2192 = arith.index_cast %get3A_2191 : i32 to index
      %get3A_2193 = arith.constant 224 : index
      %get3A_2194 = tpu.vector_load %arg6[%get3A_2192, %get3A_2193] {strides = array<i32>} : memref<2x1664xi32, #tpu.memory_space<vmem>>, vector<1x16xi32>,
      %get3A_2195 = vector.shape_cast %get3A_2194 : vector<1x16xi32> to vector<16xi32>
      %get3A_2196 = arith.constant 224 : index
      %get3A_2197 = tpu.vector_load %arg7[%get3A_2196] {strides = array<i32>} : memref<1664xi32, #tpu.memory_space<vmem>>, vector<16xi32>,
      %get3A_2198 = vector.shape_cast %get3A_2197 : vector<16xi32> to vector<16xi32>
      %add3A_2199 = arith.addi %get3A_2195, %get3A_2198 : vector<16xi32>
      %swap3A_2200 = arith.constant 1 : i32
      %swap3A_2201 = arith.index_cast %swap3A_2200 : i32 to index
      %swap3A_2202 = arith.constant 224 : index
      %swap3A_2203 = tpu.vector_load %arg6[%swap3A_2201, %swap3A_2202] {strides = array<i32>} : memref<2x1664xi32, #tpu.memory_space<vmem>>, vector<1x16xi32>,
      %swap3A_2204 = vector.shape_cast %swap3A_2203 : vector<1x16xi32> to vector<16xi32>
      %swap3A_2205 = vector.shape_cast %add3A_2199 : vector<16xi32> to vector<1x16xi32>
      tpu.vector_store %arg6[%swap3A_2201, %swap3A_2202], %swap3A_2205 {strides = array<i32>} : memref<2x1664xi32, #tpu.memory_space<vmem>>, vector<1x16xi32>,
      %get3A_2206 = arith.constant 1 : i32
      %get3A_2207 = arith.index_cast %get3A_2206 : i32 to index
      %get3A_2208 = arith.constant 240 : index
      %get3A_2209 = tpu.vector_load %arg6[%get3A_2207, %get3A_2208] {strides = array<i32>} : memref<2x1664xi32, #tpu.memory_space<vmem>>, vector<1x16xi32>,
      %get3A_2210 = vector.shape_cast %get3A_2209 : vector<1x16xi32> to vector<16xi32>
      %get3A_2211 = arith.constant 240 : index
      %get3A_2212 = tpu.vector_load %arg7[%get3A_2211] {strides = array<i32>} : memref<1664xi32, #tpu.memory_space<vmem>>, vector<16xi32>,
      %get3A_2213 = vector.shape_cast %get3A_2212 : vector<16xi32> to vector<16xi32>
      %add3A_2214 = arith.addi %get3A_2210, %get3A_2213 : vector<16xi32>
      %swap3A_2215 = arith.constant 1 : i32
      %swap3A_2216 = arith.index_cast %swap3A_2215 : i32 to index
      %swap3A_2217 = arith.constant 240 : index
      %swap3A_2218 = tpu.vector_load %arg6[%swap3A_2216, %swap3A_2217] {strides = array<i32>} : memref<2x1664xi32, #tpu.memory_space<vmem>>, vector<1x16xi32>,
      %swap3A_2219 = vector.shape_cast %swap3A_2218 : vector<1x16xi32> to vector<16xi32>
      %swap3A_2220 = vector.shape_cast %add3A_2214 : vector<16xi32> to vector<1x16xi32>
      tpu.vector_store %arg6[%swap3A_2216, %swap3A_2217], %swap3A_2220 {strides = array<i32>} : memref<2x1664xi32, #tpu.memory_space<vmem>>, vector<1x16xi32>,
      %get3A_2221 = arith.constant 1 : i32
      %get3A_2222 = arith.index_cast %get3A_2221 : i32 to index
      %get3A_2223 = arith.constant 256 : index
      %get3A_2224 = tpu.vector_load %arg6[%get3A_2222, %get3A_2223] {strides = array<i32>} : memref<2x1664xi32, #tpu.memory_space<vmem>>, vector<1x16xi32>,
      %get3A_2225 = vector.shape_cast %get3A_2224 : vector<1x16xi32> to vector<16xi32>
      %get3A_2226 = arith.constant 256 : index
      %get3A_2227 = tpu.vector_load %arg7[%get3A_2226] {strides = array<i32>} : memref<1664xi32, #tpu.memory_space<vmem>>, vector<16xi32>,
      %get3A_2228 = vector.shape_cast %get3A_2227 : vector<16xi32> to vector<16xi32>
      %add3A_2229 = arith.addi %get3A_2225, %get3A_2228 : vector<16xi32>
      %swap3A_2230 = arith.constant 1 : i32
      %swap3A_2231 = arith.index_cast %swap3A_2230 : i32 to index
      %swap3A_2232 = arith.constant 256 : index
      %swap3A_2233 = tpu.vector_load %arg6[%swap3A_2231, %swap3A_2232] {strides = array<i32>} : memref<2x1664xi32, #tpu.memory_space<vmem>>, vector<1x16xi32>,
      %swap3A_2234 = vector.shape_cast %swap3A_2233 : vector<1x16xi32> to vector<16xi32>
      %swap3A_2235 = vector.shape_cast %add3A_2229 : vector<16xi32> to vector<1x16xi32>
      tpu.vector_store %arg6[%swap3A_2231, %swap3A_2232], %swap3A_2235 {strides = array<i32>} : memref<2x1664xi32, #tpu.memory_space<vmem>>, vector<1x16xi32>,
      %get3A_2236 = arith.constant 1 : i32
      %get3A_2237 = arith.index_cast %get3A_2236 : i32 to index
      %get3A_2238 = arith.constant 272 : index
      %get3A_2239 = tpu.vector_load %arg6[%get3A_2237, %get3A_2238] {strides = array<i32>} : memref<2x1664xi32, #tpu.memory_space<vmem>>, vector<1x16xi32>,
      %get3A_2240 = vector.shape_cast %get3A_2239 : vector<1x16xi32> to vector<16xi32>
      %get3A_2241 = arith.constant 272 : index
      %get3A_2242 = tpu.vector_load %arg7[%get3A_2241] {strides = array<i32>} : memref<1664xi32, #tpu.memory_space<vmem>>, vector<16xi32>,
      %get3A_2243 = vector.shape_cast %get3A_2242 : vector<16xi32> to vector<16xi32>
      %add3A_2244 = arith.addi %get3A_2240, %get3A_2243 : vector<16xi32>
      %swap3A_2245 = arith.constant 1 : i32
      %swap3A_2246 = arith.index_cast %swap3A_2245 : i32 to index
      %swap3A_2247 = arith.constant 272 : index
      %swap3A_2248 = tpu.vector_load %arg6[%swap3A_2246, %swap3A_2247] {strides = array<i32>} : memref<2x1664xi32, #tpu.memory_space<vmem>>, vector<1x16xi32>,
      %swap3A_2249 = vector.shape_cast %swap3A_2248 : vector<1x16xi32> to vector<16xi32>
      %swap3A_2250 = vector.shape_cast %add3A_2244 : vector<16xi32> to vector<1x16xi32>
      tpu.vector_store %arg6[%swap3A_2246, %swap3A_2247], %swap3A_2250 {strides = array<i32>} : memref<2x1664xi32, #tpu.memory_space<vmem>>, vector<1x16xi32>,
      %get3A_2251 = arith.constant 1 : i32
      %get3A_2252 = arith.index_cast %get3A_2251 : i32 to index
      %get3A_2253 = arith.constant 288 : index
      %get3A_2254 = tpu.vector_load %arg6[%get3A_2252, %get3A_2253] {strides = array<i32>} : memref<2x1664xi32, #tpu.memory_space<vmem>>, vector<1x16xi32>,
      %get3A_2255 = vector.shape_cast %get3A_2254 : vector<1x16xi32> to vector<16xi32>
      %get3A_2256 = arith.constant 288 : index
      %get3A_2257 = tpu.vector_load %arg7[%get3A_2256] {strides = array<i32>} : memref<1664xi32, #tpu.memory_space<vmem>>, vector<16xi32>,
      %get3A_2258 = vector.shape_cast %get3A_2257 : vector<16xi32> to vector<16xi32>
      %add3A_2259 = arith.addi %get3A_2255, %get3A_2258 : vector<16xi32>
      %swap3A_2260 = arith.constant 1 : i32
      %swap3A_2261 = arith.index_cast %swap3A_2260 : i32 to index
      %swap3A_2262 = arith.constant 288 : index
      %swap3A_2263 = tpu.vector_load %arg6[%swap3A_2261, %swap3A_2262] {strides = array<i32>} : memref<2x1664xi32, #tpu.memory_space<vmem>>, vector<1x16xi32>,
      %swap3A_2264 = vector.shape_cast %swap3A_2263 : vector<1x16xi32> to vector<16xi32>
      %swap3A_2265 = vector.shape_cast %add3A_2259 : vector<16xi32> to vector<1x16xi32>
      tpu.vector_store %arg6[%swap3A_2261, %swap3A_2262], %swap3A_2265 {strides = array<i32>} : memref<2x1664xi32, #tpu.memory_space<vmem>>, vector<1x16xi32>,
      %get3A_2266 = arith.constant 1 : i32
      %get3A_2267 = arith.index_cast %get3A_2266 : i32 to index
      %get3A_2268 = arith.constant 304 : index
      %get3A_2269 = tpu.vector_load %arg6[%get3A_2267, %get3A_2268] {strides = array<i32>} : memref<2x1664xi32, #tpu.memory_space<vmem>>, vector<1x16xi32>,
      %get3A_2270 = vector.shape_cast %get3A_2269 : vector<1x16xi32> to vector<16xi32>
      %get3A_2271 = arith.constant 304 : index
      %get3A_2272 = tpu.vector_load %arg7[%get3A_2271] {strides = array<i32>} : memref<1664xi32, #tpu.memory_space<vmem>>, vector<16xi32>,
      %get3A_2273 = vector.shape_cast %get3A_2272 : vector<16xi32> to vector<16xi32>
      %add3A_2274 = arith.addi %get3A_2270, %get3A_2273 : vector<16xi32>
      %swap3A_2275 = arith.constant 1 : i32
      %swap3A_2276 = arith.index_cast %swap3A_2275 : i32 to index
      %swap3A_2277 = arith.constant 304 : index
      %swap3A_2278 = tpu.vector_load %arg6[%swap3A_2276, %swap3A_2277] {strides = array<i32>} : memref<2x1664xi32, #tpu.memory_space<vmem>>, vector<1x16xi32>,
      %swap3A_2279 = vector.shape_cast %swap3A_2278 : vector<1x16xi32> to vector<16xi32>
      %swap3A_2280 = vector.shape_cast %add3A_2274 : vector<16xi32> to vector<1x16xi32>
      tpu.vector_store %arg6[%swap3A_2276, %swap3A_2277], %swap3A_2280 {strides = array<i32>} : memref<2x1664xi32, #tpu.memory_space<vmem>>, vector<1x16xi32>,
      %get3A_2281 = arith.constant 1 : i32
      %get3A_2282 = arith.index_cast %get3A_2281 : i32 to index
      %get3A_2283 = arith.constant 320 : index
      %get3A_2284 = tpu.vector_load %arg6[%get3A_2282, %get3A_2283] {strides = array<i32>} : memref<2x1664xi32, #tpu.memory_space<vmem>>, vector<1x16xi32>,
      %get3A_2285 = vector.shape_cast %get3A_2284 : vector<1x16xi32> to vector<16xi32>
      %get3A_2286 = arith.constant 320 : index
      %get3A_2287 = tpu.vector_load %arg7[%get3A_2286] {strides = array<i32>} : memref<1664xi32, #tpu.memory_space<vmem>>, vector<16xi32>,
      %get3A_2288 = vector.shape_cast %get3A_2287 : vector<16xi32> to vector<16xi32>
      %add3A_2289 = arith.addi %get3A_2285, %get3A_2288 : vector<16xi32>
      %swap3A_2290 = arith.constant 1 : i32
      %swap3A_2291 = arith.index_cast %swap3A_2290 : i32 to index
      %swap3A_2292 = arith.constant 320 : index
      %swap3A_2293 = tpu.vector_load %arg6[%swap3A_2291, %swap3A_2292] {strides = array<i32>} : memref<2x1664xi32, #tpu.memory_space<vmem>>, vector<1x16xi32>,
      %swap3A_2294 = vector.shape_cast %swap3A_2293 : vector<1x16xi32> to vector<16xi32>
      %swap3A_2295 = vector.shape_cast %add3A_2289 : vector<16xi32> to vector<1x16xi32>
      tpu.vector_store %arg6[%swap3A_2291, %swap3A_2292], %swap3A_2295 {strides = array<i32>} : memref<2x1664xi32, #tpu.memory_space<vmem>>, vector<1x16xi32>,
      %get3A_2296 = arith.constant 1 : i32
      %get3A_2297 = arith.index_cast %get3A_2296 : i32 to index
      %get3A_2298 = arith.constant 336 : index
      %get3A_2299 = tpu.vector_load %arg6[%get3A_2297, %get3A_2298] {strides = array<i32>} : memref<2x1664xi32, #tpu.memory_space<vmem>>, vector<1x16xi32>,
      %get3A_2300 = vector.shape_cast %get3A_2299 : vector<1x16xi32> to vector<16xi32>
      %get3A_2301 = arith.constant 336 : index
      %get3A_2302 = tpu.vector_load %arg7[%get3A_2301] {strides = array<i32>} : memref<1664xi32, #tpu.memory_space<vmem>>, vector<16xi32>,
      %get3A_2303 = vector.shape_cast %get3A_2302 : vector<16xi32> to vector<16xi32>
      %add3A_2304 = arith.addi %get3A_2300, %get3A_2303 : vector<16xi32>
      %swap3A_2305 = arith.constant 1 : i32
      %swap3A_2306 = arith.index_cast %swap3A_2305 : i32 to index
      %swap3A_2307 = arith.constant 336 : index
      %swap3A_2308 = tpu.vector_load %arg6[%swap3A_2306, %swap3A_2307] {strides = array<i32>} : memref<2x1664xi32, #tpu.memory_space<vmem>>, vector<1x16xi32>,
      %swap3A_2309 = vector.shape_cast %swap3A_2308 : vector<1x16xi32> to vector<16xi32>
      %swap3A_2310 = vector.shape_cast %add3A_2304 : vector<16xi32> to vector<1x16xi32>
      tpu.vector_store %arg6[%swap3A_2306, %swap3A_2307], %swap3A_2310 {strides = array<i32>} : memref<2x1664xi32, #tpu.memory_space<vmem>>, vector<1x16xi32>,
      %get3A_2311 = arith.constant 1 : i32
      %get3A_2312 = arith.index_cast %get3A_2311 : i32 to index
      %get3A_2313 = arith.constant 352 : index
      %get3A_2314 = tpu.vector_load %arg6[%get3A_2312, %get3A_2313] {strides = array<i32>} : memref<2x1664xi32, #tpu.memory_space<vmem>>, vector<1x16xi32>,
      %get3A_2315 = vector.shape_cast %get3A_2314 : vector<1x16xi32> to vector<16xi32>
      %get3A_2316 = arith.constant 352 : index
      %get3A_2317 = tpu.vector_load %arg7[%get3A_2316] {strides = array<i32>} : memref<1664xi32, #tpu.memory_space<vmem>>, vector<16xi32>,
      %get3A_2318 = vector.shape_cast %get3A_2317 : vector<16xi32> to vector<16xi32>
      %add3A_2319 = arith.addi %get3A_2315, %get3A_2318 : vector<16xi32>
      %swap3A_2320 = arith.constant 1 : i32
      %swap3A_2321 = arith.index_cast %swap3A_2320 : i32 to index
      %swap3A_2322 = arith.constant 352 : index
      %swap3A_2323 = tpu.vector_load %arg6[%swap3A_2321, %swap3A_2322] {strides = array<i32>} : memref<2x1664xi32, #tpu.memory_space<vmem>>, vector<1x16xi32>,
      %swap3A_2324 = vector.shape_cast %swap3A_2323 : vector<1x16xi32> to vector<16xi32>
      %swap3A_2325 = vector.shape_cast %add3A_2319 : vector<16xi32> to vector<1x16xi32>
      tpu.vector_store %arg6[%swap3A_2321, %swap3A_2322], %swap3A_2325 {strides = array<i32>} : memref<2x1664xi32, #tpu.memory_space<vmem>>, vector<1x16xi32>,
      %get3A_2326 = arith.constant 1 : i32
      %get3A_2327 = arith.index_cast %get3A_2326 : i32 to index
      %get3A_2328 = arith.constant 368 : index
      %get3A_2329 = tpu.vector_load %arg6[%get3A_2327, %get3A_2328] {strides = array<i32>} : memref<2x1664xi32, #tpu.memory_space<vmem>>, vector<1x16xi32>,
      %get3A_2330 = vector.shape_cast %get3A_2329 : vector<1x16xi32> to vector<16xi32>
      %get3A_2331 = arith.constant 368 : index
      %get3A_2332 = tpu.vector_load %arg7[%get3A_2331] {strides = array<i32>} : memref<1664xi32, #tpu.memory_space<vmem>>, vector<16xi32>,
      %get3A_2333 = vector.shape_cast %get3A_2332 : vector<16xi32> to vector<16xi32>
      %add3A_2334 = arith.addi %get3A_2330, %get3A_2333 : vector<16xi32>
      %swap3A_2335 = arith.constant 1 : i32
      %swap3A_2336 = arith.index_cast %swap3A_2335 : i32 to index
      %swap3A_2337 = arith.constant 368 : index
      %swap3A_2338 = tpu.vector_load %arg6[%swap3A_2336, %swap3A_2337] {strides = array<i32>} : memref<2x1664xi32, #tpu.memory_space<vmem>>, vector<1x16xi32>,
      %swap3A_2339 = vector.shape_cast %swap3A_2338 : vector<1x16xi32> to vector<16xi32>
      %swap3A_2340 = vector.shape_cast %add3A_2334 : vector<16xi32> to vector<1x16xi32>
      tpu.vector_store %arg6[%swap3A_2336, %swap3A_2337], %swap3A_2340 {strides = array<i32>} : memref<2x1664xi32, #tpu.memory_space<vmem>>, vector<1x16xi32>,
      %get3A_2341 = arith.constant 1 : i32
      %get3A_2342 = arith.index_cast %get3A_2341 : i32 to index
      %get3A_2343 = arith.constant 384 : index
      %get3A_2344 = tpu.vector_load %arg6[%get3A_2342, %get3A_2343] {strides = array<i32>} : memref<2x1664xi32, #tpu.memory_space<vmem>>, vector<1x16xi32>,
      %get3A_2345 = vector.shape_cast %get3A_2344 : vector<1x16xi32> to vector<16xi32>
      %get3A_2346 = arith.constant 384 : index
      %get3A_2347 = tpu.vector_load %arg7[%get3A_2346] {strides = array<i32>} : memref<1664xi32, #tpu.memory_space<vmem>>, vector<16xi32>,
      %get3A_2348 = vector.shape_cast %get3A_2347 : vector<16xi32> to vector<16xi32>
      %add3A_2349 = arith.addi %get3A_2345, %get3A_2348 : vector<16xi32>
      %swap3A_2350 = arith.constant 1 : i32
      %swap3A_2351 = arith.index_cast %swap3A_2350 : i32 to index
      %swap3A_2352 = arith.constant 384 : index
      %swap3A_2353 = tpu.vector_load %arg6[%swap3A_2351, %swap3A_2352] {strides = array<i32>} : memref<2x1664xi32, #tpu.memory_space<vmem>>, vector<1x16xi32>,
      %swap3A_2354 = vector.shape_cast %swap3A_2353 : vector<1x16xi32> to vector<16xi32>
      %swap3A_2355 = vector.shape_cast %add3A_2349 : vector<16xi32> to vector<1x16xi32>
      tpu.vector_store %arg6[%swap3A_2351, %swap3A_2352], %swap3A_2355 {strides = array<i32>} : memref<2x1664xi32, #tpu.memory_space<vmem>>, vector<1x16xi32>,
      %get3A_2356 = arith.constant 1 : i32
      %get3A_2357 = arith.index_cast %get3A_2356 : i32 to index
      %get3A_2358 = arith.constant 400 : index
      %get3A_2359 = tpu.vector_load %arg6[%get3A_2357, %get3A_2358] {strides = array<i32>} : memref<2x1664xi32, #tpu.memory_space<vmem>>, vector<1x16xi32>,
      %get3A_2360 = vector.shape_cast %get3A_2359 : vector<1x16xi32> to vector<16xi32>
      %get3A_2361 = arith.constant 400 : index
      %get3A_2362 = tpu.vector_load %arg7[%get3A_2361] {strides = array<i32>} : memref<1664xi32, #tpu.memory_space<vmem>>, vector<16xi32>,
      %get3A_2363 = vector.shape_cast %get3A_2362 : vector<16xi32> to vector<16xi32>
      %add3A_2364 = arith.addi %get3A_2360, %get3A_2363 : vector<16xi32>
      %swap3A_2365 = arith.constant 1 : i32
      %swap3A_2366 = arith.index_cast %swap3A_2365 : i32 to index
      %swap3A_2367 = arith.constant 400 : index
      %swap3A_2368 = tpu.vector_load %arg6[%swap3A_2366, %swap3A_2367] {strides = array<i32>} : memref<2x1664xi32, #tpu.memory_space<vmem>>, vector<1x16xi32>,
      %swap3A_2369 = vector.shape_cast %swap3A_2368 : vector<1x16xi32> to vector<16xi32>
      %swap3A_2370 = vector.shape_cast %add3A_2364 : vector<16xi32> to vector<1x16xi32>
      tpu.vector_store %arg6[%swap3A_2366, %swap3A_2367], %swap3A_2370 {strides = array<i32>} : memref<2x1664xi32, #tpu.memory_space<vmem>>, vector<1x16xi32>,
      %get3A_2371 = arith.constant 1 : i32
      %get3A_2372 = arith.index_cast %get3A_2371 : i32 to index
      %get3A_2373 = arith.constant 416 : index
      %get3A_2374 = tpu.vector_load %arg6[%get3A_2372, %get3A_2373] {strides = array<i32>} : memref<2x1664xi32, #tpu.memory_space<vmem>>, vector<1x16xi32>,
      %get3A_2375 = vector.shape_cast %get3A_2374 : vector<1x16xi32> to vector<16xi32>
      %get3A_2376 = arith.constant 416 : index
      %get3A_2377 = tpu.vector_load %arg7[%get3A_2376] {strides = array<i32>} : memref<1664xi32, #tpu.memory_space<vmem>>, vector<16xi32>,
      %get3A_2378 = vector.shape_cast %get3A_2377 : vector<16xi32> to vector<16xi32>
      %add3A_2379 = arith.addi %get3A_2375, %get3A_2378 : vector<16xi32>
      %swap3A_2380 = arith.constant 1 : i32
      %swap3A_2381 = arith.index_cast %swap3A_2380 : i32 to index
      %swap3A_2382 = arith.constant 416 : index
      %swap3A_2383 = tpu.vector_load %arg6[%swap3A_2381, %swap3A_2382] {strides = array<i32>} : memref<2x1664xi32, #tpu.memory_space<vmem>>, vector<1x16xi32>,
      %swap3A_2384 = vector.shape_cast %swap3A_2383 : vector<1x16xi32> to vector<16xi32>
      %swap3A_2385 = vector.shape_cast %add3A_2379 : vector<16xi32> to vector<1x16xi32>
      tpu.vector_store %arg6[%swap3A_2381, %swap3A_2382], %swap3A_2385 {strides = array<i32>} : memref<2x1664xi32, #tpu.memory_space<vmem>>, vector<1x16xi32>,
      %get3A_2386 = arith.constant 1 : i32
      %get3A_2387 = arith.index_cast %get3A_2386 : i32 to index
      %get3A_2388 = arith.constant 432 : index
      %get3A_2389 = tpu.vector_load %arg6[%get3A_2387, %get3A_2388] {strides = array<i32>} : memref<2x1664xi32, #tpu.memory_space<vmem>>, vector<1x16xi32>,
      %get3A_2390 = vector.shape_cast %get3A_2389 : vector<1x16xi32> to vector<16xi32>
      %get3A_2391 = arith.constant 432 : index
      %get3A_2392 = tpu.vector_load %arg7[%get3A_2391] {strides = array<i32>} : memref<1664xi32, #tpu.memory_space<vmem>>, vector<16xi32>,
      %get3A_2393 = vector.shape_cast %get3A_2392 : vector<16xi32> to vector<16xi32>
      %add3A_2394 = arith.addi %get3A_2390, %get3A_2393 : vector<16xi32>
      %swap3A_2395 = arith.constant 1 : i32
      %swap3A_2396 = arith.index_cast %swap3A_2395 : i32 to index
      %swap3A_2397 = arith.constant 432 : index
      %swap3A_2398 = tpu.vector_load %arg6[%swap3A_2396, %swap3A_2397] {strides = array<i32>} : memref<2x1664xi32, #tpu.memory_space<vmem>>, vector<1x16xi32>,
      %swap3A_2399 = vector.shape_cast %swap3A_2398 : vector<1x16xi32> to vector<16xi32>
      %swap3A_2400 = vector.shape_cast %add3A_2394 : vector<16xi32> to vector<1x16xi32>
      tpu.vector_store %arg6[%swap3A_2396, %swap3A_2397], %swap3A_2400 {strides = array<i32>} : memref<2x1664xi32, #tpu.memory_space<vmem>>, vector<1x16xi32>,
      %get3A_2401 = arith.constant 1 : i32
      %get3A_2402 = arith.index_cast %get3A_2401 : i32 to index
      %get3A_2403 = arith.constant 448 : index
      %get3A_2404 = tpu.vector_load %arg6[%get3A_2402, %get3A_2403] {strides = array<i32>} : memref<2x1664xi32, #tpu.memory_space<vmem>>, vector<1x16xi32>,
      %get3A_2405 = vector.shape_cast %get3A_2404 : vector<1x16xi32> to vector<16xi32>
      %get3A_2406 = arith.constant 448 : index
      %get3A_2407 = tpu.vector_load %arg7[%get3A_2406] {strides = array<i32>} : memref<1664xi32, #tpu.memory_space<vmem>>, vector<16xi32>,
      %get3A_2408 = vector.shape_cast %get3A_2407 : vector<16xi32> to vector<16xi32>
      %add3A_2409 = arith.addi %get3A_2405, %get3A_2408 : vector<16xi32>
      %swap3A_2410 = arith.constant 1 : i32
      %swap3A_2411 = arith.index_cast %swap3A_2410 : i32 to index
      %swap3A_2412 = arith.constant 448 : index
      %swap3A_2413 = tpu.vector_load %arg6[%swap3A_2411, %swap3A_2412] {strides = array<i32>} : memref<2x1664xi32, #tpu.memory_space<vmem>>, vector<1x16xi32>,
      %swap3A_2414 = vector.shape_cast %swap3A_2413 : vector<1x16xi32> to vector<16xi32>
      %swap3A_2415 = vector.shape_cast %add3A_2409 : vector<16xi32> to vector<1x16xi32>
      tpu.vector_store %arg6[%swap3A_2411, %swap3A_2412], %swap3A_2415 {strides = array<i32>} : memref<2x1664xi32, #tpu.memory_space<vmem>>, vector<1x16xi32>,
      %get3A_2416 = arith.constant 1 : i32
      %get3A_2417 = arith.index_cast %get3A_2416 : i32 to index
      %get3A_2418 = arith.constant 464 : index
      %get3A_2419 = tpu.vector_load %arg6[%get3A_2417, %get3A_2418] {strides = array<i32>} : memref<2x1664xi32, #tpu.memory_space<vmem>>, vector<1x16xi32>,
      %get3A_2420 = vector.shape_cast %get3A_2419 : vector<1x16xi32> to vector<16xi32>
      %get3A_2421 = arith.constant 464 : index
      %get3A_2422 = tpu.vector_load %arg7[%get3A_2421] {strides = array<i32>} : memref<1664xi32, #tpu.memory_space<vmem>>, vector<16xi32>,
      %get3A_2423 = vector.shape_cast %get3A_2422 : vector<16xi32> to vector<16xi32>
      %add3A_2424 = arith.addi %get3A_2420, %get3A_2423 : vector<16xi32>
      %swap3A_2425 = arith.constant 1 : i32
      %swap3A_2426 = arith.index_cast %swap3A_2425 : i32 to index
      %swap3A_2427 = arith.constant 464 : index
      %swap3A_2428 = tpu.vector_load %arg6[%swap3A_2426, %swap3A_2427] {strides = array<i32>} : memref<2x1664xi32, #tpu.memory_space<vmem>>, vector<1x16xi32>,
      %swap3A_2429 = vector.shape_cast %swap3A_2428 : vector<1x16xi32> to vector<16xi32>
      %swap3A_2430 = vector.shape_cast %add3A_2424 : vector<16xi32> to vector<1x16xi32>
      tpu.vector_store %arg6[%swap3A_2426, %swap3A_2427], %swap3A_2430 {strides = array<i32>} : memref<2x1664xi32, #tpu.memory_space<vmem>>, vector<1x16xi32>,
      %get3A_2431 = arith.constant 1 : i32
      %get3A_2432 = arith.index_cast %get3A_2431 : i32 to index
      %get3A_2433 = arith.constant 480 : index
      %get3A_2434 = tpu.vector_load %arg6[%get3A_2432, %get3A_2433] {strides = array<i32>} : memref<2x1664xi32, #tpu.memory_space<vmem>>, vector<1x16xi32>,
      %get3A_2435 = vector.shape_cast %get3A_2434 : vector<1x16xi32> to vector<16xi32>
      %get3A_2436 = arith.constant 480 : index
      %get3A_2437 = tpu.vector_load %arg7[%get3A_2436] {strides = array<i32>} : memref<1664xi32, #tpu.memory_space<vmem>>, vector<16xi32>,
      %get3A_2438 = vector.shape_cast %get3A_2437 : vector<16xi32> to vector<16xi32>
      %add3A_2439 = arith.addi %get3A_2435, %get3A_2438 : vector<16xi32>
      %swap3A_2440 = arith.constant 1 : i32
      %swap3A_2441 = arith.index_cast %swap3A_2440 : i32 to index
      %swap3A_2442 = arith.constant 480 : index
      %swap3A_2443 = tpu.vector_load %arg6[%swap3A_2441, %swap3A_2442] {strides = array<i32>} : memref<2x1664xi32, #tpu.memory_space<vmem>>, vector<1x16xi32>,
      %swap3A_2444 = vector.shape_cast %swap3A_2443 : vector<1x16xi32> to vector<16xi32>
      %swap3A_2445 = vector.shape_cast %add3A_2439 : vector<16xi32> to vector<1x16xi32>
      tpu.vector_store %arg6[%swap3A_2441, %swap3A_2442], %swap3A_2445 {strides = array<i32>} : memref<2x1664xi32, #tpu.memory_space<vmem>>, vector<1x16xi32>,
      %get3A_2446 = arith.constant 1 : i32
      %get3A_2447 = arith.index_cast %get3A_2446 : i32 to index
      %get3A_2448 = arith.constant 496 : index
      %get3A_2449 = tpu.vector_load %arg6[%get3A_2447, %get3A_2448] {strides = array<i32>} : memref<2x1664xi32, #tpu.memory_space<vmem>>, vector<1x16xi32>,
      %get3A_2450 = vector.shape_cast %get3A_2449 : vector<1x16xi32> to vector<16xi32>
      %get3A_2451 = arith.constant 496 : index
      %get3A_2452 = tpu.vector_load %arg7[%get3A_2451] {strides = array<i32>} : memref<1664xi32, #tpu.memory_space<vmem>>, vector<16xi32>,
      %get3A_2453 = vector.shape_cast %get3A_2452 : vector<16xi32> to vector<16xi32>
      %add3A_2454 = arith.addi %get3A_2450, %get3A_2453 : vector<16xi32>
      %swap3A_2455 = arith.constant 1 : i32
      %swap3A_2456 = arith.index_cast %swap3A_2455 : i32 to index
      %swap3A_2457 = arith.constant 496 : index
      %swap3A_2458 = tpu.vector_load %arg6[%swap3A_2456, %swap3A_2457] {strides = array<i32>} : memref<2x1664xi32, #tpu.memory_space<vmem>>, vector<1x16xi32>,
      %swap3A_2459 = vector.shape_cast %swap3A_2458 : vector<1x16xi32> to vector<16xi32>
      %swap3A_2460 = vector.shape_cast %add3A_2454 : vector<16xi32> to vector<1x16xi32>
      tpu.vector_store %arg6[%swap3A_2456, %swap3A_2457], %swap3A_2460 {strides = array<i32>} : memref<2x1664xi32, #tpu.memory_space<vmem>>, vector<1x16xi32>,
      %get3A_2461 = arith.constant 1 : i32
      %get3A_2462 = arith.index_cast %get3A_2461 : i32 to index
      %get3A_2463 = arith.constant 512 : index
      %get3A_2464 = tpu.vector_load %arg6[%get3A_2462, %get3A_2463] {strides = array<i32>} : memref<2x1664xi32, #tpu.memory_space<vmem>>, vector<1x16xi32>,
      %get3A_2465 = vector.shape_cast %get3A_2464 : vector<1x16xi32> to vector<16xi32>
      %get3A_2466 = arith.constant 512 : index
      %get3A_2467 = tpu.vector_load %arg7[%get3A_2466] {strides = array<i32>} : memref<1664xi32, #tpu.memory_space<vmem>>, vector<16xi32>,
      %get3A_2468 = vector.shape_cast %get3A_2467 : vector<16xi32> to vector<16xi32>
      %add3A_2469 = arith.addi %get3A_2465, %get3A_2468 : vector<16xi32>
      %swap3A_2470 = arith.constant 1 : i32
      %swap3A_2471 = arith.index_cast %swap3A_2470 : i32 to index
      %swap3A_2472 = arith.constant 512 : index
      %swap3A_2473 = tpu.vector_load %arg6[%swap3A_2471, %swap3A_2472] {strides = array<i32>} : memref<2x1664xi32, #tpu.memory_space<vmem>>, vector<1x16xi32>,
      %swap3A_2474 = vector.shape_cast %swap3A_2473 : vector<1x16xi32> to vector<16xi32>
      %swap3A_2475 = vector.shape_cast %add3A_2469 : vector<16xi32> to vector<1x16xi32>
      tpu.vector_store %arg6[%swap3A_2471, %swap3A_2472], %swap3A_2475 {strides = array<i32>} : memref<2x1664xi32, #tpu.memory_space<vmem>>, vector<1x16xi32>,
      %get3A_2476 = arith.constant 1 : i32
      %get3A_2477 = arith.index_cast %get3A_2476 : i32 to index
      %get3A_2478 = arith.constant 528 : index
      %get3A_2479 = tpu.vector_load %arg6[%get3A_2477, %get3A_2478] {strides = array<i32>} : memref<2x1664xi32, #tpu.memory_space<vmem>>, vector<1x16xi32>,
      %get3A_2480 = vector.shape_cast %get3A_2479 : vector<1x16xi32> to vector<16xi32>
      %get3A_2481 = arith.constant 528 : index
      %get3A_2482 = tpu.vector_load %arg7[%get3A_2481] {strides = array<i32>} : memref<1664xi32, #tpu.memory_space<vmem>>, vector<16xi32>,
      %get3A_2483 = vector.shape_cast %get3A_2482 : vector<16xi32> to vector<16xi32>
      %add3A_2484 = arith.addi %get3A_2480, %get3A_2483 : vector<16xi32>
      %swap3A_2485 = arith.constant 1 : i32
      %swap3A_2486 = arith.index_cast %swap3A_2485 : i32 to index
      %swap3A_2487 = arith.constant 528 : index
      %swap3A_2488 = tpu.vector_load %arg6[%swap3A_2486, %swap3A_2487] {strides = array<i32>} : memref<2x1664xi32, #tpu.memory_space<vmem>>, vector<1x16xi32>,
      %swap3A_2489 = vector.shape_cast %swap3A_2488 : vector<1x16xi32> to vector<16xi32>
      %swap3A_2490 = vector.shape_cast %add3A_2484 : vector<16xi32> to vector<1x16xi32>
      tpu.vector_store %arg6[%swap3A_2486, %swap3A_2487], %swap3A_2490 {strides = array<i32>} : memref<2x1664xi32, #tpu.memory_space<vmem>>, vector<1x16xi32>,
      %get3A_2491 = arith.constant 1 : i32
      %get3A_2492 = arith.index_cast %get3A_2491 : i32 to index
      %get3A_2493 = arith.constant 544 : index
      %get3A_2494 = tpu.vector_load %arg6[%get3A_2492, %get3A_2493] {strides = array<i32>} : memref<2x1664xi32, #tpu.memory_space<vmem>>, vector<1x16xi32>,
      %get3A_2495 = vector.shape_cast %get3A_2494 : vector<1x16xi32> to vector<16xi32>
      %get3A_2496 = arith.constant 544 : index
      %get3A_2497 = tpu.vector_load %arg7[%get3A_2496] {strides = array<i32>} : memref<1664xi32, #tpu.memory_space<vmem>>, vector<16xi32>,
      %get3A_2498 = vector.shape_cast %get3A_2497 : vector<16xi32> to vector<16xi32>
      %add3A_2499 = arith.addi %get3A_2495, %get3A_2498 : vector<16xi32>
      %swap3A_2500 = arith.constant 1 : i32
      %swap3A_2501 = arith.index_cast %swap3A_2500 : i32 to index
      %swap3A_2502 = arith.constant 544 : index
      %swap3A_2503 = tpu.vector_load %arg6[%swap3A_2501, %swap3A_2502] {strides = array<i32>} : memref<2x1664xi32, #tpu.memory_space<vmem>>, vector<1x16xi32>,
      %swap3A_2504 = vector.shape_cast %swap3A_2503 : vector<1x16xi32> to vector<16xi32>
      %swap3A_2505 = vector.shape_cast %add3A_2499 : vector<16xi32> to vector<1x16xi32>
      tpu.vector_store %arg6[%swap3A_2501, %swap3A_2502], %swap3A_2505 {strides = array<i32>} : memref<2x1664xi32, #tpu.memory_space<vmem>>, vector<1x16xi32>,
      %get3A_2506 = arith.constant 1 : i32
      %get3A_2507 = arith.index_cast %get3A_2506 : i32 to index
      %get3A_2508 = arith.constant 560 : index
      %get3A_2509 = tpu.vector_load %arg6[%get3A_2507, %get3A_2508] {strides = array<i32>} : memref<2x1664xi32, #tpu.memory_space<vmem>>, vector<1x16xi32>,
      %get3A_2510 = vector.shape_cast %get3A_2509 : vector<1x16xi32> to vector<16xi32>
      %get3A_2511 = arith.constant 560 : index
      %get3A_2512 = tpu.vector_load %arg7[%get3A_2511] {strides = array<i32>} : memref<1664xi32, #tpu.memory_space<vmem>>, vector<16xi32>,
      %get3A_2513 = vector.shape_cast %get3A_2512 : vector<16xi32> to vector<16xi32>
      %add3A_2514 = arith.addi %get3A_2510, %get3A_2513 : vector<16xi32>
      %swap3A_2515 = arith.constant 1 : i32
      %swap3A_2516 = arith.index_cast %swap3A_2515 : i32 to index
      %swap3A_2517 = arith.constant 560 : index
      %swap3A_2518 = tpu.vector_load %arg6[%swap3A_2516, %swap3A_2517] {strides = array<i32>} : memref<2x1664xi32, #tpu.memory_space<vmem>>, vector<1x16xi32>,
      %swap3A_2519 = vector.shape_cast %swap3A_2518 : vector<1x16xi32> to vector<16xi32>
      %swap3A_2520 = vector.shape_cast %add3A_2514 : vector<16xi32> to vector<1x16xi32>
      tpu.vector_store %arg6[%swap3A_2516, %swap3A_2517], %swap3A_2520 {strides = array<i32>} : memref<2x1664xi32, #tpu.memory_space<vmem>>, vector<1x16xi32>,
      %get3A_2521 = arith.constant 1 : i32
      %get3A_2522 = arith.index_cast %get3A_2521 : i32 to index
      %get3A_2523 = arith.constant 576 : index
      %get3A_2524 = tpu.vector_load %arg6[%get3A_2522, %get3A_2523] {strides = array<i32>} : memref<2x1664xi32, #tpu.memory_space<vmem>>, vector<1x16xi32>,
      %get3A_2525 = vector.shape_cast %get3A_2524 : vector<1x16xi32> to vector<16xi32>
      %get3A_2526 = arith.constant 576 : index
      %get3A_2527 = tpu.vector_load %arg7[%get3A_2526] {strides = array<i32>} : memref<1664xi32, #tpu.memory_space<vmem>>, vector<16xi32>,
      %get3A_2528 = vector.shape_cast %get3A_2527 : vector<16xi32> to vector<16xi32>
      %add3A_2529 = arith.addi %get3A_2525, %get3A_2528 : vector<16xi32>
      %swap3A_2530 = arith.constant 1 : i32
      %swap3A_2531 = arith.index_cast %swap3A_2530 : i32 to index
      %swap3A_2532 = arith.constant 576 : index
      %swap3A_2533 = tpu.vector_load %arg6[%swap3A_2531, %swap3A_2532] {strides = array<i32>} : memref<2x1664xi32, #tpu.memory_space<vmem>>, vector<1x16xi32>,
      %swap3A_2534 = vector.shape_cast %swap3A_2533 : vector<1x16xi32> to vector<16xi32>
      %swap3A_2535 = vector.shape_cast %add3A_2529 : vector<16xi32> to vector<1x16xi32>
      tpu.vector_store %arg6[%swap3A_2531, %swap3A_2532], %swap3A_2535 {strides = array<i32>} : memref<2x1664xi32, #tpu.memory_space<vmem>>, vector<1x16xi32>,
      %get3A_2536 = arith.constant 1 : i32
      %get3A_2537 = arith.index_cast %get3A_2536 : i32 to index
      %get3A_2538 = arith.constant 592 : index
      %get3A_2539 = tpu.vector_load %arg6[%get3A_2537, %get3A_2538] {strides = array<i32>} : memref<2x1664xi32, #tpu.memory_space<vmem>>, vector<1x16xi32>,
      %get3A_2540 = vector.shape_cast %get3A_2539 : vector<1x16xi32> to vector<16xi32>
      %get3A_2541 = arith.constant 592 : index
      %get3A_2542 = tpu.vector_load %arg7[%get3A_2541] {strides = array<i32>} : memref<1664xi32, #tpu.memory_space<vmem>>, vector<16xi32>,
      %get3A_2543 = vector.shape_cast %get3A_2542 : vector<16xi32> to vector<16xi32>
      %add3A_2544 = arith.addi %get3A_2540, %get3A_2543 : vector<16xi32>
      %swap3A_2545 = arith.constant 1 : i32
      %swap3A_2546 = arith.index_cast %swap3A_2545 : i32 to index
      %swap3A_2547 = arith.constant 592 : index
      %swap3A_2548 = tpu.vector_load %arg6[%swap3A_2546, %swap3A_2547] {strides = array<i32>} : memref<2x1664xi32, #tpu.memory_space<vmem>>, vector<1x16xi32>,
      %swap3A_2549 = vector.shape_cast %swap3A_2548 : vector<1x16xi32> to vector<16xi32>
      %swap3A_2550 = vector.shape_cast %add3A_2544 : vector<16xi32> to vector<1x16xi32>
      tpu.vector_store %arg6[%swap3A_2546, %swap3A_2547], %swap3A_2550 {strides = array<i32>} : memref<2x1664xi32, #tpu.memory_space<vmem>>, vector<1x16xi32>,
      %get3A_2551 = arith.constant 1 : i32
      %get3A_2552 = arith.index_cast %get3A_2551 : i32 to index
      %get3A_2553 = arith.constant 608 : index
      %get3A_2554 = tpu.vector_load %arg6[%get3A_2552, %get3A_2553] {strides = array<i32>} : memref<2x1664xi32, #tpu.memory_space<vmem>>, vector<1x16xi32>,
      %get3A_2555 = vector.shape_cast %get3A_2554 : vector<1x16xi32> to vector<16xi32>
      %get3A_2556 = arith.constant 608 : index
      %get3A_2557 = tpu.vector_load %arg7[%get3A_2556] {strides = array<i32>} : memref<1664xi32, #tpu.memory_space<vmem>>, vector<16xi32>,
      %get3A_2558 = vector.shape_cast %get3A_2557 : vector<16xi32> to vector<16xi32>
      %add3A_2559 = arith.addi %get3A_2555, %get3A_2558 : vector<16xi32>
      %swap3A_2560 = arith.constant 1 : i32
      %swap3A_2561 = arith.index_cast %swap3A_2560 : i32 to index
      %swap3A_2562 = arith.constant 608 : index
      %swap3A_2563 = tpu.vector_load %arg6[%swap3A_2561, %swap3A_2562] {strides = array<i32>} : memref<2x1664xi32, #tpu.memory_space<vmem>>, vector<1x16xi32>,
      %swap3A_2564 = vector.shape_cast %swap3A_2563 : vector<1x16xi32> to vector<16xi32>
      %swap3A_2565 = vector.shape_cast %add3A_2559 : vector<16xi32> to vector<1x16xi32>
      tpu.vector_store %arg6[%swap3A_2561, %swap3A_2562], %swap3A_2565 {strides = array<i32>} : memref<2x1664xi32, #tpu.memory_space<vmem>>, vector<1x16xi32>,
      %get3A_2566 = arith.constant 1 : i32
      %get3A_2567 = arith.index_cast %get3A_2566 : i32 to index
      %get3A_2568 = arith.constant 624 : index
      %get3A_2569 = tpu.vector_load %arg6[%get3A_2567, %get3A_2568] {strides = array<i32>} : memref<2x1664xi32, #tpu.memory_space<vmem>>, vector<1x16xi32>,
      %get3A_2570 = vector.shape_cast %get3A_2569 : vector<1x16xi32> to vector<16xi32>
      %get3A_2571 = arith.constant 624 : index
      %get3A_2572 = tpu.vector_load %arg7[%get3A_2571] {strides = array<i32>} : memref<1664xi32, #tpu.memory_space<vmem>>, vector<16xi32>,
      %get3A_2573 = vector.shape_cast %get3A_2572 : vector<16xi32> to vector<16xi32>
      %add3A_2574 = arith.addi %get3A_2570, %get3A_2573 : vector<16xi32>
      %swap3A_2575 = arith.constant 1 : i32
      %swap3A_2576 = arith.index_cast %swap3A_2575 : i32 to index
      %swap3A_2577 = arith.constant 624 : index
      %swap3A_2578 = tpu.vector_load %arg6[%swap3A_2576, %swap3A_2577] {strides = array<i32>} : memref<2x1664xi32, #tpu.memory_space<vmem>>, vector<1x16xi32>,
      %swap3A_2579 = vector.shape_cast %swap3A_2578 : vector<1x16xi32> to vector<16xi32>
      %swap3A_2580 = vector.shape_cast %add3A_2574 : vector<16xi32> to vector<1x16xi32>
      tpu.vector_store %arg6[%swap3A_2576, %swap3A_2577], %swap3A_2580 {strides = array<i32>} : memref<2x1664xi32, #tpu.memory_space<vmem>>, vector<1x16xi32>,
      %get3A_2581 = arith.constant 1 : i32
      %get3A_2582 = arith.index_cast %get3A_2581 : i32 to index
      %get3A_2583 = arith.constant 640 : index
      %get3A_2584 = tpu.vector_load %arg6[%get3A_2582, %get3A_2583] {strides = array<i32>} : memref<2x1664xi32, #tpu.memory_space<vmem>>, vector<1x16xi32>,
      %get3A_2585 = vector.shape_cast %get3A_2584 : vector<1x16xi32> to vector<16xi32>
      %get3A_2586 = arith.constant 640 : index
      %get3A_2587 = tpu.vector_load %arg7[%get3A_2586] {strides = array<i32>} : memref<1664xi32, #tpu.memory_space<vmem>>, vector<16xi32>,
      %get3A_2588 = vector.shape_cast %get3A_2587 : vector<16xi32> to vector<16xi32>
      %add3A_2589 = arith.addi %get3A_2585, %get3A_2588 : vector<16xi32>
      %swap3A_2590 = arith.constant 1 : i32
      %swap3A_2591 = arith.index_cast %swap3A_2590 : i32 to index
      %swap3A_2592 = arith.constant 640 : index
      %swap3A_2593 = tpu.vector_load %arg6[%swap3A_2591, %swap3A_2592] {strides = array<i32>} : memref<2x1664xi32, #tpu.memory_space<vmem>>, vector<1x16xi32>,
      %swap3A_2594 = vector.shape_cast %swap3A_2593 : vector<1x16xi32> to vector<16xi32>
      %swap3A_2595 = vector.shape_cast %add3A_2589 : vector<16xi32> to vector<1x16xi32>
      tpu.vector_store %arg6[%swap3A_2591, %swap3A_2592], %swap3A_2595 {strides = array<i32>} : memref<2x1664xi32, #tpu.memory_space<vmem>>, vector<1x16xi32>,
      %get3A_2596 = arith.constant 1 : i32
      %get3A_2597 = arith.index_cast %get3A_2596 : i32 to index
      %get3A_2598 = arith.constant 656 : index
      %get3A_2599 = tpu.vector_load %arg6[%get3A_2597, %get3A_2598] {strides = array<i32>} : memref<2x1664xi32, #tpu.memory_space<vmem>>, vector<1x16xi32>,
      %get3A_2600 = vector.shape_cast %get3A_2599 : vector<1x16xi32> to vector<16xi32>
      %get3A_2601 = arith.constant 656 : index
      %get3A_2602 = tpu.vector_load %arg7[%get3A_2601] {strides = array<i32>} : memref<1664xi32, #tpu.memory_space<vmem>>, vector<16xi32>,
      %get3A_2603 = vector.shape_cast %get3A_2602 : vector<16xi32> to vector<16xi32>
      %add3A_2604 = arith.addi %get3A_2600, %get3A_2603 : vector<16xi32>
      %swap3A_2605 = arith.constant 1 : i32
      %swap3A_2606 = arith.index_cast %swap3A_2605 : i32 to index
      %swap3A_2607 = arith.constant 656 : index
      %swap3A_2608 = tpu.vector_load %arg6[%swap3A_2606, %swap3A_2607] {strides = array<i32>} : memref<2x1664xi32, #tpu.memory_space<vmem>>, vector<1x16xi32>,
      %swap3A_2609 = vector.shape_cast %swap3A_2608 : vector<1x16xi32> to vector<16xi32>
      %swap3A_2610 = vector.shape_cast %add3A_2604 : vector<16xi32> to vector<1x16xi32>
      tpu.vector_store %arg6[%swap3A_2606, %swap3A_2607], %swap3A_2610 {strides = array<i32>} : memref<2x1664xi32, #tpu.memory_space<vmem>>, vector<1x16xi32>,
      %get3A_2611 = arith.constant 1 : i32
      %get3A_2612 = arith.index_cast %get3A_2611 : i32 to index
      %get3A_2613 = arith.constant 672 : index
      %get3A_2614 = tpu.vector_load %arg6[%get3A_2612, %get3A_2613] {strides = array<i32>} : memref<2x1664xi32, #tpu.memory_space<vmem>>, vector<1x16xi32>,
      %get3A_2615 = vector.shape_cast %get3A_2614 : vector<1x16xi32> to vector<16xi32>
      %get3A_2616 = arith.constant 672 : index
      %get3A_2617 = tpu.vector_load %arg7[%get3A_2616] {strides = array<i32>} : memref<1664xi32, #tpu.memory_space<vmem>>, vector<16xi32>,
      %get3A_2618 = vector.shape_cast %get3A_2617 : vector<16xi32> to vector<16xi32>
      %add3A_2619 = arith.addi %get3A_2615, %get3A_2618 : vector<16xi32>
      %swap3A_2620 = arith.constant 1 : i32
      %swap3A_2621 = arith.index_cast %swap3A_2620 : i32 to index
      %swap3A_2622 = arith.constant 672 : index
      %swap3A_2623 = tpu.vector_load %arg6[%swap3A_2621, %swap3A_2622] {strides = array<i32>} : memref<2x1664xi32, #tpu.memory_space<vmem>>, vector<1x16xi32>,
      %swap3A_2624 = vector.shape_cast %swap3A_2623 : vector<1x16xi32> to vector<16xi32>
      %swap3A_2625 = vector.shape_cast %add3A_2619 : vector<16xi32> to vector<1x16xi32>
      tpu.vector_store %arg6[%swap3A_2621, %swap3A_2622], %swap3A_2625 {strides = array<i32>} : memref<2x1664xi32, #tpu.memory_space<vmem>>, vector<1x16xi32>,
      %get3A_2626 = arith.constant 1 : i32
      %get3A_2627 = arith.index_cast %get3A_2626 : i32 to index
      %get3A_2628 = arith.constant 688 : index
      %get3A_2629 = tpu.vector_load %arg6[%get3A_2627, %get3A_2628] {strides = array<i32>} : memref<2x1664xi32, #tpu.memory_space<vmem>>, vector<1x16xi32>,
      %get3A_2630 = vector.shape_cast %get3A_2629 : vector<1x16xi32> to vector<16xi32>
      %get3A_2631 = arith.constant 688 : index
      %get3A_2632 = tpu.vector_load %arg7[%get3A_2631] {strides = array<i32>} : memref<1664xi32, #tpu.memory_space<vmem>>, vector<16xi32>,
      %get3A_2633 = vector.shape_cast %get3A_2632 : vector<16xi32> to vector<16xi32>
      %add3A_2634 = arith.addi %get3A_2630, %get3A_2633 : vector<16xi32>
      %swap3A_2635 = arith.constant 1 : i32
      %swap3A_2636 = arith.index_cast %swap3A_2635 : i32 to index
      %swap3A_2637 = arith.constant 688 : index
      %swap3A_2638 = tpu.vector_load %arg6[%swap3A_2636, %swap3A_2637] {strides = array<i32>} : memref<2x1664xi32, #tpu.memory_space<vmem>>, vector<1x16xi32>,
      %swap3A_2639 = vector.shape_cast %swap3A_2638 : vector<1x16xi32> to vector<16xi32>
      %swap3A_2640 = vector.shape_cast %add3A_2634 : vector<16xi32> to vector<1x16xi32>
      tpu.vector_store %arg6[%swap3A_2636, %swap3A_2637], %swap3A_2640 {strides = array<i32>} : memref<2x1664xi32, #tpu.memory_space<vmem>>, vector<1x16xi32>,
      %get3A_2641 = arith.constant 1 : i32
      %get3A_2642 = arith.index_cast %get3A_2641 : i32 to index
      %get3A_2643 = arith.constant 704 : index
      %get3A_2644 = tpu.vector_load %arg6[%get3A_2642, %get3A_2643] {strides = array<i32>} : memref<2x1664xi32, #tpu.memory_space<vmem>>, vector<1x16xi32>,
      %get3A_2645 = vector.shape_cast %get3A_2644 : vector<1x16xi32> to vector<16xi32>
      %get3A_2646 = arith.constant 704 : index
      %get3A_2647 = tpu.vector_load %arg7[%get3A_2646] {strides = array<i32>} : memref<1664xi32, #tpu.memory_space<vmem>>, vector<16xi32>,
      %get3A_2648 = vector.shape_cast %get3A_2647 : vector<16xi32> to vector<16xi32>
      %add3A_2649 = arith.addi %get3A_2645, %get3A_2648 : vector<16xi32>
      %swap3A_2650 = arith.constant 1 : i32
      %swap3A_2651 = arith.index_cast %swap3A_2650 : i32 to index
      %swap3A_2652 = arith.constant 704 : index
      %swap3A_2653 = tpu.vector_load %arg6[%swap3A_2651, %swap3A_2652] {strides = array<i32>} : memref<2x1664xi32, #tpu.memory_space<vmem>>, vector<1x16xi32>,
      %swap3A_2654 = vector.shape_cast %swap3A_2653 : vector<1x16xi32> to vector<16xi32>
      %swap3A_2655 = vector.shape_cast %add3A_2649 : vector<16xi32> to vector<1x16xi32>
      tpu.vector_store %arg6[%swap3A_2651, %swap3A_2652], %swap3A_2655 {strides = array<i32>} : memref<2x1664xi32, #tpu.memory_space<vmem>>, vector<1x16xi32>,
      %get3A_2656 = arith.constant 1 : i32
      %get3A_2657 = arith.index_cast %get3A_2656 : i32 to index
      %get3A_2658 = arith.constant 720 : index
      %get3A_2659 = tpu.vector_load %arg6[%get3A_2657, %get3A_2658] {strides = array<i32>} : memref<2x1664xi32, #tpu.memory_space<vmem>>, vector<1x16xi32>,
      %get3A_2660 = vector.shape_cast %get3A_2659 : vector<1x16xi32> to vector<16xi32>
      %get3A_2661 = arith.constant 720 : index
      %get3A_2662 = tpu.vector_load %arg7[%get3A_2661] {strides = array<i32>} : memref<1664xi32, #tpu.memory_space<vmem>>, vector<16xi32>,
      %get3A_2663 = vector.shape_cast %get3A_2662 : vector<16xi32> to vector<16xi32>
      %add3A_2664 = arith.addi %get3A_2660, %get3A_2663 : vector<16xi32>
      %swap3A_2665 = arith.constant 1 : i32
      %swap3A_2666 = arith.index_cast %swap3A_2665 : i32 to index
      %swap3A_2667 = arith.constant 720 : index
      %swap3A_2668 = tpu.vector_load %arg6[%swap3A_2666, %swap3A_2667] {strides = array<i32>} : memref<2x1664xi32, #tpu.memory_space<vmem>>, vector<1x16xi32>,
      %swap3A_2669 = vector.shape_cast %swap3A_2668 : vector<1x16xi32> to vector<16xi32>
      %swap3A_2670 = vector.shape_cast %add3A_2664 : vector<16xi32> to vector<1x16xi32>
      tpu.vector_store %arg6[%swap3A_2666, %swap3A_2667], %swap3A_2670 {strides = array<i32>} : memref<2x1664xi32, #tpu.memory_space<vmem>>, vector<1x16xi32>,
      %get3A_2671 = arith.constant 1 : i32
      %get3A_2672 = arith.index_cast %get3A_2671 : i32 to index
      %get3A_2673 = arith.constant 736 : index
      %get3A_2674 = tpu.vector_load %arg6[%get3A_2672, %get3A_2673] {strides = array<i32>} : memref<2x1664xi32, #tpu.memory_space<vmem>>, vector<1x16xi32>,
      %get3A_2675 = vector.shape_cast %get3A_2674 : vector<1x16xi32> to vector<16xi32>
      %get3A_2676 = arith.constant 736 : index
      %get3A_2677 = tpu.vector_load %arg7[%get3A_2676] {strides = array<i32>} : memref<1664xi32, #tpu.memory_space<vmem>>, vector<16xi32>,
      %get3A_2678 = vector.shape_cast %get3A_2677 : vector<16xi32> to vector<16xi32>
      %add3A_2679 = arith.addi %get3A_2675, %get3A_2678 : vector<16xi32>
      %swap3A_2680 = arith.constant 1 : i32
      %swap3A_2681 = arith.index_cast %swap3A_2680 : i32 to index
      %swap3A_2682 = arith.constant 736 : index
      %swap3A_2683 = tpu.vector_load %arg6[%swap3A_2681, %swap3A_2682] {strides = array<i32>} : memref<2x1664xi32, #tpu.memory_space<vmem>>, vector<1x16xi32>,
      %swap3A_2684 = vector.shape_cast %swap3A_2683 : vector<1x16xi32> to vector<16xi32>
      %swap3A_2685 = vector.shape_cast %add3A_2679 : vector<16xi32> to vector<1x16xi32>
      tpu.vector_store %arg6[%swap3A_2681, %swap3A_2682], %swap3A_2685 {strides = array<i32>} : memref<2x1664xi32, #tpu.memory_space<vmem>>, vector<1x16xi32>,
      %get3A_2686 = arith.constant 1 : i32
      %get3A_2687 = arith.index_cast %get3A_2686 : i32 to index
      %get3A_2688 = arith.constant 752 : index
      %get3A_2689 = tpu.vector_load %arg6[%get3A_2687, %get3A_2688] {strides = array<i32>} : memref<2x1664xi32, #tpu.memory_space<vmem>>, vector<1x16xi32>,
      %get3A_2690 = vector.shape_cast %get3A_2689 : vector<1x16xi32> to vector<16xi32>
      %get3A_2691 = arith.constant 752 : index
      %get3A_2692 = tpu.vector_load %arg7[%get3A_2691] {strides = array<i32>} : memref<1664xi32, #tpu.memory_space<vmem>>, vector<16xi32>,
      %get3A_2693 = vector.shape_cast %get3A_2692 : vector<16xi32> to vector<16xi32>
      %add3A_2694 = arith.addi %get3A_2690, %get3A_2693 : vector<16xi32>
      %swap3A_2695 = arith.constant 1 : i32
      %swap3A_2696 = arith.index_cast %swap3A_2695 : i32 to index
      %swap3A_2697 = arith.constant 752 : index
      %swap3A_2698 = tpu.vector_load %arg6[%swap3A_2696, %swap3A_2697] {strides = array<i32>} : memref<2x1664xi32, #tpu.memory_space<vmem>>, vector<1x16xi32>,
      %swap3A_2699 = vector.shape_cast %swap3A_2698 : vector<1x16xi32> to vector<16xi32>
      %swap3A_2700 = vector.shape_cast %add3A_2694 : vector<16xi32> to vector<1x16xi32>
      tpu.vector_store %arg6[%swap3A_2696, %swap3A_2697], %swap3A_2700 {strides = array<i32>} : memref<2x1664xi32, #tpu.memory_space<vmem>>, vector<1x16xi32>,
      %get3A_2701 = arith.constant 1 : i32
      %get3A_2702 = arith.index_cast %get3A_2701 : i32 to index
      %get3A_2703 = arith.constant 768 : index
      %get3A_2704 = tpu.vector_load %arg6[%get3A_2702, %get3A_2703] {strides = array<i32>} : memref<2x1664xi32, #tpu.memory_space<vmem>>, vector<1x16xi32>,
      %get3A_2705 = vector.shape_cast %get3A_2704 : vector<1x16xi32> to vector<16xi32>
      %get3A_2706 = arith.constant 768 : index
      %get3A_2707 = tpu.vector_load %arg7[%get3A_2706] {strides = array<i32>} : memref<1664xi32, #tpu.memory_space<vmem>>, vector<16xi32>,
      %get3A_2708 = vector.shape_cast %get3A_2707 : vector<16xi32> to vector<16xi32>
      %add3A_2709 = arith.addi %get3A_2705, %get3A_2708 : vector<16xi32>
      %swap3A_2710 = arith.constant 1 : i32
      %swap3A_2711 = arith.index_cast %swap3A_2710 : i32 to index
      %swap3A_2712 = arith.constant 768 : index
      %swap3A_2713 = tpu.vector_load %arg6[%swap3A_2711, %swap3A_2712] {strides = array<i32>} : memref<2x1664xi32, #tpu.memory_space<vmem>>, vector<1x16xi32>,
      %swap3A_2714 = vector.shape_cast %swap3A_2713 : vector<1x16xi32> to vector<16xi32>
      %swap3A_2715 = vector.shape_cast %add3A_2709 : vector<16xi32> to vector<1x16xi32>
      tpu.vector_store %arg6[%swap3A_2711, %swap3A_2712], %swap3A_2715 {strides = array<i32>} : memref<2x1664xi32, #tpu.memory_space<vmem>>, vector<1x16xi32>,
      %get3A_2716 = arith.constant 1 : i32
      %get3A_2717 = arith.index_cast %get3A_2716 : i32 to index
      %get3A_2718 = arith.constant 784 : index
      %get3A_2719 = tpu.vector_load %arg6[%get3A_2717, %get3A_2718] {strides = array<i32>} : memref<2x1664xi32, #tpu.memory_space<vmem>>, vector<1x16xi32>,
      %get3A_2720 = vector.shape_cast %get3A_2719 : vector<1x16xi32> to vector<16xi32>
      %get3A_2721 = arith.constant 784 : index
      %get3A_2722 = tpu.vector_load %arg7[%get3A_2721] {strides = array<i32>} : memref<1664xi32, #tpu.memory_space<vmem>>, vector<16xi32>,
      %get3A_2723 = vector.shape_cast %get3A_2722 : vector<16xi32> to vector<16xi32>
      %add3A_2724 = arith.addi %get3A_2720, %get3A_2723 : vector<16xi32>
      %swap3A_2725 = arith.constant 1 : i32
      %swap3A_2726 = arith.index_cast %swap3A_2725 : i32 to index
      %swap3A_2727 = arith.constant 784 : index
      %swap3A_2728 = tpu.vector_load %arg6[%swap3A_2726, %swap3A_2727] {strides = array<i32>} : memref<2x1664xi32, #tpu.memory_space<vmem>>, vector<1x16xi32>,
      %swap3A_2729 = vector.shape_cast %swap3A_2728 : vector<1x16xi32> to vector<16xi32>
      %swap3A_2730 = vector.shape_cast %add3A_2724 : vector<16xi32> to vector<1x16xi32>
      tpu.vector_store %arg6[%swap3A_2726, %swap3A_2727], %swap3A_2730 {strides = array<i32>} : memref<2x1664xi32, #tpu.memory_space<vmem>>, vector<1x16xi32>,
      %get3A_2731 = arith.constant 1 : i32
      %get3A_2732 = arith.index_cast %get3A_2731 : i32 to index
      %get3A_2733 = arith.constant 800 : index
      %get3A_2734 = tpu.vector_load %arg6[%get3A_2732, %get3A_2733] {strides = array<i32>} : memref<2x1664xi32, #tpu.memory_space<vmem>>, vector<1x16xi32>,
      %get3A_2735 = vector.shape_cast %get3A_2734 : vector<1x16xi32> to vector<16xi32>
      %get3A_2736 = arith.constant 800 : index
      %get3A_2737 = tpu.vector_load %arg7[%get3A_2736] {strides = array<i32>} : memref<1664xi32, #tpu.memory_space<vmem>>, vector<16xi32>,
      %get3A_2738 = vector.shape_cast %get3A_2737 : vector<16xi32> to vector<16xi32>
      %add3A_2739 = arith.addi %get3A_2735, %get3A_2738 : vector<16xi32>
      %swap3A_2740 = arith.constant 1 : i32
      %swap3A_2741 = arith.index_cast %swap3A_2740 : i32 to index
      %swap3A_2742 = arith.constant 800 : index
      %swap3A_2743 = tpu.vector_load %arg6[%swap3A_2741, %swap3A_2742] {strides = array<i32>} : memref<2x1664xi32, #tpu.memory_space<vmem>>, vector<1x16xi32>,
      %swap3A_2744 = vector.shape_cast %swap3A_2743 : vector<1x16xi32> to vector<16xi32>
      %swap3A_2745 = vector.shape_cast %add3A_2739 : vector<16xi32> to vector<1x16xi32>
      tpu.vector_store %arg6[%swap3A_2741, %swap3A_2742], %swap3A_2745 {strides = array<i32>} : memref<2x1664xi32, #tpu.memory_space<vmem>>, vector<1x16xi32>,
      %get3A_2746 = arith.constant 1 : i32
      %get3A_2747 = arith.index_cast %get3A_2746 : i32 to index
      %get3A_2748 = arith.constant 816 : index
      %get3A_2749 = tpu.vector_load %arg6[%get3A_2747, %get3A_2748] {strides = array<i32>} : memref<2x1664xi32, #tpu.memory_space<vmem>>, vector<1x16xi32>,
      %get3A_2750 = vector.shape_cast %get3A_2749 : vector<1x16xi32> to vector<16xi32>
      %get3A_2751 = arith.constant 816 : index
      %get3A_2752 = tpu.vector_load %arg7[%get3A_2751] {strides = array<i32>} : memref<1664xi32, #tpu.memory_space<vmem>>, vector<16xi32>,
      %get3A_2753 = vector.shape_cast %get3A_2752 : vector<16xi32> to vector<16xi32>
      %add3A_2754 = arith.addi %get3A_2750, %get3A_2753 : vector<16xi32>
      %swap3A_2755 = arith.constant 1 : i32
      %swap3A_2756 = arith.index_cast %swap3A_2755 : i32 to index
      %swap3A_2757 = arith.constant 816 : index
      %swap3A_2758 = tpu.vector_load %arg6[%swap3A_2756, %swap3A_2757] {strides = array<i32>} : memref<2x1664xi32, #tpu.memory_space<vmem>>, vector<1x16xi32>,
      %swap3A_2759 = vector.shape_cast %swap3A_2758 : vector<1x16xi32> to vector<16xi32>
      %swap3A_2760 = vector.shape_cast %add3A_2754 : vector<16xi32> to vector<1x16xi32>
      tpu.vector_store %arg6[%swap3A_2756, %swap3A_2757], %swap3A_2760 {strides = array<i32>} : memref<2x1664xi32, #tpu.memory_space<vmem>>, vector<1x16xi32>,
      %get3A_2761 = arith.constant 1 : i32
      %get3A_2762 = arith.index_cast %get3A_2761 : i32 to index
      %get3A_2763 = arith.constant 832 : index
      %get3A_2764 = tpu.vector_load %arg6[%get3A_2762, %get3A_2763] {strides = array<i32>} : memref<2x1664xi32, #tpu.memory_space<vmem>>, vector<1x16xi32>,
      %get3A_2765 = vector.shape_cast %get3A_2764 : vector<1x16xi32> to vector<16xi32>
      %get3A_2766 = arith.constant 832 : index
      %get3A_2767 = tpu.vector_load %arg7[%get3A_2766] {strides = array<i32>} : memref<1664xi32, #tpu.memory_space<vmem>>, vector<16xi32>,
      %get3A_2768 = vector.shape_cast %get3A_2767 : vector<16xi32> to vector<16xi32>
      %add3A_2769 = arith.addi %get3A_2765, %get3A_2768 : vector<16xi32>
      %swap3A_2770 = arith.constant 1 : i32
      %swap3A_2771 = arith.index_cast %swap3A_2770 : i32 to index
      %swap3A_2772 = arith.constant 832 : index
      %swap3A_2773 = tpu.vector_load %arg6[%swap3A_2771, %swap3A_2772] {strides = array<i32>} : memref<2x1664xi32, #tpu.memory_space<vmem>>, vector<1x16xi32>,
      %swap3A_2774 = vector.shape_cast %swap3A_2773 : vector<1x16xi32> to vector<16xi32>
      %swap3A_2775 = vector.shape_cast %add3A_2769 : vector<16xi32> to vector<1x16xi32>
      tpu.vector_store %arg6[%swap3A_2771, %swap3A_2772], %swap3A_2775 {strides = array<i32>} : memref<2x1664xi32, #tpu.memory_space<vmem>>, vector<1x16xi32>,
      %get3A_2776 = arith.constant 1 : i32
      %get3A_2777 = arith.index_cast %get3A_2776 : i32 to index
      %get3A_2778 = arith.constant 848 : index
      %get3A_2779 = tpu.vector_load %arg6[%get3A_2777, %get3A_2778] {strides = array<i32>} : memref<2x1664xi32, #tpu.memory_space<vmem>>, vector<1x16xi32>,
      %get3A_2780 = vector.shape_cast %get3A_2779 : vector<1x16xi32> to vector<16xi32>
      %get3A_2781 = arith.constant 848 : index
      %get3A_2782 = tpu.vector_load %arg7[%get3A_2781] {strides = array<i32>} : memref<1664xi32, #tpu.memory_space<vmem>>, vector<16xi32>,
      %get3A_2783 = vector.shape_cast %get3A_2782 : vector<16xi32> to vector<16xi32>
      %add3A_2784 = arith.addi %get3A_2780, %get3A_2783 : vector<16xi32>
      %swap3A_2785 = arith.constant 1 : i32
      %swap3A_2786 = arith.index_cast %swap3A_2785 : i32 to index
      %swap3A_2787 = arith.constant 848 : index
      %swap3A_2788 = tpu.vector_load %arg6[%swap3A_2786, %swap3A_2787] {strides = array<i32>} : memref<2x1664xi32, #tpu.memory_space<vmem>>, vector<1x16xi32>,
      %swap3A_2789 = vector.shape_cast %swap3A_2788 : vector<1x16xi32> to vector<16xi32>
      %swap3A_2790 = vector.shape_cast %add3A_2784 : vector<16xi32> to vector<1x16xi32>
      tpu.vector_store %arg6[%swap3A_2786, %swap3A_2787], %swap3A_2790 {strides = array<i32>} : memref<2x1664xi32, #tpu.memory_space<vmem>>, vector<1x16xi32>,
      %get3A_2791 = arith.constant 1 : i32
      %get3A_2792 = arith.index_cast %get3A_2791 : i32 to index
      %get3A_2793 = arith.constant 864 : index
      %get3A_2794 = tpu.vector_load %arg6[%get3A_2792, %get3A_2793] {strides = array<i32>} : memref<2x1664xi32, #tpu.memory_space<vmem>>, vector<1x16xi32>,
      %get3A_2795 = vector.shape_cast %get3A_2794 : vector<1x16xi32> to vector<16xi32>
      %get3A_2796 = arith.constant 864 : index
      %get3A_2797 = tpu.vector_load %arg7[%get3A_2796] {strides = array<i32>} : memref<1664xi32, #tpu.memory_space<vmem>>, vector<16xi32>,
      %get3A_2798 = vector.shape_cast %get3A_2797 : vector<16xi32> to vector<16xi32>
      %add3A_2799 = arith.addi %get3A_2795, %get3A_2798 : vector<16xi32>
      %swap3A_2800 = arith.constant 1 : i32
      %swap3A_2801 = arith.index_cast %swap3A_2800 : i32 to index
      %swap3A_2802 = arith.constant 864 : index
      %swap3A_2803 = tpu.vector_load %arg6[%swap3A_2801, %swap3A_2802] {strides = array<i32>} : memref<2x1664xi32, #tpu.memory_space<vmem>>, vector<1x16xi32>,
      %swap3A_2804 = vector.shape_cast %swap3A_2803 : vector<1x16xi32> to vector<16xi32>
      %swap3A_2805 = vector.shape_cast %add3A_2799 : vector<16xi32> to vector<1x16xi32>
      tpu.vector_store %arg6[%swap3A_2801, %swap3A_2802], %swap3A_2805 {strides = array<i32>} : memref<2x1664xi32, #tpu.memory_space<vmem>>, vector<1x16xi32>,
      %get3A_2806 = arith.constant 1 : i32
      %get3A_2807 = arith.index_cast %get3A_2806 : i32 to index
      %get3A_2808 = arith.constant 880 : index
      %get3A_2809 = tpu.vector_load %arg6[%get3A_2807, %get3A_2808] {strides = array<i32>} : memref<2x1664xi32, #tpu.memory_space<vmem>>, vector<1x16xi32>,
      %get3A_2810 = vector.shape_cast %get3A_2809 : vector<1x16xi32> to vector<16xi32>
      %get3A_2811 = arith.constant 880 : index
      %get3A_2812 = tpu.vector_load %arg7[%get3A_2811] {strides = array<i32>} : memref<1664xi32, #tpu.memory_space<vmem>>, vector<16xi32>,
      %get3A_2813 = vector.shape_cast %get3A_2812 : vector<16xi32> to vector<16xi32>
      %add3A_2814 = arith.addi %get3A_2810, %get3A_2813 : vector<16xi32>
      %swap3A_2815 = arith.constant 1 : i32
      %swap3A_2816 = arith.index_cast %swap3A_2815 : i32 to index
      %swap3A_2817 = arith.constant 880 : index
      %swap3A_2818 = tpu.vector_load %arg6[%swap3A_2816, %swap3A_2817] {strides = array<i32>} : memref<2x1664xi32, #tpu.memory_space<vmem>>, vector<1x16xi32>,
      %swap3A_2819 = vector.shape_cast %swap3A_2818 : vector<1x16xi32> to vector<16xi32>
      %swap3A_2820 = vector.shape_cast %add3A_2814 : vector<16xi32> to vector<1x16xi32>
      tpu.vector_store %arg6[%swap3A_2816, %swap3A_2817], %swap3A_2820 {strides = array<i32>} : memref<2x1664xi32, #tpu.memory_space<vmem>>, vector<1x16xi32>,
      %get3A_2821 = arith.constant 1 : i32
      %get3A_2822 = arith.index_cast %get3A_2821 : i32 to index
      %get3A_2823 = arith.constant 896 : index
      %get3A_2824 = tpu.vector_load %arg6[%get3A_2822, %get3A_2823] {strides = array<i32>} : memref<2x1664xi32, #tpu.memory_space<vmem>>, vector<1x16xi32>,
      %get3A_2825 = vector.shape_cast %get3A_2824 : vector<1x16xi32> to vector<16xi32>
      %get3A_2826 = arith.constant 896 : index
      %get3A_2827 = tpu.vector_load %arg7[%get3A_2826] {strides = array<i32>} : memref<1664xi32, #tpu.memory_space<vmem>>, vector<16xi32>,
      %get3A_2828 = vector.shape_cast %get3A_2827 : vector<16xi32> to vector<16xi32>
      %add3A_2829 = arith.addi %get3A_2825, %get3A_2828 : vector<16xi32>
      %swap3A_2830 = arith.constant 1 : i32
      %swap3A_2831 = arith.index_cast %swap3A_2830 : i32 to index
      %swap3A_2832 = arith.constant 896 : index
      %swap3A_2833 = tpu.vector_load %arg6[%swap3A_2831, %swap3A_2832] {strides = array<i32>} : memref<2x1664xi32, #tpu.memory_space<vmem>>, vector<1x16xi32>,
      %swap3A_2834 = vector.shape_cast %swap3A_2833 : vector<1x16xi32> to vector<16xi32>
      %swap3A_2835 = vector.shape_cast %add3A_2829 : vector<16xi32> to vector<1x16xi32>
      tpu.vector_store %arg6[%swap3A_2831, %swap3A_2832], %swap3A_2835 {strides = array<i32>} : memref<2x1664xi32, #tpu.memory_space<vmem>>, vector<1x16xi32>,
      %get3A_2836 = arith.constant 1 : i32
      %get3A_2837 = arith.index_cast %get3A_2836 : i32 to index
      %get3A_2838 = arith.constant 912 : index
      %get3A_2839 = tpu.vector_load %arg6[%get3A_2837, %get3A_2838] {strides = array<i32>} : memref<2x1664xi32, #tpu.memory_space<vmem>>, vector<1x16xi32>,
      %get3A_2840 = vector.shape_cast %get3A_2839 : vector<1x16xi32> to vector<16xi32>
      %get3A_2841 = arith.constant 912 : index
      %get3A_2842 = tpu.vector_load %arg7[%get3A_2841] {strides = array<i32>} : memref<1664xi32, #tpu.memory_space<vmem>>, vector<16xi32>,
      %get3A_2843 = vector.shape_cast %get3A_2842 : vector<16xi32> to vector<16xi32>
      %add3A_2844 = arith.addi %get3A_2840, %get3A_2843 : vector<16xi32>
      %swap3A_2845 = arith.constant 1 : i32
      %swap3A_2846 = arith.index_cast %swap3A_2845 : i32 to index
      %swap3A_2847 = arith.constant 912 : index
      %swap3A_2848 = tpu.vector_load %arg6[%swap3A_2846, %swap3A_2847] {strides = array<i32>} : memref<2x1664xi32, #tpu.memory_space<vmem>>, vector<1x16xi32>,
      %swap3A_2849 = vector.shape_cast %swap3A_2848 : vector<1x16xi32> to vector<16xi32>
      %swap3A_2850 = vector.shape_cast %add3A_2844 : vector<16xi32> to vector<1x16xi32>
      tpu.vector_store %arg6[%swap3A_2846, %swap3A_2847], %swap3A_2850 {strides = array<i32>} : memref<2x1664xi32, #tpu.memory_space<vmem>>, vector<1x16xi32>,
      %get3A_2851 = arith.constant 1 : i32
      %get3A_2852 = arith.index_cast %get3A_2851 : i32 to index
      %get3A_2853 = arith.constant 928 : index
      %get3A_2854 = tpu.vector_load %arg6[%get3A_2852, %get3A_2853] {strides = array<i32>} : memref<2x1664xi32, #tpu.memory_space<vmem>>, vector<1x16xi32>,
      %get3A_2855 = vector.shape_cast %get3A_2854 : vector<1x16xi32> to vector<16xi32>
      %get3A_2856 = arith.constant 928 : index
      %get3A_2857 = tpu.vector_load %arg7[%get3A_2856] {strides = array<i32>} : memref<1664xi32, #tpu.memory_space<vmem>>, vector<16xi32>,
      %get3A_2858 = vector.shape_cast %get3A_2857 : vector<16xi32> to vector<16xi32>
      %add3A_2859 = arith.addi %get3A_2855, %get3A_2858 : vector<16xi32>
      %swap3A_2860 = arith.constant 1 : i32
      %swap3A_2861 = arith.index_cast %swap3A_2860 : i32 to index
      %swap3A_2862 = arith.constant 928 : index
      %swap3A_2863 = tpu.vector_load %arg6[%swap3A_2861, %swap3A_2862] {strides = array<i32>} : memref<2x1664xi32, #tpu.memory_space<vmem>>, vector<1x16xi32>,
      %swap3A_2864 = vector.shape_cast %swap3A_2863 : vector<1x16xi32> to vector<16xi32>
      %swap3A_2865 = vector.shape_cast %add3A_2859 : vector<16xi32> to vector<1x16xi32>
      tpu.vector_store %arg6[%swap3A_2861, %swap3A_2862], %swap3A_2865 {strides = array<i32>} : memref<2x1664xi32, #tpu.memory_space<vmem>>, vector<1x16xi32>,
      %get3A_2866 = arith.constant 1 : i32
      %get3A_2867 = arith.index_cast %get3A_2866 : i32 to index
      %get3A_2868 = arith.constant 944 : index
      %get3A_2869 = tpu.vector_load %arg6[%get3A_2867, %get3A_2868] {strides = array<i32>} : memref<2x1664xi32, #tpu.memory_space<vmem>>, vector<1x16xi32>,
      %get3A_2870 = vector.shape_cast %get3A_2869 : vector<1x16xi32> to vector<16xi32>
      %get3A_2871 = arith.constant 944 : index
      %get3A_2872 = tpu.vector_load %arg7[%get3A_2871] {strides = array<i32>} : memref<1664xi32, #tpu.memory_space<vmem>>, vector<16xi32>,
      %get3A_2873 = vector.shape_cast %get3A_2872 : vector<16xi32> to vector<16xi32>
      %add3A_2874 = arith.addi %get3A_2870, %get3A_2873 : vector<16xi32>
      %swap3A_2875 = arith.constant 1 : i32
      %swap3A_2876 = arith.index_cast %swap3A_2875 : i32 to index
      %swap3A_2877 = arith.constant 944 : index
      %swap3A_2878 = tpu.vector_load %arg6[%swap3A_2876, %swap3A_2877] {strides = array<i32>} : memref<2x1664xi32, #tpu.memory_space<vmem>>, vector<1x16xi32>,
      %swap3A_2879 = vector.shape_cast %swap3A_2878 : vector<1x16xi32> to vector<16xi32>
      %swap3A_2880 = vector.shape_cast %add3A_2874 : vector<16xi32> to vector<1x16xi32>
      tpu.vector_store %arg6[%swap3A_2876, %swap3A_2877], %swap3A_2880 {strides = array<i32>} : memref<2x1664xi32, #tpu.memory_space<vmem>>, vector<1x16xi32>,
      %get3A_2881 = arith.constant 1 : i32
      %get3A_2882 = arith.index_cast %get3A_2881 : i32 to index
      %get3A_2883 = arith.constant 960 : index
      %get3A_2884 = tpu.vector_load %arg6[%get3A_2882, %get3A_2883] {strides = array<i32>} : memref<2x1664xi32, #tpu.memory_space<vmem>>, vector<1x16xi32>,
      %get3A_2885 = vector.shape_cast %get3A_2884 : vector<1x16xi32> to vector<16xi32>
      %get3A_2886 = arith.constant 960 : index
      %get3A_2887 = tpu.vector_load %arg7[%get3A_2886] {strides = array<i32>} : memref<1664xi32, #tpu.memory_space<vmem>>, vector<16xi32>,
      %get3A_2888 = vector.shape_cast %get3A_2887 : vector<16xi32> to vector<16xi32>
      %add3A_2889 = arith.addi %get3A_2885, %get3A_2888 : vector<16xi32>
      %swap3A_2890 = arith.constant 1 : i32
      %swap3A_2891 = arith.index_cast %swap3A_2890 : i32 to index
      %swap3A_2892 = arith.constant 960 : index
      %swap3A_2893 = tpu.vector_load %arg6[%swap3A_2891, %swap3A_2892] {strides = array<i32>} : memref<2x1664xi32, #tpu.memory_space<vmem>>, vector<1x16xi32>,
      %swap3A_2894 = vector.shape_cast %swap3A_2893 : vector<1x16xi32> to vector<16xi32>
      %swap3A_2895 = vector.shape_cast %add3A_2889 : vector<16xi32> to vector<1x16xi32>
      tpu.vector_store %arg6[%swap3A_2891, %swap3A_2892], %swap3A_2895 {strides = array<i32>} : memref<2x1664xi32, #tpu.memory_space<vmem>>, vector<1x16xi32>,
      %get3A_2896 = arith.constant 1 : i32
      %get3A_2897 = arith.index_cast %get3A_2896 : i32 to index
      %get3A_2898 = arith.constant 976 : index
      %get3A_2899 = tpu.vector_load %arg6[%get3A_2897, %get3A_2898] {strides = array<i32>} : memref<2x1664xi32, #tpu.memory_space<vmem>>, vector<1x16xi32>,
      %get3A_2900 = vector.shape_cast %get3A_2899 : vector<1x16xi32> to vector<16xi32>
      %get3A_2901 = arith.constant 976 : index
      %get3A_2902 = tpu.vector_load %arg7[%get3A_2901] {strides = array<i32>} : memref<1664xi32, #tpu.memory_space<vmem>>, vector<16xi32>,
      %get3A_2903 = vector.shape_cast %get3A_2902 : vector<16xi32> to vector<16xi32>
      %add3A_2904 = arith.addi %get3A_2900, %get3A_2903 : vector<16xi32>
      %swap3A_2905 = arith.constant 1 : i32
      %swap3A_2906 = arith.index_cast %swap3A_2905 : i32 to index
      %swap3A_2907 = arith.constant 976 : index
      %swap3A_2908 = tpu.vector_load %arg6[%swap3A_2906, %swap3A_2907] {strides = array<i32>} : memref<2x1664xi32, #tpu.memory_space<vmem>>, vector<1x16xi32>,
      %swap3A_2909 = vector.shape_cast %swap3A_2908 : vector<1x16xi32> to vector<16xi32>
      %swap3A_2910 = vector.shape_cast %add3A_2904 : vector<16xi32> to vector<1x16xi32>
      tpu.vector_store %arg6[%swap3A_2906, %swap3A_2907], %swap3A_2910 {strides = array<i32>} : memref<2x1664xi32, #tpu.memory_space<vmem>>, vector<1x16xi32>,
      %get3A_2911 = arith.constant 1 : i32
      %get3A_2912 = arith.index_cast %get3A_2911 : i32 to index
      %get3A_2913 = arith.constant 992 : index
      %get3A_2914 = tpu.vector_load %arg6[%get3A_2912, %get3A_2913] {strides = array<i32>} : memref<2x1664xi32, #tpu.memory_space<vmem>>, vector<1x16xi32>,
      %get3A_2915 = vector.shape_cast %get3A_2914 : vector<1x16xi32> to vector<16xi32>
      %get3A_2916 = arith.constant 992 : index
      %get3A_2917 = tpu.vector_load %arg7[%get3A_2916] {strides = array<i32>} : memref<1664xi32, #tpu.memory_space<vmem>>, vector<16xi32>,
      %get3A_2918 = vector.shape_cast %get3A_2917 : vector<16xi32> to vector<16xi32>
      %add3A_2919 = arith.addi %get3A_2915, %get3A_2918 : vector<16xi32>
      %swap3A_2920 = arith.constant 1 : i32
      %swap3A_2921 = arith.index_cast %swap3A_2920 : i32 to index
      %swap3A_2922 = arith.constant 992 : index
      %swap3A_2923 = tpu.vector_load %arg6[%swap3A_2921, %swap3A_2922] {strides = array<i32>} : memref<2x1664xi32, #tpu.memory_space<vmem>>, vector<1x16xi32>,
      %swap3A_2924 = vector.shape_cast %swap3A_2923 : vector<1x16xi32> to vector<16xi32>
      %swap3A_2925 = vector.shape_cast %add3A_2919 : vector<16xi32> to vector<1x16xi32>
      tpu.vector_store %arg6[%swap3A_2921, %swap3A_2922], %swap3A_2925 {strides = array<i32>} : memref<2x1664xi32, #tpu.memory_space<vmem>>, vector<1x16xi32>,
      %get3A_2926 = arith.constant 1 : i32
      %get3A_2927 = arith.index_cast %get3A_2926 : i32 to index
      %get3A_2928 = arith.constant 1008 : index
      %get3A_2929 = tpu.vector_load %arg6[%get3A_2927, %get3A_2928] {strides = array<i32>} : memref<2x1664xi32, #tpu.memory_space<vmem>>, vector<1x16xi32>,
      %get3A_2930 = vector.shape_cast %get3A_2929 : vector<1x16xi32> to vector<16xi32>
      %get3A_2931 = arith.constant 1008 : index
      %get3A_2932 = tpu.vector_load %arg7[%get3A_2931] {strides = array<i32>} : memref<1664xi32, #tpu.memory_space<vmem>>, vector<16xi32>,
      %get3A_2933 = vector.shape_cast %get3A_2932 : vector<16xi32> to vector<16xi32>
      %add3A_2934 = arith.addi %get3A_2930, %get3A_2933 : vector<16xi32>
      %swap3A_2935 = arith.constant 1 : i32
      %swap3A_2936 = arith.index_cast %swap3A_2935 : i32 to index
      %swap3A_2937 = arith.constant 1008 : index
      %swap3A_2938 = tpu.vector_load %arg6[%swap3A_2936, %swap3A_2937] {strides = array<i32>} : memref<2x1664xi32, #tpu.memory_space<vmem>>, vector<1x16xi32>,
      %swap3A_2939 = vector.shape_cast %swap3A_2938 : vector<1x16xi32> to vector<16xi32>
      %swap3A_2940 = vector.shape_cast %add3A_2934 : vector<16xi32> to vector<1x16xi32>
      tpu.vector_store %arg6[%swap3A_2936, %swap3A_2937], %swap3A_2940 {strides = array<i32>} : memref<2x1664xi32, #tpu.memory_space<vmem>>, vector<1x16xi32>,
      %get3A_2941 = arith.constant 1 : i32
      %get3A_2942 = arith.index_cast %get3A_2941 : i32 to index
      %get3A_2943 = arith.constant 1024 : index
      %get3A_2944 = tpu.vector_load %arg6[%get3A_2942, %get3A_2943] {strides = array<i32>} : memref<2x1664xi32, #tpu.memory_space<vmem>>, vector<1x16xi32>,
      %get3A_2945 = vector.shape_cast %get3A_2944 : vector<1x16xi32> to vector<16xi32>
      %get3A_2946 = arith.constant 1024 : index
      %get3A_2947 = tpu.vector_load %arg7[%get3A_2946] {strides = array<i32>} : memref<1664xi32, #tpu.memory_space<vmem>>, vector<16xi32>,
      %get3A_2948 = vector.shape_cast %get3A_2947 : vector<16xi32> to vector<16xi32>
      %add3A_2949 = arith.addi %get3A_2945, %get3A_2948 : vector<16xi32>
      %swap3A_2950 = arith.constant 1 : i32
      %swap3A_2951 = arith.index_cast %swap3A_2950 : i32 to index
      %swap3A_2952 = arith.constant 1024 : index
      %swap3A_2953 = tpu.vector_load %arg6[%swap3A_2951, %swap3A_2952] {strides = array<i32>} : memref<2x1664xi32, #tpu.memory_space<vmem>>, vector<1x16xi32>,
      %swap3A_2954 = vector.shape_cast %swap3A_2953 : vector<1x16xi32> to vector<16xi32>
      %swap3A_2955 = vector.shape_cast %add3A_2949 : vector<16xi32> to vector<1x16xi32>
      tpu.vector_store %arg6[%swap3A_2951, %swap3A_2952], %swap3A_2955 {strides = array<i32>} : memref<2x1664xi32, #tpu.memory_space<vmem>>, vector<1x16xi32>,
      %get3A_2956 = arith.constant 1 : i32
      %get3A_2957 = arith.index_cast %get3A_2956 : i32 to index
      %get3A_2958 = arith.constant 1040 : index
      %get3A_2959 = tpu.vector_load %arg6[%get3A_2957, %get3A_2958] {strides = array<i32>} : memref<2x1664xi32, #tpu.memory_space<vmem>>, vector<1x16xi32>,
      %get3A_2960 = vector.shape_cast %get3A_2959 : vector<1x16xi32> to vector<16xi32>
      %get3A_2961 = arith.constant 1040 : index
      %get3A_2962 = tpu.vector_load %arg7[%get3A_2961] {strides = array<i32>} : memref<1664xi32, #tpu.memory_space<vmem>>, vector<16xi32>,
      %get3A_2963 = vector.shape_cast %get3A_2962 : vector<16xi32> to vector<16xi32>
      %add3A_2964 = arith.addi %get3A_2960, %get3A_2963 : vector<16xi32>
      %swap3A_2965 = arith.constant 1 : i32
      %swap3A_2966 = arith.index_cast %swap3A_2965 : i32 to index
      %swap3A_2967 = arith.constant 1040 : index
      %swap3A_2968 = tpu.vector_load %arg6[%swap3A_2966, %swap3A_2967] {strides = array<i32>} : memref<2x1664xi32, #tpu.memory_space<vmem>>, vector<1x16xi32>,
      %swap3A_2969 = vector.shape_cast %swap3A_2968 : vector<1x16xi32> to vector<16xi32>
      %swap3A_2970 = vector.shape_cast %add3A_2964 : vector<16xi32> to vector<1x16xi32>
      tpu.vector_store %arg6[%swap3A_2966, %swap3A_2967], %swap3A_2970 {strides = array<i32>} : memref<2x1664xi32, #tpu.memory_space<vmem>>, vector<1x16xi32>,
      %get3A_2971 = arith.constant 1 : i32
      %get3A_2972 = arith.index_cast %get3A_2971 : i32 to index
      %get3A_2973 = arith.constant 1056 : index
      %get3A_2974 = tpu.vector_load %arg6[%get3A_2972, %get3A_2973] {strides = array<i32>} : memref<2x1664xi32, #tpu.memory_space<vmem>>, vector<1x16xi32>,
      %get3A_2975 = vector.shape_cast %get3A_2974 : vector<1x16xi32> to vector<16xi32>
      %get3A_2976 = arith.constant 1056 : index
      %get3A_2977 = tpu.vector_load %arg7[%get3A_2976] {strides = array<i32>} : memref<1664xi32, #tpu.memory_space<vmem>>, vector<16xi32>,
      %get3A_2978 = vector.shape_cast %get3A_2977 : vector<16xi32> to vector<16xi32>
      %add3A_2979 = arith.addi %get3A_2975, %get3A_2978 : vector<16xi32>
      %swap3A_2980 = arith.constant 1 : i32
      %swap3A_2981 = arith.index_cast %swap3A_2980 : i32 to index
      %swap3A_2982 = arith.constant 1056 : index
      %swap3A_2983 = tpu.vector_load %arg6[%swap3A_2981, %swap3A_2982] {strides = array<i32>} : memref<2x1664xi32, #tpu.memory_space<vmem>>, vector<1x16xi32>,
      %swap3A_2984 = vector.shape_cast %swap3A_2983 : vector<1x16xi32> to vector<16xi32>
      %swap3A_2985 = vector.shape_cast %add3A_2979 : vector<16xi32> to vector<1x16xi32>
      tpu.vector_store %arg6[%swap3A_2981, %swap3A_2982], %swap3A_2985 {strides = array<i32>} : memref<2x1664xi32, #tpu.memory_space<vmem>>, vector<1x16xi32>,
      %get3A_2986 = arith.constant 1 : i32
      %get3A_2987 = arith.index_cast %get3A_2986 : i32 to index
      %get3A_2988 = arith.constant 1072 : index
      %get3A_2989 = tpu.vector_load %arg6[%get3A_2987, %get3A_2988] {strides = array<i32>} : memref<2x1664xi32, #tpu.memory_space<vmem>>, vector<1x16xi32>,
      %get3A_2990 = vector.shape_cast %get3A_2989 : vector<1x16xi32> to vector<16xi32>
      %get3A_2991 = arith.constant 1072 : index
      %get3A_2992 = tpu.vector_load %arg7[%get3A_2991] {strides = array<i32>} : memref<1664xi32, #tpu.memory_space<vmem>>, vector<16xi32>,
      %get3A_2993 = vector.shape_cast %get3A_2992 : vector<16xi32> to vector<16xi32>
      %add3A_2994 = arith.addi %get3A_2990, %get3A_2993 : vector<16xi32>
      %swap3A_2995 = arith.constant 1 : i32
      %swap3A_2996 = arith.index_cast %swap3A_2995 : i32 to index
      %swap3A_2997 = arith.constant 1072 : index
      %swap3A_2998 = tpu.vector_load %arg6[%swap3A_2996, %swap3A_2997] {strides = array<i32>} : memref<2x1664xi32, #tpu.memory_space<vmem>>, vector<1x16xi32>,
      %swap3A_2999 = vector.shape_cast %swap3A_2998 : vector<1x16xi32> to vector<16xi32>
      %swap3A_3000 = vector.shape_cast %add3A_2994 : vector<16xi32> to vector<1x16xi32>
      tpu.vector_store %arg6[%swap3A_2996, %swap3A_2997], %swap3A_3000 {strides = array<i32>} : memref<2x1664xi32, #tpu.memory_space<vmem>>, vector<1x16xi32>,
      %get3A_3001 = arith.constant 1 : i32
      %get3A_3002 = arith.index_cast %get3A_3001 : i32 to index
      %get3A_3003 = arith.constant 1088 : index
      %get3A_3004 = tpu.vector_load %arg6[%get3A_3002, %get3A_3003] {strides = array<i32>} : memref<2x1664xi32, #tpu.memory_space<vmem>>, vector<1x16xi32>,
      %get3A_3005 = vector.shape_cast %get3A_3004 : vector<1x16xi32> to vector<16xi32>
      %get3A_3006 = arith.constant 1088 : index
      %get3A_3007 = tpu.vector_load %arg7[%get3A_3006] {strides = array<i32>} : memref<1664xi32, #tpu.memory_space<vmem>>, vector<16xi32>,
      %get3A_3008 = vector.shape_cast %get3A_3007 : vector<16xi32> to vector<16xi32>
      %add3A_3009 = arith.addi %get3A_3005, %get3A_3008 : vector<16xi32>
      %swap3A_3010 = arith.constant 1 : i32
      %swap3A_3011 = arith.index_cast %swap3A_3010 : i32 to index
      %swap3A_3012 = arith.constant 1088 : index
      %swap3A_3013 = tpu.vector_load %arg6[%swap3A_3011, %swap3A_3012] {strides = array<i32>} : memref<2x1664xi32, #tpu.memory_space<vmem>>, vector<1x16xi32>,
      %swap3A_3014 = vector.shape_cast %swap3A_3013 : vector<1x16xi32> to vector<16xi32>
      %swap3A_3015 = vector.shape_cast %add3A_3009 : vector<16xi32> to vector<1x16xi32>
      tpu.vector_store %arg6[%swap3A_3011, %swap3A_3012], %swap3A_3015 {strides = array<i32>} : memref<2x1664xi32, #tpu.memory_space<vmem>>, vector<1x16xi32>,
      %get3A_3016 = arith.constant 1 : i32
      %get3A_3017 = arith.index_cast %get3A_3016 : i32 to index
      %get3A_3018 = arith.constant 1104 : index
      %get3A_3019 = tpu.vector_load %arg6[%get3A_3017, %get3A_3018] {strides = array<i32>} : memref<2x1664xi32, #tpu.memory_space<vmem>>, vector<1x16xi32>,
      %get3A_3020 = vector.shape_cast %get3A_3019 : vector<1x16xi32> to vector<16xi32>
      %get3A_3021 = arith.constant 1104 : index
      %get3A_3022 = tpu.vector_load %arg7[%get3A_3021] {strides = array<i32>} : memref<1664xi32, #tpu.memory_space<vmem>>, vector<16xi32>,
      %get3A_3023 = vector.shape_cast %get3A_3022 : vector<16xi32> to vector<16xi32>
      %add3A_3024 = arith.addi %get3A_3020, %get3A_3023 : vector<16xi32>
      %swap3A_3025 = arith.constant 1 : i32
      %swap3A_3026 = arith.index_cast %swap3A_3025 : i32 to index
      %swap3A_3027 = arith.constant 1104 : index
      %swap3A_3028 = tpu.vector_load %arg6[%swap3A_3026, %swap3A_3027] {strides = array<i32>} : memref<2x1664xi32, #tpu.memory_space<vmem>>, vector<1x16xi32>,
      %swap3A_3029 = vector.shape_cast %swap3A_3028 : vector<1x16xi32> to vector<16xi32>
      %swap3A_3030 = vector.shape_cast %add3A_3024 : vector<16xi32> to vector<1x16xi32>
      tpu.vector_store %arg6[%swap3A_3026, %swap3A_3027], %swap3A_3030 {strides = array<i32>} : memref<2x1664xi32, #tpu.memory_space<vmem>>, vector<1x16xi32>,
      %get3A_3031 = arith.constant 1 : i32
      %get3A_3032 = arith.index_cast %get3A_3031 : i32 to index
      %get3A_3033 = arith.constant 1120 : index
      %get3A_3034 = tpu.vector_load %arg6[%get3A_3032, %get3A_3033] {strides = array<i32>} : memref<2x1664xi32, #tpu.memory_space<vmem>>, vector<1x16xi32>,
      %get3A_3035 = vector.shape_cast %get3A_3034 : vector<1x16xi32> to vector<16xi32>
      %get3A_3036 = arith.constant 1120 : index
      %get3A_3037 = tpu.vector_load %arg7[%get3A_3036] {strides = array<i32>} : memref<1664xi32, #tpu.memory_space<vmem>>, vector<16xi32>,
      %get3A_3038 = vector.shape_cast %get3A_3037 : vector<16xi32> to vector<16xi32>
      %add3A_3039 = arith.addi %get3A_3035, %get3A_3038 : vector<16xi32>
      %swap3A_3040 = arith.constant 1 : i32
      %swap3A_3041 = arith.index_cast %swap3A_3040 : i32 to index
      %swap3A_3042 = arith.constant 1120 : index
      %swap3A_3043 = tpu.vector_load %arg6[%swap3A_3041, %swap3A_3042] {strides = array<i32>} : memref<2x1664xi32, #tpu.memory_space<vmem>>, vector<1x16xi32>,
      %swap3A_3044 = vector.shape_cast %swap3A_3043 : vector<1x16xi32> to vector<16xi32>
      %swap3A_3045 = vector.shape_cast %add3A_3039 : vector<16xi32> to vector<1x16xi32>
      tpu.vector_store %arg6[%swap3A_3041, %swap3A_3042], %swap3A_3045 {strides = array<i32>} : memref<2x1664xi32, #tpu.memory_space<vmem>>, vector<1x16xi32>,
      %get3A_3046 = arith.constant 1 : i32
      %get3A_3047 = arith.index_cast %get3A_3046 : i32 to index
      %get3A_3048 = arith.constant 1136 : index
      %get3A_3049 = tpu.vector_load %arg6[%get3A_3047, %get3A_3048] {strides = array<i32>} : memref<2x1664xi32, #tpu.memory_space<vmem>>, vector<1x16xi32>,
      %get3A_3050 = vector.shape_cast %get3A_3049 : vector<1x16xi32> to vector<16xi32>
      %get3A_3051 = arith.constant 1136 : index
      %get3A_3052 = tpu.vector_load %arg7[%get3A_3051] {strides = array<i32>} : memref<1664xi32, #tpu.memory_space<vmem>>, vector<16xi32>,
      %get3A_3053 = vector.shape_cast %get3A_3052 : vector<16xi32> to vector<16xi32>
      %add3A_3054 = arith.addi %get3A_3050, %get3A_3053 : vector<16xi32>
      %swap3A_3055 = arith.constant 1 : i32
      %swap3A_3056 = arith.index_cast %swap3A_3055 : i32 to index
      %swap3A_3057 = arith.constant 1136 : index
      %swap3A_3058 = tpu.vector_load %arg6[%swap3A_3056, %swap3A_3057] {strides = array<i32>} : memref<2x1664xi32, #tpu.memory_space<vmem>>, vector<1x16xi32>,
      %swap3A_3059 = vector.shape_cast %swap3A_3058 : vector<1x16xi32> to vector<16xi32>
      %swap3A_3060 = vector.shape_cast %add3A_3054 : vector<16xi32> to vector<1x16xi32>
      tpu.vector_store %arg6[%swap3A_3056, %swap3A_3057], %swap3A_3060 {strides = array<i32>} : memref<2x1664xi32, #tpu.memory_space<vmem>>, vector<1x16xi32>,
      %get3A_3061 = arith.constant 1 : i32
      %get3A_3062 = arith.index_cast %get3A_3061 : i32 to index
      %get3A_3063 = arith.constant 1152 : index
      %get3A_3064 = tpu.vector_load %arg6[%get3A_3062, %get3A_3063] {strides = array<i32>} : memref<2x1664xi32, #tpu.memory_space<vmem>>, vector<1x16xi32>,
      %get3A_3065 = vector.shape_cast %get3A_3064 : vector<1x16xi32> to vector<16xi32>
      %get3A_3066 = arith.constant 1152 : index
      %get3A_3067 = tpu.vector_load %arg7[%get3A_3066] {strides = array<i32>} : memref<1664xi32, #tpu.memory_space<vmem>>, vector<16xi32>,
      %get3A_3068 = vector.shape_cast %get3A_3067 : vector<16xi32> to vector<16xi32>
      %add3A_3069 = arith.addi %get3A_3065, %get3A_3068 : vector<16xi32>
      %swap3A_3070 = arith.constant 1 : i32
      %swap3A_3071 = arith.index_cast %swap3A_3070 : i32 to index
      %swap3A_3072 = arith.constant 1152 : index
      %swap3A_3073 = tpu.vector_load %arg6[%swap3A_3071, %swap3A_3072] {strides = array<i32>} : memref<2x1664xi32, #tpu.memory_space<vmem>>, vector<1x16xi32>,
      %swap3A_3074 = vector.shape_cast %swap3A_3073 : vector<1x16xi32> to vector<16xi32>
      %swap3A_3075 = vector.shape_cast %add3A_3069 : vector<16xi32> to vector<1x16xi32>
      tpu.vector_store %arg6[%swap3A_3071, %swap3A_3072], %swap3A_3075 {strides = array<i32>} : memref<2x1664xi32, #tpu.memory_space<vmem>>, vector<1x16xi32>,
      %get3A_3076 = arith.constant 1 : i32
      %get3A_3077 = arith.index_cast %get3A_3076 : i32 to index
      %get3A_3078 = arith.constant 1168 : index
      %get3A_3079 = tpu.vector_load %arg6[%get3A_3077, %get3A_3078] {strides = array<i32>} : memref<2x1664xi32, #tpu.memory_space<vmem>>, vector<1x16xi32>,
      %get3A_3080 = vector.shape_cast %get3A_3079 : vector<1x16xi32> to vector<16xi32>
      %get3A_3081 = arith.constant 1168 : index
      %get3A_3082 = tpu.vector_load %arg7[%get3A_3081] {strides = array<i32>} : memref<1664xi32, #tpu.memory_space<vmem>>, vector<16xi32>,
      %get3A_3083 = vector.shape_cast %get3A_3082 : vector<16xi32> to vector<16xi32>
      %add3A_3084 = arith.addi %get3A_3080, %get3A_3083 : vector<16xi32>
      %swap3A_3085 = arith.constant 1 : i32
      %swap3A_3086 = arith.index_cast %swap3A_3085 : i32 to index
      %swap3A_3087 = arith.constant 1168 : index
      %swap3A_3088 = tpu.vector_load %arg6[%swap3A_3086, %swap3A_3087] {strides = array<i32>} : memref<2x1664xi32, #tpu.memory_space<vmem>>, vector<1x16xi32>,
      %swap3A_3089 = vector.shape_cast %swap3A_3088 : vector<1x16xi32> to vector<16xi32>
      %swap3A_3090 = vector.shape_cast %add3A_3084 : vector<16xi32> to vector<1x16xi32>
      tpu.vector_store %arg6[%swap3A_3086, %swap3A_3087], %swap3A_3090 {strides = array<i32>} : memref<2x1664xi32, #tpu.memory_space<vmem>>, vector<1x16xi32>,
      %get3A_3091 = arith.constant 1 : i32
      %get3A_3092 = arith.index_cast %get3A_3091 : i32 to index
      %get3A_3093 = arith.constant 1184 : index
      %get3A_3094 = tpu.vector_load %arg6[%get3A_3092, %get3A_3093] {strides = array<i32>} : memref<2x1664xi32, #tpu.memory_space<vmem>>, vector<1x16xi32>,
      %get3A_3095 = vector.shape_cast %get3A_3094 : vector<1x16xi32> to vector<16xi32>
      %get3A_3096 = arith.constant 1184 : index
      %get3A_3097 = tpu.vector_load %arg7[%get3A_3096] {strides = array<i32>} : memref<1664xi32, #tpu.memory_space<vmem>>, vector<16xi32>,
      %get3A_3098 = vector.shape_cast %get3A_3097 : vector<16xi32> to vector<16xi32>
      %add3A_3099 = arith.addi %get3A_3095, %get3A_3098 : vector<16xi32>
      %swap3A_3100 = arith.constant 1 : i32
      %swap3A_3101 = arith.index_cast %swap3A_3100 : i32 to index
      %swap3A_3102 = arith.constant 1184 : index
      %swap3A_3103 = tpu.vector_load %arg6[%swap3A_3101, %swap3A_3102] {strides = array<i32>} : memref<2x1664xi32, #tpu.memory_space<vmem>>, vector<1x16xi32>,
      %swap3A_3104 = vector.shape_cast %swap3A_3103 : vector<1x16xi32> to vector<16xi32>
      %swap3A_3105 = vector.shape_cast %add3A_3099 : vector<16xi32> to vector<1x16xi32>
      tpu.vector_store %arg6[%swap3A_3101, %swap3A_3102], %swap3A_3105 {strides = array<i32>} : memref<2x1664xi32, #tpu.memory_space<vmem>>, vector<1x16xi32>,
      %get3A_3106 = arith.constant 1 : i32
      %get3A_3107 = arith.index_cast %get3A_3106 : i32 to index
      %get3A_3108 = arith.constant 1200 : index
      %get3A_3109 = tpu.vector_load %arg6[%get3A_3107, %get3A_3108] {strides = array<i32>} : memref<2x1664xi32, #tpu.memory_space<vmem>>, vector<1x16xi32>,
      %get3A_3110 = vector.shape_cast %get3A_3109 : vector<1x16xi32> to vector<16xi32>
      %get3A_3111 = arith.constant 1200 : index
      %get3A_3112 = tpu.vector_load %arg7[%get3A_3111] {strides = array<i32>} : memref<1664xi32, #tpu.memory_space<vmem>>, vector<16xi32>,
      %get3A_3113 = vector.shape_cast %get3A_3112 : vector<16xi32> to vector<16xi32>
      %add3A_3114 = arith.addi %get3A_3110, %get3A_3113 : vector<16xi32>
      %swap3A_3115 = arith.constant 1 : i32
      %swap3A_3116 = arith.index_cast %swap3A_3115 : i32 to index
      %swap3A_3117 = arith.constant 1200 : index
      %swap3A_3118 = tpu.vector_load %arg6[%swap3A_3116, %swap3A_3117] {strides = array<i32>} : memref<2x1664xi32, #tpu.memory_space<vmem>>, vector<1x16xi32>,
      %swap3A_3119 = vector.shape_cast %swap3A_3118 : vector<1x16xi32> to vector<16xi32>
      %swap3A_3120 = vector.shape_cast %add3A_3114 : vector<16xi32> to vector<1x16xi32>
      tpu.vector_store %arg6[%swap3A_3116, %swap3A_3117], %swap3A_3120 {strides = array<i32>} : memref<2x1664xi32, #tpu.memory_space<vmem>>, vector<1x16xi32>,
      %get3A_3121 = arith.constant 1 : i32
      %get3A_3122 = arith.index_cast %get3A_3121 : i32 to index
      %get3A_3123 = arith.constant 1216 : index
      %get3A_3124 = tpu.vector_load %arg6[%get3A_3122, %get3A_3123] {strides = array<i32>} : memref<2x1664xi32, #tpu.memory_space<vmem>>, vector<1x16xi32>,
      %get3A_3125 = vector.shape_cast %get3A_3124 : vector<1x16xi32> to vector<16xi32>
      %get3A_3126 = arith.constant 1216 : index
      %get3A_3127 = tpu.vector_load %arg7[%get3A_3126] {strides = array<i32>} : memref<1664xi32, #tpu.memory_space<vmem>>, vector<16xi32>,
      %get3A_3128 = vector.shape_cast %get3A_3127 : vector<16xi32> to vector<16xi32>
      %add3A_3129 = arith.addi %get3A_3125, %get3A_3128 : vector<16xi32>
      %swap3A_3130 = arith.constant 1 : i32
      %swap3A_3131 = arith.index_cast %swap3A_3130 : i32 to index
      %swap3A_3132 = arith.constant 1216 : index
      %swap3A_3133 = tpu.vector_load %arg6[%swap3A_3131, %swap3A_3132] {strides = array<i32>} : memref<2x1664xi32, #tpu.memory_space<vmem>>, vector<1x16xi32>,
      %swap3A_3134 = vector.shape_cast %swap3A_3133 : vector<1x16xi32> to vector<16xi32>
      %swap3A_3135 = vector.shape_cast %add3A_3129 : vector<16xi32> to vector<1x16xi32>
      tpu.vector_store %arg6[%swap3A_3131, %swap3A_3132], %swap3A_3135 {strides = array<i32>} : memref<2x1664xi32, #tpu.memory_space<vmem>>, vector<1x16xi32>,
      %get3A_3136 = arith.constant 1 : i32
      %get3A_3137 = arith.index_cast %get3A_3136 : i32 to index
      %get3A_3138 = arith.constant 1232 : index
      %get3A_3139 = tpu.vector_load %arg6[%get3A_3137, %get3A_3138] {strides = array<i32>} : memref<2x1664xi32, #tpu.memory_space<vmem>>, vector<1x16xi32>,
      %get3A_3140 = vector.shape_cast %get3A_3139 : vector<1x16xi32> to vector<16xi32>
      %get3A_3141 = arith.constant 1232 : index
      %get3A_3142 = tpu.vector_load %arg7[%get3A_3141] {strides = array<i32>} : memref<1664xi32, #tpu.memory_space<vmem>>, vector<16xi32>,
      %get3A_3143 = vector.shape_cast %get3A_3142 : vector<16xi32> to vector<16xi32>
      %add3A_3144 = arith.addi %get3A_3140, %get3A_3143 : vector<16xi32>
      %swap3A_3145 = arith.constant 1 : i32
      %swap3A_3146 = arith.index_cast %swap3A_3145 : i32 to index
      %swap3A_3147 = arith.constant 1232 : index
      %swap3A_3148 = tpu.vector_load %arg6[%swap3A_3146, %swap3A_3147] {strides = array<i32>} : memref<2x1664xi32, #tpu.memory_space<vmem>>, vector<1x16xi32>,
      %swap3A_3149 = vector.shape_cast %swap3A_3148 : vector<1x16xi32> to vector<16xi32>
      %swap3A_3150 = vector.shape_cast %add3A_3144 : vector<16xi32> to vector<1x16xi32>
      tpu.vector_store %arg6[%swap3A_3146, %swap3A_3147], %swap3A_3150 {strides = array<i32>} : memref<2x1664xi32, #tpu.memory_space<vmem>>, vector<1x16xi32>,
      %get3A_3151 = arith.constant 1 : i32
      %get3A_3152 = arith.index_cast %get3A_3151 : i32 to index
      %get3A_3153 = arith.constant 1248 : index
      %get3A_3154 = tpu.vector_load %arg6[%get3A_3152, %get3A_3153] {strides = array<i32>} : memref<2x1664xi32, #tpu.memory_space<vmem>>, vector<1x16xi32>,
      %get3A_3155 = vector.shape_cast %get3A_3154 : vector<1x16xi32> to vector<16xi32>
      %get3A_3156 = arith.constant 1248 : index
      %get3A_3157 = tpu.vector_load %arg7[%get3A_3156] {strides = array<i32>} : memref<1664xi32, #tpu.memory_space<vmem>>, vector<16xi32>,
      %get3A_3158 = vector.shape_cast %get3A_3157 : vector<16xi32> to vector<16xi32>
      %add3A_3159 = arith.addi %get3A_3155, %get3A_3158 : vector<16xi32>
      %swap3A_3160 = arith.constant 1 : i32
      %swap3A_3161 = arith.index_cast %swap3A_3160 : i32 to index
      %swap3A_3162 = arith.constant 1248 : index
      %swap3A_3163 = tpu.vector_load %arg6[%swap3A_3161, %swap3A_3162] {strides = array<i32>} : memref<2x1664xi32, #tpu.memory_space<vmem>>, vector<1x16xi32>,
      %swap3A_3164 = vector.shape_cast %swap3A_3163 : vector<1x16xi32> to vector<16xi32>
      %swap3A_3165 = vector.shape_cast %add3A_3159 : vector<16xi32> to vector<1x16xi32>
      tpu.vector_store %arg6[%swap3A_3161, %swap3A_3162], %swap3A_3165 {strides = array<i32>} : memref<2x1664xi32, #tpu.memory_space<vmem>>, vector<1x16xi32>,
      %get3A_3166 = arith.constant 1 : i32
      %get3A_3167 = arith.index_cast %get3A_3166 : i32 to index
      %get3A_3168 = arith.constant 1264 : index
      %get3A_3169 = tpu.vector_load %arg6[%get3A_3167, %get3A_3168] {strides = array<i32>} : memref<2x1664xi32, #tpu.memory_space<vmem>>, vector<1x16xi32>,
      %get3A_3170 = vector.shape_cast %get3A_3169 : vector<1x16xi32> to vector<16xi32>
      %get3A_3171 = arith.constant 1264 : index
      %get3A_3172 = tpu.vector_load %arg7[%get3A_3171] {strides = array<i32>} : memref<1664xi32, #tpu.memory_space<vmem>>, vector<16xi32>,
      %get3A_3173 = vector.shape_cast %get3A_3172 : vector<16xi32> to vector<16xi32>
      %add3A_3174 = arith.addi %get3A_3170, %get3A_3173 : vector<16xi32>
      %swap3A_3175 = arith.constant 1 : i32
      %swap3A_3176 = arith.index_cast %swap3A_3175 : i32 to index
      %swap3A_3177 = arith.constant 1264 : index
      %swap3A_3178 = tpu.vector_load %arg6[%swap3A_3176, %swap3A_3177] {strides = array<i32>} : memref<2x1664xi32, #tpu.memory_space<vmem>>, vector<1x16xi32>,
      %swap3A_3179 = vector.shape_cast %swap3A_3178 : vector<1x16xi32> to vector<16xi32>
      %swap3A_3180 = vector.shape_cast %add3A_3174 : vector<16xi32> to vector<1x16xi32>
      tpu.vector_store %arg6[%swap3A_3176, %swap3A_3177], %swap3A_3180 {strides = array<i32>} : memref<2x1664xi32, #tpu.memory_space<vmem>>, vector<1x16xi32>,
      %get3A_3181 = arith.constant 1 : i32
      %get3A_3182 = arith.index_cast %get3A_3181 : i32 to index
      %get3A_3183 = arith.constant 1280 : index
      %get3A_3184 = tpu.vector_load %arg6[%get3A_3182, %get3A_3183] {strides = array<i32>} : memref<2x1664xi32, #tpu.memory_space<vmem>>, vector<1x16xi32>,
      %get3A_3185 = vector.shape_cast %get3A_3184 : vector<1x16xi32> to vector<16xi32>
      %get3A_3186 = arith.constant 1280 : index
      %get3A_3187 = tpu.vector_load %arg7[%get3A_3186] {strides = array<i32>} : memref<1664xi32, #tpu.memory_space<vmem>>, vector<16xi32>,
      %get3A_3188 = vector.shape_cast %get3A_3187 : vector<16xi32> to vector<16xi32>
      %add3A_3189 = arith.addi %get3A_3185, %get3A_3188 : vector<16xi32>
      %swap3A_3190 = arith.constant 1 : i32
      %swap3A_3191 = arith.index_cast %swap3A_3190 : i32 to index
      %swap3A_3192 = arith.constant 1280 : index
      %swap3A_3193 = tpu.vector_load %arg6[%swap3A_3191, %swap3A_3192] {strides = array<i32>} : memref<2x1664xi32, #tpu.memory_space<vmem>>, vector<1x16xi32>,
      %swap3A_3194 = vector.shape_cast %swap3A_3193 : vector<1x16xi32> to vector<16xi32>
      %swap3A_3195 = vector.shape_cast %add3A_3189 : vector<16xi32> to vector<1x16xi32>
      tpu.vector_store %arg6[%swap3A_3191, %swap3A_3192], %swap3A_3195 {strides = array<i32>} : memref<2x1664xi32, #tpu.memory_space<vmem>>, vector<1x16xi32>,
      %get3A_3196 = arith.constant 1 : i32
      %get3A_3197 = arith.index_cast %get3A_3196 : i32 to index
      %get3A_3198 = arith.constant 1296 : index
      %get3A_3199 = tpu.vector_load %arg6[%get3A_3197, %get3A_3198] {strides = array<i32>} : memref<2x1664xi32, #tpu.memory_space<vmem>>, vector<1x16xi32>,
      %get3A_3200 = vector.shape_cast %get3A_3199 : vector<1x16xi32> to vector<16xi32>
      %get3A_3201 = arith.constant 1296 : index
      %get3A_3202 = tpu.vector_load %arg7[%get3A_3201] {strides = array<i32>} : memref<1664xi32, #tpu.memory_space<vmem>>, vector<16xi32>,
      %get3A_3203 = vector.shape_cast %get3A_3202 : vector<16xi32> to vector<16xi32>
      %add3A_3204 = arith.addi %get3A_3200, %get3A_3203 : vector<16xi32>
      %swap3A_3205 = arith.constant 1 : i32
      %swap3A_3206 = arith.index_cast %swap3A_3205 : i32 to index
      %swap3A_3207 = arith.constant 1296 : index
      %swap3A_3208 = tpu.vector_load %arg6[%swap3A_3206, %swap3A_3207] {strides = array<i32>} : memref<2x1664xi32, #tpu.memory_space<vmem>>, vector<1x16xi32>,
      %swap3A_3209 = vector.shape_cast %swap3A_3208 : vector<1x16xi32> to vector<16xi32>
      %swap3A_3210 = vector.shape_cast %add3A_3204 : vector<16xi32> to vector<1x16xi32>
      tpu.vector_store %arg6[%swap3A_3206, %swap3A_3207], %swap3A_3210 {strides = array<i32>} : memref<2x1664xi32, #tpu.memory_space<vmem>>, vector<1x16xi32>,
      %get3A_3211 = arith.constant 1 : i32
      %get3A_3212 = arith.index_cast %get3A_3211 : i32 to index
      %get3A_3213 = arith.constant 1312 : index
      %get3A_3214 = tpu.vector_load %arg6[%get3A_3212, %get3A_3213] {strides = array<i32>} : memref<2x1664xi32, #tpu.memory_space<vmem>>, vector<1x16xi32>,
      %get3A_3215 = vector.shape_cast %get3A_3214 : vector<1x16xi32> to vector<16xi32>
      %get3A_3216 = arith.constant 1312 : index
      %get3A_3217 = tpu.vector_load %arg7[%get3A_3216] {strides = array<i32>} : memref<1664xi32, #tpu.memory_space<vmem>>, vector<16xi32>,
      %get3A_3218 = vector.shape_cast %get3A_3217 : vector<16xi32> to vector<16xi32>
      %add3A_3219 = arith.addi %get3A_3215, %get3A_3218 : vector<16xi32>
      %swap3A_3220 = arith.constant 1 : i32
      %swap3A_3221 = arith.index_cast %swap3A_3220 : i32 to index
      %swap3A_3222 = arith.constant 1312 : index
      %swap3A_3223 = tpu.vector_load %arg6[%swap3A_3221, %swap3A_3222] {strides = array<i32>} : memref<2x1664xi32, #tpu.memory_space<vmem>>, vector<1x16xi32>,
      %swap3A_3224 = vector.shape_cast %swap3A_3223 : vector<1x16xi32> to vector<16xi32>
      %swap3A_3225 = vector.shape_cast %add3A_3219 : vector<16xi32> to vector<1x16xi32>
      tpu.vector_store %arg6[%swap3A_3221, %swap3A_3222], %swap3A_3225 {strides = array<i32>} : memref<2x1664xi32, #tpu.memory_space<vmem>>, vector<1x16xi32>,
      %get3A_3226 = arith.constant 1 : i32
      %get3A_3227 = arith.index_cast %get3A_3226 : i32 to index
      %get3A_3228 = arith.constant 1328 : index
      %get3A_3229 = tpu.vector_load %arg6[%get3A_3227, %get3A_3228] {strides = array<i32>} : memref<2x1664xi32, #tpu.memory_space<vmem>>, vector<1x16xi32>,
      %get3A_3230 = vector.shape_cast %get3A_3229 : vector<1x16xi32> to vector<16xi32>
      %get3A_3231 = arith.constant 1328 : index
      %get3A_3232 = tpu.vector_load %arg7[%get3A_3231] {strides = array<i32>} : memref<1664xi32, #tpu.memory_space<vmem>>, vector<16xi32>,
      %get3A_3233 = vector.shape_cast %get3A_3232 : vector<16xi32> to vector<16xi32>
      %add3A_3234 = arith.addi %get3A_3230, %get3A_3233 : vector<16xi32>
      %swap3A_3235 = arith.constant 1 : i32
      %swap3A_3236 = arith.index_cast %swap3A_3235 : i32 to index
      %swap3A_3237 = arith.constant 1328 : index
      %swap3A_3238 = tpu.vector_load %arg6[%swap3A_3236, %swap3A_3237] {strides = array<i32>} : memref<2x1664xi32, #tpu.memory_space<vmem>>, vector<1x16xi32>,
      %swap3A_3239 = vector.shape_cast %swap3A_3238 : vector<1x16xi32> to vector<16xi32>
      %swap3A_3240 = vector.shape_cast %add3A_3234 : vector<16xi32> to vector<1x16xi32>
      tpu.vector_store %arg6[%swap3A_3236, %swap3A_3237], %swap3A_3240 {strides = array<i32>} : memref<2x1664xi32, #tpu.memory_space<vmem>>, vector<1x16xi32>,
      %get3A_3241 = arith.constant 1 : i32
      %get3A_3242 = arith.index_cast %get3A_3241 : i32 to index
      %get3A_3243 = arith.constant 1344 : index
      %get3A_3244 = tpu.vector_load %arg6[%get3A_3242, %get3A_3243] {strides = array<i32>} : memref<2x1664xi32, #tpu.memory_space<vmem>>, vector<1x16xi32>,
      %get3A_3245 = vector.shape_cast %get3A_3244 : vector<1x16xi32> to vector<16xi32>
      %get3A_3246 = arith.constant 1344 : index
      %get3A_3247 = tpu.vector_load %arg7[%get3A_3246] {strides = array<i32>} : memref<1664xi32, #tpu.memory_space<vmem>>, vector<16xi32>,
      %get3A_3248 = vector.shape_cast %get3A_3247 : vector<16xi32> to vector<16xi32>
      %add3A_3249 = arith.addi %get3A_3245, %get3A_3248 : vector<16xi32>
      %swap3A_3250 = arith.constant 1 : i32
      %swap3A_3251 = arith.index_cast %swap3A_3250 : i32 to index
      %swap3A_3252 = arith.constant 1344 : index
      %swap3A_3253 = tpu.vector_load %arg6[%swap3A_3251, %swap3A_3252] {strides = array<i32>} : memref<2x1664xi32, #tpu.memory_space<vmem>>, vector<1x16xi32>,
      %swap3A_3254 = vector.shape_cast %swap3A_3253 : vector<1x16xi32> to vector<16xi32>
      %swap3A_3255 = vector.shape_cast %add3A_3249 : vector<16xi32> to vector<1x16xi32>
      tpu.vector_store %arg6[%swap3A_3251, %swap3A_3252], %swap3A_3255 {strides = array<i32>} : memref<2x1664xi32, #tpu.memory_space<vmem>>, vector<1x16xi32>,
      %get3A_3256 = arith.constant 1 : i32
      %get3A_3257 = arith.index_cast %get3A_3256 : i32 to index
      %get3A_3258 = arith.constant 1360 : index
      %get3A_3259 = tpu.vector_load %arg6[%get3A_3257, %get3A_3258] {strides = array<i32>} : memref<2x1664xi32, #tpu.memory_space<vmem>>, vector<1x16xi32>,
      %get3A_3260 = vector.shape_cast %get3A_3259 : vector<1x16xi32> to vector<16xi32>
      %get3A_3261 = arith.constant 1360 : index
      %get3A_3262 = tpu.vector_load %arg7[%get3A_3261] {strides = array<i32>} : memref<1664xi32, #tpu.memory_space<vmem>>, vector<16xi32>,
      %get3A_3263 = vector.shape_cast %get3A_3262 : vector<16xi32> to vector<16xi32>
      %add3A_3264 = arith.addi %get3A_3260, %get3A_3263 : vector<16xi32>
      %swap3A_3265 = arith.constant 1 : i32
      %swap3A_3266 = arith.index_cast %swap3A_3265 : i32 to index
      %swap3A_3267 = arith.constant 1360 : index
      %swap3A_3268 = tpu.vector_load %arg6[%swap3A_3266, %swap3A_3267] {strides = array<i32>} : memref<2x1664xi32, #tpu.memory_space<vmem>>, vector<1x16xi32>,
      %swap3A_3269 = vector.shape_cast %swap3A_3268 : vector<1x16xi32> to vector<16xi32>
      %swap3A_3270 = vector.shape_cast %add3A_3264 : vector<16xi32> to vector<1x16xi32>
      tpu.vector_store %arg6[%swap3A_3266, %swap3A_3267], %swap3A_3270 {strides = array<i32>} : memref<2x1664xi32, #tpu.memory_space<vmem>>, vector<1x16xi32>,
      %get3A_3271 = arith.constant 1 : i32
      %get3A_3272 = arith.index_cast %get3A_3271 : i32 to index
      %get3A_3273 = arith.constant 1376 : index
      %get3A_3274 = tpu.vector_load %arg6[%get3A_3272, %get3A_3273] {strides = array<i32>} : memref<2x1664xi32, #tpu.memory_space<vmem>>, vector<1x16xi32>,
      %get3A_3275 = vector.shape_cast %get3A_3274 : vector<1x16xi32> to vector<16xi32>
      %get3A_3276 = arith.constant 1376 : index
      %get3A_3277 = tpu.vector_load %arg7[%get3A_3276] {strides = array<i32>} : memref<1664xi32, #tpu.memory_space<vmem>>, vector<16xi32>,
      %get3A_3278 = vector.shape_cast %get3A_3277 : vector<16xi32> to vector<16xi32>
      %add3A_3279 = arith.addi %get3A_3275, %get3A_3278 : vector<16xi32>
      %swap3A_3280 = arith.constant 1 : i32
      %swap3A_3281 = arith.index_cast %swap3A_3280 : i32 to index
      %swap3A_3282 = arith.constant 1376 : index
      %swap3A_3283 = tpu.vector_load %arg6[%swap3A_3281, %swap3A_3282] {strides = array<i32>} : memref<2x1664xi32, #tpu.memory_space<vmem>>, vector<1x16xi32>,
      %swap3A_3284 = vector.shape_cast %swap3A_3283 : vector<1x16xi32> to vector<16xi32>
      %swap3A_3285 = vector.shape_cast %add3A_3279 : vector<16xi32> to vector<1x16xi32>
      tpu.vector_store %arg6[%swap3A_3281, %swap3A_3282], %swap3A_3285 {strides = array<i32>} : memref<2x1664xi32, #tpu.memory_space<vmem>>, vector<1x16xi32>,
      %get3A_3286 = arith.constant 1 : i32
      %get3A_3287 = arith.index_cast %get3A_3286 : i32 to index
      %get3A_3288 = arith.constant 1392 : index
      %get3A_3289 = tpu.vector_load %arg6[%get3A_3287, %get3A_3288] {strides = array<i32>} : memref<2x1664xi32, #tpu.memory_space<vmem>>, vector<1x16xi32>,
      %get3A_3290 = vector.shape_cast %get3A_3289 : vector<1x16xi32> to vector<16xi32>
      %get3A_3291 = arith.constant 1392 : index
      %get3A_3292 = tpu.vector_load %arg7[%get3A_3291] {strides = array<i32>} : memref<1664xi32, #tpu.memory_space<vmem>>, vector<16xi32>,
      %get3A_3293 = vector.shape_cast %get3A_3292 : vector<16xi32> to vector<16xi32>
      %add3A_3294 = arith.addi %get3A_3290, %get3A_3293 : vector<16xi32>
      %swap3A_3295 = arith.constant 1 : i32
      %swap3A_3296 = arith.index_cast %swap3A_3295 : i32 to index
      %swap3A_3297 = arith.constant 1392 : index
      %swap3A_3298 = tpu.vector_load %arg6[%swap3A_3296, %swap3A_3297] {strides = array<i32>} : memref<2x1664xi32, #tpu.memory_space<vmem>>, vector<1x16xi32>,
      %swap3A_3299 = vector.shape_cast %swap3A_3298 : vector<1x16xi32> to vector<16xi32>
      %swap3A_3300 = vector.shape_cast %add3A_3294 : vector<16xi32> to vector<1x16xi32>
      tpu.vector_store %arg6[%swap3A_3296, %swap3A_3297], %swap3A_3300 {strides = array<i32>} : memref<2x1664xi32, #tpu.memory_space<vmem>>, vector<1x16xi32>,
      %get3A_3301 = arith.constant 1 : i32
      %get3A_3302 = arith.index_cast %get3A_3301 : i32 to index
      %get3A_3303 = arith.constant 1408 : index
      %get3A_3304 = tpu.vector_load %arg6[%get3A_3302, %get3A_3303] {strides = array<i32>} : memref<2x1664xi32, #tpu.memory_space<vmem>>, vector<1x16xi32>,
      %get3A_3305 = vector.shape_cast %get3A_3304 : vector<1x16xi32> to vector<16xi32>
      %get3A_3306 = arith.constant 1408 : index
      %get3A_3307 = tpu.vector_load %arg7[%get3A_3306] {strides = array<i32>} : memref<1664xi32, #tpu.memory_space<vmem>>, vector<16xi32>,
      %get3A_3308 = vector.shape_cast %get3A_3307 : vector<16xi32> to vector<16xi32>
      %add3A_3309 = arith.addi %get3A_3305, %get3A_3308 : vector<16xi32>
      %swap3A_3310 = arith.constant 1 : i32
      %swap3A_3311 = arith.index_cast %swap3A_3310 : i32 to index
      %swap3A_3312 = arith.constant 1408 : index
      %swap3A_3313 = tpu.vector_load %arg6[%swap3A_3311, %swap3A_3312] {strides = array<i32>} : memref<2x1664xi32, #tpu.memory_space<vmem>>, vector<1x16xi32>,
      %swap3A_3314 = vector.shape_cast %swap3A_3313 : vector<1x16xi32> to vector<16xi32>
      %swap3A_3315 = vector.shape_cast %add3A_3309 : vector<16xi32> to vector<1x16xi32>
      tpu.vector_store %arg6[%swap3A_3311, %swap3A_3312], %swap3A_3315 {strides = array<i32>} : memref<2x1664xi32, #tpu.memory_space<vmem>>, vector<1x16xi32>,
      %get3A_3316 = arith.constant 1 : i32
      %get3A_3317 = arith.index_cast %get3A_3316 : i32 to index
      %get3A_3318 = arith.constant 1424 : index
      %get3A_3319 = tpu.vector_load %arg6[%get3A_3317, %get3A_3318] {strides = array<i32>} : memref<2x1664xi32, #tpu.memory_space<vmem>>, vector<1x16xi32>,
      %get3A_3320 = vector.shape_cast %get3A_3319 : vector<1x16xi32> to vector<16xi32>
      %get3A_3321 = arith.constant 1424 : index
      %get3A_3322 = tpu.vector_load %arg7[%get3A_3321] {strides = array<i32>} : memref<1664xi32, #tpu.memory_space<vmem>>, vector<16xi32>,
      %get3A_3323 = vector.shape_cast %get3A_3322 : vector<16xi32> to vector<16xi32>
      %add3A_3324 = arith.addi %get3A_3320, %get3A_3323 : vector<16xi32>
      %swap3A_3325 = arith.constant 1 : i32
      %swap3A_3326 = arith.index_cast %swap3A_3325 : i32 to index
      %swap3A_3327 = arith.constant 1424 : index
      %swap3A_3328 = tpu.vector_load %arg6[%swap3A_3326, %swap3A_3327] {strides = array<i32>} : memref<2x1664xi32, #tpu.memory_space<vmem>>, vector<1x16xi32>,
      %swap3A_3329 = vector.shape_cast %swap3A_3328 : vector<1x16xi32> to vector<16xi32>
      %swap3A_3330 = vector.shape_cast %add3A_3324 : vector<16xi32> to vector<1x16xi32>
      tpu.vector_store %arg6[%swap3A_3326, %swap3A_3327], %swap3A_3330 {strides = array<i32>} : memref<2x1664xi32, #tpu.memory_space<vmem>>, vector<1x16xi32>,
      %get3A_3331 = arith.constant 1 : i32
      %get3A_3332 = arith.index_cast %get3A_3331 : i32 to index
      %get3A_3333 = arith.constant 1440 : index
      %get3A_3334 = tpu.vector_load %arg6[%get3A_3332, %get3A_3333] {strides = array<i32>} : memref<2x1664xi32, #tpu.memory_space<vmem>>, vector<1x16xi32>,
      %get3A_3335 = vector.shape_cast %get3A_3334 : vector<1x16xi32> to vector<16xi32>
      %get3A_3336 = arith.constant 1440 : index
      %get3A_3337 = tpu.vector_load %arg7[%get3A_3336] {strides = array<i32>} : memref<1664xi32, #tpu.memory_space<vmem>>, vector<16xi32>,
      %get3A_3338 = vector.shape_cast %get3A_3337 : vector<16xi32> to vector<16xi32>
      %add3A_3339 = arith.addi %get3A_3335, %get3A_3338 : vector<16xi32>
      %swap3A_3340 = arith.constant 1 : i32
      %swap3A_3341 = arith.index_cast %swap3A_3340 : i32 to index
      %swap3A_3342 = arith.constant 1440 : index
      %swap3A_3343 = tpu.vector_load %arg6[%swap3A_3341, %swap3A_3342] {strides = array<i32>} : memref<2x1664xi32, #tpu.memory_space<vmem>>, vector<1x16xi32>,
      %swap3A_3344 = vector.shape_cast %swap3A_3343 : vector<1x16xi32> to vector<16xi32>
      %swap3A_3345 = vector.shape_cast %add3A_3339 : vector<16xi32> to vector<1x16xi32>
      tpu.vector_store %arg6[%swap3A_3341, %swap3A_3342], %swap3A_3345 {strides = array<i32>} : memref<2x1664xi32, #tpu.memory_space<vmem>>, vector<1x16xi32>,
      %get3A_3346 = arith.constant 1 : i32
      %get3A_3347 = arith.index_cast %get3A_3346 : i32 to index
      %get3A_3348 = arith.constant 1456 : index
      %get3A_3349 = tpu.vector_load %arg6[%get3A_3347, %get3A_3348] {strides = array<i32>} : memref<2x1664xi32, #tpu.memory_space<vmem>>, vector<1x16xi32>,
      %get3A_3350 = vector.shape_cast %get3A_3349 : vector<1x16xi32> to vector<16xi32>
      %get3A_3351 = arith.constant 1456 : index
      %get3A_3352 = tpu.vector_load %arg7[%get3A_3351] {strides = array<i32>} : memref<1664xi32, #tpu.memory_space<vmem>>, vector<16xi32>,
      %get3A_3353 = vector.shape_cast %get3A_3352 : vector<16xi32> to vector<16xi32>
      %add3A_3354 = arith.addi %get3A_3350, %get3A_3353 : vector<16xi32>
      %swap3A_3355 = arith.constant 1 : i32
      %swap3A_3356 = arith.index_cast %swap3A_3355 : i32 to index
      %swap3A_3357 = arith.constant 1456 : index
      %swap3A_3358 = tpu.vector_load %arg6[%swap3A_3356, %swap3A_3357] {strides = array<i32>} : memref<2x1664xi32, #tpu.memory_space<vmem>>, vector<1x16xi32>,
      %swap3A_3359 = vector.shape_cast %swap3A_3358 : vector<1x16xi32> to vector<16xi32>
      %swap3A_3360 = vector.shape_cast %add3A_3354 : vector<16xi32> to vector<1x16xi32>
      tpu.vector_store %arg6[%swap3A_3356, %swap3A_3357], %swap3A_3360 {strides = array<i32>} : memref<2x1664xi32, #tpu.memory_space<vmem>>, vector<1x16xi32>,
      %get3A_3361 = arith.constant 1 : i32
      %get3A_3362 = arith.index_cast %get3A_3361 : i32 to index
      %get3A_3363 = arith.constant 1472 : index
      %get3A_3364 = tpu.vector_load %arg6[%get3A_3362, %get3A_3363] {strides = array<i32>} : memref<2x1664xi32, #tpu.memory_space<vmem>>, vector<1x16xi32>,
      %get3A_3365 = vector.shape_cast %get3A_3364 : vector<1x16xi32> to vector<16xi32>
      %get3A_3366 = arith.constant 1472 : index
      %get3A_3367 = tpu.vector_load %arg7[%get3A_3366] {strides = array<i32>} : memref<1664xi32, #tpu.memory_space<vmem>>, vector<16xi32>,
      %get3A_3368 = vector.shape_cast %get3A_3367 : vector<16xi32> to vector<16xi32>
      %add3A_3369 = arith.addi %get3A_3365, %get3A_3368 : vector<16xi32>
      %swap3A_3370 = arith.constant 1 : i32
      %swap3A_3371 = arith.index_cast %swap3A_3370 : i32 to index
      %swap3A_3372 = arith.constant 1472 : index
      %swap3A_3373 = tpu.vector_load %arg6[%swap3A_3371, %swap3A_3372] {strides = array<i32>} : memref<2x1664xi32, #tpu.memory_space<vmem>>, vector<1x16xi32>,
      %swap3A_3374 = vector.shape_cast %swap3A_3373 : vector<1x16xi32> to vector<16xi32>
      %swap3A_3375 = vector.shape_cast %add3A_3369 : vector<16xi32> to vector<1x16xi32>
      tpu.vector_store %arg6[%swap3A_3371, %swap3A_3372], %swap3A_3375 {strides = array<i32>} : memref<2x1664xi32, #tpu.memory_space<vmem>>, vector<1x16xi32>,
      %get3A_3376 = arith.constant 1 : i32
      %get3A_3377 = arith.index_cast %get3A_3376 : i32 to index
      %get3A_3378 = arith.constant 1488 : index
      %get3A_3379 = tpu.vector_load %arg6[%get3A_3377, %get3A_3378] {strides = array<i32>} : memref<2x1664xi32, #tpu.memory_space<vmem>>, vector<1x16xi32>,
      %get3A_3380 = vector.shape_cast %get3A_3379 : vector<1x16xi32> to vector<16xi32>
      %get3A_3381 = arith.constant 1488 : index
      %get3A_3382 = tpu.vector_load %arg7[%get3A_3381] {strides = array<i32>} : memref<1664xi32, #tpu.memory_space<vmem>>, vector<16xi32>,
      %get3A_3383 = vector.shape_cast %get3A_3382 : vector<16xi32> to vector<16xi32>
      %add3A_3384 = arith.addi %get3A_3380, %get3A_3383 : vector<16xi32>
      %swap3A_3385 = arith.constant 1 : i32
      %swap3A_3386 = arith.index_cast %swap3A_3385 : i32 to index
      %swap3A_3387 = arith.constant 1488 : index
      %swap3A_3388 = tpu.vector_load %arg6[%swap3A_3386, %swap3A_3387] {strides = array<i32>} : memref<2x1664xi32, #tpu.memory_space<vmem>>, vector<1x16xi32>,
      %swap3A_3389 = vector.shape_cast %swap3A_3388 : vector<1x16xi32> to vector<16xi32>
      %swap3A_3390 = vector.shape_cast %add3A_3384 : vector<16xi32> to vector<1x16xi32>
      tpu.vector_store %arg6[%swap3A_3386, %swap3A_3387], %swap3A_3390 {strides = array<i32>} : memref<2x1664xi32, #tpu.memory_space<vmem>>, vector<1x16xi32>,
      %get3A_3391 = arith.constant 1 : i32
      %get3A_3392 = arith.index_cast %get3A_3391 : i32 to index
      %get3A_3393 = arith.constant 1504 : index
      %get3A_3394 = tpu.vector_load %arg6[%get3A_3392, %get3A_3393] {strides = array<i32>} : memref<2x1664xi32, #tpu.memory_space<vmem>>, vector<1x16xi32>,
      %get3A_3395 = vector.shape_cast %get3A_3394 : vector<1x16xi32> to vector<16xi32>
      %get3A_3396 = arith.constant 1504 : index
      %get3A_3397 = tpu.vector_load %arg7[%get3A_3396] {strides = array<i32>} : memref<1664xi32, #tpu.memory_space<vmem>>, vector<16xi32>,
      %get3A_3398 = vector.shape_cast %get3A_3397 : vector<16xi32> to vector<16xi32>
      %add3A_3399 = arith.addi %get3A_3395, %get3A_3398 : vector<16xi32>
      %swap3A_3400 = arith.constant 1 : i32
      %swap3A_3401 = arith.index_cast %swap3A_3400 : i32 to index
      %swap3A_3402 = arith.constant 1504 : index
      %swap3A_3403 = tpu.vector_load %arg6[%swap3A_3401, %swap3A_3402] {strides = array<i32>} : memref<2x1664xi32, #tpu.memory_space<vmem>>, vector<1x16xi32>,
      %swap3A_3404 = vector.shape_cast %swap3A_3403 : vector<1x16xi32> to vector<16xi32>
      %swap3A_3405 = vector.shape_cast %add3A_3399 : vector<16xi32> to vector<1x16xi32>
      tpu.vector_store %arg6[%swap3A_3401, %swap3A_3402], %swap3A_3405 {strides = array<i32>} : memref<2x1664xi32, #tpu.memory_space<vmem>>, vector<1x16xi32>,
      %get3A_3406 = arith.constant 1 : i32
      %get3A_3407 = arith.index_cast %get3A_3406 : i32 to index
      %get3A_3408 = arith.constant 1520 : index
      %get3A_3409 = tpu.vector_load %arg6[%get3A_3407, %get3A_3408] {strides = array<i32>} : memref<2x1664xi32, #tpu.memory_space<vmem>>, vector<1x16xi32>,
      %get3A_3410 = vector.shape_cast %get3A_3409 : vector<1x16xi32> to vector<16xi32>
      %get3A_3411 = arith.constant 1520 : index
      %get3A_3412 = tpu.vector_load %arg7[%get3A_3411] {strides = array<i32>} : memref<1664xi32, #tpu.memory_space<vmem>>, vector<16xi32>,
      %get3A_3413 = vector.shape_cast %get3A_3412 : vector<16xi32> to vector<16xi32>
      %add3A_3414 = arith.addi %get3A_3410, %get3A_3413 : vector<16xi32>
      %swap3A_3415 = arith.constant 1 : i32
      %swap3A_3416 = arith.index_cast %swap3A_3415 : i32 to index
      %swap3A_3417 = arith.constant 1520 : index
      %swap3A_3418 = tpu.vector_load %arg6[%swap3A_3416, %swap3A_3417] {strides = array<i32>} : memref<2x1664xi32, #tpu.memory_space<vmem>>, vector<1x16xi32>,
      %swap3A_3419 = vector.shape_cast %swap3A_3418 : vector<1x16xi32> to vector<16xi32>
      %swap3A_3420 = vector.shape_cast %add3A_3414 : vector<16xi32> to vector<1x16xi32>
      tpu.vector_store %arg6[%swap3A_3416, %swap3A_3417], %swap3A_3420 {strides = array<i32>} : memref<2x1664xi32, #tpu.memory_space<vmem>>, vector<1x16xi32>,
      %get3A_3421 = arith.constant 1 : i32
      %get3A_3422 = arith.index_cast %get3A_3421 : i32 to index
      %get3A_3423 = arith.constant 1536 : index
      %get3A_3424 = tpu.vector_load %arg6[%get3A_3422, %get3A_3423] {strides = array<i32>} : memref<2x1664xi32, #tpu.memory_space<vmem>>, vector<1x16xi32>,
      %get3A_3425 = vector.shape_cast %get3A_3424 : vector<1x16xi32> to vector<16xi32>
      %get3A_3426 = arith.constant 1536 : index
      %get3A_3427 = tpu.vector_load %arg7[%get3A_3426] {strides = array<i32>} : memref<1664xi32, #tpu.memory_space<vmem>>, vector<16xi32>,
      %get3A_3428 = vector.shape_cast %get3A_3427 : vector<16xi32> to vector<16xi32>
      %add3A_3429 = arith.addi %get3A_3425, %get3A_3428 : vector<16xi32>
      %swap3A_3430 = arith.constant 1 : i32
      %swap3A_3431 = arith.index_cast %swap3A_3430 : i32 to index
      %swap3A_3432 = arith.constant 1536 : index
      %swap3A_3433 = tpu.vector_load %arg6[%swap3A_3431, %swap3A_3432] {strides = array<i32>} : memref<2x1664xi32, #tpu.memory_space<vmem>>, vector<1x16xi32>,
      %swap3A_3434 = vector.shape_cast %swap3A_3433 : vector<1x16xi32> to vector<16xi32>
      %swap3A_3435 = vector.shape_cast %add3A_3429 : vector<16xi32> to vector<1x16xi32>
      tpu.vector_store %arg6[%swap3A_3431, %swap3A_3432], %swap3A_3435 {strides = array<i32>} : memref<2x1664xi32, #tpu.memory_space<vmem>>, vector<1x16xi32>,
      %get3A_3436 = arith.constant 1 : i32
      %get3A_3437 = arith.index_cast %get3A_3436 : i32 to index
      %get3A_3438 = arith.constant 1552 : index
      %get3A_3439 = tpu.vector_load %arg6[%get3A_3437, %get3A_3438] {strides = array<i32>} : memref<2x1664xi32, #tpu.memory_space<vmem>>, vector<1x16xi32>,
      %get3A_3440 = vector.shape_cast %get3A_3439 : vector<1x16xi32> to vector<16xi32>
      %get3A_3441 = arith.constant 1552 : index
      %get3A_3442 = tpu.vector_load %arg7[%get3A_3441] {strides = array<i32>} : memref<1664xi32, #tpu.memory_space<vmem>>, vector<16xi32>,
      %get3A_3443 = vector.shape_cast %get3A_3442 : vector<16xi32> to vector<16xi32>
      %add3A_3444 = arith.addi %get3A_3440, %get3A_3443 : vector<16xi32>
      %swap3A_3445 = arith.constant 1 : i32
      %swap3A_3446 = arith.index_cast %swap3A_3445 : i32 to index
      %swap3A_3447 = arith.constant 1552 : index
      %swap3A_3448 = tpu.vector_load %arg6[%swap3A_3446, %swap3A_3447] {strides = array<i32>} : memref<2x1664xi32, #tpu.memory_space<vmem>>, vector<1x16xi32>,
      %swap3A_3449 = vector.shape_cast %swap3A_3448 : vector<1x16xi32> to vector<16xi32>
      %swap3A_3450 = vector.shape_cast %add3A_3444 : vector<16xi32> to vector<1x16xi32>
      tpu.vector_store %arg6[%swap3A_3446, %swap3A_3447], %swap3A_3450 {strides = array<i32>} : memref<2x1664xi32, #tpu.memory_space<vmem>>, vector<1x16xi32>,
      %get3A_3451 = arith.constant 1 : i32
      %get3A_3452 = arith.index_cast %get3A_3451 : i32 to index
      %get3A_3453 = arith.constant 1568 : index
      %get3A_3454 = tpu.vector_load %arg6[%get3A_3452, %get3A_3453] {strides = array<i32>} : memref<2x1664xi32, #tpu.memory_space<vmem>>, vector<1x16xi32>,
      %get3A_3455 = vector.shape_cast %get3A_3454 : vector<1x16xi32> to vector<16xi32>
      %get3A_3456 = arith.constant 1568 : index
      %get3A_3457 = tpu.vector_load %arg7[%get3A_3456] {strides = array<i32>} : memref<1664xi32, #tpu.memory_space<vmem>>, vector<16xi32>,
      %get3A_3458 = vector.shape_cast %get3A_3457 : vector<16xi32> to vector<16xi32>
      %add3A_3459 = arith.addi %get3A_3455, %get3A_3458 : vector<16xi32>
      %swap3A_3460 = arith.constant 1 : i32
      %swap3A_3461 = arith.index_cast %swap3A_3460 : i32 to index
      %swap3A_3462 = arith.constant 1568 : index
      %swap3A_3463 = tpu.vector_load %arg6[%swap3A_3461, %swap3A_3462] {strides = array<i32>} : memref<2x1664xi32, #tpu.memory_space<vmem>>, vector<1x16xi32>,
      %swap3A_3464 = vector.shape_cast %swap3A_3463 : vector<1x16xi32> to vector<16xi32>
      %swap3A_3465 = vector.shape_cast %add3A_3459 : vector<16xi32> to vector<1x16xi32>
      tpu.vector_store %arg6[%swap3A_3461, %swap3A_3462], %swap3A_3465 {strides = array<i32>} : memref<2x1664xi32, #tpu.memory_space<vmem>>, vector<1x16xi32>,
      %get3A_3466 = arith.constant 1 : i32
      %get3A_3467 = arith.index_cast %get3A_3466 : i32 to index
      %get3A_3468 = arith.constant 1584 : index
      %get3A_3469 = tpu.vector_load %arg6[%get3A_3467, %get3A_3468] {strides = array<i32>} : memref<2x1664xi32, #tpu.memory_space<vmem>>, vector<1x16xi32>,
      %get3A_3470 = vector.shape_cast %get3A_3469 : vector<1x16xi32> to vector<16xi32>
      %get3A_3471 = arith.constant 1584 : index
      %get3A_3472 = tpu.vector_load %arg7[%get3A_3471] {strides = array<i32>} : memref<1664xi32, #tpu.memory_space<vmem>>, vector<16xi32>,
      %get3A_3473 = vector.shape_cast %get3A_3472 : vector<16xi32> to vector<16xi32>
      %add3A_3474 = arith.addi %get3A_3470, %get3A_3473 : vector<16xi32>
      %swap3A_3475 = arith.constant 1 : i32
      %swap3A_3476 = arith.index_cast %swap3A_3475 : i32 to index
      %swap3A_3477 = arith.constant 1584 : index
      %swap3A_3478 = tpu.vector_load %arg6[%swap3A_3476, %swap3A_3477] {strides = array<i32>} : memref<2x1664xi32, #tpu.memory_space<vmem>>, vector<1x16xi32>,
      %swap3A_3479 = vector.shape_cast %swap3A_3478 : vector<1x16xi32> to vector<16xi32>
      %swap3A_3480 = vector.shape_cast %add3A_3474 : vector<16xi32> to vector<1x16xi32>
      tpu.vector_store %arg6[%swap3A_3476, %swap3A_3477], %swap3A_3480 {strides = array<i32>} : memref<2x1664xi32, #tpu.memory_space<vmem>>, vector<1x16xi32>,
      %get3A_3481 = arith.constant 1 : i32
      %get3A_3482 = arith.index_cast %get3A_3481 : i32 to index
      %get3A_3483 = arith.constant 1600 : index
      %get3A_3484 = tpu.vector_load %arg6[%get3A_3482, %get3A_3483] {strides = array<i32>} : memref<2x1664xi32, #tpu.memory_space<vmem>>, vector<1x16xi32>,
      %get3A_3485 = vector.shape_cast %get3A_3484 : vector<1x16xi32> to vector<16xi32>
      %get3A_3486 = arith.constant 1600 : index
      %get3A_3487 = tpu.vector_load %arg7[%get3A_3486] {strides = array<i32>} : memref<1664xi32, #tpu.memory_space<vmem>>, vector<16xi32>,
      %get3A_3488 = vector.shape_cast %get3A_3487 : vector<16xi32> to vector<16xi32>
      %add3A_3489 = arith.addi %get3A_3485, %get3A_3488 : vector<16xi32>
      %swap3A_3490 = arith.constant 1 : i32
      %swap3A_3491 = arith.index_cast %swap3A_3490 : i32 to index
      %swap3A_3492 = arith.constant 1600 : index
      %swap3A_3493 = tpu.vector_load %arg6[%swap3A_3491, %swap3A_3492] {strides = array<i32>} : memref<2x1664xi32, #tpu.memory_space<vmem>>, vector<1x16xi32>,
      %swap3A_3494 = vector.shape_cast %swap3A_3493 : vector<1x16xi32> to vector<16xi32>
      %swap3A_3495 = vector.shape_cast %add3A_3489 : vector<16xi32> to vector<1x16xi32>
      tpu.vector_store %arg6[%swap3A_3491, %swap3A_3492], %swap3A_3495 {strides = array<i32>} : memref<2x1664xi32, #tpu.memory_space<vmem>>, vector<1x16xi32>,
      %get3A_3496 = arith.constant 1 : i32
      %get3A_3497 = arith.index_cast %get3A_3496 : i32 to index
      %get3A_3498 = arith.constant 1616 : index
      %get3A_3499 = tpu.vector_load %arg6[%get3A_3497, %get3A_3498] {strides = array<i32>} : memref<2x1664xi32, #tpu.memory_space<vmem>>, vector<1x16xi32>,
      %get3A_3500 = vector.shape_cast %get3A_3499 : vector<1x16xi32> to vector<16xi32>
      %get3A_3501 = arith.constant 1616 : index
      %get3A_3502 = tpu.vector_load %arg7[%get3A_3501] {strides = array<i32>} : memref<1664xi32, #tpu.memory_space<vmem>>, vector<16xi32>,
      %get3A_3503 = vector.shape_cast %get3A_3502 : vector<16xi32> to vector<16xi32>
      %add3A_3504 = arith.addi %get3A_3500, %get3A_3503 : vector<16xi32>
      %swap3A_3505 = arith.constant 1 : i32
      %swap3A_3506 = arith.index_cast %swap3A_3505 : i32 to index
      %swap3A_3507 = arith.constant 1616 : index
      %swap3A_3508 = tpu.vector_load %arg6[%swap3A_3506, %swap3A_3507] {strides = array<i32>} : memref<2x1664xi32, #tpu.memory_space<vmem>>, vector<1x16xi32>,
      %swap3A_3509 = vector.shape_cast %swap3A_3508 : vector<1x16xi32> to vector<16xi32>
      %swap3A_3510 = vector.shape_cast %add3A_3504 : vector<16xi32> to vector<1x16xi32>
      tpu.vector_store %arg6[%swap3A_3506, %swap3A_3507], %swap3A_3510 {strides = array<i32>} : memref<2x1664xi32, #tpu.memory_space<vmem>>, vector<1x16xi32>,
      %get3A_3511 = arith.constant 1 : i32
      %get3A_3512 = arith.index_cast %get3A_3511 : i32 to index
      %get3A_3513 = arith.constant 1632 : index
      %get3A_3514 = tpu.vector_load %arg6[%get3A_3512, %get3A_3513] {strides = array<i32>} : memref<2x1664xi32, #tpu.memory_space<vmem>>, vector<1x16xi32>,
      %get3A_3515 = vector.shape_cast %get3A_3514 : vector<1x16xi32> to vector<16xi32>
      %get3A_3516 = arith.constant 1632 : index
      %get3A_3517 = tpu.vector_load %arg7[%get3A_3516] {strides = array<i32>} : memref<1664xi32, #tpu.memory_space<vmem>>, vector<16xi32>,
      %get3A_3518 = vector.shape_cast %get3A_3517 : vector<16xi32> to vector<16xi32>
      %add3A_3519 = arith.addi %get3A_3515, %get3A_3518 : vector<16xi32>
      %swap3A_3520 = arith.constant 1 : i32
      %swap3A_3521 = arith.index_cast %swap3A_3520 : i32 to index
      %swap3A_3522 = arith.constant 1632 : index
      %swap3A_3523 = tpu.vector_load %arg6[%swap3A_3521, %swap3A_3522] {strides = array<i32>} : memref<2x1664xi32, #tpu.memory_space<vmem>>, vector<1x16xi32>,
      %swap3A_3524 = vector.shape_cast %swap3A_3523 : vector<1x16xi32> to vector<16xi32>
      %swap3A_3525 = vector.shape_cast %add3A_3519 : vector<16xi32> to vector<1x16xi32>
      tpu.vector_store %arg6[%swap3A_3521, %swap3A_3522], %swap3A_3525 {strides = array<i32>} : memref<2x1664xi32, #tpu.memory_space<vmem>>, vector<1x16xi32>,
      %get3A_3526 = arith.constant 1 : i32
      %get3A_3527 = arith.index_cast %get3A_3526 : i32 to index
      %get3A_3528 = arith.constant 1648 : index
      %get3A_3529 = tpu.vector_load %arg6[%get3A_3527, %get3A_3528] {strides = array<i32>} : memref<2x1664xi32, #tpu.memory_space<vmem>>, vector<1x16xi32>,
      %get3A_3530 = vector.shape_cast %get3A_3529 : vector<1x16xi32> to vector<16xi32>
      %get3A_3531 = arith.constant 1648 : index
      %get3A_3532 = tpu.vector_load %arg7[%get3A_3531] {strides = array<i32>} : memref<1664xi32, #tpu.memory_space<vmem>>, vector<16xi32>,
      %get3A_3533 = vector.shape_cast %get3A_3532 : vector<16xi32> to vector<16xi32>
      %add3A_3534 = arith.addi %get3A_3530, %get3A_3533 : vector<16xi32>
      %swap3A_3535 = arith.constant 1 : i32
      %swap3A_3536 = arith.index_cast %swap3A_3535 : i32 to index
      %swap3A_3537 = arith.constant 1648 : index
      %swap3A_3538 = tpu.vector_load %arg6[%swap3A_3536, %swap3A_3537] {strides = array<i32>} : memref<2x1664xi32, #tpu.memory_space<vmem>>, vector<1x16xi32>,
      %swap3A_3539 = vector.shape_cast %swap3A_3538 : vector<1x16xi32> to vector<16xi32>
      %swap3A_3540 = vector.shape_cast %add3A_3534 : vector<16xi32> to vector<1x16xi32>
      tpu.vector_store %arg6[%swap3A_3536, %swap3A_3537], %swap3A_3540 {strides = array<i32>} : memref<2x1664xi32, #tpu.memory_space<vmem>>, vector<1x16xi32>,
      %ge3A_3541 = arith.constant 2 : i32
      %ge3A_3542 = arith.cmpi sge, %add3A_1968, %ge3A_3541 : i32
      %convert_element_type3A_3543 = arith.extui %ge3A_3542 : i1 to i32
      %cond3A_3544 = arith.constant 0 : i32
      %cond3A_3545 = arith.cmpi ne, %convert_element_type3A_3543, %cond3A_3544 : i32
      scf.if %cond3A_3545 {
        %sub3A = arith.constant 3328 : i32
        %sub3A_3878 = arith.subi %add3A_1971, %sub3A : i32
        %dma_wait3A_3879 = arith.constant 1 : i32
        %dma_wait3A_3880 = arith.constant 0 : i32
        %dma_wait3A_3881 = arith.constant 0 : i32
        %dma_wait3A_3882 = tpu.memref_slice %arg8[%dma_wait3A_3879, %dma_wait3A_3880, %dma_wait3A_3881] : memref<2x1664x32xf32, #tpu.memory_space<vmem>> -> memref<1x1664x32xf32, #tpu.memory_space<vmem>>
        %dma_wait3A_3883 = tpu.memref_squeeze %dma_wait3A_3882 : memref<1x1664x32xf32, #tpu.memory_space<vmem>> -> memref<1664x32xf32, #tpu.memory_space<vmem>>
        %dma_wait3A_3884 = arith.constant 0 : i32
        %dma_wait3A_3885 = tpu.memref_slice %arg5[%sub3A_3878, %dma_wait3A_3884] : memref<2129920x32xf32, #tpu.memory_space<hbm>> -> memref<1664x32xf32, #tpu.memory_space<hbm>>
        %dma_wait3A_3886 = arith.constant 0 : i32
        %dma_wait3A_3887 = tpu.memref_slice %arg5[%sub3A_3878, %dma_wait3A_3886] : memref<2129920x32xf32, #tpu.memory_space<hbm>> -> memref<1664x32xf32, #tpu.memory_space<hbm>>
        %dma_wait3A_3888 = arith.constant 0 : i32
        %dma_wait3A_3889 = arith.constant 0 : i32
        %dma_wait3A_3890 = tpu.memref_slice %arg8[%dma_wait3A_3879, %dma_wait3A_3888, %dma_wait3A_3889] : memref<2x1664x32xf32, #tpu.memory_space<vmem>> -> memref<1x1664x32xf32, #tpu.memory_space<vmem>>
        %dma_wait3A_3891 = tpu.memref_squeeze %dma_wait3A_3890 : memref<1x1664x32xf32, #tpu.memory_space<vmem>> -> memref<1664x32xf32, #tpu.memory_space<vmem>>
        tpu.wait_dma2 semaphore(%arg13 : memref<!tpu.dma_semaphore, #tpu.memory_space<semaphore_mem>>) src(%dma_wait3A_3891 : memref<1664x32xf32, #tpu.memory_space<vmem>>) dst(%dma_wait3A_3887 : memref<1664x32xf32, #tpu.memory_space<hbm>>)
      } else {
      }
      %dma_start3A_3546 = arith.constant 1 : i32
      %dma_start3A_3547 = arith.constant 1 : i32
      %dma_start3A_3548 = arith.constant 0 : i32
      %dma_start3A_3549 = arith.constant 0 : i32
      %dma_start3A_3550 = tpu.memref_slice %arg8[%dma_start3A_3547, %dma_start3A_3548, %dma_start3A_3549] : memref<2x1664x32xf32, #tpu.memory_space<vmem>> -> memref<1x128x32xf32, #tpu.memory_space<vmem>>
      %dma_start3A_3551 = tpu.memref_squeeze %dma_start3A_3550 : memref<1x128x32xf32, #tpu.memory_space<vmem>> -> memref<128x32xf32, #tpu.memory_space<vmem>>
      %dma_start3A_3552 = arith.constant 0 : i32
      %dma_start3A_3553 = tpu.memref_slice %arg6[%dma_start3A_3546, %dma_start3A_3552] : memref<2x1664xi32, #tpu.memory_space<vmem>> -> memref<1x128xi32, #tpu.memory_space<vmem>>
      %dma_start3A_3554 = tpu.memref_squeeze %dma_start3A_3553 : memref<1x128xi32, #tpu.memory_space<vmem>> -> memref<128xi32, #tpu.memory_space<vmem>>
      %dma_start3A_3555 = arith.constant 0 : i32
      %dma_start3A_3556 = arith.constant 0 : i32
      %dma_start3A_3557 = tpu.memref_slice %arg4[%dma_start3A_3555, %dma_start3A_3556] : memref<2600000x32xf32, #tpu.memory_space<hbm>> -> memref<2600000x32xf32, #tpu.memory_space<hbm>>
      tpu.enqueue_indirect_dma source(%dma_start3A_3557 : memref<2600000x32xf32, #tpu.memory_space<hbm>>) target(%dma_start3A_3551 : memref<128x32xf32, #tpu.memory_space<vmem>>) offsets(%dma_start3A_3554 : memref<128xi32, #tpu.memory_space<vmem>>) semaphore(%arg11 : memref<!tpu.dma_semaphore, #tpu.memory_space<semaphore_mem>>)
      %dma_start3A_3558 = arith.constant 1 : i32
      %dma_start3A_3559 = arith.constant 1 : i32
      %dma_start3A_3560 = arith.constant 128 : i32
      %dma_start3A_3561 = arith.constant 0 : i32
      %dma_start3A_3562 = tpu.memref_slice %arg8[%dma_start3A_3559, %dma_start3A_3560, %dma_start3A_3561] : memref<2x1664x32xf32, #tpu.memory_space<vmem>> -> memref<1x128x32xf32, #tpu.memory_space<vmem>>
      %dma_start3A_3563 = tpu.memref_squeeze %dma_start3A_3562 : memref<1x128x32xf32, #tpu.memory_space<vmem>> -> memref<128x32xf32, #tpu.memory_space<vmem>>
      %dma_start3A_3564 = arith.constant 128 : i32
      %dma_start3A_3565 = tpu.memref_slice %arg6[%dma_start3A_3558, %dma_start3A_3564] : memref<2x1664xi32, #tpu.memory_space<vmem>> -> memref<1x128xi32, #tpu.memory_space<vmem>>
      %dma_start3A_3566 = tpu.memref_squeeze %dma_start3A_3565 : memref<1x128xi32, #tpu.memory_space<vmem>> -> memref<128xi32, #tpu.memory_space<vmem>>
      %dma_start3A_3567 = arith.constant 0 : i32
      %dma_start3A_3568 = arith.constant 0 : i32
      %dma_start3A_3569 = tpu.memref_slice %arg4[%dma_start3A_3567, %dma_start3A_3568] : memref<2600000x32xf32, #tpu.memory_space<hbm>> -> memref<2600000x32xf32, #tpu.memory_space<hbm>>
      tpu.enqueue_indirect_dma source(%dma_start3A_3569 : memref<2600000x32xf32, #tpu.memory_space<hbm>>) target(%dma_start3A_3563 : memref<128x32xf32, #tpu.memory_space<vmem>>) offsets(%dma_start3A_3566 : memref<128xi32, #tpu.memory_space<vmem>>) semaphore(%arg11 : memref<!tpu.dma_semaphore, #tpu.memory_space<semaphore_mem>>)
      %dma_start3A_3570 = arith.constant 1 : i32
      %dma_start3A_3571 = arith.constant 1 : i32
      %dma_start3A_3572 = arith.constant 256 : i32
      %dma_start3A_3573 = arith.constant 0 : i32
      %dma_start3A_3574 = tpu.memref_slice %arg8[%dma_start3A_3571, %dma_start3A_3572, %dma_start3A_3573] : memref<2x1664x32xf32, #tpu.memory_space<vmem>> -> memref<1x128x32xf32, #tpu.memory_space<vmem>>
      %dma_start3A_3575 = tpu.memref_squeeze %dma_start3A_3574 : memref<1x128x32xf32, #tpu.memory_space<vmem>> -> memref<128x32xf32, #tpu.memory_space<vmem>>
      %dma_start3A_3576 = arith.constant 256 : i32
      %dma_start3A_3577 = tpu.memref_slice %arg6[%dma_start3A_3570, %dma_start3A_3576] : memref<2x1664xi32, #tpu.memory_space<vmem>> -> memref<1x128xi32, #tpu.memory_space<vmem>>
      %dma_start3A_3578 = tpu.memref_squeeze %dma_start3A_3577 : memref<1x128xi32, #tpu.memory_space<vmem>> -> memref<128xi32, #tpu.memory_space<vmem>>
      %dma_start3A_3579 = arith.constant 0 : i32
      %dma_start3A_3580 = arith.constant 0 : i32
      %dma_start3A_3581 = tpu.memref_slice %arg4[%dma_start3A_3579, %dma_start3A_3580] : memref<2600000x32xf32, #tpu.memory_space<hbm>> -> memref<2600000x32xf32, #tpu.memory_space<hbm>>
      tpu.enqueue_indirect_dma source(%dma_start3A_3581 : memref<2600000x32xf32, #tpu.memory_space<hbm>>) target(%dma_start3A_3575 : memref<128x32xf32, #tpu.memory_space<vmem>>) offsets(%dma_start3A_3578 : memref<128xi32, #tpu.memory_space<vmem>>) semaphore(%arg11 : memref<!tpu.dma_semaphore, #tpu.memory_space<semaphore_mem>>)
      %dma_start3A_3582 = arith.constant 1 : i32
      %dma_start3A_3583 = arith.constant 1 : i32
      %dma_start3A_3584 = arith.constant 384 : i32
      %dma_start3A_3585 = arith.constant 0 : i32
      %dma_start3A_3586 = tpu.memref_slice %arg8[%dma_start3A_3583, %dma_start3A_3584, %dma_start3A_3585] : memref<2x1664x32xf32, #tpu.memory_space<vmem>> -> memref<1x128x32xf32, #tpu.memory_space<vmem>>
      %dma_start3A_3587 = tpu.memref_squeeze %dma_start3A_3586 : memref<1x128x32xf32, #tpu.memory_space<vmem>> -> memref<128x32xf32, #tpu.memory_space<vmem>>
      %dma_start3A_3588 = arith.constant 384 : i32
      %dma_start3A_3589 = tpu.memref_slice %arg6[%dma_start3A_3582, %dma_start3A_3588] : memref<2x1664xi32, #tpu.memory_space<vmem>> -> memref<1x128xi32, #tpu.memory_space<vmem>>
      %dma_start3A_3590 = tpu.memref_squeeze %dma_start3A_3589 : memref<1x128xi32, #tpu.memory_space<vmem>> -> memref<128xi32, #tpu.memory_space<vmem>>
      %dma_start3A_3591 = arith.constant 0 : i32
      %dma_start3A_3592 = arith.constant 0 : i32
      %dma_start3A_3593 = tpu.memref_slice %arg4[%dma_start3A_3591, %dma_start3A_3592] : memref<2600000x32xf32, #tpu.memory_space<hbm>> -> memref<2600000x32xf32, #tpu.memory_space<hbm>>
      tpu.enqueue_indirect_dma source(%dma_start3A_3593 : memref<2600000x32xf32, #tpu.memory_space<hbm>>) target(%dma_start3A_3587 : memref<128x32xf32, #tpu.memory_space<vmem>>) offsets(%dma_start3A_3590 : memref<128xi32, #tpu.memory_space<vmem>>) semaphore(%arg11 : memref<!tpu.dma_semaphore, #tpu.memory_space<semaphore_mem>>)
      %dma_start3A_3594 = arith.constant 1 : i32
      %dma_start3A_3595 = arith.constant 1 : i32
      %dma_start3A_3596 = arith.constant 512 : i32
      %dma_start3A_3597 = arith.constant 0 : i32
      %dma_start3A_3598 = tpu.memref_slice %arg8[%dma_start3A_3595, %dma_start3A_3596, %dma_start3A_3597] : memref<2x1664x32xf32, #tpu.memory_space<vmem>> -> memref<1x128x32xf32, #tpu.memory_space<vmem>>
      %dma_start3A_3599 = tpu.memref_squeeze %dma_start3A_3598 : memref<1x128x32xf32, #tpu.memory_space<vmem>> -> memref<128x32xf32, #tpu.memory_space<vmem>>
      %dma_start3A_3600 = arith.constant 512 : i32
      %dma_start3A_3601 = tpu.memref_slice %arg6[%dma_start3A_3594, %dma_start3A_3600] : memref<2x1664xi32, #tpu.memory_space<vmem>> -> memref<1x128xi32, #tpu.memory_space<vmem>>
      %dma_start3A_3602 = tpu.memref_squeeze %dma_start3A_3601 : memref<1x128xi32, #tpu.memory_space<vmem>> -> memref<128xi32, #tpu.memory_space<vmem>>
      %dma_start3A_3603 = arith.constant 0 : i32
      %dma_start3A_3604 = arith.constant 0 : i32
      %dma_start3A_3605 = tpu.memref_slice %arg4[%dma_start3A_3603, %dma_start3A_3604] : memref<2600000x32xf32, #tpu.memory_space<hbm>> -> memref<2600000x32xf32, #tpu.memory_space<hbm>>
      tpu.enqueue_indirect_dma source(%dma_start3A_3605 : memref<2600000x32xf32, #tpu.memory_space<hbm>>) target(%dma_start3A_3599 : memref<128x32xf32, #tpu.memory_space<vmem>>) offsets(%dma_start3A_3602 : memref<128xi32, #tpu.memory_space<vmem>>) semaphore(%arg11 : memref<!tpu.dma_semaphore, #tpu.memory_space<semaphore_mem>>)
      %dma_start3A_3606 = arith.constant 1 : i32
      %dma_start3A_3607 = arith.constant 1 : i32
      %dma_start3A_3608 = arith.constant 640 : i32
      %dma_start3A_3609 = arith.constant 0 : i32
      %dma_start3A_3610 = tpu.memref_slice %arg8[%dma_start3A_3607, %dma_start3A_3608, %dma_start3A_3609] : memref<2x1664x32xf32, #tpu.memory_space<vmem>> -> memref<1x128x32xf32, #tpu.memory_space<vmem>>
      %dma_start3A_3611 = tpu.memref_squeeze %dma_start3A_3610 : memref<1x128x32xf32, #tpu.memory_space<vmem>> -> memref<128x32xf32, #tpu.memory_space<vmem>>
      %dma_start3A_3612 = arith.constant 640 : i32
      %dma_start3A_3613 = tpu.memref_slice %arg6[%dma_start3A_3606, %dma_start3A_3612] : memref<2x1664xi32, #tpu.memory_space<vmem>> -> memref<1x128xi32, #tpu.memory_space<vmem>>
      %dma_start3A_3614 = tpu.memref_squeeze %dma_start3A_3613 : memref<1x128xi32, #tpu.memory_space<vmem>> -> memref<128xi32, #tpu.memory_space<vmem>>
      %dma_start3A_3615 = arith.constant 0 : i32
      %dma_start3A_3616 = arith.constant 0 : i32
      %dma_start3A_3617 = tpu.memref_slice %arg4[%dma_start3A_3615, %dma_start3A_3616] : memref<2600000x32xf32, #tpu.memory_space<hbm>> -> memref<2600000x32xf32, #tpu.memory_space<hbm>>
      tpu.enqueue_indirect_dma source(%dma_start3A_3617 : memref<2600000x32xf32, #tpu.memory_space<hbm>>) target(%dma_start3A_3611 : memref<128x32xf32, #tpu.memory_space<vmem>>) offsets(%dma_start3A_3614 : memref<128xi32, #tpu.memory_space<vmem>>) semaphore(%arg11 : memref<!tpu.dma_semaphore, #tpu.memory_space<semaphore_mem>>)
      %dma_start3A_3618 = arith.constant 1 : i32
      %dma_start3A_3619 = arith.constant 1 : i32
      %dma_start3A_3620 = arith.constant 768 : i32
      %dma_start3A_3621 = arith.constant 0 : i32
      %dma_start3A_3622 = tpu.memref_slice %arg8[%dma_start3A_3619, %dma_start3A_3620, %dma_start3A_3621] : memref<2x1664x32xf32, #tpu.memory_space<vmem>> -> memref<1x128x32xf32, #tpu.memory_space<vmem>>
      %dma_start3A_3623 = tpu.memref_squeeze %dma_start3A_3622 : memref<1x128x32xf32, #tpu.memory_space<vmem>> -> memref<128x32xf32, #tpu.memory_space<vmem>>
      %dma_start3A_3624 = arith.constant 768 : i32
      %dma_start3A_3625 = tpu.memref_slice %arg6[%dma_start3A_3618, %dma_start3A_3624] : memref<2x1664xi32, #tpu.memory_space<vmem>> -> memref<1x128xi32, #tpu.memory_space<vmem>>
      %dma_start3A_3626 = tpu.memref_squeeze %dma_start3A_3625 : memref<1x128xi32, #tpu.memory_space<vmem>> -> memref<128xi32, #tpu.memory_space<vmem>>
      %dma_start3A_3627 = arith.constant 0 : i32
      %dma_start3A_3628 = arith.constant 0 : i32
      %dma_start3A_3629 = tpu.memref_slice %arg4[%dma_start3A_3627, %dma_start3A_3628] : memref<2600000x32xf32, #tpu.memory_space<hbm>> -> memref<2600000x32xf32, #tpu.memory_space<hbm>>
      tpu.enqueue_indirect_dma source(%dma_start3A_3629 : memref<2600000x32xf32, #tpu.memory_space<hbm>>) target(%dma_start3A_3623 : memref<128x32xf32, #tpu.memory_space<vmem>>) offsets(%dma_start3A_3626 : memref<128xi32, #tpu.memory_space<vmem>>) semaphore(%arg11 : memref<!tpu.dma_semaphore, #tpu.memory_space<semaphore_mem>>)
      %dma_start3A_3630 = arith.constant 1 : i32
      %dma_start3A_3631 = arith.constant 1 : i32
      %dma_start3A_3632 = arith.constant 896 : i32
      %dma_start3A_3633 = arith.constant 0 : i32
      %dma_start3A_3634 = tpu.memref_slice %arg8[%dma_start3A_3631, %dma_start3A_3632, %dma_start3A_3633] : memref<2x1664x32xf32, #tpu.memory_space<vmem>> -> memref<1x128x32xf32, #tpu.memory_space<vmem>>
      %dma_start3A_3635 = tpu.memref_squeeze %dma_start3A_3634 : memref<1x128x32xf32, #tpu.memory_space<vmem>> -> memref<128x32xf32, #tpu.memory_space<vmem>>
      %dma_start3A_3636 = arith.constant 896 : i32
      %dma_start3A_3637 = tpu.memref_slice %arg6[%dma_start3A_3630, %dma_start3A_3636] : memref<2x1664xi32, #tpu.memory_space<vmem>> -> memref<1x128xi32, #tpu.memory_space<vmem>>
      %dma_start3A_3638 = tpu.memref_squeeze %dma_start3A_3637 : memref<1x128xi32, #tpu.memory_space<vmem>> -> memref<128xi32, #tpu.memory_space<vmem>>
      %dma_start3A_3639 = arith.constant 0 : i32
      %dma_start3A_3640 = arith.constant 0 : i32
      %dma_start3A_3641 = tpu.memref_slice %arg4[%dma_start3A_3639, %dma_start3A_3640] : memref<2600000x32xf32, #tpu.memory_space<hbm>> -> memref<2600000x32xf32, #tpu.memory_space<hbm>>
      tpu.enqueue_indirect_dma source(%dma_start3A_3641 : memref<2600000x32xf32, #tpu.memory_space<hbm>>) target(%dma_start3A_3635 : memref<128x32xf32, #tpu.memory_space<vmem>>) offsets(%dma_start3A_3638 : memref<128xi32, #tpu.memory_space<vmem>>) semaphore(%arg11 : memref<!tpu.dma_semaphore, #tpu.memory_space<semaphore_mem>>)
      %dma_start3A_3642 = arith.constant 1 : i32
      %dma_start3A_3643 = arith.constant 1 : i32
      %dma_start3A_3644 = arith.constant 1024 : i32
      %dma_start3A_3645 = arith.constant 0 : i32
      %dma_start3A_3646 = tpu.memref_slice %arg8[%dma_start3A_3643, %dma_start3A_3644, %dma_start3A_3645] : memref<2x1664x32xf32, #tpu.memory_space<vmem>> -> memref<1x128x32xf32, #tpu.memory_space<vmem>>
      %dma_start3A_3647 = tpu.memref_squeeze %dma_start3A_3646 : memref<1x128x32xf32, #tpu.memory_space<vmem>> -> memref<128x32xf32, #tpu.memory_space<vmem>>
      %dma_start3A_3648 = arith.constant 1024 : i32
      %dma_start3A_3649 = tpu.memref_slice %arg6[%dma_start3A_3642, %dma_start3A_3648] : memref<2x1664xi32, #tpu.memory_space<vmem>> -> memref<1x128xi32, #tpu.memory_space<vmem>>
      %dma_start3A_3650 = tpu.memref_squeeze %dma_start3A_3649 : memref<1x128xi32, #tpu.memory_space<vmem>> -> memref<128xi32, #tpu.memory_space<vmem>>
      %dma_start3A_3651 = arith.constant 0 : i32
      %dma_start3A_3652 = arith.constant 0 : i32
      %dma_start3A_3653 = tpu.memref_slice %arg4[%dma_start3A_3651, %dma_start3A_3652] : memref<2600000x32xf32, #tpu.memory_space<hbm>> -> memref<2600000x32xf32, #tpu.memory_space<hbm>>
      tpu.enqueue_indirect_dma source(%dma_start3A_3653 : memref<2600000x32xf32, #tpu.memory_space<hbm>>) target(%dma_start3A_3647 : memref<128x32xf32, #tpu.memory_space<vmem>>) offsets(%dma_start3A_3650 : memref<128xi32, #tpu.memory_space<vmem>>) semaphore(%arg11 : memref<!tpu.dma_semaphore, #tpu.memory_space<semaphore_mem>>)
      %dma_start3A_3654 = arith.constant 1 : i32
      %dma_start3A_3655 = arith.constant 1 : i32
      %dma_start3A_3656 = arith.constant 1152 : i32
      %dma_start3A_3657 = arith.constant 0 : i32
      %dma_start3A_3658 = tpu.memref_slice %arg8[%dma_start3A_3655, %dma_start3A_3656, %dma_start3A_3657] : memref<2x1664x32xf32, #tpu.memory_space<vmem>> -> memref<1x128x32xf32, #tpu.memory_space<vmem>>
      %dma_start3A_3659 = tpu.memref_squeeze %dma_start3A_3658 : memref<1x128x32xf32, #tpu.memory_space<vmem>> -> memref<128x32xf32, #tpu.memory_space<vmem>>
      %dma_start3A_3660 = arith.constant 1152 : i32
      %dma_start3A_3661 = tpu.memref_slice %arg6[%dma_start3A_3654, %dma_start3A_3660] : memref<2x1664xi32, #tpu.memory_space<vmem>> -> memref<1x128xi32, #tpu.memory_space<vmem>>
      %dma_start3A_3662 = tpu.memref_squeeze %dma_start3A_3661 : memref<1x128xi32, #tpu.memory_space<vmem>> -> memref<128xi32, #tpu.memory_space<vmem>>
      %dma_start3A_3663 = arith.constant 0 : i32
      %dma_start3A_3664 = arith.constant 0 : i32
      %dma_start3A_3665 = tpu.memref_slice %arg4[%dma_start3A_3663, %dma_start3A_3664] : memref<2600000x32xf32, #tpu.memory_space<hbm>> -> memref<2600000x32xf32, #tpu.memory_space<hbm>>
      tpu.enqueue_indirect_dma source(%dma_start3A_3665 : memref<2600000x32xf32, #tpu.memory_space<hbm>>) target(%dma_start3A_3659 : memref<128x32xf32, #tpu.memory_space<vmem>>) offsets(%dma_start3A_3662 : memref<128xi32, #tpu.memory_space<vmem>>) semaphore(%arg11 : memref<!tpu.dma_semaphore, #tpu.memory_space<semaphore_mem>>)
      %dma_start3A_3666 = arith.constant 1 : i32
      %dma_start3A_3667 = arith.constant 1 : i32
      %dma_start3A_3668 = arith.constant 1280 : i32
      %dma_start3A_3669 = arith.constant 0 : i32
      %dma_start3A_3670 = tpu.memref_slice %arg8[%dma_start3A_3667, %dma_start3A_3668, %dma_start3A_3669] : memref<2x1664x32xf32, #tpu.memory_space<vmem>> -> memref<1x128x32xf32, #tpu.memory_space<vmem>>
      %dma_start3A_3671 = tpu.memref_squeeze %dma_start3A_3670 : memref<1x128x32xf32, #tpu.memory_space<vmem>> -> memref<128x32xf32, #tpu.memory_space<vmem>>
      %dma_start3A_3672 = arith.constant 1280 : i32
      %dma_start3A_3673 = tpu.memref_slice %arg6[%dma_start3A_3666, %dma_start3A_3672] : memref<2x1664xi32, #tpu.memory_space<vmem>> -> memref<1x128xi32, #tpu.memory_space<vmem>>
      %dma_start3A_3674 = tpu.memref_squeeze %dma_start3A_3673 : memref<1x128xi32, #tpu.memory_space<vmem>> -> memref<128xi32, #tpu.memory_space<vmem>>
      %dma_start3A_3675 = arith.constant 0 : i32
      %dma_start3A_3676 = arith.constant 0 : i32
      %dma_start3A_3677 = tpu.memref_slice %arg4[%dma_start3A_3675, %dma_start3A_3676] : memref<2600000x32xf32, #tpu.memory_space<hbm>> -> memref<2600000x32xf32, #tpu.memory_space<hbm>>
      tpu.enqueue_indirect_dma source(%dma_start3A_3677 : memref<2600000x32xf32, #tpu.memory_space<hbm>>) target(%dma_start3A_3671 : memref<128x32xf32, #tpu.memory_space<vmem>>) offsets(%dma_start3A_3674 : memref<128xi32, #tpu.memory_space<vmem>>) semaphore(%arg11 : memref<!tpu.dma_semaphore, #tpu.memory_space<semaphore_mem>>)
      %dma_start3A_3678 = arith.constant 1 : i32
      %dma_start3A_3679 = arith.constant 1 : i32
      %dma_start3A_3680 = arith.constant 1408 : i32
      %dma_start3A_3681 = arith.constant 0 : i32
      %dma_start3A_3682 = tpu.memref_slice %arg8[%dma_start3A_3679, %dma_start3A_3680, %dma_start3A_3681] : memref<2x1664x32xf32, #tpu.memory_space<vmem>> -> memref<1x128x32xf32, #tpu.memory_space<vmem>>
      %dma_start3A_3683 = tpu.memref_squeeze %dma_start3A_3682 : memref<1x128x32xf32, #tpu.memory_space<vmem>> -> memref<128x32xf32, #tpu.memory_space<vmem>>
      %dma_start3A_3684 = arith.constant 1408 : i32
      %dma_start3A_3685 = tpu.memref_slice %arg6[%dma_start3A_3678, %dma_start3A_3684] : memref<2x1664xi32, #tpu.memory_space<vmem>> -> memref<1x128xi32, #tpu.memory_space<vmem>>
      %dma_start3A_3686 = tpu.memref_squeeze %dma_start3A_3685 : memref<1x128xi32, #tpu.memory_space<vmem>> -> memref<128xi32, #tpu.memory_space<vmem>>
      %dma_start3A_3687 = arith.constant 0 : i32
      %dma_start3A_3688 = arith.constant 0 : i32
      %dma_start3A_3689 = tpu.memref_slice %arg4[%dma_start3A_3687, %dma_start3A_3688] : memref<2600000x32xf32, #tpu.memory_space<hbm>> -> memref<2600000x32xf32, #tpu.memory_space<hbm>>
      tpu.enqueue_indirect_dma source(%dma_start3A_3689 : memref<2600000x32xf32, #tpu.memory_space<hbm>>) target(%dma_start3A_3683 : memref<128x32xf32, #tpu.memory_space<vmem>>) offsets(%dma_start3A_3686 : memref<128xi32, #tpu.memory_space<vmem>>) semaphore(%arg11 : memref<!tpu.dma_semaphore, #tpu.memory_space<semaphore_mem>>)
      %dma_start3A_3690 = arith.constant 1 : i32
      %dma_start3A_3691 = arith.constant 1 : i32
      %dma_start3A_3692 = arith.constant 1536 : i32
      %dma_start3A_3693 = arith.constant 0 : i32
      %dma_start3A_3694 = tpu.memref_slice %arg8[%dma_start3A_3691, %dma_start3A_3692, %dma_start3A_3693] : memref<2x1664x32xf32, #tpu.memory_space<vmem>> -> memref<1x128x32xf32, #tpu.memory_space<vmem>>
      %dma_start3A_3695 = tpu.memref_squeeze %dma_start3A_3694 : memref<1x128x32xf32, #tpu.memory_space<vmem>> -> memref<128x32xf32, #tpu.memory_space<vmem>>
      %dma_start3A_3696 = arith.constant 1536 : i32
      %dma_start3A_3697 = tpu.memref_slice %arg6[%dma_start3A_3690, %dma_start3A_3696] : memref<2x1664xi32, #tpu.memory_space<vmem>> -> memref<1x128xi32, #tpu.memory_space<vmem>>
      %dma_start3A_3698 = tpu.memref_squeeze %dma_start3A_3697 : memref<1x128xi32, #tpu.memory_space<vmem>> -> memref<128xi32, #tpu.memory_space<vmem>>
      %dma_start3A_3699 = arith.constant 0 : i32
      %dma_start3A_3700 = arith.constant 0 : i32
      %dma_start3A_3701 = tpu.memref_slice %arg4[%dma_start3A_3699, %dma_start3A_3700] : memref<2600000x32xf32, #tpu.memory_space<hbm>> -> memref<2600000x32xf32, #tpu.memory_space<hbm>>
      tpu.enqueue_indirect_dma source(%dma_start3A_3701 : memref<2600000x32xf32, #tpu.memory_space<hbm>>) target(%dma_start3A_3695 : memref<128x32xf32, #tpu.memory_space<vmem>>) offsets(%dma_start3A_3698 : memref<128xi32, #tpu.memory_space<vmem>>) semaphore(%arg11 : memref<!tpu.dma_semaphore, #tpu.memory_space<semaphore_mem>>)
      %dma_wait3A_3702 = arith.constant 1 : i32
      %dma_wait3A_3703 = arith.constant 1 : i32
      %dma_wait3A_3704 = arith.constant 0 : i32
      %dma_wait3A_3705 = arith.constant 0 : i32
      %dma_wait3A_3706 = tpu.memref_slice %arg8[%dma_wait3A_3703, %dma_wait3A_3704, %dma_wait3A_3705] : memref<2x1664x32xf32, #tpu.memory_space<vmem>> -> memref<1x128x32xf32, #tpu.memory_space<vmem>>
      %dma_wait3A_3707 = tpu.memref_squeeze %dma_wait3A_3706 : memref<1x128x32xf32, #tpu.memory_space<vmem>> -> memref<128x32xf32, #tpu.memory_space<vmem>>
      %dma_wait3A_3708 = arith.constant 0 : i32
      %dma_wait3A_3709 = tpu.memref_slice %arg6[%dma_wait3A_3702, %dma_wait3A_3708] : memref<2x1664xi32, #tpu.memory_space<vmem>> -> memref<1x128xi32, #tpu.memory_space<vmem>>
      %dma_wait3A_3710 = tpu.memref_squeeze %dma_wait3A_3709 : memref<1x128xi32, #tpu.memory_space<vmem>> -> memref<128xi32, #tpu.memory_space<vmem>>
      %dma_wait3A_3711 = arith.constant 0 : i32
      %dma_wait3A_3712 = arith.constant 0 : i32
      %dma_wait3A_3713 = tpu.memref_slice %arg4[%dma_wait3A_3711, %dma_wait3A_3712] : memref<2600000x32xf32, #tpu.memory_space<hbm>> -> memref<2600000x32xf32, #tpu.memory_space<hbm>>
      tpu.wait_indirect_dma semaphore(%arg11 : memref<!tpu.dma_semaphore, #tpu.memory_space<semaphore_mem>>) src(%dma_wait3A_3713 : memref<2600000x32xf32, #tpu.memory_space<hbm>>) dst(%dma_wait3A_3707 : memref<128x32xf32, #tpu.memory_space<vmem>>)
      %dma_wait3A_3714 = arith.constant 1 : i32
      %dma_wait3A_3715 = arith.constant 1 : i32
      %dma_wait3A_3716 = arith.constant 128 : i32
      %dma_wait3A_3717 = arith.constant 0 : i32
      %dma_wait3A_3718 = tpu.memref_slice %arg8[%dma_wait3A_3715, %dma_wait3A_3716, %dma_wait3A_3717] : memref<2x1664x32xf32, #tpu.memory_space<vmem>> -> memref<1x128x32xf32, #tpu.memory_space<vmem>>
      %dma_wait3A_3719 = tpu.memref_squeeze %dma_wait3A_3718 : memref<1x128x32xf32, #tpu.memory_space<vmem>> -> memref<128x32xf32, #tpu.memory_space<vmem>>
      %dma_wait3A_3720 = arith.constant 128 : i32
      %dma_wait3A_3721 = tpu.memref_slice %arg6[%dma_wait3A_3714, %dma_wait3A_3720] : memref<2x1664xi32, #tpu.memory_space<vmem>> -> memref<1x128xi32, #tpu.memory_space<vmem>>
      %dma_wait3A_3722 = tpu.memref_squeeze %dma_wait3A_3721 : memref<1x128xi32, #tpu.memory_space<vmem>> -> memref<128xi32, #tpu.memory_space<vmem>>
      %dma_wait3A_3723 = arith.constant 0 : i32
      %dma_wait3A_3724 = arith.constant 0 : i32
      %dma_wait3A_3725 = tpu.memref_slice %arg4[%dma_wait3A_3723, %dma_wait3A_3724] : memref<2600000x32xf32, #tpu.memory_space<hbm>> -> memref<2600000x32xf32, #tpu.memory_space<hbm>>
      tpu.wait_indirect_dma semaphore(%arg11 : memref<!tpu.dma_semaphore, #tpu.memory_space<semaphore_mem>>) src(%dma_wait3A_3725 : memref<2600000x32xf32, #tpu.memory_space<hbm>>) dst(%dma_wait3A_3719 : memref<128x32xf32, #tpu.memory_space<vmem>>)
      %dma_wait3A_3726 = arith.constant 1 : i32
      %dma_wait3A_3727 = arith.constant 1 : i32
      %dma_wait3A_3728 = arith.constant 256 : i32
      %dma_wait3A_3729 = arith.constant 0 : i32
      %dma_wait3A_3730 = tpu.memref_slice %arg8[%dma_wait3A_3727, %dma_wait3A_3728, %dma_wait3A_3729] : memref<2x1664x32xf32, #tpu.memory_space<vmem>> -> memref<1x128x32xf32, #tpu.memory_space<vmem>>
      %dma_wait3A_3731 = tpu.memref_squeeze %dma_wait3A_3730 : memref<1x128x32xf32, #tpu.memory_space<vmem>> -> memref<128x32xf32, #tpu.memory_space<vmem>>
      %dma_wait3A_3732 = arith.constant 256 : i32
      %dma_wait3A_3733 = tpu.memref_slice %arg6[%dma_wait3A_3726, %dma_wait3A_3732] : memref<2x1664xi32, #tpu.memory_space<vmem>> -> memref<1x128xi32, #tpu.memory_space<vmem>>
      %dma_wait3A_3734 = tpu.memref_squeeze %dma_wait3A_3733 : memref<1x128xi32, #tpu.memory_space<vmem>> -> memref<128xi32, #tpu.memory_space<vmem>>
      %dma_wait3A_3735 = arith.constant 0 : i32
      %dma_wait3A_3736 = arith.constant 0 : i32
      %dma_wait3A_3737 = tpu.memref_slice %arg4[%dma_wait3A_3735, %dma_wait3A_3736] : memref<2600000x32xf32, #tpu.memory_space<hbm>> -> memref<2600000x32xf32, #tpu.memory_space<hbm>>
      tpu.wait_indirect_dma semaphore(%arg11 : memref<!tpu.dma_semaphore, #tpu.memory_space<semaphore_mem>>) src(%dma_wait3A_3737 : memref<2600000x32xf32, #tpu.memory_space<hbm>>) dst(%dma_wait3A_3731 : memref<128x32xf32, #tpu.memory_space<vmem>>)
      %dma_wait3A_3738 = arith.constant 1 : i32
      %dma_wait3A_3739 = arith.constant 1 : i32
      %dma_wait3A_3740 = arith.constant 384 : i32
      %dma_wait3A_3741 = arith.constant 0 : i32
      %dma_wait3A_3742 = tpu.memref_slice %arg8[%dma_wait3A_3739, %dma_wait3A_3740, %dma_wait3A_3741] : memref<2x1664x32xf32, #tpu.memory_space<vmem>> -> memref<1x128x32xf32, #tpu.memory_space<vmem>>
      %dma_wait3A_3743 = tpu.memref_squeeze %dma_wait3A_3742 : memref<1x128x32xf32, #tpu.memory_space<vmem>> -> memref<128x32xf32, #tpu.memory_space<vmem>>
      %dma_wait3A_3744 = arith.constant 384 : i32
      %dma_wait3A_3745 = tpu.memref_slice %arg6[%dma_wait3A_3738, %dma_wait3A_3744] : memref<2x1664xi32, #tpu.memory_space<vmem>> -> memref<1x128xi32, #tpu.memory_space<vmem>>
      %dma_wait3A_3746 = tpu.memref_squeeze %dma_wait3A_3745 : memref<1x128xi32, #tpu.memory_space<vmem>> -> memref<128xi32, #tpu.memory_space<vmem>>
      %dma_wait3A_3747 = arith.constant 0 : i32
      %dma_wait3A_3748 = arith.constant 0 : i32
      %dma_wait3A_3749 = tpu.memref_slice %arg4[%dma_wait3A_3747, %dma_wait3A_3748] : memref<2600000x32xf32, #tpu.memory_space<hbm>> -> memref<2600000x32xf32, #tpu.memory_space<hbm>>
      tpu.wait_indirect_dma semaphore(%arg11 : memref<!tpu.dma_semaphore, #tpu.memory_space<semaphore_mem>>) src(%dma_wait3A_3749 : memref<2600000x32xf32, #tpu.memory_space<hbm>>) dst(%dma_wait3A_3743 : memref<128x32xf32, #tpu.memory_space<vmem>>)
      %dma_wait3A_3750 = arith.constant 1 : i32
      %dma_wait3A_3751 = arith.constant 1 : i32
      %dma_wait3A_3752 = arith.constant 512 : i32
      %dma_wait3A_3753 = arith.constant 0 : i32
      %dma_wait3A_3754 = tpu.memref_slice %arg8[%dma_wait3A_3751, %dma_wait3A_3752, %dma_wait3A_3753] : memref<2x1664x32xf32, #tpu.memory_space<vmem>> -> memref<1x128x32xf32, #tpu.memory_space<vmem>>
      %dma_wait3A_3755 = tpu.memref_squeeze %dma_wait3A_3754 : memref<1x128x32xf32, #tpu.memory_space<vmem>> -> memref<128x32xf32, #tpu.memory_space<vmem>>
      %dma_wait3A_3756 = arith.constant 512 : i32
      %dma_wait3A_3757 = tpu.memref_slice %arg6[%dma_wait3A_3750, %dma_wait3A_3756] : memref<2x1664xi32, #tpu.memory_space<vmem>> -> memref<1x128xi32, #tpu.memory_space<vmem>>
      %dma_wait3A_3758 = tpu.memref_squeeze %dma_wait3A_3757 : memref<1x128xi32, #tpu.memory_space<vmem>> -> memref<128xi32, #tpu.memory_space<vmem>>
      %dma_wait3A_3759 = arith.constant 0 : i32
      %dma_wait3A_3760 = arith.constant 0 : i32
      %dma_wait3A_3761 = tpu.memref_slice %arg4[%dma_wait3A_3759, %dma_wait3A_3760] : memref<2600000x32xf32, #tpu.memory_space<hbm>> -> memref<2600000x32xf32, #tpu.memory_space<hbm>>
      tpu.wait_indirect_dma semaphore(%arg11 : memref<!tpu.dma_semaphore, #tpu.memory_space<semaphore_mem>>) src(%dma_wait3A_3761 : memref<2600000x32xf32, #tpu.memory_space<hbm>>) dst(%dma_wait3A_3755 : memref<128x32xf32, #tpu.memory_space<vmem>>)
      %dma_wait3A_3762 = arith.constant 1 : i32
      %dma_wait3A_3763 = arith.constant 1 : i32
      %dma_wait3A_3764 = arith.constant 640 : i32
      %dma_wait3A_3765 = arith.constant 0 : i32
      %dma_wait3A_3766 = tpu.memref_slice %arg8[%dma_wait3A_3763, %dma_wait3A_3764, %dma_wait3A_3765] : memref<2x1664x32xf32, #tpu.memory_space<vmem>> -> memref<1x128x32xf32, #tpu.memory_space<vmem>>
      %dma_wait3A_3767 = tpu.memref_squeeze %dma_wait3A_3766 : memref<1x128x32xf32, #tpu.memory_space<vmem>> -> memref<128x32xf32, #tpu.memory_space<vmem>>
      %dma_wait3A_3768 = arith.constant 640 : i32
      %dma_wait3A_3769 = tpu.memref_slice %arg6[%dma_wait3A_3762, %dma_wait3A_3768] : memref<2x1664xi32, #tpu.memory_space<vmem>> -> memref<1x128xi32, #tpu.memory_space<vmem>>
      %dma_wait3A_3770 = tpu.memref_squeeze %dma_wait3A_3769 : memref<1x128xi32, #tpu.memory_space<vmem>> -> memref<128xi32, #tpu.memory_space<vmem>>
      %dma_wait3A_3771 = arith.constant 0 : i32
      %dma_wait3A_3772 = arith.constant 0 : i32
      %dma_wait3A_3773 = tpu.memref_slice %arg4[%dma_wait3A_3771, %dma_wait3A_3772] : memref<2600000x32xf32, #tpu.memory_space<hbm>> -> memref<2600000x32xf32, #tpu.memory_space<hbm>>
      tpu.wait_indirect_dma semaphore(%arg11 : memref<!tpu.dma_semaphore, #tpu.memory_space<semaphore_mem>>) src(%dma_wait3A_3773 : memref<2600000x32xf32, #tpu.memory_space<hbm>>) dst(%dma_wait3A_3767 : memref<128x32xf32, #tpu.memory_space<vmem>>)
      %dma_wait3A_3774 = arith.constant 1 : i32
      %dma_wait3A_3775 = arith.constant 1 : i32
      %dma_wait3A_3776 = arith.constant 768 : i32
      %dma_wait3A_3777 = arith.constant 0 : i32
      %dma_wait3A_3778 = tpu.memref_slice %arg8[%dma_wait3A_3775, %dma_wait3A_3776, %dma_wait3A_3777] : memref<2x1664x32xf32, #tpu.memory_space<vmem>> -> memref<1x128x32xf32, #tpu.memory_space<vmem>>
      %dma_wait3A_3779 = tpu.memref_squeeze %dma_wait3A_3778 : memref<1x128x32xf32, #tpu.memory_space<vmem>> -> memref<128x32xf32, #tpu.memory_space<vmem>>
      %dma_wait3A_3780 = arith.constant 768 : i32
      %dma_wait3A_3781 = tpu.memref_slice %arg6[%dma_wait3A_3774, %dma_wait3A_3780] : memref<2x1664xi32, #tpu.memory_space<vmem>> -> memref<1x128xi32, #tpu.memory_space<vmem>>
      %dma_wait3A_3782 = tpu.memref_squeeze %dma_wait3A_3781 : memref<1x128xi32, #tpu.memory_space<vmem>> -> memref<128xi32, #tpu.memory_space<vmem>>
      %dma_wait3A_3783 = arith.constant 0 : i32
      %dma_wait3A_3784 = arith.constant 0 : i32
      %dma_wait3A_3785 = tpu.memref_slice %arg4[%dma_wait3A_3783, %dma_wait3A_3784] : memref<2600000x32xf32, #tpu.memory_space<hbm>> -> memref<2600000x32xf32, #tpu.memory_space<hbm>>
      tpu.wait_indirect_dma semaphore(%arg11 : memref<!tpu.dma_semaphore, #tpu.memory_space<semaphore_mem>>) src(%dma_wait3A_3785 : memref<2600000x32xf32, #tpu.memory_space<hbm>>) dst(%dma_wait3A_3779 : memref<128x32xf32, #tpu.memory_space<vmem>>)
      %dma_wait3A_3786 = arith.constant 1 : i32
      %dma_wait3A_3787 = arith.constant 1 : i32
      %dma_wait3A_3788 = arith.constant 896 : i32
      %dma_wait3A_3789 = arith.constant 0 : i32
      %dma_wait3A_3790 = tpu.memref_slice %arg8[%dma_wait3A_3787, %dma_wait3A_3788, %dma_wait3A_3789] : memref<2x1664x32xf32, #tpu.memory_space<vmem>> -> memref<1x128x32xf32, #tpu.memory_space<vmem>>
      %dma_wait3A_3791 = tpu.memref_squeeze %dma_wait3A_3790 : memref<1x128x32xf32, #tpu.memory_space<vmem>> -> memref<128x32xf32, #tpu.memory_space<vmem>>
      %dma_wait3A_3792 = arith.constant 896 : i32
      %dma_wait3A_3793 = tpu.memref_slice %arg6[%dma_wait3A_3786, %dma_wait3A_3792] : memref<2x1664xi32, #tpu.memory_space<vmem>> -> memref<1x128xi32, #tpu.memory_space<vmem>>
      %dma_wait3A_3794 = tpu.memref_squeeze %dma_wait3A_3793 : memref<1x128xi32, #tpu.memory_space<vmem>> -> memref<128xi32, #tpu.memory_space<vmem>>
      %dma_wait3A_3795 = arith.constant 0 : i32
      %dma_wait3A_3796 = arith.constant 0 : i32
      %dma_wait3A_3797 = tpu.memref_slice %arg4[%dma_wait3A_3795, %dma_wait3A_3796] : memref<2600000x32xf32, #tpu.memory_space<hbm>> -> memref<2600000x32xf32, #tpu.memory_space<hbm>>
      tpu.wait_indirect_dma semaphore(%arg11 : memref<!tpu.dma_semaphore, #tpu.memory_space<semaphore_mem>>) src(%dma_wait3A_3797 : memref<2600000x32xf32, #tpu.memory_space<hbm>>) dst(%dma_wait3A_3791 : memref<128x32xf32, #tpu.memory_space<vmem>>)
      %dma_wait3A_3798 = arith.constant 1 : i32
      %dma_wait3A_3799 = arith.constant 1 : i32
      %dma_wait3A_3800 = arith.constant 1024 : i32
      %dma_wait3A_3801 = arith.constant 0 : i32
      %dma_wait3A_3802 = tpu.memref_slice %arg8[%dma_wait3A_3799, %dma_wait3A_3800, %dma_wait3A_3801] : memref<2x1664x32xf32, #tpu.memory_space<vmem>> -> memref<1x128x32xf32, #tpu.memory_space<vmem>>
      %dma_wait3A_3803 = tpu.memref_squeeze %dma_wait3A_3802 : memref<1x128x32xf32, #tpu.memory_space<vmem>> -> memref<128x32xf32, #tpu.memory_space<vmem>>
      %dma_wait3A_3804 = arith.constant 1024 : i32
      %dma_wait3A_3805 = tpu.memref_slice %arg6[%dma_wait3A_3798, %dma_wait3A_3804] : memref<2x1664xi32, #tpu.memory_space<vmem>> -> memref<1x128xi32, #tpu.memory_space<vmem>>
      %dma_wait3A_3806 = tpu.memref_squeeze %dma_wait3A_3805 : memref<1x128xi32, #tpu.memory_space<vmem>> -> memref<128xi32, #tpu.memory_space<vmem>>
      %dma_wait3A_3807 = arith.constant 0 : i32
      %dma_wait3A_3808 = arith.constant 0 : i32
      %dma_wait3A_3809 = tpu.memref_slice %arg4[%dma_wait3A_3807, %dma_wait3A_3808] : memref<2600000x32xf32, #tpu.memory_space<hbm>> -> memref<2600000x32xf32, #tpu.memory_space<hbm>>
      tpu.wait_indirect_dma semaphore(%arg11 : memref<!tpu.dma_semaphore, #tpu.memory_space<semaphore_mem>>) src(%dma_wait3A_3809 : memref<2600000x32xf32, #tpu.memory_space<hbm>>) dst(%dma_wait3A_3803 : memref<128x32xf32, #tpu.memory_space<vmem>>)
      %dma_wait3A_3810 = arith.constant 1 : i32
      %dma_wait3A_3811 = arith.constant 1 : i32
      %dma_wait3A_3812 = arith.constant 1152 : i32
      %dma_wait3A_3813 = arith.constant 0 : i32
      %dma_wait3A_3814 = tpu.memref_slice %arg8[%dma_wait3A_3811, %dma_wait3A_3812, %dma_wait3A_3813] : memref<2x1664x32xf32, #tpu.memory_space<vmem>> -> memref<1x128x32xf32, #tpu.memory_space<vmem>>
      %dma_wait3A_3815 = tpu.memref_squeeze %dma_wait3A_3814 : memref<1x128x32xf32, #tpu.memory_space<vmem>> -> memref<128x32xf32, #tpu.memory_space<vmem>>
      %dma_wait3A_3816 = arith.constant 1152 : i32
      %dma_wait3A_3817 = tpu.memref_slice %arg6[%dma_wait3A_3810, %dma_wait3A_3816] : memref<2x1664xi32, #tpu.memory_space<vmem>> -> memref<1x128xi32, #tpu.memory_space<vmem>>
      %dma_wait3A_3818 = tpu.memref_squeeze %dma_wait3A_3817 : memref<1x128xi32, #tpu.memory_space<vmem>> -> memref<128xi32, #tpu.memory_space<vmem>>
      %dma_wait3A_3819 = arith.constant 0 : i32
      %dma_wait3A_3820 = arith.constant 0 : i32
      %dma_wait3A_3821 = tpu.memref_slice %arg4[%dma_wait3A_3819, %dma_wait3A_3820] : memref<2600000x32xf32, #tpu.memory_space<hbm>> -> memref<2600000x32xf32, #tpu.memory_space<hbm>>
      tpu.wait_indirect_dma semaphore(%arg11 : memref<!tpu.dma_semaphore, #tpu.memory_space<semaphore_mem>>) src(%dma_wait3A_3821 : memref<2600000x32xf32, #tpu.memory_space<hbm>>) dst(%dma_wait3A_3815 : memref<128x32xf32, #tpu.memory_space<vmem>>)
      %dma_wait3A_3822 = arith.constant 1 : i32
      %dma_wait3A_3823 = arith.constant 1 : i32
      %dma_wait3A_3824 = arith.constant 1280 : i32
      %dma_wait3A_3825 = arith.constant 0 : i32
      %dma_wait3A_3826 = tpu.memref_slice %arg8[%dma_wait3A_3823, %dma_wait3A_3824, %dma_wait3A_3825] : memref<2x1664x32xf32, #tpu.memory_space<vmem>> -> memref<1x128x32xf32, #tpu.memory_space<vmem>>
      %dma_wait3A_3827 = tpu.memref_squeeze %dma_wait3A_3826 : memref<1x128x32xf32, #tpu.memory_space<vmem>> -> memref<128x32xf32, #tpu.memory_space<vmem>>
      %dma_wait3A_3828 = arith.constant 1280 : i32
      %dma_wait3A_3829 = tpu.memref_slice %arg6[%dma_wait3A_3822, %dma_wait3A_3828] : memref<2x1664xi32, #tpu.memory_space<vmem>> -> memref<1x128xi32, #tpu.memory_space<vmem>>
      %dma_wait3A_3830 = tpu.memref_squeeze %dma_wait3A_3829 : memref<1x128xi32, #tpu.memory_space<vmem>> -> memref<128xi32, #tpu.memory_space<vmem>>
      %dma_wait3A_3831 = arith.constant 0 : i32
      %dma_wait3A_3832 = arith.constant 0 : i32
      %dma_wait3A_3833 = tpu.memref_slice %arg4[%dma_wait3A_3831, %dma_wait3A_3832] : memref<2600000x32xf32, #tpu.memory_space<hbm>> -> memref<2600000x32xf32, #tpu.memory_space<hbm>>
      tpu.wait_indirect_dma semaphore(%arg11 : memref<!tpu.dma_semaphore, #tpu.memory_space<semaphore_mem>>) src(%dma_wait3A_3833 : memref<2600000x32xf32, #tpu.memory_space<hbm>>) dst(%dma_wait3A_3827 : memref<128x32xf32, #tpu.memory_space<vmem>>)
      %dma_wait3A_3834 = arith.constant 1 : i32
      %dma_wait3A_3835 = arith.constant 1 : i32
      %dma_wait3A_3836 = arith.constant 1408 : i32
      %dma_wait3A_3837 = arith.constant 0 : i32
      %dma_wait3A_3838 = tpu.memref_slice %arg8[%dma_wait3A_3835, %dma_wait3A_3836, %dma_wait3A_3837] : memref<2x1664x32xf32, #tpu.memory_space<vmem>> -> memref<1x128x32xf32, #tpu.memory_space<vmem>>
      %dma_wait3A_3839 = tpu.memref_squeeze %dma_wait3A_3838 : memref<1x128x32xf32, #tpu.memory_space<vmem>> -> memref<128x32xf32, #tpu.memory_space<vmem>>
      %dma_wait3A_3840 = arith.constant 1408 : i32
      %dma_wait3A_3841 = tpu.memref_slice %arg6[%dma_wait3A_3834, %dma_wait3A_3840] : memref<2x1664xi32, #tpu.memory_space<vmem>> -> memref<1x128xi32, #tpu.memory_space<vmem>>
      %dma_wait3A_3842 = tpu.memref_squeeze %dma_wait3A_3841 : memref<1x128xi32, #tpu.memory_space<vmem>> -> memref<128xi32, #tpu.memory_space<vmem>>
      %dma_wait3A_3843 = arith.constant 0 : i32
      %dma_wait3A_3844 = arith.constant 0 : i32
      %dma_wait3A_3845 = tpu.memref_slice %arg4[%dma_wait3A_3843, %dma_wait3A_3844] : memref<2600000x32xf32, #tpu.memory_space<hbm>> -> memref<2600000x32xf32, #tpu.memory_space<hbm>>
      tpu.wait_indirect_dma semaphore(%arg11 : memref<!tpu.dma_semaphore, #tpu.memory_space<semaphore_mem>>) src(%dma_wait3A_3845 : memref<2600000x32xf32, #tpu.memory_space<hbm>>) dst(%dma_wait3A_3839 : memref<128x32xf32, #tpu.memory_space<vmem>>)
      %dma_wait3A_3846 = arith.constant 1 : i32
      %dma_wait3A_3847 = arith.constant 1 : i32
      %dma_wait3A_3848 = arith.constant 1536 : i32
      %dma_wait3A_3849 = arith.constant 0 : i32
      %dma_wait3A_3850 = tpu.memref_slice %arg8[%dma_wait3A_3847, %dma_wait3A_3848, %dma_wait3A_3849] : memref<2x1664x32xf32, #tpu.memory_space<vmem>> -> memref<1x128x32xf32, #tpu.memory_space<vmem>>
      %dma_wait3A_3851 = tpu.memref_squeeze %dma_wait3A_3850 : memref<1x128x32xf32, #tpu.memory_space<vmem>> -> memref<128x32xf32, #tpu.memory_space<vmem>>
      %dma_wait3A_3852 = arith.constant 1536 : i32
      %dma_wait3A_3853 = tpu.memref_slice %arg6[%dma_wait3A_3846, %dma_wait3A_3852] : memref<2x1664xi32, #tpu.memory_space<vmem>> -> memref<1x128xi32, #tpu.memory_space<vmem>>
      %dma_wait3A_3854 = tpu.memref_squeeze %dma_wait3A_3853 : memref<1x128xi32, #tpu.memory_space<vmem>> -> memref<128xi32, #tpu.memory_space<vmem>>
      %dma_wait3A_3855 = arith.constant 0 : i32
      %dma_wait3A_3856 = arith.constant 0 : i32
      %dma_wait3A_3857 = tpu.memref_slice %arg4[%dma_wait3A_3855, %dma_wait3A_3856] : memref<2600000x32xf32, #tpu.memory_space<hbm>> -> memref<2600000x32xf32, #tpu.memory_space<hbm>>
      tpu.wait_indirect_dma semaphore(%arg11 : memref<!tpu.dma_semaphore, #tpu.memory_space<semaphore_mem>>) src(%dma_wait3A_3857 : memref<2600000x32xf32, #tpu.memory_space<hbm>>) dst(%dma_wait3A_3851 : memref<128x32xf32, #tpu.memory_space<vmem>>)
      %dma_start3A_3858 = arith.constant 1 : i32
      %dma_start3A_3859 = arith.constant 0 : i32
      %dma_start3A_3860 = arith.constant 0 : i32
      %dma_start3A_3861 = tpu.memref_slice %arg8[%dma_start3A_3858, %dma_start3A_3859, %dma_start3A_3860] : memref<2x1664x32xf32, #tpu.memory_space<vmem>> -> memref<1x1664x32xf32, #tpu.memory_space<vmem>>
      %dma_start3A_3862 = tpu.memref_squeeze %dma_start3A_3861 : memref<1x1664x32xf32, #tpu.memory_space<vmem>> -> memref<1664x32xf32, #tpu.memory_space<vmem>>
      %dma_start3A_3863 = arith.constant 0 : i32
      %dma_start3A_3864 = tpu.memref_slice %arg5[%add3A_1971, %dma_start3A_3863] : memref<2129920x32xf32, #tpu.memory_space<hbm>> -> memref<1664x32xf32, #tpu.memory_space<hbm>>
      %dma_start3A_3865 = arith.constant 0 : i32
      %dma_start3A_3866 = tpu.memref_slice %arg5[%add3A_1971, %dma_start3A_3865] : memref<2129920x32xf32, #tpu.memory_space<hbm>> -> memref<1664x32xf32, #tpu.memory_space<hbm>>
      %dma_start3A_3867 = arith.constant 0 : i32
      %dma_start3A_3868 = arith.constant 0 : i32
      %dma_start3A_3869 = tpu.memref_slice %arg8[%dma_start3A_3858, %dma_start3A_3867, %dma_start3A_3868] : memref<2x1664x32xf32, #tpu.memory_space<vmem>> -> memref<1x1664x32xf32, #tpu.memory_space<vmem>>
      %dma_start3A_3870 = tpu.memref_squeeze %dma_start3A_3869 : memref<1x1664x32xf32, #tpu.memory_space<vmem>> -> memref<1664x32xf32, #tpu.memory_space<vmem>>
      tpu.enqueue_dma source(%dma_start3A_3870 : memref<1664x32xf32, #tpu.memory_space<vmem>>) target(%dma_start3A_3866 : memref<1664x32xf32, #tpu.memory_space<hbm>>) target_semaphore(%arg13 : memref<!tpu.dma_semaphore, #tpu.memory_space<semaphore_mem>>)
      %add3A_3871 = arith.constant 2 : i32
      %add3A_3872 = arith.addi %add3A_1968, %add3A_3871 : i32
      %lt3A_3873 = arith.constant 40 : i32
      %lt3A_3874 = arith.cmpi slt, %add3A_3872, %lt3A_3873 : i32
      %convert_element_type3A_3875 = arith.extui %lt3A_3874 : i1 to i32
      %cond3A_3876 = arith.constant 0 : i32
      %cond3A_3877 = arith.cmpi ne, %convert_element_type3A_3875, %cond3A_3876 : i32
      scf.if %cond3A_3877 {
        %add3A_3878 = arith.constant 3328 : i32
        %add3A_3879 = arith.addi %add3A_1971, %add3A_3878 : i32
        %dma_start3A_3880 = arith.constant 1 : i32
        %dma_start3A_3881 = arith.constant 0 : i32
        %dma_start3A_3882 = tpu.memref_slice %arg6[%dma_start3A_3880, %dma_start3A_3881] : memref<2x1664xi32, #tpu.memory_space<vmem>> -> memref<1x1664xi32, #tpu.memory_space<vmem>>
        %dma_start3A_3883 = tpu.memref_squeeze %dma_start3A_3882 : memref<1x1664xi32, #tpu.memory_space<vmem>> -> memref<1664xi32, #tpu.memory_space<vmem>>
        %dma_start3A_3884 = tpu.memref_slice %arg2[%add3A_3879] : memref<2129920xi32, #tpu.memory_space<hbm>> -> memref<1664xi32, #tpu.memory_space<hbm>>
        %dma_start3A_3885 = arith.constant 0 : i32
        %dma_start3A_3886 = tpu.memref_slice %arg6[%dma_start3A_3880, %dma_start3A_3885] : memref<2x1664xi32, #tpu.memory_space<vmem>> -> memref<1x1664xi32, #tpu.memory_space<vmem>>
        %dma_start3A_3887 = tpu.memref_squeeze %dma_start3A_3886 : memref<1x1664xi32, #tpu.memory_space<vmem>> -> memref<1664xi32, #tpu.memory_space<vmem>>
        %dma_start3A_3888 = tpu.memref_slice %arg2[%add3A_3879] : memref<2129920xi32, #tpu.memory_space<hbm>> -> memref<1664xi32, #tpu.memory_space<hbm>>
        tpu.enqueue_dma source(%dma_start3A_3888 : memref<1664xi32, #tpu.memory_space<hbm>>) target(%dma_start3A_3887 : memref<1664xi32, #tpu.memory_space<vmem>>) target_semaphore(%arg10 : memref<!tpu.dma_semaphore, #tpu.memory_space<semaphore_mem>>)
      } else {
      }
    }
    %scan3A_27 = arith.constant 20 : i32
    %add3A_28 = arith.constant 63232 : i32
    %add3A_29 = arith.addi %mul3A_2, %add3A_28 : i32
    %dma_wait3A = arith.constant 0 : i32
    %dma_wait3A_30 = arith.constant 0 : i32
    %dma_wait3A_31 = arith.constant 0 : i32
    %dma_wait3A_32 = tpu.memref_slice %arg8[%dma_wait3A, %dma_wait3A_30, %dma_wait3A_31] : memref<2x1664x32xf32, #tpu.memory_space<vmem>> -> memref<1x1664x32xf32, #tpu.memory_space<vmem>>
    %dma_wait3A_33 = tpu.memref_squeeze %dma_wait3A_32 : memref<1x1664x32xf32, #tpu.memory_space<vmem>> -> memref<1664x32xf32, #tpu.memory_space<vmem>>
    %dma_wait3A_34 = arith.constant 0 : i32
    %dma_wait3A_35 = tpu.memref_slice %arg5[%add3A_29, %dma_wait3A_34] : memref<2129920x32xf32, #tpu.memory_space<hbm>> -> memref<1664x32xf32, #tpu.memory_space<hbm>>
    %dma_wait3A_36 = arith.constant 0 : i32
    %dma_wait3A_37 = tpu.memref_slice %arg5[%add3A_29, %dma_wait3A_36] : memref<2129920x32xf32, #tpu.memory_space<hbm>> -> memref<1664x32xf32, #tpu.memory_space<hbm>>
    %dma_wait3A_38 = arith.constant 0 : i32
    %dma_wait3A_39 = arith.constant 0 : i32
    %dma_wait3A_40 = tpu.memref_slice %arg8[%dma_wait3A, %dma_wait3A_38, %dma_wait3A_39] : memref<2x1664x32xf32, #tpu.memory_space<vmem>> -> memref<1x1664x32xf32, #tpu.memory_space<vmem>>
    %dma_wait3A_41 = tpu.memref_squeeze %dma_wait3A_40 : memref<1x1664x32xf32, #tpu.memory_space<vmem>> -> memref<1664x32xf32, #tpu.memory_space<vmem>>
    tpu.wait_dma2 semaphore(%arg12 : memref<!tpu.dma_semaphore, #tpu.memory_space<semaphore_mem>>) src(%dma_wait3A_41 : memref<1664x32xf32, #tpu.memory_space<vmem>>) dst(%dma_wait3A_37 : memref<1664x32xf32, #tpu.memory_space<hbm>>)
    %add3A_42 = arith.constant 64896 : i32
    %add3A_43 = arith.addi %mul3A_2, %add3A_42 : i32
    %dma_wait3A_44 = arith.constant 1 : i32
    %dma_wait3A_45 = arith.constant 0 : i32
    %dma_wait3A_46 = arith.constant 0 : i32
    %dma_wait3A_47 = tpu.memref_slice %arg8[%dma_wait3A_44, %dma_wait3A_45, %dma_wait3A_46] : memref<2x1664x32xf32, #tpu.memory_space<vmem>> -> memref<1x1664x32xf32, #tpu.memory_space<vmem>>
    %dma_wait3A_48 = tpu.memref_squeeze %dma_wait3A_47 : memref<1x1664x32xf32, #tpu.memory_space<vmem>> -> memref<1664x32xf32, #tpu.memory_space<vmem>>
    %dma_wait3A_49 = arith.constant 0 : i32
    %dma_wait3A_50 = tpu.memref_slice %arg5[%add3A_43, %dma_wait3A_49] : memref<2129920x32xf32, #tpu.memory_space<hbm>> -> memref<1664x32xf32, #tpu.memory_space<hbm>>
    %dma_wait3A_51 = arith.constant 0 : i32
    %dma_wait3A_52 = tpu.memref_slice %arg5[%add3A_43, %dma_wait3A_51] : memref<2129920x32xf32, #tpu.memory_space<hbm>> -> memref<1664x32xf32, #tpu.memory_space<hbm>>
    %dma_wait3A_53 = arith.constant 0 : i32
    %dma_wait3A_54 = arith.constant 0 : i32
    %dma_wait3A_55 = tpu.memref_slice %arg8[%dma_wait3A_44, %dma_wait3A_53, %dma_wait3A_54] : memref<2x1664x32xf32, #tpu.memory_space<vmem>> -> memref<1x1664x32xf32, #tpu.memory_space<vmem>>
    %dma_wait3A_56 = tpu.memref_squeeze %dma_wait3A_55 : memref<1x1664x32xf32, #tpu.memory_space<vmem>> -> memref<1664x32xf32, #tpu.memory_space<vmem>>
    tpu.wait_dma2 semaphore(%arg13 : memref<!tpu.dma_semaphore, #tpu.memory_space<semaphore_mem>>) src(%dma_wait3A_56 : memref<1664x32xf32, #tpu.memory_space<vmem>>) dst(%dma_wait3A_52 : memref<1664x32xf32, #tpu.memory_space<hbm>>)
    return
  }
}

module attributes {stable_mosaic.version = 14 : i64} {
  func.func @body(%arg0: i32, %arg1: i32, %arg2: memref<1x32x8192xf32, #tpu.memory_space<vmem>>, %arg3: memref<1x2048x128xf32, #tpu.memory_space<vmem>>, %arg4: memref<2048x4x32xf32, #tpu.memory_space<vmem>>) attributes {dimension_semantics = [#tpu.dimension_semantics<arbitrary>, #tpu.dimension_semantics<arbitrary>], iteration_bounds = array<i64: 26, 13>, scalar_prefetch = 0 : i64, scratch_operands = 1 : i64, tpu.core_type = #tpu.core_type<tc>, window_params = [{transform_indices = @transform_0, window_bounds = array<i64: 1, 32, 8192>}, {transform_indices = @transform_1, window_bounds = array<i64: 1, 2048, 128>}]} {
    %get3A = arith.constant 0 : index
    %get3A_0 = arith.constant 0 : index
    %get3A_1 = arith.constant 0 : index
    %get3A_2 = vector.load %arg2[%get3A, %get3A_0, %get3A_1] : memref<1x32x8192xf32, #tpu.memory_space<vmem>>, vector<1x32x8192xf32>
    %get3A_3 = vector.shape_cast %get3A_2 : vector<1x32x8192xf32> to vector<32x8192xf32>
    %transpose3A = tpu.transpose %get3A_3, [1, 0] : vector<32x8192xf32> -> vector<8192x32xf32>
    %reshape3A = vector.shape_cast %transpose3A : vector<8192x32xf32> to vector<2048x4x32xf32>
    %swap3A = arith.constant 0 : index
    %swap3A_4 = arith.constant 0 : index
    %swap3A_5 = arith.constant 0 : index
    %swap3A_6 = vector.load %arg4[%swap3A, %swap3A_4, %swap3A_5] : memref<2048x4x32xf32, #tpu.memory_space<vmem>>, vector<2048x4x32xf32>
    tpu.vector_store %arg4[%swap3A, %swap3A_4, %swap3A_5], %reshape3A {strides = array<i32>} : memref<2048x4x32xf32, #tpu.memory_space<vmem>>, vector<2048x4x32xf32>,
    %get3A_7 = arith.constant 0 : index
    %get3A_8 = arith.constant 0 : index
    %get3A_9 = arith.constant 0 : index
    %get3A_10 = vector.load %arg4[%get3A_7, %get3A_8, %get3A_9] : memref<2048x4x32xf32, #tpu.memory_space<vmem>>, vector<2048x1x32xf32>
    %get3A_11 = vector.shape_cast %get3A_10 : vector<2048x1x32xf32> to vector<2048x32xf32>
    %swap3A_12 = arith.constant 0 : index
    %swap3A_13 = arith.constant 0 : index
    %swap3A_14 = arith.constant 0 : index
    %swap3A_15 = vector.load %arg3[%swap3A_12, %swap3A_13, %swap3A_14] : memref<1x2048x128xf32, #tpu.memory_space<vmem>>, vector<1x2048x32xf32>
    %swap3A_16 = vector.shape_cast %swap3A_15 : vector<1x2048x32xf32> to vector<2048x32xf32>
    %swap3A_17 = vector.shape_cast %get3A_11 : vector<2048x32xf32> to vector<1x2048x32xf32>
    tpu.vector_store %arg3[%swap3A_12, %swap3A_13, %swap3A_14], %swap3A_17 {strides = array<i32>} : memref<1x2048x128xf32, #tpu.memory_space<vmem>>, vector<1x2048x32xf32>,
    %get3A_18 = arith.constant 0 : index
    %get3A_19 = arith.constant 1 : index
    %get3A_20 = arith.constant 0 : index
    %get3A_21 = vector.load %arg4[%get3A_18, %get3A_19, %get3A_20] : memref<2048x4x32xf32, #tpu.memory_space<vmem>>, vector<2048x1x32xf32>
    %get3A_22 = vector.shape_cast %get3A_21 : vector<2048x1x32xf32> to vector<2048x32xf32>
    %swap3A_23 = arith.constant 0 : index
    %swap3A_24 = arith.constant 0 : index
    %swap3A_25 = arith.constant 32 : index
    %swap3A_26 = vector.load %arg3[%swap3A_23, %swap3A_24, %swap3A_25] : memref<1x2048x128xf32, #tpu.memory_space<vmem>>, vector<1x2048x32xf32>
    %swap3A_27 = vector.shape_cast %swap3A_26 : vector<1x2048x32xf32> to vector<2048x32xf32>
    %swap3A_28 = vector.shape_cast %get3A_22 : vector<2048x32xf32> to vector<1x2048x32xf32>
    tpu.vector_store %arg3[%swap3A_23, %swap3A_24, %swap3A_25], %swap3A_28 {strides = array<i32>} : memref<1x2048x128xf32, #tpu.memory_space<vmem>>, vector<1x2048x32xf32>,
    %get3A_29 = arith.constant 0 : index
    %get3A_30 = arith.constant 2 : index
    %get3A_31 = arith.constant 0 : index
    %get3A_32 = vector.load %arg4[%get3A_29, %get3A_30, %get3A_31] : memref<2048x4x32xf32, #tpu.memory_space<vmem>>, vector<2048x1x32xf32>
    %get3A_33 = vector.shape_cast %get3A_32 : vector<2048x1x32xf32> to vector<2048x32xf32>
    %swap3A_34 = arith.constant 0 : index
    %swap3A_35 = arith.constant 0 : index
    %swap3A_36 = arith.constant 64 : index
    %swap3A_37 = vector.load %arg3[%swap3A_34, %swap3A_35, %swap3A_36] : memref<1x2048x128xf32, #tpu.memory_space<vmem>>, vector<1x2048x32xf32>
    %swap3A_38 = vector.shape_cast %swap3A_37 : vector<1x2048x32xf32> to vector<2048x32xf32>
    %swap3A_39 = vector.shape_cast %get3A_33 : vector<2048x32xf32> to vector<1x2048x32xf32>
    tpu.vector_store %arg3[%swap3A_34, %swap3A_35, %swap3A_36], %swap3A_39 {strides = array<i32>} : memref<1x2048x128xf32, #tpu.memory_space<vmem>>, vector<1x2048x32xf32>,
    %get3A_40 = arith.constant 0 : index
    %get3A_41 = arith.constant 3 : index
    %get3A_42 = arith.constant 0 : index
    %get3A_43 = vector.load %arg4[%get3A_40, %get3A_41, %get3A_42] : memref<2048x4x32xf32, #tpu.memory_space<vmem>>, vector<2048x1x32xf32>
    %get3A_44 = vector.shape_cast %get3A_43 : vector<2048x1x32xf32> to vector<2048x32xf32>
    %swap3A_45 = arith.constant 0 : index
    %swap3A_46 = arith.constant 0 : index
    %swap3A_47 = arith.constant 96 : index
    %swap3A_48 = vector.load %arg3[%swap3A_45, %swap3A_46, %swap3A_47] : memref<1x2048x128xf32, #tpu.memory_space<vmem>>, vector<1x2048x32xf32>
    %swap3A_49 = vector.shape_cast %swap3A_48 : vector<1x2048x32xf32> to vector<2048x32xf32>
    %swap3A_50 = vector.shape_cast %get3A_44 : vector<2048x32xf32> to vector<1x2048x32xf32>
    tpu.vector_store %arg3[%swap3A_45, %swap3A_46, %swap3A_47], %swap3A_50 {strides = array<i32>} : memref<1x2048x128xf32, #tpu.memory_space<vmem>>, vector<1x2048x32xf32>,
    return
  }
  func.func @transform_0(%arg0: i32, %arg1: i32) -> (i32, i32, i32) {
    %c0_i32 = arith.constant 0 : i32
    %c0_i32_0 = arith.constant 0 : i32
    return %arg0, %c0_i32, %arg1 : i32, i32, i32
  }
  func.func @transform_1(%arg0: i32, %arg1: i32) -> (i32, i32, i32) {
    %c0_i32 = arith.constant 0 : i32
    %c0_i32_0 = arith.constant 0 : i32
    return %arg0, %arg1, %c0_i32 : i32, i32, i32
  }
}

</mosaic_0001>

<sc_bundles>
// kernel: kernel.4.cloned.1.call-start
scs
__scs_entry_jumppad:
0x0: {  	(pc) =	sbr.rel $0x88, $3  }
0x1: {  	(tag) =	ssettag $0x0;
	lr =	simm.s32 $0x1  }
0x2: {  	[smem:$0x3F9F] =	sst lr;
	_ =	strace $0xD0000000  }
0x3: {  	_ = 	snop  }
0x4: {  	_ = 	snop  }
0x5: {  	_ = 	snop  }
0x6: {  	_ = 	snop  }
0x7: {  	_ = 	snop  }
__scs_overlays_trampoline_lowered:
0x8: {  	[smem:$0x3FAE] =	sst s0  }
0x9: {  	[smem:$0x3FAF] =	sst s1  }
0xa: {  	[smem:$0x3FB0] =	sst s2  }
0xb: {  	[smem:$0x3FB1] =	sst s3  }
0xc: {  	[smem:$0x3FB2] =	sst s4  }
0xd: {  	[smem:$0x3FB3] =	sst s5  }
0xe: {  	[smem:$0x3FB4] =	sst s6  }
0xf: {  	[smem:$0x3FB5] =	sst s7  }
0x10: {  	[smem:$0x3FB6] =	sst s8  }
0x11: {  	[smem:$0x3FB7] =	sst s9;
	s0 =	simm.s32 @!p0 $0x0  }
0x12: {  	s1 =	sld [smem:$0x3F9D];
	s0 =	simm.s32 @p0 $0x1  }
0x13: {  	[smem:$0x3FB8] =	sst s0;
	s0 =	simm.s32 @!p1 $0x0  }
0x14: {  	s2 =	sld [smem:$0x3F9C];
	s0 =	simm.s32 @p1 $0x1  }
0x15: {  	[smem:$0x3FB9] =	sst s0;
	s0 =	simm.s32 @!p2 $0x0  }
0x16: {  	s3 =	sld [smem:$0x3FDB];
	s0 =	simm.s32 @p2 $0x1  }
0x17: {  	s4 =	simm.s32 $0x1BF5;
	[smem:$0x3FBB] =	sst s0  }
0x18: {  	s0 =	sld [smem:$0x3F9E];
	_ =	swait.ge [sflag:s4], $0x0  }
0x19: {  	s7 =	sld [smem:$0x3F9F]  }
0x1a: {  	s8 =	sadd.s32 $0xFFFFE003, lr  }
0x1b: {  	s9 =	sadd.s32 $0xFFFFFEF7, lr;
	s5 =	simm.s32 $0xFFFFFFFF;
	p2 =	slt.u32 s8, $0xFFFFF086  }
0x1c: {  	p1 =	slt.u32 s9, $0xF7A;
	s5 =	simm.s32 @!p2 $0x0  }
0x1d: {  	s5 =	simm.s32 @p1 $0x1;
	p0 =	seq.s32 s7, s2  }
0x1e: {  	s7 =	smul.u32 @!p0 $0xF7A, s2;
	p2 =	seq.s32 @!p0 s5, $0x0  }
0x1f: {  	s9 =	smul.u32 $0xF7A, s1;
	s8 =	simm.s32 @!p0 $0x1BF5;
	p2 =	por !p2, p0  }
0x20: {  	[sflag:s8] =	ssyncset.s32 @!p0 $0xFFFFF086;
	s6 =	sadd.s32 @!p0 s3, s7;
	s7 =	simm.s32 @!p0 $0x108  }
0x21: {  	s3 =	sadd.s32 s3, s9;
	s6 =	sadd.s32 @!p0 $0x88, s6;
	s7 =	simm.s32 @p2 $0x1082  }
0x22: {  	[simem:s7], [sflag:s8] =	dma.local @!p0 [hbm:s6], $0xF7A  }
0x23: {  	s9 =	sor.u32 $0xD0000000, s2;
	s6 =	simm.s32 $0x108;
	_ =	swait.ge @!p0 [sflag:s8], $0x0  }
0x24: {  	s3 =	sadd.s32 $0x88, s3;
	s6 =	simm.s32 @!p1 $0x1082;
	[sflag:s4] =	ssyncset.s32 $0xFFFFF086  }
0x25: {  	[simem:s6], [sflag:s4] =	dma.local [hbm:s3], $0xF7A  }
0x26: {  	[smem:$0x3F9F] =	sst s1;
	(tag) =	ssettag s2;
	_ =	strace s9  }
0x27: {  	s1 =	sld [smem:$0x3FAF]  }
0x28: {  	s2 =	sld [smem:$0x3FB0]  }
0x29: {  	s4 =	sld [smem:$0x3FB2]  }
0x2a: {  	p0 =	seq.s32 s5, $0x0;
	s5 =	sld [smem:$0x3FB3]  }
0x2b: {  	s6 =	sld [smem:$0x3FB4]  }
0x2c: {  	s7 =	sld [smem:$0x3FB5]  }
0x2d: {  	s3 =	simm.s32 $0x108;
	s8 =	sld [smem:$0x3FB6]  }
0x2e: {  	s3 =	simm.s32 @!p0 $0x1082;
	s9 =	sld [smem:$0x3FB7]  }
0x2f: {  	lr =	sadd.s32 s0, s3;
	s0 =	sld [smem:$0x3FAE]  }
0x30: {  	s3 =	sld [smem:$0x3FB1]  }
0x31: {  	[smem:$0x3FBA] =	sst s10  }
0x32: {  	s10 =	sld [smem:$0x3FB8];
	_ =	sdelay $0x3  }
0x33: {  	p0 =	seq.s32 s10, $0x1;
	s10 =	sld [smem:$0x3FBA];
	_ =	sdelay $0x3  }
0x34: {  	[smem:$0x3FBA] =	sst s10  }
0x35: {  	s10 =	sld [smem:$0x3FB9];
	_ =	sdelay $0x3  }
0x36: {  	p1 =	seq.s32 s10, $0x1;
	s10 =	sld [smem:$0x3FBA];
	_ =	sdelay $0x3  }
0x37: {  	[smem:$0x3FBA] =	sst s10  }
0x38: {  	s10 =	sld [smem:$0x3FBB]  }
0x39: {  	_ = 	snop;
	(pc) =	sbr.ind lr, $3  }
0x3a: {  	_ = 	snop  }
0x3b: {  	_ = 	snop  }
0x3c: {  	p2 =	seq.s32 s10, $0x1;
	s10 =	sld [smem:$0x3FBA]  }
0x3d: {  	_ =	shalt  }
0x3e: {  	_ =	shalt  }
0x3f: {  	_ =	shalt  }
0x40: {  	_ =	shalt  }
0x41: {  	_ =	shalt  }
0x42: {  	_ =	shalt  }
0x43: {  	_ =	shalt  }
0x44: {  	_ =	shalt  }
0x45: {  	_ =	shalt  }
0x46: {  	_ =	shalt  }
0x47: {  	_ =	shalt  }
0x48: {  	_ =	shalt  }
0x49: {  	_ =	shalt  }
0x4a: {  	_ =	shalt  }
0x4b: {  	_ =	shalt  }
0x4c: {  	_ =	shalt  }
0x4d: {  	_ =	shalt  }
0x4e: {  	_ =	shalt  }
0x4f: {  	_ =	shalt  }
0x50: {  	_ =	shalt  }
0x51: {  	_ =	shalt  }
0x52: {  	_ =	shalt  }
0x53: {  	_ =	shalt  }
0x54: {  	_ =	shalt  }
0x55: {  	_ =	shalt  }
0x56: {  	_ =	shalt  }
0x57: {  	_ =	shalt  }
0x58: {  	_ =	shalt  }
0x59: {  	_ =	shalt  }
0x5a: {  	_ =	shalt  }
0x5b: {  	_ =	shalt  }
0x5c: {  	_ =	shalt  }
0x5d: {  	_ =	shalt  }
0x5e: {  	_ =	shalt  }
0x5f: {  	_ =	shalt  }
0x60: {  	_ =	shalt  }
0x61: {  	_ =	shalt  }
0x62: {  	_ =	shalt  }
0x63: {  	_ =	shalt  }
0x64: {  	_ =	shalt  }
0x65: {  	_ =	shalt  }
0x66: {  	_ =	shalt  }
0x67: {  	_ =	shalt  }
0x68: {  	_ =	shalt  }
0x69: {  	_ =	shalt  }
0x6a: {  	_ =	shalt  }
0x6b: {  	_ =	shalt  }
0x6c: {  	_ =	shalt  }
0x6d: {  	_ =	shalt  }
0x6e: {  	_ =	shalt  }
0x6f: {  	_ =	shalt  }
0x70: {  	_ =	shalt  }
0x71: {  	_ =	shalt  }
0x72: {  	_ =	shalt  }
0x73: {  	_ =	shalt  }
0x74: {  	_ =	shalt  }
0x75: {  	_ =	shalt  }
0x76: {  	_ =	shalt  }
0x77: {  	_ =	shalt  }
0x78: {  	_ =	shalt  }
0x79: {  	_ =	shalt  }
0x7a: {  	_ =	shalt  }
0x7b: {  	_ =	shalt  }
0x7c: {  	_ =	shalt  }
0x7d: {  	_ =	shalt  }
0x7e: {  	_ =	shalt  }
0x7f: {  	_ =	shalt  }
0x80: {  	_ =	shalt  }
0x81: {  	_ =	shalt  }
0x82: {  	_ =	shalt  }
0x83: {  	_ =	shalt  }
0x84: {  	_ =	shalt  }
0x85: {  	_ =	shalt  }
0x86: {  	_ =	shalt  }
0x87: {  	_ =	shalt  }
.Lfunc_end0:
.L_simem_size_0:
called_computation.1_lowered:
.L_overlay_start_0:
0x88: {  	s2 =	sld [smem:$0x3FD9]  }
0x89: {  	s3 =	sld [smem:$0x3FFE];
	_ =	sdelay $0x1  }
0x8a: {  	s1 =	srdreg.scid  }
0x8b: {  	s0 =	sand.u32 $0x1, s1  }
0x8c: {  	s17 =	sshll.u32 s0, $0xA;
	s2 =	sadd.s32 s3, s2  }
0x8d: {  	s2 =	sadd.s32 s2, s17  }
0x8e: {  	[smem:$0x3FC6] =	sst s2  }
0x8f: {  	_ = 	snop  }
0x90: {  	s2 =	sld [smem:$0x3FD0];
	(tm) =	ssettm $0x1  }
0x91: {  	s18 =	sld [smem:$0x3FFB];
	_ =	sdelay $0x3  }
0x92: {  	_ =	strace s18  }
0x93: {  	s3 =	sld [smem:$0x3FFC];
	_ =	sdelay $0x3  }
0x94: {  	_ =	strace s3  }
0x95: {  	s3 =	sld [smem:$0x3FFD];
	_ =	sdelay $0x3  }
0x96: {  	_ =	strace s3  }
0x97: {  	_ =	strace $0x8FFFFFFF  }
0x98: {  	s19 =	sld [smem:$0x3FDB];
	_ =	sdelay $0x1  }
0x99: {  	s4 =	simm.s32 $_scs_section_size  }
0x9a: {  	s5 =	simm.s32 $_size__tile_overlayer_lowered;
	s6 =	simm.s32 $_tile_overlayer_lowered  }
0x9b: {  	s22 =	simm.s32 $0x1BFF;
	s21 =	sshll.u32 s6, $0x1;
	s3 =	sadd.s32 s4, s19  }
0x9c: {  	s7 =	simm.s32 $0x0;
	s20 =	sshll.u32 s5, $0x1;
	s5 =	sadd.s32 s21, s3  }
0x9d: {  	[timem:s7], [sflag:s22] =	dma.local [hbm:s5], s20  }
0x9e: {  	_ =	swait.ge [sflag:s22], s20  }
0x9f: {  	s4 =	ssub.s32 $0x0, s20;
	[sflag:s22] =	ssyncset.done $0x0  }
0xa0: {  	[sflag:s22] =	ssyncadd.s32 s4;
	_ =	sdelay $0x1  }
0xa1: {  	s23 =	simm.s32 $0x1B8B  }
0xa2: {  	_ =	swait.ge [sflag:s23], $0x1  }
0xa3: {  	[sflag:s23] =	ssyncset.done $0x0  }
0xa4: {  	s25 =	simm.s32 $0x1B8E;
	s24 =	sld [smem:$0x3FFE];
	[sflag:s23] =	ssyncadd.s32 $0xFFFFFFFF  }
0xa5: {  	s26 =	simm.s32 $execute0_lowered;
	[smem:$0x3FD2] =	sst s25  }
0xa6: {  	s5 =	sshll.u32 s26, $0x1;
	_ =	strace $0x80000046;
	[dreg:$0x1] =	wrdreg $0xFFFFFFFF  }
0xa7: {  	s28 =	simm.s32 $_size_execute0_lowered;
	s3 =	sadd.s32 s3, s5;
	[dreg:$0x0] =	wrdreg $0x0  }
0xa8: {  	s5 =	sshll.u32 s28, $0x1;
	[dreg:$0x2] =	wrdreg s3  }
0xa9: {  	[dreg:$0x3] =	wrdreg s5  }
0xaa: {  	[dreg:$0x4] =	wrdreg $0xC0  }
0xab: {  	_ =	task [dreg:s7], $0x5FFFF  }
0xac: {  	[dreg:$0x1] =	wrdreg $0xFFFFFFFF  }
0xad: {  	[dreg:$0x0] =	wrdreg $0x60  }
0xae: {  	[dreg:$0x2] =	wrdreg s24  }
0xaf: {  	[dreg:$0x3] =	wrdreg s2  }
0xb0: {  	[dreg:$0x4] =	wrdreg $0x9  }
0xb1: {  	_ =	task.clear_ibuf [dreg:s7], $0x5FFFF;
	_ =	strace $0x90000046  }
0xb2: {  	s29 =	simm.s32 $0x9;
	_ =	strace $0x80000048  }
0xb3: {  	_ =	swait.ge [sflag:s29], $0x1  }
0xb4: {  	[sflag:s29] =	ssyncadd.s32 $0xFFFFFFFF  }
0xb5: {  	_ =	strace $0x90000048  }
0xb6: {  	_ =	sfence  }
0xb7: {  	s30 =	sld [smem:$0x0];
	_ =	sdelay $0x2  }
0xb8: {  	s31 =	sshll.u32 s1, $0xD;
	s1 =	sshrl.u32 s1, $0x2  }
0xb9: {  	s3 =	sand.u32 $0x4000, s31;
	s1 =	sadd.s32 s1, s30  }
0xba: {  	s0 =	sor.u32 s3, s0;
	s1 =	sshll.u32 s1, $0x11  }
0xbb: {  	s0 =	sor.u32 s1, s0  }
0xbc: {  	s0 =	sadd.s32 $0x8F2B, s0  }
0xbd: {  	[sflag:s0] =	ssyncadd.remote.s32 $0x1  }
0xbe: {  	_ =	sfence.sel $0xFFFF  }
0xbf: {  	[dreg:$0x0] =	wrdreg $0xFFFFFFFF;
	(pc) =	sbr.abs _section_cstart, $3  }
0xc0: {  	[dreg:$0x1] =	wrdreg $0xFFFFFFFF  }
0xc1: {  	_ =	task.clear_ibuf [dreg:s7], $0x2FFFF;
	_ =	strace $0x9FFFFFFF  }
0xc2: {  	(tm) =	ssettm $0x7FFFFFFF  }
0xc3: {  	_ =	shalt  }
tec
execute0_lowered:
.L_overlay_start_1:
0x0: {  	(tag) =	ssettag $0x1  }
0x1: {  	s0 =	rddreg [dreg:$0x0];
	s1 =	srdreg.scid  }
0x2: {  	s10 =	stileid.u32;
	s4 =	rddreg [dreg:$0x1]  }
0x3: {  	s2 =	simm.s32 $0x0;
	s15 =	simm.s32 $0x680;
	s16 =	simm.s32 $0x1  }
0x4: {  	s17 =	simm.s32 $0x80;
	s18 =	simm.s32 $0x1380;
	s20 =	simm.s32 $0x3  }
0x5: {  	s21 =	simm.s32 $0x2;
	s13 =	simm.s32 $0x980;
	s12 =	simm.s32 $0x16380  }
0x6: {  	s14 =	simm.s32 $0x17380;
	s19 =	simm.s32 $0xB80;
	s28 =	simm.s32 $0x1A380  }
0x7: {  	s29 =	simm.s32 $0x0;
	s1 =	sand.u32 $0x1, s1;
	s3 =	sshll.u32 s10, $0x1  }
0x8: {  	[smem:$0x7FF] =	sst s2;
	s6 =	sadd.s32 $0x800, s0;
	s8 =	smul.u32 $0x20800, s10  }
0x9: {  	s26 =	smul.u32 $0x82000, s10;
	s10 =	simm.s32 $0xA80;
	s3 =	sor.u32 s1, s3  }
0xa: {  	_ =	strace $0x80000047;
	[dreg:$0x3] =	wrdreg s6;
	s22 =	smul.u32 $0x10400, s1  }
0xb: {  	s7 =	ssub.s32 $0x2, s1;
	s6 =	sadd.s32 $0x41A00, s0;
	s1 =	smul.u32 $0x41000, s1  }
0xc: {  	s5 =	smul.u32 $0x10400, s3;
	s3 =	sadd.s32 $0xA00, s0;
	s9 =	sshrl.u32 s7, $0x1  }
0xd: {  	s23 =	ssub.s32 s7, s9;
	s25 =	sadd.s32 s22, s8;
	s22 =	simm.s32 $0xE380  }
0xe: {  	s5 =	sshrl.u32 s5, $0x3;
	s0 =	smax.u32 s23, $0x1;
	s30 =	sshll.u32 s25, $0x2  }
0xf: {  	s8 =	sadd.s32 $0x1380, s25;
	s23 =	simm.s32 $0x18380;
	s11 =	sadd.s32 s3, s5  }
0x10: {  	[dreg:$0x6] =	wrdreg s0;
	s7 =	sadd.s32 s4, s30;
	s8 =	sshrl.u32 s8, $0x3  }
0x11: {  	s4 =	sadd.s32 s26, s4;
	s0 =	sadd.s32 $0xD00, s25;
	s5 =	simm.s32 $0xB00  }
.Ltmp0:
0x12: {  	s25 =	simm.s32 $0x19380;
	s26 =	simm.s32 $0xC80;
	(pc) =	sbr.rel .LBB2_1-.Ltmp0, $4  }
0x13: {  	[dreg:$0x4] =	wrdreg s11;
	s24 =	sadd.s32 $0xD0, s11;
	s9 =	sadd.s32 $0x1A00, s7  }
0x14: {  	s31 =	sadd.s32 s8, s3;
	s11 =	sadd.s32 s1, s4;
	[dreg:$0x8] =	wrdreg s0  }
0x15: {  	s4 =	simm.s32 $0x14380;
	s7 =	simm.s32 $0xA00;
	[dreg:$0x5] =	wrdreg s24  }
0x16: {  	s8 =	simm.s32 $0x15380;
	[dreg:$0x7] =	wrdreg s31;
	s24 =	simm.s32 $0xC00  }
.LBB2_4:
0x17: {  	s0 =	simm.s32 $0x4  }
0x18: {  	_ =	swait.ge [sflag:s0], $0xD000  }
0x19: {  	[sflag:s0] =	ssyncset.done $0x0  }
0x1a: {  	s1 =	simm.s32 $0x5;
	[sflag:s0] =	ssyncadd.s32 $0xFFFF3000  }
0x1b: {  	_ =	swait.ge [sflag:s1], $0xD000  }
0x1c: {  	s29 =	rddreg [dreg:$0x9]  }
0x1d: {  	s31 =	rddreg [dreg:$0x6];
	s29 =	sadd.s32 $0x1, s29  }
0x1e: {  	p0 =	sne.s32 s29, s31  }
.Ltmp1:
0x1f: {  	_ = 	snop;
	(pc) =	sbr.rel @!p0 .LBB2_5-.Ltmp1, $3  }
0x20: {  	_ =	sdelay $0x1  }
0x21: {  	[sflag:s1] =	ssyncset.done $0x0  }
0x22: {  	[sflag:s1] =	ssyncadd.s32 $0xFFFF3000  }
.LBB2_1:
0x23: {  	s0 =	rddreg [dreg:$0x3];
	s1 =	simm.s32 $0xD00  }
0x24: {  	[tilespmem:s1], [sflag:$0x6] =	stream.linear.gather [hbm4b:s0+s2], $0x680, $0x38;
	[tilespmem:$0x1B380] =	vst v63  }
0x25: {  	[dreg:$0x9] =	wrdreg s29;
	s1 =	simm.s32 $0x6  }
0x26: {  	_ =	swait.ge [sflag:s1], $0x680  }
0x27: {  	s29 =	rddreg [dreg:$0x8]  }
0x28: {  	[sflag:s1] =	ssyncset.done $0x0;
	s30 =	rddreg [dreg:$0x7]  }
0x29: {  	[sflag:s1] =	ssyncadd.s32 $0xFFFFF980;
	s1 =	rddreg [dreg:$0x4]  }
0x2a: {  	[tilespmem:s2], [sflag:$0x1] =	stream.linear.gather [hbm4b:s1+s2], $0x680, $0x38;
	[tilespmem:$0x1B380] =	vst v63  }
0x2b: {  	s31 =	simm.s32 $0x0;
	s1 =	rddreg [dreg:$0x5]  }
0x2c: {  	[tilespmem:s15], [sflag:$0x2] =	stream.linear.gather [hbm4b:s1+s2], $0x680, $0x38;
	[tilespmem:$0x1B380] =	vst v63  }
.LBB2_2:
0x2d: {  	_ =	swait.ge [sflag:s16], $0x680  }
0x2e: {  	[sflag:s16] =	ssyncset.done $0x0  }
0x2f: {  	[sflag:s16] =	ssyncadd.s32 $0xFFFFF980  }
0x30: {  	v0 =	vld [tilespmem:$0x0]  }
0x31: {  	v1 =	vld [tilespmem:$0xD00]  }
0x32: {  	v2 =	vld [tilespmem:$0x10]  }
0x33: {  	v3 =	vld [tilespmem:$0xD10]  }
0x34: {  	v4 =	vld [tilespmem:$0x20]  }
0x35: {  	v5 =	vld [tilespmem:$0xD20]  }
0x36: {  	v6 =	vld [tilespmem:$0x30]  }
0x37: {  	v7 =	vld [tilespmem:$0xD30]  }
0x38: {  	v8 =	vld [tilespmem:$0x40]  }
0x39: {  	v9 =	vld [tilespmem:$0xD40]  }
0x3a: {  	v10 =	vld [tilespmem:$0x50]  }
0x3b: {  	v11 =	vld [tilespmem:$0xD50]  }
0x3c: {  	v12 =	vld [tilespmem:$0x60]  }
0x3d: {  	v13 =	vld [tilespmem:$0xD60]  }
0x3e: {  	v14 =	vld [tilespmem:$0x70]  }
0x3f: {  	v15 =	vld [tilespmem:$0xD70]  }
0x40: {  	v16 =	vld [tilespmem:$0x80]  }
0x41: {  	v17 =	vld [tilespmem:$0xD80]  }
0x42: {  	v18 =	vld [tilespmem:$0x90]  }
0x43: {  	v19 =	vld [tilespmem:$0xD90]  }
0x44: {  	v20 =	vld [tilespmem:$0xA0]  }
0x45: {  	v21 =	vld [tilespmem:$0xDA0]  }
0x46: {  	v22 =	vld [tilespmem:$0xB0]  }
0x47: {  	v23 =	vld [tilespmem:$0xDB0]  }
0x48: {  	v24 =	vld [tilespmem:$0xC0]  }
0x49: {  	v25 =	vld [tilespmem:$0xDC0]  }
0x4a: {  	v26 =	vld [tilespmem:$0xD0]  }
0x4b: {  	v27 =	vld [tilespmem:$0xDD0]  }
0x4c: {  	v28 =	vld [tilespmem:$0xE0]  }
0x4d: {  	v29 =	vld [tilespmem:$0xDE0]  }
0x4e: {  	v30 =	vld [tilespmem:$0xF0]  }
0x4f: {  	v31 =	vld [tilespmem:$0xDF0]  }
0x50: {  	v32 =	vld [tilespmem:$0x100]  }
0x51: {  	v33 =	vld [tilespmem:$0xE00]  }
0x52: {  	v34 =	vld [tilespmem:$0x110]  }
0x53: {  	v35 =	vld [tilespmem:$0xE10]  }
0x54: {  	v36 =	vld [tilespmem:$0x120]  }
0x55: {  	v37 =	vld [tilespmem:$0xE20]  }
0x56: {  	v38 =	vld [tilespmem:$0x130]  }
0x57: {  	v39 =	vld [tilespmem:$0xE30]  }
0x58: {  	v40 =	vld [tilespmem:$0x140]  }
0x59: {  	v41 =	vld [tilespmem:$0xE40]  }
0x5a: {  	v42 =	vld [tilespmem:$0x150]  }
0x5b: {  	v43 =	vld [tilespmem:$0xE50]  }
0x5c: {  	v44 =	vld [tilespmem:$0x160]  }
0x5d: {  	v45 =	vld [tilespmem:$0xE60]  }
0x5e: {  	v46 =	vld [tilespmem:$0x170]  }
0x5f: {  	v47 =	vld [tilespmem:$0xE70]  }
0x60: {  	v48 =	vld [tilespmem:$0x180]  }
0x61: {  	v49 =	vld [tilespmem:$0xE80]  }
0x62: {  	v50 =	vld [tilespmem:$0x190]  }
0x63: {  	v51 =	vld [tilespmem:$0xE90]  }
0x64: {  	v52 =	vld [tilespmem:$0x1A0]  }
0x65: {  	v53 =	vld [tilespmem:$0xEA0]  }
0x66: {  	v54 =	vld [tilespmem:$0x1B0]  }
0x67: {  	v55 =	vld [tilespmem:$0xEB0]  }
0x68: {  	v56 =	vld [tilespmem:$0x1C0]  }
0x69: {  	v57 =	vld [tilespmem:$0xEC0]  }
0x6a: {  	v58 =	vld [tilespmem:$0x1D0]  }
0x6b: {  	v62 =	vld [tilespmem:$0x1F0]  }
0x6c: {  	v59 =	vld [tilespmem:$0xED0]  }
0x6d: {  	v60 =	vld [tilespmem:$0x1E0]  }
0x6e: {  	v61 =	vld [tilespmem:$0xEE0]  }
0x6f: {  	v63 =	vld [tilespmem:$0xEF0]  }
0x70: {  	[tilespmem:$0x1FC10] =	vst v62;
	v62 =	vld [tilespmem:$0x200]  }
0x71: {  	v0 =	vadd.s32 v0, v1;
	v1 =	vld [tilespmem:$0xF50]  }
0x72: {  	v9 =	vadd.s32 v8, v9;
	v8 =	vld [tilespmem:$0x290]  }
0x73: {  	v11 =	vadd.s32 v10, v11;
	v10 =	vld [tilespmem:$0x2A0]  }
0x74: {  	v13 =	vadd.s32 v12, v13;
	v12 =	vld [tilespmem:$0x2B0]  }
0x75: {  	v15 =	vadd.s32 v14, v15;
	v14 =	vld [tilespmem:$0x2C0]  }
0x76: {  	v17 =	vadd.s32 v16, v17;
	v16 =	vld [tilespmem:$0x2D0]  }
0x77: {  	v19 =	vadd.s32 v18, v19;
	v18 =	vld [tilespmem:$0x2E0]  }
0x78: {  	v21 =	vadd.s32 v20, v21;
	v20 =	vld [tilespmem:$0x2F0]  }
0x79: {  	v23 =	vadd.s32 v22, v23;
	v22 =	vld [tilespmem:$0x300]  }
0x7a: {  	v25 =	vadd.s32 v24, v25;
	v24 =	vld [tilespmem:$0x310]  }
0x7b: {  	v27 =	vadd.s32 v26, v27;
	v26 =	vld [tilespmem:$0x320]  }
0x7c: {  	v29 =	vadd.s32 v28, v29;
	v28 =	vld [tilespmem:$0x330]  }
0x7d: {  	v31 =	vadd.s32 v30, v31;
	v30 =	vld [tilespmem:$0x340]  }
0x7e: {  	v33 =	vadd.s32 v32, v33;
	v32 =	vld [tilespmem:$0x350]  }
0x7f: {  	v35 =	vadd.s32 v34, v35;
	v34 =	vld [tilespmem:$0x360]  }
0x80: {  	[tilespmem:$0x40] =	vst v9;
	v9 =	vld [tilespmem:$0xF90]  }
0x81: {  	[tilespmem:$0x50] =	vst v11;
	v11 =	vld [tilespmem:$0xFA0]  }
0x82: {  	[tilespmem:$0x60] =	vst v13;
	v13 =	vld [tilespmem:$0xFB0]  }
0x83: {  	[tilespmem:$0x70] =	vst v15;
	v15 =	vld [tilespmem:$0xFC0]  }
0x84: {  	[tilespmem:$0x80] =	vst v17;
	v17 =	vld [tilespmem:$0xFD0]  }
0x85: {  	[tilespmem:$0x90] =	vst v19;
	v19 =	vld [tilespmem:$0xFE0]  }
0x86: {  	[tilespmem:$0xA0] =	vst v21;
	v21 =	vld [tilespmem:$0xFF0]  }
0x87: {  	[tilespmem:$0xB0] =	vst v23;
	v23 =	vld [tilespmem:$0x1000]  }
0x88: {  	[tilespmem:$0xC0] =	vst v25;
	v25 =	vld [tilespmem:$0x1010]  }
0x89: {  	[tilespmem:$0xD0] =	vst v27;
	v27 =	vld [tilespmem:$0x1020]  }
0x8a: {  	[tilespmem:$0xE0] =	vst v29;
	v29 =	vld [tilespmem:$0x1030]  }
0x8b: {  	v36 =	vadd.s32 v36, v37;
	[tilespmem:$0xF0] =	vst v31;
	v31 =	vld [tilespmem:$0x1040]  }
0x8c: {  	v37 =	vadd.s32 v38, v39;
	v39 =	vadd.s32 v42, v43;
	v42 =	vadd.s32 v48, v49;
	v49 =	vld [tilespmem:$0x1FC10]  }
0x8d: {  	[tilespmem:$0x100] =	vst v33;
	v33 =	vld [tilespmem:$0x1050]  }
0x8e: {  	[tilespmem:$0x110] =	vst v35;
	v35 =	vld [tilespmem:$0x1060]  }
0x8f: {  	[tilespmem:$0x120] =	vst v36;
	v36 =	vld [tilespmem:$0x370]  }
0x90: {  	v38 =	vadd.s32 v40, v41;
	[tilespmem:$0x130] =	vst v37;
	v37 =	vld [tilespmem:$0x1070]  }
0x91: {  	v40 =	vadd.s32 v44, v45;
	[tilespmem:$0x140] =	vst v38;
	v38 =	vld [tilespmem:$0x10A0]  }
0x92: {  	[tilespmem:$0x160] =	vst v40;
	v40 =	vld [tilespmem:$0x3B0]  }
0x93: {  	v44 =	vadd.s32 v52, v53;
	[tilespmem:$0x180] =	vst v42;
	v42 =	vld [tilespmem:$0x10B0]  }
0x94: {  	[tilespmem:$0x1A0] =	vst v44;
	v44 =	vld [tilespmem:$0x3C0]  }
0x95: {  	v41 =	vadd.s32 v46, v47;
	v46 =	vadd.s32 v56, v57;
	[tilespmem:$0x1FC20] =	vst v62;
	v62 =	vld [tilespmem:$0xF00]  }
0x96: {  	v48 =	vadd.s32 v60, v61;
	[tilespmem:$0x1C0] =	vst v46;
	v46 =	vld [tilespmem:$0x10C0]  }
0x97: {  	[tilespmem:$0x1E0] =	vst v48;
	v48 =	vld [tilespmem:$0x3D0]  }
0x98: {  	v43 =	vadd.s32 v50, v51;
	v47 =	vadd.s32 v58, v59;
	[tilespmem:$0x0] =	vst v0;
	v50 =	vld [tilespmem:$0x1FC20]  }
0x99: {  	[tilespmem:$0x1D0] =	vst v47;
	v47 =	vadd.s32 v20, v21;
	v21 =	vld [tilespmem:$0x410]  }
0x9a: {  	[tilespmem:$0x1FC30] =	vst v62;
	v62 =	vld [tilespmem:$0x210]  }
0x9b: {  	v45 =	vadd.s32 v54, v55;
	[tilespmem:$0x150] =	vst v39;
	v0 =	vadd.s32 v49, v63;
	v49 =	vadd.s32 v22, v23;
	v23 =	vld [tilespmem:$0x1110]  }
0x9c: {  	[tilespmem:$0x1B0] =	vst v45;
	v39 =	vadd.s32 v12, v13;
	v20 =	vld [tilespmem:$0x500]  }
0x9d: {  	v45 =	vadd.s32 v18, v19;
	[tilespmem:$0x2B0] =	vst v39;
	v39 =	vld [tilespmem:$0x1150]  }
0x9e: {  	[tilespmem:$0x2E0] =	vst v45;
	v45 =	vld [tilespmem:$0x1160]  }
0x9f: {  	[tilespmem:$0x1FC40] =	vst v62;
	v62 =	vld [tilespmem:$0xF10]  }
0xa0: {  	v51 =	vld [tilespmem:$0x1FC30]  }
0xa1: {  	[tilespmem:$0x2F0] =	vst v47;
	v47 =	vld [tilespmem:$0x1170]  }
0xa2: {  	[tilespmem:$0x300] =	vst v49;
	v49 =	vld [tilespmem:$0x1180]  }
0xa3: {  	v52 =	vld [tilespmem:$0x1FC40]  }
0xa4: {  	[tilespmem:$0x1FC50] =	vst v62;
	v62 =	vld [tilespmem:$0x220]  }
0xa5: {  	[tilespmem:$0x1F0] =	vst v0;
	v0 =	vadd.s32 v50, v51;
	v50 =	vld [tilespmem:$0x10D0]  }
0xa6: {  	v53 =	vld [tilespmem:$0x1FC50]  }
0xa7: {  	v51 =	vadd.s32 v24, v25;
	v25 =	vld [tilespmem:$0x420]  }
0xa8: {  	[tilespmem:$0x310] =	vst v51;
	v51 =	vld [tilespmem:$0x1190]  }
0xa9: {  	[tilespmem:$0x1FC60] =	vst v62;
	v62 =	vld [tilespmem:$0xF20]  }
0xaa: {  	v54 =	vld [tilespmem:$0x1FC60]  }
0xab: {  	[tilespmem:$0x200] =	vst v0;
	v0 =	vadd.s32 v52, v53;
	v53 =	vadd.s32 v26, v27;
	v27 =	vld [tilespmem:$0x1120]  }
0xac: {  	v52 =	vld [tilespmem:$0x3E0]  }
0xad: {  	[tilespmem:$0x320] =	vst v53;
	v53 =	vld [tilespmem:$0x11A0]  }
0xae: {  	[tilespmem:$0x1FC70] =	vst v62;
	v62 =	vld [tilespmem:$0x230]  }
0xaf: {  	[tilespmem:$0x170] =	vst v41;
	v41 =	vadd.s32 v14, v15;
	v55 =	vld [tilespmem:$0x1FC70]  }
0xb0: {  	[tilespmem:$0x2C0] =	vst v41;
	v41 =	vadd.s32 v25, v27;
	v25 =	vld [tilespmem:$0x1220]  }
0xb1: {  	v27 =	vld [tilespmem:$0x1230]  }
0xb2: {  	[tilespmem:$0x420] =	vst v41;
	v41 =	vld [tilespmem:$0x1270]  }
0xb3: {  	[tilespmem:$0x1FC80] =	vst v62;
	v62 =	vld [tilespmem:$0xF30]  }
0xb4: {  	v56 =	vld [tilespmem:$0x1FC80]  }
0xb5: {  	[tilespmem:$0x210] =	vst v0;
	v0 =	vadd.s32 v54, v55;
	v54 =	vld [tilespmem:$0x10E0]  }
0xb6: {  	v55 =	vadd.s32 v28, v29;
	v29 =	vld [tilespmem:$0x430]  }
0xb7: {  	v28 =	vadd.s32 v40, v42;
	v40 =	vadd.s32 v21, v23;
	v21 =	vld [tilespmem:$0x1200]  }
0xb8: {  	v23 =	vld [tilespmem:$0x1210]  }
0xb9: {  	[tilespmem:$0x330] =	vst v55;
	v55 =	vld [tilespmem:$0x11B0]  }
0xba: {  	[tilespmem:$0x1FC90] =	vst v62;
	v62 =	vld [tilespmem:$0x240]  }
0xbb: {  	[tilespmem:$0x3B0] =	vst v28;
	v28 =	vld [tilespmem:$0x540]  }
0xbc: {  	v57 =	vld [tilespmem:$0x1FC90]  }
0xbd: {  	[tilespmem:$0x410] =	vst v40;
	v40 =	vld [tilespmem:$0x570]  }
0xbe: {  	v20 =	vadd.s32 v20, v21;
	v21 =	vld [tilespmem:$0x12E0]  }
0xbf: {  	[tilespmem:$0x1FCA0] =	vst v62;
	v62 =	vld [tilespmem:$0xF40]  }
0xc0: {  	v58 =	vld [tilespmem:$0x1FCA0]  }
0xc1: {  	[tilespmem:$0x220] =	vst v0;
	v0 =	vadd.s32 v56, v57;
	v56 =	vld [tilespmem:$0x3F0]  }
0xc2: {  	v57 =	vadd.s32 v30, v31;
	v31 =	vld [tilespmem:$0x1130]  }
0xc3: {  	v30 =	vadd.s32 v44, v46;
	v46 =	vld [tilespmem:$0x470]  }
0xc4: {  	[tilespmem:$0x340] =	vst v57;
	v57 =	vld [tilespmem:$0x11C0]  }
0xc5: {  	[tilespmem:$0x3C0] =	vst v30;
	v30 =	vld [tilespmem:$0x550]  }
0xc6: {  	[tilespmem:$0x1FCB0] =	vst v62;
	v62 =	vld [tilespmem:$0x250]  }
0xc7: {  	v59 =	vld [tilespmem:$0x1FCB0]  }
0xc8: {  	v42 =	vadd.s32 v29, v31;
	v29 =	vld [tilespmem:$0x1240]  }
0xc9: {  	v31 =	vld [tilespmem:$0x1250]  }
0xca: {  	v46 =	vadd.s32 v46, v47;
	v47 =	vld [tilespmem:$0x5A0]  }
0xcb: {  	[tilespmem:$0x430] =	vst v42;
	v42 =	vld [tilespmem:$0x580]  }
0xcc: {  	[tilespmem:$0x1FCC0] =	vst v62;
	v62 =	vadd.s32 v2, v3;
	v2 =	vld [tilespmem:$0x260]  }
0xcd: {  	v3 =	vld [tilespmem:$0xF60]  }
0xce: {  	[tilespmem:$0x10] =	vst v62;
	v62 =	vadd.s32 v4, v5;
	v4 =	vld [tilespmem:$0x270]  }
0xcf: {  	v60 =	vld [tilespmem:$0x1FCC0]  }
0xd0: {  	v5 =	vld [tilespmem:$0x3A0]  }
0xd1: {  	[tilespmem:$0x230] =	vst v0;
	v0 =	vadd.s32 v58, v59;
	v58 =	vld [tilespmem:$0x10F0]  }
0xd2: {  	v59 =	vadd.s32 v32, v33;
	v33 =	vld [tilespmem:$0x440]  }
0xd3: {  	v32 =	vadd.s32 v48, v50;
	v48 =	vld [tilespmem:$0x480]  }
0xd4: {  	v50 =	vld [tilespmem:$0x490]  }
0xd5: {  	v28 =	vadd.s32 v28, v29;
	v29 =	vld [tilespmem:$0x1300]  }
0xd6: {  	v30 =	vadd.s32 v30, v31;
	v31 =	vld [tilespmem:$0x610]  }
0xd7: {  	[tilespmem:$0x20] =	vst v62;
	v62 =	vadd.s32 v6, v7;
	v6 =	vld [tilespmem:$0x280]  }
0xd8: {  	v7 =	vld [tilespmem:$0xF80]  }
0xd9: {  	[tilespmem:$0x350] =	vst v59;
	v59 =	vld [tilespmem:$0x11D0]  }
0xda: {  	[tilespmem:$0x3D0] =	vst v32;
	v32 =	vld [tilespmem:$0x560]  }
0xdb: {  	[tilespmem:$0x30] =	vst v62;
	v62 =	vld [tilespmem:$0xF70]  }
0xdc: {  	v61 =	vadd.s32 v2, v3;
	v2 =	vld [tilespmem:$0x1080]  }
0xdd: {  	[tilespmem:$0x190] =	vst v43;
	v3 =	vld [tilespmem:$0x390]  }
0xde: {  	v9 =	vadd.s32 v8, v9;
	[tilespmem:$0x240] =	vst v0;
	v0 =	vadd.s32 v60, v1;
	v1 =	vld [tilespmem:$0x380]  }
0xdf: {  	[tilespmem:$0x290] =	vst v9;
	v60 =	vld [tilespmem:$0x400]  }
0xe0: {  	v11 =	vadd.s32 v10, v11;
	[tilespmem:$0x260] =	vst v61;
	v61 =	vadd.s32 v34, v35;
	v35 =	vld [tilespmem:$0x1140]  }
0xe1: {  	v43 =	vadd.s32 v16, v17;
	[tilespmem:$0x2A0] =	vst v11;
	v34 =	vadd.s32 v52, v54;
	v52 =	vld [tilespmem:$0x4A0]  }
0xe2: {  	[tilespmem:$0x2D0] =	vst v43;
	v54 =	vld [tilespmem:$0x4B0]  }
0xe3: {  	[tilespmem:$0x500] =	vst v20;
	v48 =	vadd.s32 v48, v49;
	v49 =	vld [tilespmem:$0x12A0]  }
0xe4: {  	[tilespmem:$0x470] =	vst v46;
	v50 =	vadd.s32 v50, v51;
	v51 =	vld [tilespmem:$0x5B0]  }
0xe5: {  	[tilespmem:$0x250] =	vst v0;
	v0 =	vld [tilespmem:$0x460]  }
0xe6: {  	v26 =	vadd.s32 v5, v38;
	[tilespmem:$0x360] =	vst v61;
	v61 =	vld [tilespmem:$0x11E0]  }
0xe7: {  	[tilespmem:$0x3A0] =	vst v26;
	v26 =	vld [tilespmem:$0x530]  }
0xe8: {  	[tilespmem:$0x3E0] =	vst v34;
	v34 =	vadd.s32 v40, v41;
	v41 =	vld [tilespmem:$0x1330]  }
0xe9: {  	[tilespmem:$0x540] =	vst v28;
	v63 =	vadd.s32 v6, v7;
	v62 =	vadd.s32 v4, v62;
	v4 =	vld [tilespmem:$0x1090]  }
0xea: {  	[tilespmem:$0x280] =	vst v63;
	v63 =	vadd.s32 v36, v37;
	v37 =	vld [tilespmem:$0x450]  }
0xeb: {  	[tilespmem:$0x550] =	vst v30;
	v36 =	vadd.s32 v56, v58;
	v56 =	vld [tilespmem:$0x4C0]  }
0xec: {  	[tilespmem:$0x480] =	vst v48;
	v58 =	vld [tilespmem:$0x4D0]  }
0xed: {  	[tilespmem:$0x270] =	vst v62;
	v62 =	vld [tilespmem:$0x1100]  }
0xee: {  	[tilespmem:$0x370] =	vst v63;
	v63 =	vld [tilespmem:$0x11F0]  }
0xef: {  	[tilespmem:$0x490] =	vst v50;
	v43 =	vadd.s32 v33, v35;
	v33 =	vld [tilespmem:$0x1260]  }
0xf0: {  	[tilespmem:$0x570] =	vst v34;
	v52 =	vadd.s32 v52, v53;
	v53 =	vld [tilespmem:$0x12B0]  }
0xf1: {  	[tilespmem:$0x3F0] =	vst v36;
	v22 =	vadd.s32 v1, v2;
	v54 =	vadd.s32 v54, v55;
	v55 =	vld [tilespmem:$0x5C0]  }
0xf2: {  	v35 =	vld [tilespmem:$0x620];
	[tilespmem:$0x380] =	vst v22  }
0xf3: {  	v40 =	vadd.s32 v47, v49;
	v47 =	vld [tilespmem:$0x650];
	[tilespmem:$0x440] =	vst v43  }
0xf4: {  	v49 =	vld [tilespmem:$0x1350];
	[tilespmem:$0x4A0] =	vst v52  }
0xf5: {  	v22 =	vld [tilespmem:$0x510];
	[tilespmem:$0x4B0] =	vst v54  }
0xf6: {  	v43 =	vld [tilespmem:$0x1280];
	v0 =	vadd.s32 v0, v45;
	[tilespmem:$0x5A0] =	vst v40  }
0xf7: {  	v45 =	vld [tilespmem:$0x1290];
	v26 =	vadd.s32 v26, v27;
	[tilespmem:$0x460] =	vst v0  }
0xf8: {  	v27 =	vld [tilespmem:$0x600];
	v24 =	vadd.s32 v3, v4;
	[tilespmem:$0x530] =	vst v26  }
0xf9: {  	v44 =	vadd.s32 v37, v39;
	v56 =	vadd.s32 v56, v57;
	v57 =	vld [tilespmem:$0x12C0];
	[tilespmem:$0x390] =	vst v24  }
0xfa: {  	v58 =	vadd.s32 v58, v59;
	v59 =	vld [tilespmem:$0x5D0];
	[tilespmem:$0x450] =	vst v44  }
0xfb: {  	v37 =	vld [tilespmem:$0x1320];
	[tilespmem:$0x4C0] =	vst v56  }
0xfc: {  	v39 =	vld [tilespmem:$0x630];
	v38 =	vadd.s32 v60, v62;
	[tilespmem:$0x4D0] =	vst v58  }
0xfd: {  	v60 =	vld [tilespmem:$0x4E0];
	[tilespmem:$0x400] =	vst v38;
	v32 =	vadd.s32 v32, v33  }
0xfe: {  	v62 =	vld [tilespmem:$0x4F0];
	v22 =	vadd.s32 v22, v23;
	[tilespmem:$0x560] =	vst v32  }
0xff: {  	v24 =	vld [tilespmem:$0x520];
	v36 =	vadd.s32 v42, v43;
	[tilespmem:$0x510] =	vst v22  }
0x100: {  	v44 =	vld [tilespmem:$0x590];
	v42 =	vadd.s32 v51, v53;
	[tilespmem:$0x580] =	vst v36  }
0x101: {  	v33 =	vld [tilespmem:$0x1310];
	v52 =	vadd.s32 v27, v29;
	[tilespmem:$0x5B0] =	vst v42  }
0x102: {  	v23 =	vld [tilespmem:$0x5F0];
	[tilespmem:$0x600] =	vst v52;
	v56 =	vadd.s32 v35, v37  }
0x103: {  	v43 =	vld [tilespmem:$0x640];
	v58 =	vadd.s32 v39, v41;
	[tilespmem:$0x620] =	vst v56  }
0x104: {  	v51 =	vld [tilespmem:$0x660];
	v60 =	vadd.s32 v60, v61;
	[tilespmem:$0x630] =	vst v58  }
0x105: {  	v53 =	vld [tilespmem:$0x1360];
	v62 =	vadd.s32 v62, v63;
	[tilespmem:$0x4E0] =	vst v60  }
0x106: {  	v61 =	vld [tilespmem:$0x12D0];
	v24 =	vadd.s32 v24, v25;
	[tilespmem:$0x4F0] =	vst v62  }
0x107: {  	v63 =	vld [tilespmem:$0x5E0];
	v38 =	vadd.s32 v44, v45;
	[tilespmem:$0x520] =	vst v24  }
0x108: {  	v25 =	vld [tilespmem:$0x12F0];
	v44 =	vadd.s32 v55, v57;
	[tilespmem:$0x590] =	vst v38  }
0x109: {  	v45 =	vld [tilespmem:$0x1340];
	[tilespmem:$0x5C0] =	vst v44;
	v60 =	vadd.s32 v47, v49  }
0x10a: {  	v55 =	vld [tilespmem:$0x670];
	v54 =	vadd.s32 v31, v33;
	[tilespmem:$0x650] =	vst v60  }
0x10b: {  	v57 =	vld [tilespmem:$0x1370];
	[tilespmem:$0x610] =	vst v54;
	v46 =	vadd.s32 v59, v61  }
0x10c: {  	v48 =	vadd.s32 v63, v21;
	[tilespmem:$0x5D0] =	vst v46  }
0x10d: {  	v50 =	vadd.s32 v23, v25;
	[tilespmem:$0x5E0] =	vst v48  }
0x10e: {  	v59 =	vadd.s32 v43, v45;
	[tilespmem:$0x5F0] =	vst v50  }
0x10f: {  	v61 =	vadd.s32 v51, v53;
	[tilespmem:$0x640] =	vst v59  }
0x110: {  	p0 =	seq.s32 s31, $0x0;
	v62 =	vadd.s32 v55, v57;
	[tilespmem:$0x660] =	vst v61  }
0x111: {  	s1 =	simm.s32 @!p0 $0x4;
	[tilespmem:$0x670] =	vst v62  }
0x112: {  	_ =	swait.ge @!p0 [sflag:s1], $0xD000  }
0x113: {  	[sflag:s1] =	ssyncset.done @!p0 $0x0  }
0x114: {  	[sflag:s1] =	ssyncadd.s32 @!p0 $0xFFFF3000  }
0x115: {  	[tilespmem:s18], [sflag:$0x3] =	stream.indirect.gather [hbm4b:s6+s17], $0x20, s2, s17, $0xb8;
	[tilespmem:$0x1B380] =	vst v63  }
0x116: {  	s0 =	simm.s32 $0x2380  }
0x117: {  	[tilespmem:s0], [sflag:$0x3] =	stream.indirect.gather [hbm4b:s6+s17], $0x20, s17, s17, $0xb8;
	[tilespmem:$0x1B380] =	vst v63  }
0x118: {  	s1 =	simm.s32 $0x3380;
	s0 =	simm.s32 $0x100  }
0x119: {  	[tilespmem:s1], [sflag:$0x3] =	stream.indirect.gather [hbm4b:s6+s17], $0x20, s0, s17, $0xb8;
	[tilespmem:$0x1B380] =	vst v63  }
0x11a: {  	s0 =	simm.s32 $0x180;
	s1 =	simm.s32 $0x4380  }
0x11b: {  	[tilespmem:s1], [sflag:$0x3] =	stream.indirect.gather [hbm4b:s6+s17], $0x20, s0, s17, $0xb8;
	[tilespmem:$0x1B380] =	vst v63  }
0x11c: {  	s0 =	simm.s32 $0x200;
	s1 =	simm.s32 $0x5380  }
0x11d: {  	[tilespmem:s1], [sflag:$0x3] =	stream.indirect.gather [hbm4b:s6+s17], $0x20, s0, s17, $0xb8;
	[tilespmem:$0x1B380] =	vst v63  }
0x11e: {  	s0 =	simm.s32 $0x280;
	s1 =	simm.s32 $0x6380  }
0x11f: {  	[tilespmem:s1], [sflag:$0x3] =	stream.indirect.gather [hbm4b:s6+s17], $0x20, s0, s17, $0xb8;
	[tilespmem:$0x1B380] =	vst v63  }
0x120: {  	s0 =	simm.s32 $0x300;
	s1 =	simm.s32 $0x7380  }
0x121: {  	[tilespmem:s1], [sflag:$0x3] =	stream.indirect.gather [hbm4b:s6+s17], $0x20, s0, s17, $0xb8;
	[tilespmem:$0x1B380] =	vst v63  }
0x122: {  	s0 =	simm.s32 $0x380;
	s1 =	simm.s32 $0x8380  }
0x123: {  	[tilespmem:s1], [sflag:$0x3] =	stream.indirect.gather [hbm4b:s6+s17], $0x20, s0, s17, $0xb8;
	[tilespmem:$0x1B380] =	vst v63  }
0x124: {  	s0 =	simm.s32 $0x400;
	s1 =	simm.s32 $0x9380  }
0x125: {  	[tilespmem:s1], [sflag:$0x3] =	stream.indirect.gather [hbm4b:s6+s17], $0x20, s0, s17, $0xb8;
	[tilespmem:$0x1B380] =	vst v63  }
0x126: {  	s0 =	simm.s32 $0x480;
	s1 =	simm.s32 $0xA380  }
0x127: {  	[tilespmem:s1], [sflag:$0x3] =	stream.indirect.gather [hbm4b:s6+s17], $0x20, s0, s17, $0xb8;
	[tilespmem:$0x1B380] =	vst v63  }
0x128: {  	s0 =	simm.s32 $0x500;
	s1 =	simm.s32 $0xB380  }
0x129: {  	[tilespmem:s1], [sflag:$0x3] =	stream.indirect.gather [hbm4b:s6+s17], $0x20, s0, s17, $0xb8;
	[tilespmem:$0x1B380] =	vst v63  }
0x12a: {  	s0 =	simm.s32 $0x580;
	s1 =	simm.s32 $0xC380  }
0x12b: {  	[tilespmem:s1], [sflag:$0x3] =	stream.indirect.gather [hbm4b:s6+s17], $0x20, s0, s17, $0xb8;
	[tilespmem:$0x1B380] =	vst v63  }
0x12c: {  	s0 =	simm.s32 $0x600;
	s1 =	simm.s32 $0xD380  }
0x12d: {  	[tilespmem:s1], [sflag:$0x3] =	stream.indirect.gather [hbm4b:s6+s17], $0x20, s0, s17, $0xb8;
	[tilespmem:$0x1B380] =	vst v63  }
0x12e: {  	_ =	swait.ge [sflag:s20], $0x1000  }
0x12f: {  	[sflag:s20] =	ssyncset.done $0x0  }
0x130: {  	[sflag:s20] =	ssyncadd.s32 $0xFFFFF000  }
0x131: {  	_ =	swait.ge [sflag:s20], $0x1000  }
0x132: {  	[sflag:s20] =	ssyncset.done $0x0  }
0x133: {  	[sflag:s20] =	ssyncadd.s32 $0xFFFFF000  }
0x134: {  	_ =	swait.ge [sflag:s20], $0x1000  }
0x135: {  	[sflag:s20] =	ssyncset.done $0x0  }
0x136: {  	[sflag:s20] =	ssyncadd.s32 $0xFFFFF000  }
0x137: {  	_ =	swait.ge [sflag:s20], $0x1000  }
0x138: {  	[sflag:s20] =	ssyncset.done $0x0  }
0x139: {  	[sflag:s20] =	ssyncadd.s32 $0xFFFFF000  }
0x13a: {  	_ =	swait.ge [sflag:s20], $0x1000  }
0x13b: {  	[sflag:s20] =	ssyncset.done $0x0  }
0x13c: {  	[sflag:s20] =	ssyncadd.s32 $0xFFFFF000  }
0x13d: {  	_ =	swait.ge [sflag:s20], $0x1000  }
0x13e: {  	[sflag:s20] =	ssyncset.done $0x0  }
0x13f: {  	[sflag:s20] =	ssyncadd.s32 $0xFFFFF000  }
0x140: {  	_ =	swait.ge [sflag:s20], $0x1000  }
0x141: {  	[sflag:s20] =	ssyncset.done $0x0  }
0x142: {  	[sflag:s20] =	ssyncadd.s32 $0xFFFFF000  }
0x143: {  	_ =	swait.ge [sflag:s20], $0x1000  }
0x144: {  	[sflag:s20] =	ssyncset.done $0x0  }
0x145: {  	[sflag:s20] =	ssyncadd.s32 $0xFFFFF000  }
0x146: {  	_ =	swait.ge [sflag:s20], $0x1000  }
0x147: {  	[sflag:s20] =	ssyncset.done $0x0  }
0x148: {  	[sflag:s20] =	ssyncadd.s32 $0xFFFFF000  }
0x149: {  	_ =	swait.ge [sflag:s20], $0x1000  }
0x14a: {  	[sflag:s20] =	ssyncset.done $0x0  }
0x14b: {  	[sflag:s20] =	ssyncadd.s32 $0xFFFFF000  }
0x14c: {  	_ =	swait.ge [sflag:s20], $0x1000  }
0x14d: {  	[sflag:s20] =	ssyncset.done $0x0  }
0x14e: {  	[sflag:s20] =	ssyncadd.s32 $0xFFFFF000  }
0x14f: {  	_ =	swait.ge [sflag:s20], $0x1000  }
0x150: {  	[sflag:s20] =	ssyncset.done $0x0  }
0x151: {  	[sflag:s20] =	ssyncadd.s32 $0xFFFFF000  }
0x152: {  	_ =	swait.ge [sflag:s20], $0x1000  }
0x153: {  	p1 =	seq.s32 s31, $0x3DC00;
	[sflag:s20] =	ssyncset.done $0x0  }
0x154: {  	s0 =	sadd.s32 s31, s11;
	s1 =	sshrl.u32 @!p1 s29, $0x3;
	[sflag:s20] =	ssyncadd.s32 $0xFFFFF000  }
0x155: {  	[hbm4b:s0+s2] =	stream.linear.scatter [tilespmem:s18], [sflag:$0x4], $0xD000, $0x38;
	[tilespmem:$0x1B380] =	vst v63  }
0x156: {  	s1 =	sadd.s32 @!p1 s3, s1;
	s0 =	simm.s32 @!p1 $0x0  }
0x157: {  	[tilespmem:s0], [sflag:$0x1] =	stream.linear.gather @!p1 [hbm4b:s1+s0], $0x680, $0x38;
	[tilespmem:$0x1B380] =	vst v63  }
0x158: {  	_ =	swait.ge [sflag:s21], $0x680  }
0x159: {  	[sflag:s21] =	ssyncset.done $0x0  }
0x15a: {  	[sflag:s21] =	ssyncadd.s32 $0xFFFFF980  }
0x15b: {  	v59 =	vld [tilespmem:$0x880];
	_ =	sdelay $0x4  }
0x15c: {  	[tilespmem:$0x1FCE0] =	vst v59;
	v59 =	vld [tilespmem:$0xF00]  }
0x15d: {  	v10 =	vld [tilespmem:$0x680]  }
0x15e: {  	v11 =	vld [tilespmem:$0xD00]  }
0x15f: {  	v18 =	vld [tilespmem:$0x690]  }
0x160: {  	v19 =	vld [tilespmem:$0xD10]  }
0x161: {  	[tilespmem:$0x1FCF0] =	vst v59;
	v59 =	vld [tilespmem:$0x890]  }
0x162: {  	v28 =	vld [tilespmem:$0x6A0]  }
0x163: {  	v29 =	vld [tilespmem:$0xD20]  }
0x164: {  	v36 =	vld [tilespmem:$0x6B0]  }
0x165: {  	v37 =	vld [tilespmem:$0xD30]  }
0x166: {  	[tilespmem:$0x1FD00] =	vst v59;
	v59 =	vld [tilespmem:$0xF10]  }
0x167: {  	v44 =	vld [tilespmem:$0x6C0]  }
0x168: {  	v45 =	vld [tilespmem:$0xD40]  }
0x169: {  	v52 =	vld [tilespmem:$0x6D0]  }
0x16a: {  	v53 =	vld [tilespmem:$0xD50]  }
0x16b: {  	[tilespmem:$0x1FD10] =	vst v59;
	v59 =	vld [tilespmem:$0x8A0]  }
0x16c: {  	v60 =	vld [tilespmem:$0x6E0]  }
0x16d: {  	v61 =	vld [tilespmem:$0xD60]  }
0x16e: {  	v1 =	vld [tilespmem:$0x6F0]  }
0x16f: {  	v0 =	vld [tilespmem:$0xD70]  }
0x170: {  	[tilespmem:$0x1FD20] =	vst v59;
	v59 =	vld [tilespmem:$0xF20]  }
0x171: {  	v3 =	vld [tilespmem:$0x700]  }
0x172: {  	v2 =	vld [tilespmem:$0xD80]  }
0x173: {  	v5 =	vld [tilespmem:$0x710]  }
0x174: {  	v4 =	vld [tilespmem:$0xD90]  }
0x175: {  	[tilespmem:$0x1FD30] =	vst v59;
	v59 =	vld [tilespmem:$0x8B0]  }
0x176: {  	v7 =	vld [tilespmem:$0x720]  }
0x177: {  	v6 =	vld [tilespmem:$0xDA0]  }
0x178: {  	v9 =	vld [tilespmem:$0x730]  }
0x179: {  	v8 =	vld [tilespmem:$0xDB0]  }
0x17a: {  	[tilespmem:$0x1FD40] =	vst v59;
	v59 =	vld [tilespmem:$0xF30]  }
0x17b: {  	v13 =	vld [tilespmem:$0x740]  }
0x17c: {  	v12 =	vld [tilespmem:$0xDC0]  }
0x17d: {  	v15 =	vld [tilespmem:$0x750]  }
0x17e: {  	v14 =	vld [tilespmem:$0xDD0]  }
0x17f: {  	[tilespmem:$0x1FD50] =	vst v59;
	v59 =	vld [tilespmem:$0x8C0]  }
0x180: {  	v17 =	vld [tilespmem:$0x760]  }
0x181: {  	v16 =	vld [tilespmem:$0xDE0]  }
0x182: {  	v21 =	vld [tilespmem:$0x770]  }
0x183: {  	v20 =	vld [tilespmem:$0xDF0]  }
0x184: {  	[tilespmem:$0x1FD60] =	vst v59;
	v59 =	vld [tilespmem:$0xF40]  }
0x185: {  	v23 =	vld [tilespmem:$0x780]  }
0x186: {  	v22 =	vld [tilespmem:$0xE00]  }
0x187: {  	v25 =	vld [tilespmem:$0x790]  }
0x188: {  	v24 =	vld [tilespmem:$0xE10]  }
0x189: {  	[tilespmem:$0x1FD70] =	vst v59;
	v59 =	vld [tilespmem:$0x8D0]  }
0x18a: {  	v27 =	vld [tilespmem:$0x7A0]  }
0x18b: {  	v26 =	vld [tilespmem:$0xE20]  }
0x18c: {  	v31 =	vld [tilespmem:$0x7B0]  }
0x18d: {  	v30 =	vld [tilespmem:$0xE30]  }
0x18e: {  	[tilespmem:$0x1FD80] =	vst v59;
	v59 =	vld [tilespmem:$0xF50]  }
0x18f: {  	v34 =	vld [tilespmem:$0x7C0]  }
0x190: {  	v32 =	vld [tilespmem:$0xE40]  }
0x191: {  	v35 =	vld [tilespmem:$0x7D0]  }
0x192: {  	v33 =	vld [tilespmem:$0xE50]  }
0x193: {  	[tilespmem:$0x1FD90] =	vst v59;
	v59 =	vld [tilespmem:$0x8E0]  }
0x194: {  	v40 =	vld [tilespmem:$0x7E0]  }
0x195: {  	v38 =	vld [tilespmem:$0xE60]  }
0x196: {  	v42 =	vld [tilespmem:$0x7F0]  }
0x197: {  	v39 =	vld [tilespmem:$0xE70]  }
0x198: {  	[tilespmem:$0x1FDA0] =	vst v59;
	v59 =	vld [tilespmem:$0xF60]  }
0x199: {  	v46 =	vld [tilespmem:$0x800]  }
0x19a: {  	v41 =	vld [tilespmem:$0xE80]  }
0x19b: {  	v48 =	vld [tilespmem:$0x810]  }
0x19c: {  	v43 =	vld [tilespmem:$0xE90]  }
0x19d: {  	[tilespmem:$0x1FDB0] =	vst v59;
	v59 =	vld [tilespmem:$0x8F0]  }
0x19e: {  	v50 =	vld [tilespmem:$0x820]  }
0x19f: {  	v47 =	vld [tilespmem:$0xEA0]  }
0x1a0: {  	v54 =	vld [tilespmem:$0x830]  }
0x1a1: {  	v49 =	vld [tilespmem:$0xEB0]  }
0x1a2: {  	[tilespmem:$0x1FDC0] =	vst v59;
	v59 =	vld [tilespmem:$0xF70]  }
0x1a3: {  	v56 =	vld [tilespmem:$0x840]  }
0x1a4: {  	v51 =	vld [tilespmem:$0xEC0]  }
0x1a5: {  	v58 =	vld [tilespmem:$0x850]  }
0x1a6: {  	v63 =	vld [tilespmem:$0x870]  }
0x1a7: {  	[tilespmem:$0x1FDD0] =	vst v59;
	v59 =	vld [tilespmem:$0x900]  }
0x1a8: {  	v55 =	vld [tilespmem:$0xED0]  }
0x1a9: {  	v62 =	vld [tilespmem:$0x860]  }
0x1aa: {  	v57 =	vld [tilespmem:$0xEE0]  }
0x1ab: {  	[tilespmem:$0x1FCD0] =	vst v63;
	v63 =	vld [tilespmem:$0xEF0]  }
0x1ac: {  	[tilespmem:$0x1FDE0] =	vst v59;
	v59 =	vld [tilespmem:$0xF80]  }
0x1ad: {  	v18 =	vadd.s32 v18, v19;
	v19 =	vld [tilespmem:$0x9F0]  }
0x1ae: {  	v28 =	vadd.s32 v28, v29;
	v29 =	vld [tilespmem:$0x1070]  }
0x1af: {  	v36 =	vadd.s32 v36, v37;
	v37 =	vld [tilespmem:$0xA00]  }
0x1b0: {  	v44 =	vadd.s32 v44, v45;
	v45 =	vld [tilespmem:$0x1080]  }
0x1b1: {  	[tilespmem:$0x1FDF0] =	vst v59;
	v59 =	vld [tilespmem:$0x910]  }
0x1b2: {  	v52 =	vadd.s32 v52, v53;
	v53 =	vld [tilespmem:$0xA10]  }
0x1b3: {  	v10 =	vadd.s32 v10, v11;
	v60 =	vadd.s32 v60, v61;
	v61 =	vadd.s32 v3, v2;
	v2 =	vld [tilespmem:$0x1100]  }
0x1b4: {  	v3 =	vld [tilespmem:$0xA90];
	[tilespmem:$0x680] =	vst v10  }
0x1b5: {  	v0 =	vadd.s32 v1, v0;
	v1 =	vld [tilespmem:$0x1110];
	[tilespmem:$0x690] =	vst v18  }
0x1b6: {  	[tilespmem:$0x1FE00] =	vst v59;
	v59 =	vld [tilespmem:$0xF90]  }
0x1b7: {  	v11 =	vadd.s32 v9, v8;
	v8 =	vld [tilespmem:$0xAC0];
	[tilespmem:$0x6A0] =	vst v28  }
0x1b8: {  	v9 =	vld [tilespmem:$0x1140];
	[tilespmem:$0x6B0] =	vst v36  }
0x1b9: {  	[tilespmem:$0x6C0] =	vst v44;
	v28 =	vld [tilespmem:$0x1090]  }
0x1ba: {  	[tilespmem:$0x6D0] =	vst v52;
	v36 =	vld [tilespmem:$0x10A0]  }
0x1bb: {  	[tilespmem:$0x1FE10] =	vst v59;
	v59 =	vld [tilespmem:$0x920]  }
0x1bc: {  	[tilespmem:$0x6E0] =	vst v60;
	v44 =	vld [tilespmem:$0x10B0]  }
0x1bd: {  	v5 =	vadd.s32 v5, v4;
	[tilespmem:$0x700] =	vst v61;
	v52 =	vld [tilespmem:$0x10C0]  }
0x1be: {  	[tilespmem:$0x710] =	vst v5;
	v60 =	vld [tilespmem:$0x10D0]  }
0x1bf: {  	[tilespmem:$0x730] =	vst v11;
	v61 =	vld [tilespmem:$0xA60]  }
0x1c0: {  	v13 =	vadd.s32 v13, v12;
	[tilespmem:$0x1FE20] =	vst v59;
	v59 =	vld [tilespmem:$0xFA0]  }
0x1c1: {  	v4 =	vadd.s32 v23, v22;
	[tilespmem:$0x740] =	vst v13;
	v11 =	vld [tilespmem:$0xA80]  }
0x1c2: {  	v12 =	vadd.s32 v34, v32;
	[tilespmem:$0x780] =	vst v4;
	v4 =	vld [tilespmem:$0xAA0]  }
0x1c3: {  	v21 =	vadd.s32 v21, v20;
	[tilespmem:$0x7C0] =	vst v12;
	v12 =	vld [tilespmem:$0xAD0]  }
0x1c4: {  	[tilespmem:$0x770] =	vst v21;
	v5 =	vadd.s32 v25, v24;
	v25 =	vld [tilespmem:$0x1FCD0]  }
0x1c5: {  	v20 =	vadd.s32 v50, v47;
	[tilespmem:$0x1FE30] =	vst v59;
	v59 =	vld [tilespmem:$0x930]  }
0x1c6: {  	v22 =	vadd.s32 v56, v51;
	v10 =	vadd.s32 v7, v6;
	v6 =	vadd.s32 v27, v26;
	[tilespmem:$0x820] =	vst v20;
	v26 =	vld [tilespmem:$0x1FCE0]  }
0x1c7: {  	v23 =	vadd.s32 v58, v55;
	[tilespmem:$0x840] =	vst v22;
	v20 =	vld [tilespmem:$0xB00]  }
0x1c8: {  	[tilespmem:$0x850] =	vst v23;
	v22 =	vld [tilespmem:$0xB10]  }
0x1c9: {  	v23 =	vld [tilespmem:$0x1190];
	[tilespmem:$0x720] =	vst v10  }
0x1ca: {  	v18 =	vadd.s32 v15, v14;
	[tilespmem:$0x1FE40] =	vst v59;
	v59 =	vld [tilespmem:$0xFB0]  }
0x1cb: {  	[tilespmem:$0x750] =	vst v18;
	v18 =	vld [tilespmem:$0x10E0]  }
0x1cc: {  	[tilespmem:$0x790] =	vst v5;
	v10 =	vld [tilespmem:$0x10F0]  }
0x1cd: {  	v7 =	vadd.s32 v31, v30;
	[tilespmem:$0x7A0] =	vst v6;
	v5 =	vld [tilespmem:$0x1120]  }
0x1ce: {  	[tilespmem:$0x7B0] =	vst v7;
	v6 =	vld [tilespmem:$0xAB0]  }
0x1cf: {  	v13 =	vadd.s32 v35, v33;
	[tilespmem:$0x1FE50] =	vst v59;
	v59 =	vld [tilespmem:$0x940]  }
0x1d0: {  	v14 =	vadd.s32 v40, v38;
	[tilespmem:$0x7D0] =	vst v13;
	v7 =	vld [tilespmem:$0x1130]  }
0x1d1: {  	v15 =	vadd.s32 v42, v39;
	[tilespmem:$0x7E0] =	vst v14;
	v13 =	vld [tilespmem:$0x1150]  }
0x1d2: {  	v21 =	vadd.s32 v54, v49;
	[tilespmem:$0x7F0] =	vst v15;
	v14 =	vld [tilespmem:$0xAE0]  }
0x1d3: {  	[tilespmem:$0x830] =	vst v21;
	v15 =	vld [tilespmem:$0x1160]  }
0x1d4: {  	v24 =	vadd.s32 v62, v57;
	[tilespmem:$0x1FE60] =	vst v59;
	v59 =	vld [tilespmem:$0xFC0]  }
0x1d5: {  	[tilespmem:$0x860] =	vst v24;
	v21 =	vld [tilespmem:$0x1180]  }
0x1d6: {  	v24 =	vld [tilespmem:$0xB20];
	[tilespmem:$0x1FFB0] =	vst v19  }
0x1d7: {  	[tilespmem:$0x1FFC0] =	vst v29;
	v29 =	vld [tilespmem:$0xA20]  }
0x1d8: {  	[tilespmem:$0x1FFD0] =	vst v37;
	v37 =	vld [tilespmem:$0xA30]  }
0x1d9: {  	[tilespmem:$0x1FE70] =	vst v59;
	v59 =	vld [tilespmem:$0x950]  }
0x1da: {  	[tilespmem:$0x1FFE0] =	vst v45;
	v45 =	vld [tilespmem:$0xA40]  }
0x1db: {  	[tilespmem:$0x1FFF0] =	vst v53;
	v53 =	vld [tilespmem:$0xA50];
	v19 =	vadd.s32 v17, v16  }
0x1dc: {  	[tilespmem:$0x760] =	vst v19;
	v19 =	vld [tilespmem:$0xA70]  }
0x1dd: {  	v27 =	vld [tilespmem:$0x1FCF0]  }
0x1de: {  	v16 =	vadd.s32 v46, v41;
	[tilespmem:$0x1FE80] =	vst v59;
	v59 =	vld [tilespmem:$0xFD0]  }
0x1df: {  	v17 =	vadd.s32 v48, v43;
	[tilespmem:$0x800] =	vst v16;
	v16 =	vld [tilespmem:$0xAF0]  }
0x1e0: {  	[tilespmem:$0x810] =	vst v17;
	v17 =	vld [tilespmem:$0x1170]  }
0x1e1: {  	[tilespmem:$0x6F0] =	vst v0;
	v0 =	vadd.s32 v25, v63;
	v25 =	vld [tilespmem:$0x11A0]  }
0x1e2: {  	v30 =	vld [tilespmem:$0x1FD00]  }
0x1e3: {  	[tilespmem:$0x1FE90] =	vst v59;
	v59 =	vld [tilespmem:$0x960]  }
0x1e4: {  	v31 =	vld [tilespmem:$0x1FD10]  }
0x1e5: {  	[tilespmem:$0x870] =	vst v0;
	v0 =	vadd.s32 v26, v27;
	v26 =	vld [tilespmem:$0xB30]  }
0x1e6: {  	v27 =	vld [tilespmem:$0x11B0]  }
0x1e7: {  	v32 =	vld [tilespmem:$0x1FD20]  }
0x1e8: {  	[tilespmem:$0x1FEA0] =	vst v59;
	v59 =	vld [tilespmem:$0xFE0]  }
0x1e9: {  	[tilespmem:$0x880] =	vst v0;
	v0 =	vadd.s32 v30, v31;
	v30 =	vld [tilespmem:$0xB40]  }
0x1ea: {  	v33 =	vld [tilespmem:$0x1FD30]  }
0x1eb: {  	v31 =	vld [tilespmem:$0x11C0]  }
0x1ec: {  	v34 =	vld [tilespmem:$0x1FD40]  }
0x1ed: {  	[tilespmem:$0x1FEB0] =	vst v59;
	v59 =	vld [tilespmem:$0x970]  }
0x1ee: {  	v35 =	vld [tilespmem:$0x1FD50]  }
0x1ef: {  	[tilespmem:$0x890] =	vst v0;
	v0 =	vadd.s32 v32, v33;
	v32 =	vld [tilespmem:$0xB50]  }
0x1f0: {  	v33 =	vld [tilespmem:$0x11D0]  }
0x1f1: {  	v38 =	vld [tilespmem:$0x1FD60]  }
0x1f2: {  	[tilespmem:$0x1FEC0] =	vst v59;
	v59 =	vld [tilespmem:$0xFF0]  }
0x1f3: {  	[tilespmem:$0x8A0] =	vst v0;
	v0 =	vadd.s32 v34, v35;
	v34 =	vld [tilespmem:$0xB60]  }
0x1f4: {  	v39 =	vld [tilespmem:$0x1FD70]  }
0x1f5: {  	v40 =	vld [tilespmem:$0x1FD80]  }
0x1f6: {  	v41 =	vld [tilespmem:$0x1FD90]  }
0x1f7: {  	[tilespmem:$0x1FED0] =	vst v59;
	v59 =	vld [tilespmem:$0x980]  }
0x1f8: {  	v42 =	vld [tilespmem:$0x1FDA0]  }
0x1f9: {  	v43 =	vld [tilespmem:$0x1FDB0]  }
0x1fa: {  	v46 =	vld [tilespmem:$0x1FDC0]  }
0x1fb: {  	v47 =	vld [tilespmem:$0x1FDD0]  }
0x1fc: {  	[tilespmem:$0x1FEE0] =	vst v59;
	v59 =	vld [tilespmem:$0x1000]  }
0x1fd: {  	v48 =	vld [tilespmem:$0x1FDE0]  }
0x1fe: {  	v49 =	vld [tilespmem:$0x1FDF0]  }
0x1ff: {  	v50 =	vld [tilespmem:$0x1FE00]  }
0x200: {  	v51 =	vld [tilespmem:$0x1FE10]  }
0x201: {  	[tilespmem:$0x1FEF0] =	vst v59;
	v59 =	vld [tilespmem:$0x990]  }
0x202: {  	v54 =	vld [tilespmem:$0x1FE20]  }
0x203: {  	v55 =	vld [tilespmem:$0x1FE30]  }
0x204: {  	[tilespmem:$0x8B0] =	vst v0;
	v0 =	vadd.s32 v38, v39;
	v56 =	vld [tilespmem:$0x1FE40]  }
0x205: {  	[tilespmem:$0x8C0] =	vst v0;
	v57 =	vld [tilespmem:$0x1FE50]  }
0x206: {  	v0 =	vadd.s32 v40, v41;
	[tilespmem:$0x1FF00] =	vst v59;
	v59 =	vld [tilespmem:$0x1010]  }
0x207: {  	[tilespmem:$0x8D0] =	vst v0;
	v0 =	vadd.s32 v42, v43;
	v58 =	vld [tilespmem:$0x1FE60]  }
0x208: {  	[tilespmem:$0x8E0] =	vst v0;
	v0 =	vadd.s32 v46, v47;
	v62 =	vld [tilespmem:$0x1FE70]  }
0x209: {  	[tilespmem:$0x8F0] =	vst v0;
	v0 =	vadd.s32 v48, v49;
	v63 =	vld [tilespmem:$0x1FE80]  }
0x20a: {  	[tilespmem:$0x900] =	vst v0;
	v38 =	vld [tilespmem:$0x1FE90]  }
0x20b: {  	v0 =	vadd.s32 v50, v51;
	[tilespmem:$0x1FF10] =	vst v59;
	v59 =	vld [tilespmem:$0x9A0]  }
0x20c: {  	v35 =	vld [tilespmem:$0x11E0];
	[tilespmem:$0x910] =	vst v0;
	v0 =	vadd.s32 v54, v55  }
0x20d: {  	[tilespmem:$0x920] =	vst v0;
	v0 =	vadd.s32 v56, v57;
	v39 =	vld [tilespmem:$0x1FEA0]  }
0x20e: {  	[tilespmem:$0x930] =	vst v0;
	v0 =	vadd.s32 v58, v62;
	v40 =	vld [tilespmem:$0x1FEB0]  }
0x20f: {  	[tilespmem:$0x940] =	vst v0;
	v0 =	vadd.s32 v63, v38;
	v38 =	vld [tilespmem:$0xB70]  }
0x210: {  	[tilespmem:$0x1FF20] =	vst v59;
	v59 =	vld [tilespmem:$0x1020]  }
0x211: {  	v63 =	vld [tilespmem:$0x1FFB0]  }
0x212: {  	v41 =	vld [tilespmem:$0x1FEC0]  }
0x213: {  	[tilespmem:$0x950] =	vst v0;
	v0 =	vadd.s32 v39, v40;
	v39 =	vld [tilespmem:$0x11F0]  }
0x214: {  	v42 =	vld [tilespmem:$0x1FED0]  }
0x215: {  	[tilespmem:$0x1FF30] =	vst v59;
	v59 =	vld [tilespmem:$0x9B0]  }
0x216: {  	v40 =	vld [tilespmem:$0xB80]  }
0x217: {  	v43 =	vld [tilespmem:$0x1FEE0]  }
0x218: {  	v46 =	vld [tilespmem:$0x1FEF0]  }
0x219: {  	[tilespmem:$0x960] =	vst v0;
	v0 =	vadd.s32 v41, v42;
	v41 =	vld [tilespmem:$0x1200]  }
0x21a: {  	[tilespmem:$0x1FF40] =	vst v59;
	v59 =	vld [tilespmem:$0x1030]  }
0x21b: {  	v42 =	vld [tilespmem:$0xB90]  }
0x21c: {  	v47 =	vld [tilespmem:$0x1FF00]  }
0x21d: {  	[tilespmem:$0x970] =	vst v0;
	v0 =	vadd.s32 v43, v46;
	v43 =	vld [tilespmem:$0x1210]  }
0x21e: {  	v48 =	vld [tilespmem:$0x1FF10]  }
0x21f: {  	[tilespmem:$0x1FF50] =	vst v59;
	v59 =	vld [tilespmem:$0x9C0]  }
0x220: {  	v46 =	vld [tilespmem:$0xBA0]  }
0x221: {  	v49 =	vld [tilespmem:$0x1FF20]  }
0x222: {  	v50 =	vld [tilespmem:$0x1FF30]  }
0x223: {  	[tilespmem:$0x980] =	vst v0;
	v0 =	vadd.s32 v47, v48;
	v48 =	vld [tilespmem:$0x1FFC0]  }
0x224: {  	[tilespmem:$0x1FF60] =	vst v59;
	v59 =	vld [tilespmem:$0x1040]  }
0x225: {  	v47 =	vld [tilespmem:$0x1220]  }
0x226: {  	v51 =	vld [tilespmem:$0x1FF40]  }
0x227: {  	[tilespmem:$0x990] =	vst v0;
	v0 =	vadd.s32 v49, v50;
	v49 =	vld [tilespmem:$0x1FFD0]  }
0x228: {  	v54 =	vld [tilespmem:$0x1FF50]  }
0x229: {  	[tilespmem:$0x1FF70] =	vst v59;
	v59 =	vld [tilespmem:$0x9D0]  }
0x22a: {  	v13 =	vadd.s32 v12, v13;
	v50 =	vld [tilespmem:$0x1FFE0]  }
0x22b: {  	v15 =	vadd.s32 v14, v15;
	[tilespmem:$0xAD0] =	vst v13;
	v55 =	vld [tilespmem:$0x1FF60]  }
0x22c: {  	[tilespmem:$0xAE0] =	vst v15;
	v56 =	vld [tilespmem:$0x1FF70]  }
0x22d: {  	[tilespmem:$0x9A0] =	vst v0;
	v0 =	vadd.s32 v51, v54;
	v51 =	vld [tilespmem:$0x1FFF0]  }
0x22e: {  	v21 =	vadd.s32 v20, v21;
	[tilespmem:$0x1FF80] =	vst v59;
	v59 =	vld [tilespmem:$0x1050]  }
0x22f: {  	[tilespmem:$0xB00] =	vst v21;
	v54 =	vadd.s32 v29, v36;
	v29 =	vld [tilespmem:$0x1230]  }
0x230: {  	[tilespmem:$0xA20] =	vst v54;
	v54 =	vld [tilespmem:$0x12C0]  }
0x231: {  	[tilespmem:$0x9B0] =	vst v0;
	v0 =	vadd.s32 v55, v56;
	v57 =	vld [tilespmem:$0x1FF80]  }
0x232: {  	v56 =	vadd.s32 v45, v52;
	v52 =	vld [tilespmem:$0xC40];
	[tilespmem:$0x9C0] =	vst v0  }
0x233: {  	v55 =	vadd.s32 v37, v44;
	[tilespmem:$0x1FF90] =	vst v59;
	v59 =	vld [tilespmem:$0x9E0]  }
0x234: {  	[tilespmem:$0xA30] =	vst v55;
	v58 =	vld [tilespmem:$0x1FF90]  }
0x235: {  	v36 =	vld [tilespmem:$0xBC0];
	v45 =	vadd.s32 v22, v23;
	[tilespmem:$0xA40] =	vst v56  }
0x236: {  	v37 =	vld [tilespmem:$0x1240];
	[tilespmem:$0xB10] =	vst v45;
	v55 =	vadd.s32 v32, v33  }
0x237: {  	v44 =	vld [tilespmem:$0xBD0];
	[tilespmem:$0xB50] =	vst v55;
	v45 =	vadd.s32 v52, v54  }
0x238: {  	v56 =	vld [tilespmem:$0xC50];
	[tilespmem:$0xC40] =	vst v45  }
0x239: {  	v32 =	vld [tilespmem:$0xC90];
	[tilespmem:$0x1FFA0] =	vst v59;
	v0 =	vadd.s32 v57, v58  }
0x23a: {  	v52 =	vld [tilespmem:$0xCE0];
	v57 =	vadd.s32 v53, v60;
	[tilespmem:$0x9D0] =	vst v0  }
0x23b: {  	v54 =	vld [tilespmem:$0x1360];
	v58 =	vadd.s32 v61, v18;
	[tilespmem:$0xA50] =	vst v57  }
0x23c: {  	v59 =	vld [tilespmem:$0x1060];
	v60 =	vadd.s32 v11, v2;
	[tilespmem:$0xA60] =	vst v58  }
0x23d: {  	v62 =	vld [tilespmem:$0x1FFA0];
	v61 =	vadd.s32 v3, v1;
	[tilespmem:$0xA80] =	vst v60  }
0x23e: {  	v18 =	vld [tilespmem:$0x1250];
	v11 =	vadd.s32 v8, v9;
	[tilespmem:$0xA90] =	vst v61  }
0x23f: {  	v2 =	vld [tilespmem:$0x1260];
	v53 =	vadd.s32 v30, v31;
	[tilespmem:$0xAC0] =	vst v11  }
0x240: {  	v1 =	vld [tilespmem:$0xBF0];
	[tilespmem:$0xB40] =	vst v53;
	v57 =	vadd.s32 v34, v35  }
0x241: {  	v3 =	vld [tilespmem:$0x1270];
	v61 =	vadd.s32 v40, v41;
	[tilespmem:$0xB60] =	vst v57  }
0x242: {  	v8 =	vld [tilespmem:$0xC20];
	[tilespmem:$0xB80] =	vst v61;
	v0 =	vadd.s32 v62, v59  }
0x243: {  	v9 =	vld [tilespmem:$0x12A0];
	v59 =	vadd.s32 v19, v10;
	[tilespmem:$0x9E0] =	vst v0  }
0x244: {  	v30 =	vld [tilespmem:$0x1300];
	v62 =	vadd.s32 v4, v5;
	[tilespmem:$0xA70] =	vst v59  }
0x245: {  	v58 =	vld [tilespmem:$0x12D0];
	v19 =	vadd.s32 v16, v17;
	[tilespmem:$0xAA0] =	vst v62  }
0x246: {  	v60 =	vld [tilespmem:$0xC60];
	v31 =	vadd.s32 v44, v18;
	[tilespmem:$0xAF0] =	vst v19  }
0x247: {  	v34 =	vld [tilespmem:$0x1310];
	v35 =	vadd.s32 v1, v3;
	[tilespmem:$0xBD0] =	vst v31  }
0x248: {  	v40 =	vld [tilespmem:$0xCB0];
	v41 =	vadd.s32 v8, v9;
	[tilespmem:$0xBF0] =	vst v35  }
0x249: {  	v10 =	vld [tilespmem:$0xBE0];
	v0 =	vadd.s32 v63, v48;
	[tilespmem:$0xC20] =	vst v41  }
0x24a: {  	v4 =	vld [tilespmem:$0xC00];
	v63 =	vadd.s32 v6, v7;
	[tilespmem:$0x9F0] =	vst v0  }
0x24b: {  	v5 =	vld [tilespmem:$0x1280];
	v59 =	vadd.s32 v38, v39;
	[tilespmem:$0xAB0] =	vst v63  }
0x24c: {  	v44 =	vld [tilespmem:$0xCC0];
	v55 =	vadd.s32 v32, v34;
	[tilespmem:$0xB70] =	vst v59  }
0x24d: {  	v6 =	vld [tilespmem:$0xC10];
	v0 =	vadd.s32 v49, v50;
	[tilespmem:$0xC90] =	vst v55  }
0x24e: {  	v7 =	vld [tilespmem:$0x1290];
	v49 =	vadd.s32 v24, v25;
	[tilespmem:$0xA00] =	vst v0  }
0x24f: {  	v48 =	vld [tilespmem:$0xC30];
	v63 =	vadd.s32 v42, v43;
	[tilespmem:$0xB20] =	vst v49  }
0x250: {  	v62 =	vld [tilespmem:$0x12E0];
	v25 =	vadd.s32 v46, v47;
	[tilespmem:$0xB90] =	vst v63  }
0x251: {  	v38 =	vld [tilespmem:$0x1320];
	v47 =	vadd.s32 v56, v58;
	[tilespmem:$0xBA0] =	vst v25  }
0x252: {  	v50 =	vld [tilespmem:$0x12B0];
	v0 =	vadd.s32 v51, v28;
	[tilespmem:$0xC50] =	vst v47  }
0x253: {  	v42 =	vld [tilespmem:$0x1330];
	v51 =	vadd.s32 v26, v27;
	[tilespmem:$0xA10] =	vst v0  }
0x254: {  	v46 =	vld [tilespmem:$0x1340];
	[tilespmem:$0xB30] =	vst v51;
	v33 =	vadd.s32 v10, v2  }
0x255: {  	v56 =	vld [tilespmem:$0xCF0];
	[tilespmem:$0xBE0] =	vst v33;
	v39 =	vadd.s32 v6, v7  }
0x256: {  	v58 =	vld [tilespmem:$0x1370];
	v49 =	vadd.s32 v60, v62;
	[tilespmem:$0xC10] =	vst v39  }
0x257: {  	v28 =	vld [tilespmem:$0xBB0];
	v62 =	vadd.s32 v52, v54;
	[tilespmem:$0xC60] =	vst v49  }
0x258: {  	v24 =	vld [tilespmem:$0xC70];
	v43 =	vadd.s32 v48, v50;
	[tilespmem:$0xCE0] =	vst v62  }
0x259: {  	v26 =	vld [tilespmem:$0x12F0];
	v59 =	vadd.s32 v40, v42;
	[tilespmem:$0xC30] =	vst v43  }
0x25a: {  	v48 =	vld [tilespmem:$0xCD0];
	v60 =	vadd.s32 v44, v46;
	[tilespmem:$0xCB0] =	vst v59  }
0x25b: {  	v50 =	vld [tilespmem:$0x1350];
	v63 =	vadd.s32 v56, v58;
	[tilespmem:$0xCC0] =	vst v60  }
0x25c: {  	v27 =	vadd.s32 v28, v29;
	v28 =	vld [tilespmem:$0xC80];
	[tilespmem:$0xCF0] =	vst v63  }
0x25d: {  	v29 =	vadd.s32 v36, v37;
	v36 =	vld [tilespmem:$0xCA0];
	[tilespmem:$0xBB0] =	vst v27  }
0x25e: {  	v37 =	vadd.s32 v4, v5;
	[tilespmem:$0xBC0] =	vst v29  }
0x25f: {  	v51 =	vadd.s32 v24, v26;
	[tilespmem:$0xC00] =	vst v37  }
0x260: {  	[tilespmem:$0xC70] =	vst v51;
	v61 =	vadd.s32 v48, v50  }
0x261: {  	v53 =	vadd.s32 v28, v30;
	[tilespmem:$0xCD0] =	vst v61  }
0x262: {  	v57 =	vadd.s32 v36, v38;
	[tilespmem:$0xC80] =	vst v53  }
0x263: {  	s0 =	simm.s32 @!p0 $0x5;
	[tilespmem:$0xCA0] =	vst v57  }
0x264: {  	_ =	swait.ge @!p0 [sflag:s0], $0xD000  }
0x265: {  	[sflag:s0] =	ssyncset.done @!p0 $0x0  }
0x266: {  	[sflag:s0] =	ssyncadd.s32 @!p0 $0xFFFF3000  }
0x267: {  	[tilespmem:s22], [sflag:$0x3] =	stream.indirect.gather [hbm4b:s6+s17], $0x20, s15, s17, $0xb8;
	[tilespmem:$0x1B380] =	vst v63  }
0x268: {  	s1 =	simm.s32 $0xF380;
	s0 =	simm.s32 $0x700  }
0x269: {  	[tilespmem:s1], [sflag:$0x3] =	stream.indirect.gather [hbm4b:s6+s17], $0x20, s0, s17, $0xb8;
	[tilespmem:$0x1B380] =	vst v63  }
0x26a: {  	s0 =	simm.s32 $0x780;
	s1 =	simm.s32 $0x10380  }
0x26b: {  	[tilespmem:s1], [sflag:$0x3] =	stream.indirect.gather [hbm4b:s6+s17], $0x20, s0, s17, $0xb8;
	[tilespmem:$0x1B380] =	vst v63  }
0x26c: {  	s0 =	simm.s32 $0x800;
	s1 =	simm.s32 $0x11380  }
0x26d: {  	[tilespmem:s1], [sflag:$0x3] =	stream.indirect.gather [hbm4b:s6+s17], $0x20, s0, s17, $0xb8;
	[tilespmem:$0x1B380] =	vst v63  }
0x26e: {  	s0 =	simm.s32 $0x880;
	s1 =	simm.s32 $0x12380  }
0x26f: {  	[tilespmem:s1], [sflag:$0x3] =	stream.indirect.gather [hbm4b:s6+s17], $0x20, s0, s17, $0xb8;
	[tilespmem:$0x1B380] =	vst v63  }
0x270: {  	s0 =	simm.s32 $0x900;
	s1 =	simm.s32 $0x13380  }
0x271: {  	[tilespmem:s1], [sflag:$0x3] =	stream.indirect.gather [hbm4b:s6+s17], $0x20, s0, s17, $0xb8;
	[tilespmem:$0x1B380] =	vst v63  }
0x272: {  	_ = 	snop  }
0x273: {  	[tilespmem:s4], [sflag:$0x3] =	stream.indirect.gather [hbm4b:s6+s17], $0x20, s13, s17, $0xb8;
	[tilespmem:$0x1B380] =	vst v63  }
0x274: {  	_ = 	snop  }
0x275: {  	[tilespmem:s8], [sflag:$0x3] =	stream.indirect.gather [hbm4b:s6+s17], $0x20, s7, s17, $0xb8;
	[tilespmem:$0x1B380] =	vst v63  }
0x276: {  	_ = 	snop  }
0x277: {  	[tilespmem:s12], [sflag:$0x3] =	stream.indirect.gather [hbm4b:s6+s17], $0x20, s10, s17, $0xb8;
	[tilespmem:$0x1B380] =	vst v63  }
0x278: {  	_ = 	snop  }
0x279: {  	[tilespmem:s14], [sflag:$0x3] =	stream.indirect.gather [hbm4b:s6+s17], $0x20, s5, s17, $0xb8;
	[tilespmem:$0x1B380] =	vst v63  }
0x27a: {  	_ = 	snop  }
0x27b: {  	[tilespmem:s23], [sflag:$0x3] =	stream.indirect.gather [hbm4b:s6+s17], $0x20, s19, s17, $0xb8;
	[tilespmem:$0x1B380] =	vst v63  }
0x27c: {  	_ = 	snop  }
0x27d: {  	[tilespmem:s25], [sflag:$0x3] =	stream.indirect.gather [hbm4b:s6+s17], $0x20, s24, s17, $0xb8;
	[tilespmem:$0x1B380] =	vst v63  }
0x27e: {  	_ = 	snop  }
0x27f: {  	[tilespmem:s28], [sflag:$0x3] =	stream.indirect.gather [hbm4b:s6+s17], $0x20, s26, s17, $0xb8;
	[tilespmem:$0x1B380] =	vst v63  }
0x280: {  	_ =	swait.ge [sflag:s20], $0x1000  }
0x281: {  	[sflag:s20] =	ssyncset.done $0x0  }
0x282: {  	[sflag:s20] =	ssyncadd.s32 $0xFFFFF000  }
0x283: {  	_ =	swait.ge [sflag:s20], $0x1000  }
0x284: {  	[sflag:s20] =	ssyncset.done $0x0  }
0x285: {  	[sflag:s20] =	ssyncadd.s32 $0xFFFFF000  }
0x286: {  	_ =	swait.ge [sflag:s20], $0x1000  }
0x287: {  	[sflag:s20] =	ssyncset.done $0x0  }
0x288: {  	[sflag:s20] =	ssyncadd.s32 $0xFFFFF000  }
0x289: {  	_ =	swait.ge [sflag:s20], $0x1000  }
0x28a: {  	[sflag:s20] =	ssyncset.done $0x0  }
0x28b: {  	[sflag:s20] =	ssyncadd.s32 $0xFFFFF000  }
0x28c: {  	_ =	swait.ge [sflag:s20], $0x1000  }
0x28d: {  	[sflag:s20] =	ssyncset.done $0x0  }
0x28e: {  	[sflag:s20] =	ssyncadd.s32 $0xFFFFF000  }
0x28f: {  	_ =	swait.ge [sflag:s20], $0x1000  }
0x290: {  	[sflag:s20] =	ssyncset.done $0x0  }
0x291: {  	[sflag:s20] =	ssyncadd.s32 $0xFFFFF000  }
0x292: {  	_ =	swait.ge [sflag:s20], $0x1000  }
0x293: {  	[sflag:s20] =	ssyncset.done $0x0  }
0x294: {  	[sflag:s20] =	ssyncadd.s32 $0xFFFFF000  }
0x295: {  	_ =	swait.ge [sflag:s20], $0x1000  }
0x296: {  	[sflag:s20] =	ssyncset.done $0x0  }
0x297: {  	[sflag:s20] =	ssyncadd.s32 $0xFFFFF000  }
0x298: {  	_ =	swait.ge [sflag:s20], $0x1000  }
0x299: {  	[sflag:s20] =	ssyncset.done $0x0  }
0x29a: {  	[sflag:s20] =	ssyncadd.s32 $0xFFFFF000  }
0x29b: {  	_ =	swait.ge [sflag:s20], $0x1000  }
0x29c: {  	[sflag:s20] =	ssyncset.done $0x0  }
0x29d: {  	[sflag:s20] =	ssyncadd.s32 $0xFFFFF000  }
0x29e: {  	_ =	swait.ge [sflag:s20], $0x1000  }
0x29f: {  	[sflag:s20] =	ssyncset.done $0x0  }
0x2a0: {  	[sflag:s20] =	ssyncadd.s32 $0xFFFFF000  }
0x2a1: {  	_ =	swait.ge [sflag:s20], $0x1000  }
0x2a2: {  	[sflag:s20] =	ssyncset.done $0x0  }
.Ltmp2:
0x2a3: {  	[sflag:s20] =	ssyncadd.s32 $0xFFFFF000;
	(pc) =	sbr.rel @p1 .LBB2_4-.Ltmp2, $4  }
0x2a4: {  	_ =	swait.ge [sflag:s20], $0x1000  }
0x2a5: {  	[sflag:s20] =	ssyncset.done $0x0  }
0x2a6: {  	s1 =	sadd.s32 s31, s9;
	[sflag:s20] =	ssyncadd.s32 $0xFFFFF000  }
0x2a7: {  	[hbm4b:s1+s2] =	stream.linear.scatter [tilespmem:s22], [sflag:$0x5], $0xD000, $0x38;
	[tilespmem:$0x1B380] =	vst v63  }
.Ltmp3:
0x2a8: {  	(pc) =	sbr.rel .LBB2_2-.Ltmp3, $3  }
0x2a9: {  	_ =	sdelay $0x1  }
0x2aa: {  	[tilespmem:s15], [sflag:$0x2] =	stream.linear.gather [hbm4b:s30+s2], $0x680, $0x38;
	[tilespmem:$0x1B380] =	vst v63  }
0x2ab: {  	s31 =	sadd.s32 $0x3400, s31;
	s30 =	sadd.s32 $0x1A0, s30;
	s29 =	sadd.s32 $0xD00, s29  }
.LBB2_5:
0x2ac: {  	_ =	sfence.sel $0x180000  }
0x2ad: {  	[bflag:$0x0] =	sbarrier.arrive $0xFFFF  }
0x2ae: {  	_ =	strace $0x90000047  }
0x2af: {  	s0 =	stileid.u32;
	[bflag:$0x2] =	sbarrier.arrive $0xFFFF  }
0x2b0: {  	p0 =	sne.s32 s0, $0x0;
	s0 =	rddreg [dreg:$0x2]  }
0x2b1: {  	s0 =	sadd.s32 @!p0 $0x100000, s0  }
0x2b2: {  	[sflag:s0] =	ssyncadd.tile.s32 @!p0 $0x1;
	_ =	shalt  }
.Lfunc_end2:
_tile_overlayer_lowered:
.L_overlay_start_2:
0x2b3: {  	(tag) =	ssettag $0x2  }
0x2b4: {  	s0 =	rddreg [dreg:$0x0];
	s2 =	stileid.u32  }
0x2b5: {  	s1 =	rddreg [dreg:$0x1];
	p0 =	sne.s32 s2, $0x0  }
0x2b6: {  	s3 =	rddreg [dreg:$0x2];
	[bflag:$0x3] =	sbarrier.arrive $0xFFFF;
	s2 =	simm.s32 @!p0 $0x1C06  }
0x2b7: {  	[timem:s3], [sflag:s2] =	dma.local @!p0 [hbm:s0], s1  }
0x2b8: {  	s0 =	simm.s32 @!p0 $0x6  }
0x2b9: {  	_ =	swait.ge @!p0 [sflag:s0], s1  }
0x2ba: {  	s1 =	ssub.s32 @!p0 $0x0, s1;
	[sflag:s0] =	ssyncset.done @!p0 $0x0  }
0x2bb: {  	[sflag:s0] =	ssyncadd.s32 @!p0 s1  }
0x2bc: {  	[bflag:$0x3] =	sbarrier.arrive $0xFFFF  }
0x2bd: {  	_ =	shalt  }

// kernel: sparse-core-data-format-call.cloned.1.call-start
scs
called_computation_lowered:
.L_overlay_start_0:
0x0: {  	s2 =	sld [smem:$0x3FD9]  }
0x1: {  	s3 =	sld [smem:$0x3FFE];
	_ =	sdelay $0x1  }
0x2: {  	s1 =	srdreg.scid  }
0x3: {  	s0 =	sand.u32 $0x1, s1  }
0x4: {  	s18 =	sshll.u32 s0, $0xA;
	s2 =	sadd.s32 s3, s2  }
0x5: {  	s2 =	sadd.s32 s2, s18  }
0x6: {  	[smem:$0x3FC6] =	sst s2  }
0x7: {  	_ = 	snop  }
0x8: {  	s2 =	sld [smem:$0x3FD0];
	(tm) =	ssettm $0x1  }
0x9: {  	s19 =	sld [smem:$0x3FFB];
	_ =	sdelay $0x3  }
0xa: {  	_ =	strace s19  }
0xb: {  	s3 =	sld [smem:$0x3FFC];
	_ =	sdelay $0x3  }
0xc: {  	_ =	strace s3  }
0xd: {  	s3 =	sld [smem:$0x3FFD];
	_ =	sdelay $0x3  }
0xe: {  	_ =	strace s3  }
0xf: {  	_ =	strace $0x8FFFFFFF  }
0x10: {  	s20 =	sld [smem:$0x3FDB];
	_ =	sdelay $0x1  }
0x11: {  	s4 =	simm.s32 $_scs_section_size  }
0x12: {  	s5 =	simm.s32 $_size__tile_overlayer_lowered;
	s6 =	simm.s32 $_tile_overlayer_lowered  }
0x13: {  	s23 =	simm.s32 $0x1BFF;
	s22 =	sshll.u32 s6, $0x1;
	s3 =	sadd.s32 s4, s20  }
0x14: {  	s7 =	simm.s32 $0x0;
	s21 =	sshll.u32 s5, $0x1;
	s5 =	sadd.s32 s22, s3  }
0x15: {  	[timem:s7], [sflag:s23] =	dma.local [hbm:s5], s21  }
0x16: {  	_ =	swait.ge [sflag:s23], s21  }
0x17: {  	s4 =	ssub.s32 $0x0, s21;
	[sflag:s23] =	ssyncset.done $0x0  }
0x18: {  	[sflag:s23] =	ssyncadd.s32 s4;
	_ =	sdelay $0x1  }
0x19: {  	s24 =	simm.s32 $0x1B8B  }
0x1a: {  	_ =	swait.ge [sflag:s24], $0x1  }
0x1b: {  	[sflag:s24] =	ssyncset.done $0x0  }
0x1c: {  	s26 =	simm.s32 $0x1B8E;
	s25 =	sld [smem:$0x3FFE];
	[sflag:s24] =	ssyncadd.s32 $0xFFFFFFFF  }
0x1d: {  	s27 =	simm.s32 $execute0_lowered;
	[smem:$0x3FD2] =	sst s26  }
0x1e: {  	s5 =	sshll.u32 s27, $0x1;
	_ =	strace $0x80000049;
	[dreg:$0x1] =	wrdreg $0xFFFFFFFF  }
0x1f: {  	s28 =	simm.s32 $_size_execute0_lowered;
	s3 =	sadd.s32 s3, s5;
	[dreg:$0x0] =	wrdreg $0x0  }
0x20: {  	s5 =	sshll.u32 s28, $0x1;
	[dreg:$0x2] =	wrdreg s3  }
0x21: {  	[dreg:$0x3] =	wrdreg s5  }
0x22: {  	[dreg:$0x4] =	wrdreg $0xC0  }
0x23: {  	_ =	task [dreg:s7], $0x5FFFF  }
0x24: {  	[dreg:$0x1] =	wrdreg $0xFFFFFFFF  }
0x25: {  	[dreg:$0x0] =	wrdreg $0x60  }
0x26: {  	[dreg:$0x2] =	wrdreg s25  }
0x27: {  	[dreg:$0x3] =	wrdreg s2  }
0x28: {  	[dreg:$0x4] =	wrdreg $0x9  }
0x29: {  	_ =	task.clear_ibuf [dreg:s7], $0x5FFFF;
	_ =	strace $0x90000049  }
0x2a: {  	s29 =	simm.s32 $0x9;
	_ =	strace $0x8000004B  }
0x2b: {  	_ =	swait.ge [sflag:s29], $0x1  }
0x2c: {  	[sflag:s29] =	ssyncadd.s32 $0xFFFFFFFF  }
0x2d: {  	_ =	strace $0x9000004B  }
0x2e: {  	_ =	sfence  }
0x2f: {  	s30 =	sld [smem:$0x0];
	_ =	sdelay $0x2  }
0x30: {  	s31 =	sshll.u32 s1, $0xD;
	s1 =	sshrl.u32 s1, $0x2  }
0x31: {  	s3 =	sand.u32 $0x4000, s31;
	s1 =	sadd.s32 s1, s30  }
0x32: {  	s0 =	sor.u32 s3, s0;
	s1 =	sshll.u32 s1, $0x11  }
0x33: {  	s0 =	sor.u32 s1, s0  }
0x34: {  	s0 =	sadd.s32 $0x8F2B, s0  }
0x35: {  	[sflag:s0] =	ssyncadd.remote.s32 $0x1  }
0x36: {  	_ =	sfence.sel $0xFFFF  }
0x37: {  	[dreg:$0x0] =	wrdreg $0xFFFFFFFF;
	(pc) =	sbr.abs _section_cstart, $3  }
0x38: {  	[dreg:$0x1] =	wrdreg $0xFFFFFFFF  }
0x39: {  	_ =	task.clear_ibuf [dreg:s7], $0x2FFFF;
	_ =	strace $0x9FFFFFFF  }
0x3a: {  	(tm) =	ssettm $0x7FFFFFFF  }
0x3b: {  	_ =	shalt  }
tec
execute0_lowered:
.L_overlay_start_1:
0x0: {  	(tag) =	ssettag $0x1  }
0x1: {  	s0 =	srdreg.scid;
	s6 =	rddreg [dreg:$0x0]  }
0x2: {  	s3 =	rddreg [dreg:$0x1];
	s1 =	sshll.u32 s0, $0x4  }
0x3: {  	s5 =	simm.s32 $0x1;
	s0 =	stileid.u32;
	s1 =	sand.u32 $0x10, s1  }
0x4: {  	s31 =	simm.s32 $0x2;
	s16 =	simm.s32 $0x0;
	s1 =	sor.u32 s0, s1  }
0x5: {  	s8 =	simm.s32 $0x8000;
	s18 =	simm.s32 $0x0;
	s2 =	sshll.u32 s1, $0x7  }
0x6: {  	s17 =	simm.s32 $0x0;
	s9 =	simm.s32 $0x0;
	s4 =	ssub.s32 $0x1000, s2  }
0x7: {  	s10 =	simm.s32 $0x0;
	s11 =	simm.s32 $0x0;
	s30 =	sand.u32 $0xF80, s4  }
0x8: {  	s12 =	simm.s32 $0x0;
	s13 =	simm.s32 $0x0;
	p0 =	sne.s32 s30, $0x0  }
.Ltmp0:
0x9: {  	s7 =	sshrl.u32 s4, $0xC;
	s5 =	simm.s32 @!p0 $0x0;
	(pc) =	sbr.rel .LBB1_1-.Ltmp0, $4  }
0xa: {  	s15 =	simm.s32 $0x0;
	s1 =	rddreg [dreg:$0x2];
	s5 =	sadd.s32 s5, s7  }
0xb: {  	_ =	strace $0x8000004A;
	s4 =	simm.s32 $0x1;
	s5 =	smul.u32 $0x8C, s5  }
0xc: {  	s6 =	sadd.s32 $0x800, s6;
	s14 =	smov.u32 s2;
	[sflag:s4] =	ssyncpa.u1 $0x0  }
0xd: {  	[sflag:s31] =	ssyncpa.u1 $0x0;
	p0 =	por $0x0, $0x0;
	s7 =	sor.u32 $0x1, s5  }
.LBB1_4:
0xe: {  	s23 =	sshra.s32 s23, $0x2;
	s30 =	sshll.u32 s9, $0xC  }
0xf: {  	p1 =	sgt.s32 s10, $0x13;
	s24 =	smov.u32 s10;
	s25 =	sshra.s32 s10, $0x1F  }
0x10: {  	s26 =	sshll.u32 s11, $0x3;
	s28 =	smov.u32 s11;
	s29 =	sshra.s32 s11, $0x1F  }
0x11: {  	s22 =	sadd.s32 s23, s22;
	s24 =	simm.s32 @!p1 $0x13;
	s25 =	sand.u32 s25, s10  }
0x12: {  	s23 =	sand.u32 $0xFFFF8000, s30;
	s27 =	sand.u32 $0xFFFFFC00, s26;
	p1 =	sgt.s32 s9, $0x2C0  }
0x13: {  	s31 =	sand.u32 s29, s11;
	s29 =	sshll.u32 s9, $0x7;
	s30 =	sshra.s32 s9, $0x1F  }
0x14: {  	[tilespmem:s21+$0x2040 ss:$0x81] =	vst.msk $0xffff, v4;
	s24 =	ssub.s32 s24, s25;
	s23 =	sadd.s32 s27, s23;
	s27 =	smov.u32 s9  }
0x15: {  	[tilespmem:s21+$0x2850 ss:$0x81] =	vst.msk $0xffff, v3;
	s29 =	sand.u32 $0x380, s29;
	s25 =	sadd.s32 $0xFFFFFFED, s24;
	s27 =	simm.s32 @!p1 $0x2C0  }
0x16: {  	v5 =	vld [tilespmem:s20+$0xFFFFFFD0];
	[tilespmem:s21+$0x3060 ss:$0x81] =	vst.msk $0xffff, v2;
	p1 =	sgt.s32 s11, $0xF80;
	s23 =	sshrl.u32 s23, $0xC;
	s24 =	ssub.s32 $0x14, s24  }
0x17: {  	v58 =	vld [tilespmem:s20+$0xFFFFFFE0];
	[tilespmem:s21+$0x0 ss:$0x81] =	vst.msk $0xffff, v1;
	s28 =	simm.s32 @!p1 $0xF80;
	p1 =	sgt.s32 s25, $0x0;
	s21 =	smulhi.u32 $0x4EC4ED, s23  }
0x18: {  	v59 =	vld [tilespmem:s20+$0xFFFFFFF0];
	s25 =	ssub.s32 s28, s31;
	s28 =	sand.u32 s30, s9;
	s24 =	simm.s32 @p1 $0x0  }
0x19: {  	v60 =	vld [tilespmem:s20+$0x0];
	s27 =	ssub.s32 s27, s28;
	s31 =	sadd.s32 $0xFFFFF080, s25;
	s25 =	ssub.s32 $0x1000, s25  }
0x1a: {  	v61 =	vld [tilespmem:s20+$0x10];
	[tilespmem:s22+$0x3870 ss:$0x81] =	vst.msk $0xffff, v0;
	s21 =	smul.u32 $0x340, s21;
	s28 =	sand.u32 $0x7, s11;
	p1 =	sgt.s32 s31, $0x7F  }
0x1b: {  	v62 =	vld [tilespmem:s20+$0x20];
	[tilespmem:s22+$0x810 ss:$0x81] =	vst.msk $0xffff, v5;
	s30 =	sadd.s32 $0xFFFFFD40, s27;
	s31 =	sand.u32 $0x78, s11;
	s25 =	simm.s32 @p1 $0x0  }
0x1c: {  	v63 =	vld [tilespmem:s20+$0xFFFFFFC0];
	[tilespmem:s22+$0x1020 ss:$0x81] =	vst.msk $0xffff, v58;
	p1 =	sgt.s32 s30, $0x7F;
	s30 =	sand.u32 $0xC00, s26;
	s24 =	smul.u32 s25, s24  }
0x1d: {  	[tilespmem:s22+$0x1830 ss:$0x81] =	vst.msk $0xffff, v59;
	s26 =	ssub.s32 $0x340, s27;
	s20 =	sor.u32 s31, s30;
	s31 =	smul.u32 $0x68000, s10  }
0x1e: {  	[tilespmem:s22+$0x2040 ss:$0x81] =	vst.msk $0xffff, v60;
	s21 =	ssub.s32 s23, s21;
	s26 =	simm.s32 @p1 $0x0;
	s20 =	sor.u32 s29, s20  }
0x1f: {  	[tilespmem:s22+$0x2850 ss:$0x81] =	vst.msk $0xffff, v61;
	s26 =	smul.u32 s26, s24;
	s20 =	sshrl.u32 s20, $0x3;
	s27 =	sadd.s32 s3, s31  }
0x20: {  	[tilespmem:s22+$0x3060 ss:$0x81] =	vst.msk $0xffff, v62;
	s21 =	sshll.u32 s21, $0x9;
	s29 =	sshll.u32 s28, $0x12;
	s20 =	sadd.s32 s20, s27  }
0x21: {  	[tilespmem:s22+$0x0 ss:$0x81] =	vst.msk $0xffff, v63;
	s31 =	sor.u32 $0x400, s29;
	s30 =	sand.u32 $0x3FFFFFFF, s26;
	s20 =	sadd.s32 s21, s20  }
0x22: {  	[hbm4b:s20+s31] =	stream.strided.scatter [tilespmem:s19], [sflag:$0x2], s30, s8, s31, $0x20;
	[tilespmem:$0x10100] =	vst v63  }
.LBB1_5:
0x23: {  	p1 =	slt.u32 s15, $0x2  }
0x24: {  	p2 =	sgt.s32 @!p1 s18, $0x13  }
0x25: {  	s19 =	smov.u32 s18;
	s20 =	sshra.s32 @!p1 s18, $0x1F;
	p2 =	por !p2, p1  }
0x26: {  	s18 =	sand.u32 @!p1 s20, s18;
	s19 =	simm.s32 @p2 $0x13  }
0x27: {  	p3 =	sgt.s32 @!p1 s16, $0x2C0;
	s18 =	ssub.s32 @!p1 s19, s18  }
0x28: {  	p4 =	sgt.s32 @!p1 s17, $0xF80;
	s21 =	sshra.s32 @!p1 s17, $0x1F;
	s19 =	sadd.s32 @!p1 $0xFFFFFFED, s18  }
0x29: {  	s20 =	smov.u32 s16;
	p2 =	sgt.s32 @!p1 s19, $0x0;
	s19 =	sshra.s32 @!p1 s16, $0x1F  }
0x2a: {  	p4 =	por !p4, p1;
	s16 =	sand.u32 @!p1 s19, s16;
	s19 =	smov.u32 s17  }
0x2b: {  	p3 =	por !p3, p1;
	s17 =	sand.u32 @!p1 s21, s17;
	s19 =	simm.s32 @p4 $0xF80  }
0x2c: {  	s20 =	simm.s32 @p3 $0x2C0;
	s18 =	ssub.s32 @!p1 $0x14, s18;
	s17 =	ssub.s32 @!p1 s19, s17  }
0x2d: {  	p2 =	por !p2, p1;
	s16 =	ssub.s32 @!p1 s20, s16;
	s20 =	sadd.s32 @!p1 $0xFFFFF080, s17  }
0x2e: {  	s18 =	simm.s32 @!p2 $0x0;
	p3 =	sgt.s32 @!p1 s20, $0x7F  }
0x2f: {  	s19 =	sadd.s32 @!p1 $0xFFFFFD40, s16;
	s17 =	ssub.s32 @!p1 $0x1000, s17;
	p3 =	por !p3, p1  }
0x30: {  	p2 =	sgt.s32 @!p1 s19, $0x7F;
	s19 =	sadd.s32 $0x80, s12;
	s17 =	simm.s32 @!p3 $0x0  }
0x31: {  	p3 =	sgt.s32 s19, $0x33F;
	s17 =	smul.u32 @!p1 s17, s18;
	s18 =	simm.s32 $0x1  }
0x32: {  	s16 =	ssub.s32 @!p1 $0x340, s16;
	p2 =	por !p2, p1;
	s18 =	simm.s32 @!p3 $0x0  }
0x33: {  	s21 =	smov.u32 s14;
	s16 =	simm.s32 @!p2 $0x0;
	s20 =	sadd.s32 s18, s13  }
0x34: {  	s16 =	smul.u32 @!p1 s16, s17;
	s17 =	sadd.s32 $0x1000, s14;
	p2 =	sgt.s32 s20, $0x13  }
0x35: {  	p0 =	por !p0, !p0;
	s22 =	simm.s32 @!p1 $0x2;
	s21 =	smov.u32 @p2 s17  }
0x36: {  	s19 =	simm.s32 @p3 $0x0;
	s20 =	simm.s32 @p2 $0x0;
	p2 =	sgt.s32 s21, $0xFFF  }
0x37: {  	s18 =	smov.u32 s10;
	s21 =	smov.u32 @p2 s2;
	p2 =	sne.s32 s15, s7  }
.Ltmp1:
0x38: {  	s10 =	smov.u32 s13;
	s16 =	sand.u32 @!p1 $0x3FFFFFFF, s16;
	(pc) =	sbr.rel @!p2 .LBB1_6-.Ltmp1, $4  }
0x39: {  	s17 =	smov.u32 s11;
	s11 =	smov.u32 s14;
	_ =	swait.ge @!p1 [sflag:s22], s16  }
0x3a: {  	s23 =	ssub.s32 @!p1 $0x0, s16;
	s16 =	smov.u32 s9;
	s9 =	smov.u32 s12  }
0x3b: {  	s12 =	smov.u32 s19;
	s13 =	smov.u32 s20;
	[sflag:s22] =	ssyncset.done @!p1 $0x0  }
0x3c: {  	s15 =	sadd.s32 $0x1, s15;
	[sflag:s22] =	ssyncadd.s32 @!p1 s23;
	s14 =	smov.u32 s21  }
.LBB1_1:
0x3d: {  	p1 =	sge.u32 s15, s5  }
0x3e: {  	s19 =	sshrl.u32 @!p1 s13, $0x3  }
0x3f: {  	s20 =	sshll.u32 @!p1 s12, $0x3;
	s19 =	smul.u32 @!p1 $0x1C00, s19  }
0x40: {  	s21 =	sshll.u32 @!p1 s13, $0x7;
	s20 =	sand.u32 @!p1 $0xFFFFFC00, s20  }
0x41: {  	s19 =	sadd.s32 @!p1 s19, s20;
	s20 =	sand.u32 @!p1 $0x380, s21  }
0x42: {  	s19 =	sor.u32 @!p1 s20, s19  }
0x43: {  	s20 =	sshrl.u32 @!p1 s19, $0x7  }
0x44: {  	s20 =	smulhi.u32 @!p1 $0x24924925, s20;
	_ =	sdelay $0x1  }
0x45: {  	s21 =	smulhi.u32 @!p1 $0xAAAAAAB, s20;
	_ =	sdelay $0x1  }
0x46: {  	s22 =	sand.u32 @!p1 $0x7F, s12;
	s21 =	smul.u32 @!p1 $0x18, s21  }
0x47: {  	s31 =	sadd.s32 $0xFFFFFFFF, s15;
	s19 =	sor.u32 @!p1 s22, s19;
	s22 =	smul.u32 @!p1 $0x380, s20  }
0x48: {  	s23 =	sxor.u32 @!p1 $0xFFFFFFFF, s15;
	s20 =	ssub.s32 @!p1 s20, s21;
	s21 =	smul.u32 @!p1 $0xA80, s14  }
0x49: {  	s23 =	sshll.u32 @!p1 s23, $0xE;
	s19 =	ssub.s32 @!p1 s19, s22;
	s20 =	smul.u32 @!p1 $0x70, s20  }
0x4a: {  	s22 =	sand.u32 @!p1 $0x4000, s23;
	s23 =	sand.u32 @!p1 $0x7, s19;
	s21 =	sadd.s32 @!p1 s6, s21  }
0x4b: {  	s19 =	sshrl.u32 @!p1 s19, $0x3;
	s20 =	sadd.s32 @!p1 s20, s21;
	s21 =	sshll.u32 @!p1 s23, $0x12  }
0x4c: {  	s19 =	sadd.s32 @!p1 s19, s20;
	s20 =	sor.u32 @!p1 $0x80, s21;
	s21 =	simm.s32 @!p1 $0x5400  }
0x4d: {  	[tilespmem:s22], [sflag:$0x1] =	stream.strided.gather @!p1 [hbm4b:s19+s20], $0x4000, s21, s20, $0x38;
	[tilespmem:$0x10100] =	vst v63  }
0x4e: {  	p1 =	sge.u32 s31, s5  }
.Ltmp2:
0x4f: {  	_ = 	snop;
	(pc) =	sbr.rel @p1 .LBB1_5-.Ltmp2, $1  }
0x50: {  	_ =	sdelay $0x3  }
0x51: {  	s19 =	simm.s32 $0x1  }
0x52: {  	_ =	swait.ge [sflag:s4], $0x4000;
	s19 =	simm.s32 @!p0 $0x0  }
0x53: {  	[sflag:s4] =	ssyncset.done $0x0;
	s20 =	sshll.u32 s19, $0xE  }
0x54: {  	[sflag:s4] =	ssyncadd.s32 $0xFFFFC000;
	s20 =	sor.u32 $0x40, s20  }
0x55: {  	s19 =	smul.u32 $0x10200, s19;
	v0 =	vld [tilespmem:s20+$0x30]  }
0x56: {  	v1 =	vld [tilespmem:s20+$0xFFFFFFD0]  }
0x57: {  	s19 =	sshrl.u32 s19, $0x2;
	v5 =	vld [tilespmem:s20+$0xFFFFFFE0]  }
0x58: {  	v6 =	vld [tilespmem:s20+$0xFFFFFFF0];
	s22 =	sor.u32 $0x8000, s19  }
0x59: {  	s31 =	sand.u32 $0x1, s15;
	v4 =	vld [tilespmem:s20+$0x0];
	s21 =	sadd.s32 $0x0, s22  }
0x5a: {  	v3 =	vld [tilespmem:s20+$0x10];
	s19 =	smul.u32 $0x10200, s31;
	[tilespmem:s21+$0x3870 ss:$0x81] =	vst.msk $0xffff, v0  }
0x5b: {  	v2 =	vld [tilespmem:s20+$0x20];
	[tilespmem:s21+$0x810 ss:$0x81] =	vst.msk $0xffff, v1  }
0x5c: {  	s19 =	sshrl.u32 s19, $0x2;
	v1 =	vld [tilespmem:s20+$0xFFFFFFC0];
	[tilespmem:s21+$0x1020 ss:$0x81] =	vst.msk $0xffff, v5;
	s20 =	sadd.s32 $0x80, s20  }
0x5d: {  	s23 =	simm.s32 $0x4;
	s24 =	simm.s32 $0x8;
	s19 =	sor.u32 $0x8000, s19;
	[tilespmem:s21+$0x1830 ss:$0x81] =	vst.msk $0xffff, v6;
	v0 =	vld [tilespmem:s20+$0x30]  }
.LBB1_3:
0x5e: {  	p1 =	sne.s32 s24, $0x1FC;
	v5 =	vld [tilespmem:s20+$0xFFFFFFD0];
	[tilespmem:s21+$0x2040 ss:$0x81] =	vst.msk $0xffff, v4  }
0x5f: {  	v6 =	vld [tilespmem:s20+$0xFFFFFFE0];
	[tilespmem:s21+$0x2850 ss:$0x81] =	vst.msk $0xffff, v3  }
0x60: {  	s25 =	sshra.s32 s23, $0x2;
	s23 =	smov.u32 s24;
	v7 =	vld [tilespmem:s20+$0xFFFFFFF0];
	[tilespmem:s21+$0x3060 ss:$0x81] =	vst.msk $0xffff, v2  }
.Ltmp3:
0x61: {  	v4 =	vld [tilespmem:s20+$0x0];
	[tilespmem:s21+$0x0 ss:$0x81] =	vst.msk $0xffff, v1;
	s21 =	sadd.s32 s25, s22;
	(pc) =	sbr.rel @p1 .LBB1_3-.Ltmp3, $4  }
0x62: {  	v3 =	vld [tilespmem:s20+$0x10];
	[tilespmem:s21+$0x3870 ss:$0x81] =	vst.msk $0xffff, v0  }
0x63: {  	[tilespmem:s21+$0x810 ss:$0x81] =	vst.msk $0xffff, v5;
	v2 =	vld [tilespmem:s20+$0x20]  }
0x64: {  	v1 =	vld [tilespmem:s20+$0xFFFFFFC0];
	[tilespmem:s21+$0x1020 ss:$0x81] =	vst.msk $0xffff, v6;
	s20 =	sadd.s32 $0x80, s20  }
0x65: {  	s24 =	sadd.s32 $0x4, s24;
	v0 =	vld [tilespmem:s20+$0x30];
	[tilespmem:s21+$0x1830 ss:$0x81] =	vst.msk $0xffff, v7  }
.Ltmp4:
0x66: {  	_ = 	snop;
	(pc) =	sbr.rel .LBB1_4-.Ltmp4, $1  }
0x67: {  	_ =	sdelay $0x3  }
.LBB1_6:
0x68: {  	_ =	sfence.sel $0x180000  }
0x69: {  	s2 =	simm.s32 $0x1;
	[bflag:$0x0] =	sbarrier.arrive $0xFFFF  }
0x6a: {  	s31 =	simm.s32 $0x2;
	[sflag:s2] =	ssyncpa.u1 $0x1  }
0x6b: {  	[sflag:s31] =	ssyncpa.u1 $0x1  }
0x6c: {  	p0 =	sne.s32 s0, $0x0;
	_ =	strace $0x9000004A  }
0x6d: {  	s0 =	sadd.s32 @!p0 $0x100000, s1;
	[bflag:$0x2] =	sbarrier.arrive $0xFFFF  }
0x6e: {  	[sflag:s0] =	ssyncadd.tile.s32 @!p0 $0x1;
	_ =	shalt  }
.Lfunc_end1:
_tile_overlayer_lowered:
.L_overlay_start_2:
0x6f: {  	(tag) =	ssettag $0x2  }
0x70: {  	s0 =	rddreg [dreg:$0x0];
	s2 =	stileid.u32  }
0x71: {  	s1 =	rddreg [dreg:$0x1];
	p0 =	sne.s32 s2, $0x0  }
0x72: {  	s3 =	rddreg [dreg:$0x2];
	[bflag:$0x3] =	sbarrier.arrive $0xFFFF;
	s2 =	simm.s32 @!p0 $0x1C01  }
0x73: {  	[timem:s3], [sflag:s2] =	dma.local @!p0 [hbm:s0], s1  }
0x74: {  	s0 =	simm.s32 @!p0 $0x1  }
0x75: {  	_ =	swait.ge @!p0 [sflag:s0], s1  }
0x76: {  	s1 =	ssub.s32 @!p0 $0x0, s1;
	[sflag:s0] =	ssyncset.done @!p0 $0x0  }
0x77: {  	[sflag:s0] =	ssyncadd.s32 @!p0 s1  }
0x78: {  	[bflag:$0x3] =	sbarrier.arrive $0xFFFF  }
0x79: {  	_ =	shalt  }

</sc_bundles>
